<compile_context>
chip_gen: v7x
topology: tpu7x:2x2x1
jax: 0.10.2.dev20260603
libtpu: 0.0.44.dev20260713+nightly
codegen_flags: <defaults>
</compile_context>

<pallas_src>
import functools

import jax
import jax.numpy as jnp
from jax import lax
from jax.experimental import pallas as pl
from jax.experimental.pallas import tpu as pltpu
from jax.experimental.pallas import tpu_sc as plsc

N = 10000
E = 320000
D = 128
NC = 2
NS = 16
NW = NC * NS
ROWS_PAD = 10112
RPS = ROWS_PAD // NS
CH = 120
NCHUNK = 84
E_PAD = NW * NCHUNK * CH
TRASH = ROWS_PAD - 1
NCH0 = 120
NCH1 = 48
C1BASE = NS * NCH0
BR = 2000


def _sc_mesh():
    return plsc.VectorSubcoreMesh(core_axis_name="c", subcore_axis_name="s")


def _sc_degree(dst, zeros, ones):

    @functools.partial(
        pl.kernel,
        mesh=_sc_mesh(),
        out_type=jax.ShapeDtypeStruct((NC, ROWS_PAD, D), jnp.float32),
        scratch_types=[
            pltpu.VMEM((NCHUNK, CH), jnp.int32),
            pltpu.VMEM((CH, D), jnp.float32),
            pltpu.VMEM_SHARED((ROWS_PAD, D), jnp.float32),
            pltpu.SemaphoreType.DMA,
            pltpu.SemaphoreType.DMA,
        ],
    )
    def k(dst_hbm, z_hbm, ones_hbm, out_hbm, di, ones_v, shared, s0, s1):
        cid = lax.axis_index("c")
        sid = lax.axis_index("s")
        wid = cid * NS + sid
        rows0 = sid * RPS
        pltpu.sync_copy(z_hbm.at[pl.ds(rows0, RPS)], shared.at[pl.ds(rows0, RPS)])
        pltpu.sync_copy(dst_hbm.at[wid], di)
        pltpu.sync_copy(ones_hbm, ones_v)
        plsc.subcore_barrier()

        @pl.loop(0, NCHUNK, step=2)
        def _(c):
            pltpu.async_copy(ones_v, shared.at[di.at[c]], s0, add=True)

            @pl.when(c + 1 < NCHUNK)
            def _():
                pltpu.async_copy(ones_v, shared.at[di.at[c + 1]], s1, add=True)

            pltpu.make_async_copy(ones_v, shared.at[di.at[c]], s0).wait()

            @pl.when(c + 1 < NCHUNK)
            def _():
                pltpu.make_async_copy(ones_v, shared.at[di.at[c + 1]], s1).wait()

        plsc.subcore_barrier()
        pltpu.sync_copy(shared.at[pl.ds(rows0, RPS)],
                        out_hbm.at[cid, pl.ds(rows0, RPS)])

    return k(dst, zeros, ones)


def _sc_aggregate(y, idx, zeros):

    @functools.partial(
        pl.kernel,
        mesh=_sc_mesh(),
        out_type=jax.ShapeDtypeStruct((NC, ROWS_PAD, D), jnp.float32),
        scratch_types=(
            [pltpu.VMEM((2, CH), jnp.int32)] * 6
            + [pltpu.VMEM((CH, D), jnp.float32)] * 3
            + [pltpu.VMEM_SHARED((ROWS_PAD, D), jnp.float32)]
            + [pltpu.SemaphoreType.DMA] * 12
        ),
    )
    def k(y_hbm, idx_hbm, z_hbm, out_hbm, *scr):
        ixs = scr[0:6]
        rs = scr[6:9]
        shared = scr[9]
        isem = scr[10:16]
        gsem = scr[16:19]
        ssem = scr[19:22]
        cid = lax.axis_index("c")
        sid = lax.axis_index("s")
        rows0 = sid * RPS
        start = jnp.where(cid == 0, sid * NCH0, C1BASE + sid * NCH1)
        nch = jnp.where(cid == 0, NCH0, NCH1)
        pltpu.sync_copy(z_hbm.at[pl.ds(rows0, RPS)], shared.at[pl.ds(rows0, RPS)])
        pltpu.sync_copy(idx_hbm.at[start], ixs[0])
        plsc.subcore_barrier()
        for j in range(1, 5):
            pltpu.async_copy(idx_hbm.at[start + j], ixs[j], isem[j])
        pltpu.async_copy(y_hbm.at[ixs[0].at[0]], rs[0], gsem[0])
        pltpu.make_async_copy(idx_hbm.at[start + 1], ixs[1], isem[1]).wait()
        pltpu.async_copy(y_hbm.at[ixs[1].at[0]], rs[1], gsem[1])

        @pl.loop(0, NCH0, step=6)
        def _(t):
            for j in range(6):
                b = j % 3

                @pl.when(t + j < nch)
                def _(u=t + j, j=j, b=b):
                    pltpu.make_async_copy(y_hbm.at[ixs[j].at[0]],
                                          rs[b], gsem[b]).wait()
                    pltpu.async_copy(rs[b], shared.at[ixs[j].at[1]],
                                     ssem[b], add=True)

                    @pl.when(u >= 1)
                    def _():
                        pltpu.make_async_copy(rs[(b + 2) % 3],
                                              shared.at[ixs[(j + 5) % 6].at[1]],
                                              ssem[(b + 2) % 3]).wait()

                    @pl.when(u + 2 < nch)
                    def _():
                        pltpu.make_async_copy(idx_hbm.at[start + u + 2],
                                              ixs[(j + 2) % 6],
                                              isem[(j + 2) % 6]).wait()
                        pltpu.async_copy(y_hbm.at[ixs[(j + 2) % 6].at[0]],
                                         rs[(b + 2) % 3], gsem[(b + 2) % 3])

                    @pl.when(u + 5 < nch)
                    def _():
                        pltpu.async_copy(idx_hbm.at[start + u + 5],
                                         ixs[(j + 5) % 6], isem[(j + 5) % 6])

        pltpu.make_async_copy(rs[2], shared.at[ixs[(NCH1 - 1) % 6].at[1]],
                              ssem[2]).wait()
        plsc.subcore_barrier()
        pltpu.sync_copy(shared.at[pl.ds(rows0, RPS)],
                        out_hbm.at[cid, pl.ds(rows0, RPS)])

    return k(y, idx, zeros)


def _tc_matmul(x, W):

    def body(x_ref, w_ref, o_ref):
        o_ref[...] = jnp.dot(x_ref[...].astype(jnp.bfloat16),
                             w_ref[...].astype(jnp.bfloat16),
                             preferred_element_type=jnp.float32)

    return pl.pallas_call(
        body,
        grid=(N // BR,),
        in_specs=[pl.BlockSpec((BR, D), lambda i: (i, 0)),
                  pl.BlockSpec((D, D), lambda i: (0, 0))],
        out_specs=pl.BlockSpec((BR, D), lambda i: (i, 0)),
        out_shape=jax.ShapeDtypeStruct((N, D), jnp.float32),
    )(x, W)


def _tc_scale_from_deg(degp, xw):

    def body(degp_ref, xw_ref, y_ref, dis_ref):
        deg = degp_ref[0, :, 0:1] + degp_ref[1, :, 0:1] + 1.0
        dis = lax.rsqrt(deg)
        y_ref[...] = xw_ref[...] * dis
        dis_ref[...] = jnp.broadcast_to(dis, (BR, D))

    return pl.pallas_call(
        body,
        grid=(N // BR,),
        in_specs=[pl.BlockSpec((NC, BR, D), lambda i: (0, i, 0)),
                  pl.BlockSpec((BR, D), lambda i: (i, 0))],
        out_specs=[pl.BlockSpec((BR, D), lambda i: (i, 0)),
                   pl.BlockSpec((BR, D), lambda i: (i, 0))],
        out_shape=[jax.ShapeDtypeStruct((N, D), jnp.float32),
                   jax.ShapeDtypeStruct((N, D), jnp.float32)],
    )(degp, xw)


def _tc_combine_matmul(p, y, dis, W, b):

    def body(p_ref, y_ref, dis_ref, w_ref, b_ref, o_ref):
        s = p_ref[0] + p_ref[1] + y_ref[...]
        h = jnp.maximum(dis_ref[...] * s + b_ref[...], 0.0)
        o_ref[...] = dis_ref[...] * jnp.dot(h.astype(jnp.bfloat16),
                                            w_ref[...].astype(jnp.bfloat16),
                                            preferred_element_type=jnp.float32)

    return pl.pallas_call(
        body,
        grid=(N // BR,),
        in_specs=[pl.BlockSpec((NC, BR, D), lambda i: (0, i, 0)),
                  pl.BlockSpec((BR, D), lambda i: (i, 0)),
                  pl.BlockSpec((BR, D), lambda i: (i, 0)),
                  pl.BlockSpec((D, D), lambda i: (0, 0)),
                  pl.BlockSpec((1, D), lambda i: (0, 0))],
        out_specs=pl.BlockSpec((BR, D), lambda i: (i, 0)),
        out_shape=jax.ShapeDtypeStruct((N, D), jnp.float32),
    )(p, y, dis, W, b)


def _tc_combine_scale(p, y, dis, b):

    def body(p_ref, y_ref, dis_ref, b_ref, o_ref):
        s = p_ref[0] + p_ref[1] + y_ref[...]
        h = jnp.maximum(dis_ref[...] * s + b_ref[...], 0.0)
        o_ref[...] = dis_ref[...] * h

    return pl.pallas_call(
        body,
        grid=(N // BR,),
        in_specs=[pl.BlockSpec((NC, BR, D), lambda i: (0, i, 0)),
                  pl.BlockSpec((BR, D), lambda i: (i, 0)),
                  pl.BlockSpec((BR, D), lambda i: (i, 0)),
                  pl.BlockSpec((1, D), lambda i: (0, 0))],
        out_specs=pl.BlockSpec((BR, D), lambda i: (i, 0)),
        out_shape=jax.ShapeDtypeStruct((N, D), jnp.float32),
    )(p, y, dis, b)


def _tc_heads(p, y, dis, Wh, bh):
    DH = Wh.shape[1]

    def body(p_ref, y_ref, dis_ref, w_ref, b_ref, o_ref):
        agg = dis_ref[...] * (p_ref[0] + p_ref[1] + y_ref[...])
        o_ref[...] = jnp.dot(agg.astype(jnp.bfloat16),
                             w_ref[...].astype(jnp.bfloat16),
                             preferred_element_type=jnp.float32) + b_ref[...]

    return pl.pallas_call(
        body,
        grid=(N // BR,),
        in_specs=[pl.BlockSpec((NC, BR, D), lambda i: (0, i, 0)),
                  pl.BlockSpec((BR, D), lambda i: (i, 0)),
                  pl.BlockSpec((BR, D), lambda i: (i, 0)),
                  pl.BlockSpec((D, DH), lambda i: (0, 0)),
                  pl.BlockSpec((1, DH), lambda i: (0, 0))],
        out_specs=pl.BlockSpec((BR, DH), lambda i: (i, 0)),
        out_shape=jax.ShapeDtypeStruct((N, DH), jnp.float32),
    )(p, y, dis, Wh, bh)


def kernel(x, edge_index, W1, b1, W2, b2, W_age, b_age, W_sex, b_sex, W_eth, b_eth):
    pad = E_PAD - E
    src = jnp.concatenate([edge_index[0], jnp.zeros((pad,), jnp.int32)])
    dst = jnp.concatenate([edge_index[1], jnp.full((pad,), TRASH, jnp.int32)])
    idxp = jnp.stack([src.reshape(NW * NCHUNK, CH),
                      dst.reshape(NW * NCHUNK, CH)], axis=1)
    dst3 = dst.reshape(NW, NCHUNK, CH)
    zeros128 = jnp.zeros((ROWS_PAD, D), jnp.float32)
    ones128 = jnp.ones((CH, D), jnp.float32)
    Wh = jnp.concatenate([W_age, W_sex, W_eth], axis=1)
    bh = jnp.concatenate([b_age, b_sex, b_eth]).reshape(1, -1)

    degp = _sc_degree(dst3, zeros128, ones128)
    xw1 = _tc_matmul(x, W1)
    y1, dis = _tc_scale_from_deg(degp, xw1)

    p1 = _sc_aggregate(y1, idxp, zeros128)
    y2 = _tc_combine_matmul(p1, y1, dis, W2, b1.reshape(1, -1))

    p2 = _sc_aggregate(y2, idxp, zeros128)
    y3 = _tc_combine_scale(p2, y2, dis, b2.reshape(1, -1))

    p3 = _sc_aggregate(y3, idxp, zeros128)
    heads = _tc_heads(p3, y3, dis, Wh, bh)

    return (heads[:, 0:3], heads[:, 3:5], heads[:, 5:8])

# --- scband reference (transcript-rebuilt; emitter-appended) ---
"""Pipeline reference for scband-gnnmodel-47115791237139 (READ-ONLY COPY).

The authoritative reference and input builder live on the scoring server;
editing this copy changes nothing except your own understanding.
"""

import jax, jax.numpy as jnp
import numpy as np

N = 10000
E = 320000
D_IN = 128
D_HID = 128
D_AGE = 3
D_SEX = 2
D_ETH = 3


def gcn_conv(x, edge_index, W, b):
    n = x.shape[0]
    loop = jnp.arange(n, dtype=edge_index.dtype)
    src = jnp.concatenate([edge_index[0], loop])
    dst = jnp.concatenate([edge_index[1], loop])
    deg = jnp.zeros((n,), dtype=x.dtype).at[dst].add(1.0)
    dis = jnp.where(deg > 0, jax.lax.rsqrt(jnp.maximum(deg, 1e-12)), 0.0)
    norm = dis[src] * dis[dst]
    xw = x @ W
    msgs = jnp.take(xw, src, axis=0) * norm[:, None]
    out = jnp.zeros((n, W.shape[1]), dtype=x.dtype).at[dst].add(msgs)
    return out + b


def setup_inputs(seed: int = 0) -> dict:
    key = jax.random.key(seed)
    ks = jax.random.split(key, 14)
    x = jax.random.normal(ks[0], (N, D_IN), dtype=jnp.float32)
    edge_index = jax.random.randint(ks[1], (2, E), 0, N, dtype=jnp.int32)
    W1 = jax.random.normal(ks[2], (D_IN, D_HID), dtype=jnp.float32) * 0.05
    b1 = jnp.zeros((D_HID,), dtype=jnp.float32)
    W2 = jax.random.normal(ks[3], (D_HID, D_HID), dtype=jnp.float32) * 0.05
    b2 = jnp.zeros((D_HID,), dtype=jnp.float32)
    W_age = jax.random.normal(ks[4], (D_HID, D_AGE), dtype=jnp.float32) * 0.05
    b_age = jnp.zeros((D_AGE,), dtype=jnp.float32)
    W_sex = jax.random.normal(ks[5], (D_HID, D_SEX), dtype=jnp.float32) * 0.05
    b_sex = jnp.zeros((D_SEX,), dtype=jnp.float32)
    W_eth = jax.random.normal(ks[6], (D_HID, D_ETH), dtype=jnp.float32) * 0.05
    b_eth = jnp.zeros((D_ETH,), dtype=jnp.float32)
    return {"x": x, "edge_index": edge_index, "W1": W1, "b1": b1, "W2": W2, "b2": b2,
            "W_age": W_age, "b_age": b_age, "W_sex": W_sex, "b_sex": b_sex,
            "W_eth": W_eth, "b_eth": b_eth}


def reference(x, edge_index, W1, b1, W2, b2, W_age, b_age, W_sex, b_sex, W_eth, b_eth):
    h = jax.nn.relu(gcn_conv(x, edge_index, W1, b1))
    h = jax.nn.relu(gcn_conv(h, edge_index, W2, b2))
    age_out = gcn_conv(h, edge_index, W_age, b_age)
    sex_out = gcn_conv(h, edge_index, W_sex, b_sex)
    eth_out = gcn_conv(h, edge_index, W_eth, b_eth)
    return (age_out, sex_out, eth_out)

if __name__ == "__main__":
    import jax
    _d = setup_inputs()
    print(jax.jit(kernel)(*tuple(_d.values())))

</pallas_src>

<mosaic_0001>
#map = affine_map<(d0, d1) -> (0, 0)>
#map1 = affine_map<(d0, d1) -> (0, 0, 0)>
module attributes {stable_mosaic.version = 14 : i64} {
  func.func @k(%arg0: i32, %arg1: i32, %arg2: memref<10000x128xf32, #tpu.memory_space<hbm>>, %arg3: memref<2688x2x120xi32, #tpu.memory_space<hbm>>, %arg4: memref<10112x128xf32, #tpu.memory_space<hbm>>, %arg5: memref<2x10112x128xf32, #tpu.memory_space<hbm>>, %arg6: memref<2x120xi32, #tpu.memory_space<vmem>>, %arg7: memref<2x120xi32, #tpu.memory_space<vmem>>, %arg8: memref<2x120xi32, #tpu.memory_space<vmem>>, %arg9: memref<2x120xi32, #tpu.memory_space<vmem>>, %arg10: memref<2x120xi32, #tpu.memory_space<vmem>>, %arg11: memref<2x120xi32, #tpu.memory_space<vmem>>, %arg12: memref<120x128xf32, #tpu.memory_space<vmem>>, %arg13: memref<120x128xf32, #tpu.memory_space<vmem>>, %arg14: memref<120x128xf32, #tpu.memory_space<vmem>>, %arg15: memref<10112x128xf32, #tpu.memory_space<vmem_shared>>, %arg16: memref<!tpu.dma_semaphore, #tpu.memory_space<semaphore_mem>>, %arg17: memref<!tpu.dma_semaphore, #tpu.memory_space<semaphore_mem>>, %arg18: memref<!tpu.dma_semaphore, #tpu.memory_space<semaphore_mem>>, %arg19: memref<!tpu.dma_semaphore, #tpu.memory_space<semaphore_mem>>, %arg20: memref<!tpu.dma_semaphore, #tpu.memory_space<semaphore_mem>>, %arg21: memref<!tpu.dma_semaphore, #tpu.memory_space<semaphore_mem>>, %arg22: memref<!tpu.dma_semaphore, #tpu.memory_space<semaphore_mem>>, %arg23: memref<!tpu.dma_semaphore, #tpu.memory_space<semaphore_mem>>, %arg24: memref<!tpu.dma_semaphore, #tpu.memory_space<semaphore_mem>>, %arg25: memref<!tpu.dma_semaphore, #tpu.memory_space<semaphore_mem>>, %arg26: memref<!tpu.dma_semaphore, #tpu.memory_space<semaphore_mem>>, %arg27: memref<!tpu.dma_semaphore, #tpu.memory_space<semaphore_mem>>) attributes {dimension_semantics = [#tpu.dimension_semantics<core_parallel>, #tpu.dimension_semantics<subcore_parallel>], iteration_bounds = array<i64: 2, 16>, scalar_prefetch = 0 : i64, scratch_operands = 22 : i64, tpu.core_type = #tpu.core_type<sc_vector_subcore>, window_params = [{transform_indices = #map}, {transform_indices = #map1}, {transform_indices = #map}, {transform_indices = #map1}]} {
    %mul3A = arith.constant 632 : i32
    %mul3A_0 = arith.muli %arg1, %mul3A : i32
    %eq3A = arith.constant 0 : i32
    %eq3A_1 = arith.cmpi eq, %arg0, %eq3A : i32
    %mul3A_2 = arith.constant 120 : i32
    %mul3A_3 = arith.muli %arg1, %mul3A_2 : i32
    %mul3A_4 = arith.constant 48 : i32
    %mul3A_5 = arith.muli %arg1, %mul3A_4 : i32
    %add3A = arith.constant 1920 : i32
    %add3A_6 = arith.addi %add3A, %mul3A_5 : i32
    %select_n3A = arith.select %eq3A_1, %mul3A_3, %add3A_6 : i32
    %eq3A_7 = arith.constant 0 : i32
    %eq3A_8 = arith.cmpi eq, %arg0, %eq3A_7 : i32
    %jit3A = arith.constant 120 : i32
    %jit3A_9 = arith.constant 48 : i32
    %select_n3A_10 = arith.select %eq3A_8, %jit3A, %jit3A_9 : i32
    "tpu.region"() ({
      %run_scoped3A = tpu.sem_alloc : memref<!tpu.dma_semaphore, #tpu.memory_space<semaphore_mem>>
      %dma_start3A_85 = arith.constant 0 : i32
      %dma_start3A_86 = tpu.memref_slice %arg15[%mul3A_0, %dma_start3A_85] : memref<10112x128xf32, #tpu.memory_space<vmem_shared>> -> memref<632x128xf32, #tpu.memory_space<vmem_shared>>
      %dma_start3A_87 = arith.constant 0 : i32
      %dma_start3A_88 = tpu.memref_slice %arg4[%mul3A_0, %dma_start3A_87] : memref<10112x128xf32, #tpu.memory_space<hbm>> -> memref<632x128xf32, #tpu.memory_space<hbm>>
      tpu.enqueue_dma source(%dma_start3A_88 : memref<632x128xf32, #tpu.memory_space<hbm>>) target(%dma_start3A_86 : memref<632x128xf32, #tpu.memory_space<vmem_shared>>) target_semaphore(%run_scoped3A : memref<!tpu.dma_semaphore, #tpu.memory_space<semaphore_mem>>)
      %dma_wait3A_89 = arith.constant 0 : i32
      %dma_wait3A_90 = tpu.memref_slice %arg15[%mul3A_0, %dma_wait3A_89] : memref<10112x128xf32, #tpu.memory_space<vmem_shared>> -> memref<632x128xf32, #tpu.memory_space<vmem_shared>>
      %dma_wait3A_91 = arith.constant 0 : i32
      %dma_wait3A_92 = tpu.memref_slice %arg4[%mul3A_0, %dma_wait3A_91] : memref<10112x128xf32, #tpu.memory_space<hbm>> -> memref<632x128xf32, #tpu.memory_space<hbm>>
      tpu.wait_dma2 semaphore(%run_scoped3A : memref<!tpu.dma_semaphore, #tpu.memory_space<semaphore_mem>>) src(%dma_wait3A_92 : memref<632x128xf32, #tpu.memory_space<hbm>>) dst(%dma_wait3A_90 : memref<632x128xf32, #tpu.memory_space<vmem_shared>>)
      tpu.yield
    }) : () -> ()
    "tpu.region"() ({
      %run_scoped3A = tpu.sem_alloc : memref<!tpu.dma_semaphore, #tpu.memory_space<semaphore_mem>>
      %dma_start3A_85 = arith.constant 0 : i32
      %dma_start3A_86 = arith.constant 0 : i32
      %dma_start3A_87 = tpu.memref_slice %arg3[%select_n3A, %dma_start3A_85, %dma_start3A_86] : memref<2688x2x120xi32, #tpu.memory_space<hbm>> -> memref<1x2x120xi32, #tpu.memory_space<hbm>>
      %dma_start3A_88 = tpu.memref_squeeze %dma_start3A_87 : memref<1x2x120xi32, #tpu.memory_space<hbm>> -> memref<2x120xi32, #tpu.memory_space<hbm>>
      %dma_start3A_89 = arith.constant 0 : i32
      %dma_start3A_90 = arith.constant 0 : i32
      %dma_start3A_91 = tpu.memref_slice %arg3[%select_n3A, %dma_start3A_89, %dma_start3A_90] : memref<2688x2x120xi32, #tpu.memory_space<hbm>> -> memref<1x2x120xi32, #tpu.memory_space<hbm>>
      %dma_start3A_92 = tpu.memref_squeeze %dma_start3A_91 : memref<1x2x120xi32, #tpu.memory_space<hbm>> -> memref<2x120xi32, #tpu.memory_space<hbm>>
      tpu.enqueue_dma source(%dma_start3A_92 : memref<2x120xi32, #tpu.memory_space<hbm>>) target(%arg6 : memref<2x120xi32, #tpu.memory_space<vmem>>) target_semaphore(%run_scoped3A : memref<!tpu.dma_semaphore, #tpu.memory_space<semaphore_mem>>)
      %dma_wait3A_93 = arith.constant 0 : i32
      %dma_wait3A_94 = arith.constant 0 : i32
      %dma_wait3A_95 = tpu.memref_slice %arg3[%select_n3A, %dma_wait3A_93, %dma_wait3A_94] : memref<2688x2x120xi32, #tpu.memory_space<hbm>> -> memref<1x2x120xi32, #tpu.memory_space<hbm>>
      %dma_wait3A_96 = tpu.memref_squeeze %dma_wait3A_95 : memref<1x2x120xi32, #tpu.memory_space<hbm>> -> memref<2x120xi32, #tpu.memory_space<hbm>>
      %dma_wait3A_97 = arith.constant 0 : i32
      %dma_wait3A_98 = arith.constant 0 : i32
      %dma_wait3A_99 = tpu.memref_slice %arg3[%select_n3A, %dma_wait3A_97, %dma_wait3A_98] : memref<2688x2x120xi32, #tpu.memory_space<hbm>> -> memref<1x2x120xi32, #tpu.memory_space<hbm>>
      %dma_wait3A_100 = tpu.memref_squeeze %dma_wait3A_99 : memref<1x2x120xi32, #tpu.memory_space<hbm>> -> memref<2x120xi32, #tpu.memory_space<hbm>>
      tpu.wait_dma2 semaphore(%run_scoped3A : memref<!tpu.dma_semaphore, #tpu.memory_space<semaphore_mem>>) src(%dma_wait3A_100 : memref<2x120xi32, #tpu.memory_space<hbm>>) dst(%arg6 : memref<2x120xi32, #tpu.memory_space<vmem>>)
      tpu.yield
    }) : () -> ()
    %barrier3A = arith.constant 0 : index
    tpu.barrier barrier_id(%barrier3A)
    %add3A_11 = arith.constant 1 : i32
    %add3A_12 = arith.addi %select_n3A, %add3A_11 : i32
    %dma_start3A = arith.constant 0 : i32
    %dma_start3A_13 = arith.constant 0 : i32
    %dma_start3A_14 = tpu.memref_slice %arg3[%add3A_12, %dma_start3A, %dma_start3A_13] : memref<2688x2x120xi32, #tpu.memory_space<hbm>> -> memref<1x2x120xi32, #tpu.memory_space<hbm>>
    %dma_start3A_15 = tpu.memref_squeeze %dma_start3A_14 : memref<1x2x120xi32, #tpu.memory_space<hbm>> -> memref<2x120xi32, #tpu.memory_space<hbm>>
    %dma_start3A_16 = arith.constant 0 : i32
    %dma_start3A_17 = arith.constant 0 : i32
    %dma_start3A_18 = tpu.memref_slice %arg3[%add3A_12, %dma_start3A_16, %dma_start3A_17] : memref<2688x2x120xi32, #tpu.memory_space<hbm>> -> memref<1x2x120xi32, #tpu.memory_space<hbm>>
    %dma_start3A_19 = tpu.memref_squeeze %dma_start3A_18 : memref<1x2x120xi32, #tpu.memory_space<hbm>> -> memref<2x120xi32, #tpu.memory_space<hbm>>
    tpu.enqueue_dma source(%dma_start3A_19 : memref<2x120xi32, #tpu.memory_space<hbm>>) target(%arg7 : memref<2x120xi32, #tpu.memory_space<vmem>>) target_semaphore(%arg17 : memref<!tpu.dma_semaphore, #tpu.memory_space<semaphore_mem>>)
    %add3A_20 = arith.constant 2 : i32
    %add3A_21 = arith.addi %select_n3A, %add3A_20 : i32
    %dma_start3A_22 = arith.constant 0 : i32
    %dma_start3A_23 = arith.constant 0 : i32
    %dma_start3A_24 = tpu.memref_slice %arg3[%add3A_21, %dma_start3A_22, %dma_start3A_23] : memref<2688x2x120xi32, #tpu.memory_space<hbm>> -> memref<1x2x120xi32, #tpu.memory_space<hbm>>
    %dma_start3A_25 = tpu.memref_squeeze %dma_start3A_24 : memref<1x2x120xi32, #tpu.memory_space<hbm>> -> memref<2x120xi32, #tpu.memory_space<hbm>>
    %dma_start3A_26 = arith.constant 0 : i32
    %dma_start3A_27 = arith.constant 0 : i32
    %dma_start3A_28 = tpu.memref_slice %arg3[%add3A_21, %dma_start3A_26, %dma_start3A_27] : memref<2688x2x120xi32, #tpu.memory_space<hbm>> -> memref<1x2x120xi32, #tpu.memory_space<hbm>>
    %dma_start3A_29 = tpu.memref_squeeze %dma_start3A_28 : memref<1x2x120xi32, #tpu.memory_space<hbm>> -> memref<2x120xi32, #tpu.memory_space<hbm>>
    tpu.enqueue_dma source(%dma_start3A_29 : memref<2x120xi32, #tpu.memory_space<hbm>>) target(%arg8 : memref<2x120xi32, #tpu.memory_space<vmem>>) target_semaphore(%arg18 : memref<!tpu.dma_semaphore, #tpu.memory_space<semaphore_mem>>)
    %add3A_30 = arith.constant 3 : i32
    %add3A_31 = arith.addi %select_n3A, %add3A_30 : i32
    %dma_start3A_32 = arith.constant 0 : i32
    %dma_start3A_33 = arith.constant 0 : i32
    %dma_start3A_34 = tpu.memref_slice %arg3[%add3A_31, %dma_start3A_32, %dma_start3A_33] : memref<2688x2x120xi32, #tpu.memory_space<hbm>> -> memref<1x2x120xi32, #tpu.memory_space<hbm>>
    %dma_start3A_35 = tpu.memref_squeeze %dma_start3A_34 : memref<1x2x120xi32, #tpu.memory_space<hbm>> -> memref<2x120xi32, #tpu.memory_space<hbm>>
    %dma_start3A_36 = arith.constant 0 : i32
    %dma_start3A_37 = arith.constant 0 : i32
    %dma_start3A_38 = tpu.memref_slice %arg3[%add3A_31, %dma_start3A_36, %dma_start3A_37] : memref<2688x2x120xi32, #tpu.memory_space<hbm>> -> memref<1x2x120xi32, #tpu.memory_space<hbm>>
    %dma_start3A_39 = tpu.memref_squeeze %dma_start3A_38 : memref<1x2x120xi32, #tpu.memory_space<hbm>> -> memref<2x120xi32, #tpu.memory_space<hbm>>
    tpu.enqueue_dma source(%dma_start3A_39 : memref<2x120xi32, #tpu.memory_space<hbm>>) target(%arg9 : memref<2x120xi32, #tpu.memory_space<vmem>>) target_semaphore(%arg19 : memref<!tpu.dma_semaphore, #tpu.memory_space<semaphore_mem>>)
    %add3A_40 = arith.constant 4 : i32
    %add3A_41 = arith.addi %select_n3A, %add3A_40 : i32
    %dma_start3A_42 = arith.constant 0 : i32
    %dma_start3A_43 = arith.constant 0 : i32
    %dma_start3A_44 = tpu.memref_slice %arg3[%add3A_41, %dma_start3A_42, %dma_start3A_43] : memref<2688x2x120xi32, #tpu.memory_space<hbm>> -> memref<1x2x120xi32, #tpu.memory_space<hbm>>
    %dma_start3A_45 = tpu.memref_squeeze %dma_start3A_44 : memref<1x2x120xi32, #tpu.memory_space<hbm>> -> memref<2x120xi32, #tpu.memory_space<hbm>>
    %dma_start3A_46 = arith.constant 0 : i32
    %dma_start3A_47 = arith.constant 0 : i32
    %dma_start3A_48 = tpu.memref_slice %arg3[%add3A_41, %dma_start3A_46, %dma_start3A_47] : memref<2688x2x120xi32, #tpu.memory_space<hbm>> -> memref<1x2x120xi32, #tpu.memory_space<hbm>>
    %dma_start3A_49 = tpu.memref_squeeze %dma_start3A_48 : memref<1x2x120xi32, #tpu.memory_space<hbm>> -> memref<2x120xi32, #tpu.memory_space<hbm>>
    tpu.enqueue_dma source(%dma_start3A_49 : memref<2x120xi32, #tpu.memory_space<hbm>>) target(%arg10 : memref<2x120xi32, #tpu.memory_space<vmem>>) target_semaphore(%arg20 : memref<!tpu.dma_semaphore, #tpu.memory_space<semaphore_mem>>)
    %dma_start3A_50 = arith.constant 0 : i32
    %dma_start3A_51 = arith.constant 0 : i32
    %dma_start3A_52 = tpu.memref_slice %arg6[%dma_start3A_50, %dma_start3A_51] : memref<2x120xi32, #tpu.memory_space<vmem>> -> memref<1x120xi32, #tpu.memory_space<vmem>>
    %dma_start3A_53 = tpu.memref_squeeze %dma_start3A_52 : memref<1x120xi32, #tpu.memory_space<vmem>> -> memref<120xi32, #tpu.memory_space<vmem>>
    %dma_start3A_54 = arith.constant 0 : i32
    %dma_start3A_55 = arith.constant 0 : i32
    %dma_start3A_56 = tpu.memref_slice %arg2[%dma_start3A_54, %dma_start3A_55] : memref<10000x128xf32, #tpu.memory_space<hbm>> -> memref<10000x128xf32, #tpu.memory_space<hbm>>
    tpu.enqueue_indirect_dma source(%dma_start3A_56 : memref<10000x128xf32, #tpu.memory_space<hbm>>) target(%arg12 : memref<120x128xf32, #tpu.memory_space<vmem>>) offsets(%dma_start3A_53 : memref<120xi32, #tpu.memory_space<vmem>>) semaphore(%arg22 : memref<!tpu.dma_semaphore, #tpu.memory_space<semaphore_mem>>)
    %add3A_57 = arith.constant 1 : i32
    %add3A_58 = arith.addi %select_n3A, %add3A_57 : i32
    %dma_wait3A = arith.constant 0 : i32
    %dma_wait3A_59 = arith.constant 0 : i32
    %dma_wait3A_60 = tpu.memref_slice %arg3[%add3A_58, %dma_wait3A, %dma_wait3A_59] : memref<2688x2x120xi32, #tpu.memory_space<hbm>> -> memref<1x2x120xi32, #tpu.memory_space<hbm>>
    %dma_wait3A_61 = tpu.memref_squeeze %dma_wait3A_60 : memref<1x2x120xi32, #tpu.memory_space<hbm>> -> memref<2x120xi32, #tpu.memory_space<hbm>>
    %dma_wait3A_62 = arith.constant 0 : i32
    %dma_wait3A_63 = arith.constant 0 : i32
    %dma_wait3A_64 = tpu.memref_slice %arg3[%add3A_58, %dma_wait3A_62, %dma_wait3A_63] : memref<2688x2x120xi32, #tpu.memory_space<hbm>> -> memref<1x2x120xi32, #tpu.memory_space<hbm>>
    %dma_wait3A_65 = tpu.memref_squeeze %dma_wait3A_64 : memref<1x2x120xi32, #tpu.memory_space<hbm>> -> memref<2x120xi32, #tpu.memory_space<hbm>>
    tpu.wait_dma2 semaphore(%arg17 : memref<!tpu.dma_semaphore, #tpu.memory_space<semaphore_mem>>) src(%dma_wait3A_65 : memref<2x120xi32, #tpu.memory_space<hbm>>) dst(%arg7 : memref<2x120xi32, #tpu.memory_space<vmem>>)
    %dma_start3A_66 = arith.constant 0 : i32
    %dma_start3A_67 = arith.constant 0 : i32
    %dma_start3A_68 = tpu.memref_slice %arg7[%dma_start3A_66, %dma_start3A_67] : memref<2x120xi32, #tpu.memory_space<vmem>> -> memref<1x120xi32, #tpu.memory_space<vmem>>
    %dma_start3A_69 = tpu.memref_squeeze %dma_start3A_68 : memref<1x120xi32, #tpu.memory_space<vmem>> -> memref<120xi32, #tpu.memory_space<vmem>>
    %dma_start3A_70 = arith.constant 0 : i32
    %dma_start3A_71 = arith.constant 0 : i32
    %dma_start3A_72 = tpu.memref_slice %arg2[%dma_start3A_70, %dma_start3A_71] : memref<10000x128xf32, #tpu.memory_space<hbm>> -> memref<10000x128xf32, #tpu.memory_space<hbm>>
    tpu.enqueue_indirect_dma source(%dma_start3A_72 : memref<10000x128xf32, #tpu.memory_space<hbm>>) target(%arg13 : memref<120x128xf32, #tpu.memory_space<vmem>>) offsets(%dma_start3A_69 : memref<120xi32, #tpu.memory_space<vmem>>) semaphore(%arg23 : memref<!tpu.dma_semaphore, #tpu.memory_space<semaphore_mem>>)
    %scan3A = arith.constant 0 : i32
    %scan3A_73 = arith.constant 20 : i32
    %scan3A_74 = arith.addi %scan3A, %scan3A_73 : i32
    %scan3A_75 = arith.constant 1 : i32
    scf.for %scan3A_85 = %scan3A to %scan3A_74 step %scan3A_75  : i32 {
      %mul3A_86 = arith.constant 6 : i32
      %mul3A_87 = arith.muli %scan3A_85, %mul3A_86 : i32
      %add3A_88 = arith.constant 0 : i32
      %add3A_89 = arith.addi %add3A_88, %mul3A_87 : i32
      %add3A_90 = arith.constant 0 : i32
      %add3A_91 = arith.addi %add3A_89, %add3A_90 : i32
      %lt3A = arith.cmpi slt, %add3A_91, %select_n3A_10 : i32
      %add3A_92 = arith.constant 0 : i32
      %add3A_93 = arith.addi %add3A_89, %add3A_92 : i32
      %convert_element_type3A = arith.extui %lt3A : i1 to i32
      %cond3A = arith.constant 0 : i32
      %cond3A_94 = arith.cmpi ne, %convert_element_type3A, %cond3A : i32
      scf.if %cond3A_94 {
        %dma_wait3A_135 = arith.constant 0 : i32
        %dma_wait3A_136 = arith.constant 0 : i32
        %dma_wait3A_137 = tpu.memref_slice %arg6[%dma_wait3A_135, %dma_wait3A_136] : memref<2x120xi32, #tpu.memory_space<vmem>> -> memref<1x120xi32, #tpu.memory_space<vmem>>
        %dma_wait3A_138 = tpu.memref_squeeze %dma_wait3A_137 : memref<1x120xi32, #tpu.memory_space<vmem>> -> memref<120xi32, #tpu.memory_space<vmem>>
        %dma_wait3A_139 = arith.constant 0 : i32
        %dma_wait3A_140 = arith.constant 0 : i32
        %dma_wait3A_141 = tpu.memref_slice %arg2[%dma_wait3A_139, %dma_wait3A_140] : memref<10000x128xf32, #tpu.memory_space<hbm>> -> memref<10000x128xf32, #tpu.memory_space<hbm>>
        tpu.wait_indirect_dma semaphore(%arg22 : memref<!tpu.dma_semaphore, #tpu.memory_space<semaphore_mem>>) src(%dma_wait3A_141 : memref<10000x128xf32, #tpu.memory_space<hbm>>) dst(%arg12 : memref<120x128xf32, #tpu.memory_space<vmem>>)
        %dma_start3A_142 = arith.constant 1 : i32
        %dma_start3A_143 = arith.constant 0 : i32
        %dma_start3A_144 = tpu.memref_slice %arg6[%dma_start3A_142, %dma_start3A_143] : memref<2x120xi32, #tpu.memory_space<vmem>> -> memref<1x120xi32, #tpu.memory_space<vmem>>
        %dma_start3A_145 = tpu.memref_squeeze %dma_start3A_144 : memref<1x120xi32, #tpu.memory_space<vmem>> -> memref<120xi32, #tpu.memory_space<vmem>>
        %dma_start3A_146 = arith.constant 0 : i32
        %dma_start3A_147 = arith.constant 0 : i32
        %dma_start3A_148 = tpu.memref_slice %arg15[%dma_start3A_146, %dma_start3A_147] : memref<10112x128xf32, #tpu.memory_space<vmem_shared>> -> memref<10112x128xf32, #tpu.memory_space<vmem_shared>>
        tpu.enqueue_indirect_dma source(%arg12 : memref<120x128xf32, #tpu.memory_space<vmem>>) target(%dma_start3A_148 : memref<10112x128xf32, #tpu.memory_space<vmem_shared>>) offsets(%dma_start3A_145 : memref<120xi32, #tpu.memory_space<vmem>>) semaphore(%arg25 : memref<!tpu.dma_semaphore, #tpu.memory_space<semaphore_mem>>) {add = true}
        %ge3A = arith.constant 1 : i32
        %ge3A_149 = arith.cmpi sge, %add3A_93, %ge3A : i32
        %convert_element_type3A_150 = arith.extui %ge3A_149 : i1 to i32
        %cond3A_151 = arith.constant 0 : i32
        %cond3A_152 = arith.cmpi ne, %convert_element_type3A_150, %cond3A_151 : i32
        scf.if %cond3A_152 {
          %dma_wait3A_165 = arith.constant 1 : i32
          %dma_wait3A_166 = arith.constant 0 : i32
          %dma_wait3A_167 = tpu.memref_slice %arg11[%dma_wait3A_165, %dma_wait3A_166] : memref<2x120xi32, #tpu.memory_space<vmem>> -> memref<1x120xi32, #tpu.memory_space<vmem>>
          %dma_wait3A_168 = tpu.memref_squeeze %dma_wait3A_167 : memref<1x120xi32, #tpu.memory_space<vmem>> -> memref<120xi32, #tpu.memory_space<vmem>>
          %dma_wait3A_169 = arith.constant 0 : i32
          %dma_wait3A_170 = arith.constant 0 : i32
          %dma_wait3A_171 = tpu.memref_slice %arg15[%dma_wait3A_169, %dma_wait3A_170] : memref<10112x128xf32, #tpu.memory_space<vmem_shared>> -> memref<10112x128xf32, #tpu.memory_space<vmem_shared>>
          tpu.wait_indirect_dma semaphore(%arg27 : memref<!tpu.dma_semaphore, #tpu.memory_space<semaphore_mem>>) src(%arg14 : memref<120x128xf32, #tpu.memory_space<vmem>>) dst(%dma_wait3A_171 : memref<10112x128xf32, #tpu.memory_space<vmem_shared>>)
        } else {
        }
        %add3A_153 = arith.constant 2 : i32
        %add3A_154 = arith.addi %add3A_93, %add3A_153 : i32
        %lt3A_155 = arith.cmpi slt, %add3A_154, %select_n3A_10 : i32
        %convert_element_type3A_156 = arith.extui %lt3A_155 : i1 to i32
        %cond3A_157 = arith.constant 0 : i32
        %cond3A_158 = arith.cmpi ne, %convert_element_type3A_156, %cond3A_157 : i32
        scf.if %cond3A_158 {
          %add3A_165 = arith.addi %select_n3A, %add3A_93 : i32
          %add3A_166 = arith.constant 2 : i32
          %add3A_167 = arith.addi %add3A_165, %add3A_166 : i32
          %dma_wait3A_168 = arith.constant 0 : i32
          %dma_wait3A_169 = arith.constant 0 : i32
          %dma_wait3A_170 = tpu.memref_slice %arg3[%add3A_167, %dma_wait3A_168, %dma_wait3A_169] : memref<2688x2x120xi32, #tpu.memory_space<hbm>> -> memref<1x2x120xi32, #tpu.memory_space<hbm>>
          %dma_wait3A_171 = tpu.memref_squeeze %dma_wait3A_170 : memref<1x2x120xi32, #tpu.memory_space<hbm>> -> memref<2x120xi32, #tpu.memory_space<hbm>>
          %dma_wait3A_172 = arith.constant 0 : i32
          %dma_wait3A_173 = arith.constant 0 : i32
          %dma_wait3A_174 = tpu.memref_slice %arg3[%add3A_167, %dma_wait3A_172, %dma_wait3A_173] : memref<2688x2x120xi32, #tpu.memory_space<hbm>> -> memref<1x2x120xi32, #tpu.memory_space<hbm>>
          %dma_wait3A_175 = tpu.memref_squeeze %dma_wait3A_174 : memref<1x2x120xi32, #tpu.memory_space<hbm>> -> memref<2x120xi32, #tpu.memory_space<hbm>>
          tpu.wait_dma2 semaphore(%arg18 : memref<!tpu.dma_semaphore, #tpu.memory_space<semaphore_mem>>) src(%dma_wait3A_175 : memref<2x120xi32, #tpu.memory_space<hbm>>) dst(%arg8 : memref<2x120xi32, #tpu.memory_space<vmem>>)
          %dma_start3A_176 = arith.constant 0 : i32
          %dma_start3A_177 = arith.constant 0 : i32
          %dma_start3A_178 = tpu.memref_slice %arg8[%dma_start3A_176, %dma_start3A_177] : memref<2x120xi32, #tpu.memory_space<vmem>> -> memref<1x120xi32, #tpu.memory_space<vmem>>
          %dma_start3A_179 = tpu.memref_squeeze %dma_start3A_178 : memref<1x120xi32, #tpu.memory_space<vmem>> -> memref<120xi32, #tpu.memory_space<vmem>>
          %dma_start3A_180 = arith.constant 0 : i32
          %dma_start3A_181 = arith.constant 0 : i32
          %dma_start3A_182 = tpu.memref_slice %arg2[%dma_start3A_180, %dma_start3A_181] : memref<10000x128xf32, #tpu.memory_space<hbm>> -> memref<10000x128xf32, #tpu.memory_space<hbm>>
          tpu.enqueue_indirect_dma source(%dma_start3A_182 : memref<10000x128xf32, #tpu.memory_space<hbm>>) target(%arg14 : memref<120x128xf32, #tpu.memory_space<vmem>>) offsets(%dma_start3A_179 : memref<120xi32, #tpu.memory_space<vmem>>) semaphore(%arg24 : memref<!tpu.dma_semaphore, #tpu.memory_space<semaphore_mem>>)
        } else {
        }
        %add3A_159 = arith.constant 5 : i32
        %add3A_160 = arith.addi %add3A_93, %add3A_159 : i32
        %lt3A_161 = arith.cmpi slt, %add3A_160, %select_n3A_10 : i32
        %convert_element_type3A_162 = arith.extui %lt3A_161 : i1 to i32
        %cond3A_163 = arith.constant 0 : i32
        %cond3A_164 = arith.cmpi ne, %convert_element_type3A_162, %cond3A_163 : i32
        scf.if %cond3A_164 {
          %add3A_165 = arith.addi %select_n3A, %add3A_93 : i32
          %add3A_166 = arith.constant 5 : i32
          %add3A_167 = arith.addi %add3A_165, %add3A_166 : i32
          %dma_start3A_168 = arith.constant 0 : i32
          %dma_start3A_169 = arith.constant 0 : i32
          %dma_start3A_170 = tpu.memref_slice %arg3[%add3A_167, %dma_start3A_168, %dma_start3A_169] : memref<2688x2x120xi32, #tpu.memory_space<hbm>> -> memref<1x2x120xi32, #tpu.memory_space<hbm>>
          %dma_start3A_171 = tpu.memref_squeeze %dma_start3A_170 : memref<1x2x120xi32, #tpu.memory_space<hbm>> -> memref<2x120xi32, #tpu.memory_space<hbm>>
          %dma_start3A_172 = arith.constant 0 : i32
          %dma_start3A_173 = arith.constant 0 : i32
          %dma_start3A_174 = tpu.memref_slice %arg3[%add3A_167, %dma_start3A_172, %dma_start3A_173] : memref<2688x2x120xi32, #tpu.memory_space<hbm>> -> memref<1x2x120xi32, #tpu.memory_space<hbm>>
          %dma_start3A_175 = tpu.memref_squeeze %dma_start3A_174 : memref<1x2x120xi32, #tpu.memory_space<hbm>> -> memref<2x120xi32, #tpu.memory_space<hbm>>
          tpu.enqueue_dma source(%dma_start3A_175 : memref<2x120xi32, #tpu.memory_space<hbm>>) target(%arg11 : memref<2x120xi32, #tpu.memory_space<vmem>>) target_semaphore(%arg21 : memref<!tpu.dma_semaphore, #tpu.memory_space<semaphore_mem>>)
        } else {
        }
      } else {
      }
      %add3A_95 = arith.constant 1 : i32
      %add3A_96 = arith.addi %add3A_89, %add3A_95 : i32
      %lt3A_97 = arith.cmpi slt, %add3A_96, %select_n3A_10 : i32
      %add3A_98 = arith.constant 1 : i32
      %add3A_99 = arith.addi %add3A_89, %add3A_98 : i32
      %convert_element_type3A_100 = arith.extui %lt3A_97 : i1 to i32
      %cond3A_101 = arith.constant 0 : i32
      %cond3A_102 = arith.cmpi ne, %convert_element_type3A_100, %cond3A_101 : i32
      scf.if %cond3A_102 {
        %dma_wait3A_135 = arith.constant 0 : i32
        %dma_wait3A_136 = arith.constant 0 : i32
        %dma_wait3A_137 = tpu.memref_slice %arg7[%dma_wait3A_135, %dma_wait3A_136] : memref<2x120xi32, #tpu.memory_space<vmem>> -> memref<1x120xi32, #tpu.memory_space<vmem>>
        %dma_wait3A_138 = tpu.memref_squeeze %dma_wait3A_137 : memref<1x120xi32, #tpu.memory_space<vmem>> -> memref<120xi32, #tpu.memory_space<vmem>>
        %dma_wait3A_139 = arith.constant 0 : i32
        %dma_wait3A_140 = arith.constant 0 : i32
        %dma_wait3A_141 = tpu.memref_slice %arg2[%dma_wait3A_139, %dma_wait3A_140] : memref<10000x128xf32, #tpu.memory_space<hbm>> -> memref<10000x128xf32, #tpu.memory_space<hbm>>
        tpu.wait_indirect_dma semaphore(%arg23 : memref<!tpu.dma_semaphore, #tpu.memory_space<semaphore_mem>>) src(%dma_wait3A_141 : memref<10000x128xf32, #tpu.memory_space<hbm>>) dst(%arg13 : memref<120x128xf32, #tpu.memory_space<vmem>>)
        %dma_start3A_142 = arith.constant 1 : i32
        %dma_start3A_143 = arith.constant 0 : i32
        %dma_start3A_144 = tpu.memref_slice %arg7[%dma_start3A_142, %dma_start3A_143] : memref<2x120xi32, #tpu.memory_space<vmem>> -> memref<1x120xi32, #tpu.memory_space<vmem>>
        %dma_start3A_145 = tpu.memref_squeeze %dma_start3A_144 : memref<1x120xi32, #tpu.memory_space<vmem>> -> memref<120xi32, #tpu.memory_space<vmem>>
        %dma_start3A_146 = arith.constant 0 : i32
        %dma_start3A_147 = arith.constant 0 : i32
        %dma_start3A_148 = tpu.memref_slice %arg15[%dma_start3A_146, %dma_start3A_147] : memref<10112x128xf32, #tpu.memory_space<vmem_shared>> -> memref<10112x128xf32, #tpu.memory_space<vmem_shared>>
        tpu.enqueue_indirect_dma source(%arg13 : memref<120x128xf32, #tpu.memory_space<vmem>>) target(%dma_start3A_148 : memref<10112x128xf32, #tpu.memory_space<vmem_shared>>) offsets(%dma_start3A_145 : memref<120xi32, #tpu.memory_space<vmem>>) semaphore(%arg26 : memref<!tpu.dma_semaphore, #tpu.memory_space<semaphore_mem>>) {add = true}
        %ge3A = arith.constant 1 : i32
        %ge3A_149 = arith.cmpi sge, %add3A_99, %ge3A : i32
        %convert_element_type3A_150 = arith.extui %ge3A_149 : i1 to i32
        %cond3A_151 = arith.constant 0 : i32
        %cond3A_152 = arith.cmpi ne, %convert_element_type3A_150, %cond3A_151 : i32
        scf.if %cond3A_152 {
          %dma_wait3A_165 = arith.constant 1 : i32
          %dma_wait3A_166 = arith.constant 0 : i32
          %dma_wait3A_167 = tpu.memref_slice %arg6[%dma_wait3A_165, %dma_wait3A_166] : memref<2x120xi32, #tpu.memory_space<vmem>> -> memref<1x120xi32, #tpu.memory_space<vmem>>
          %dma_wait3A_168 = tpu.memref_squeeze %dma_wait3A_167 : memref<1x120xi32, #tpu.memory_space<vmem>> -> memref<120xi32, #tpu.memory_space<vmem>>
          %dma_wait3A_169 = arith.constant 0 : i32
          %dma_wait3A_170 = arith.constant 0 : i32
          %dma_wait3A_171 = tpu.memref_slice %arg15[%dma_wait3A_169, %dma_wait3A_170] : memref<10112x128xf32, #tpu.memory_space<vmem_shared>> -> memref<10112x128xf32, #tpu.memory_space<vmem_shared>>
          tpu.wait_indirect_dma semaphore(%arg25 : memref<!tpu.dma_semaphore, #tpu.memory_space<semaphore_mem>>) src(%arg12 : memref<120x128xf32, #tpu.memory_space<vmem>>) dst(%dma_wait3A_171 : memref<10112x128xf32, #tpu.memory_space<vmem_shared>>)
        } else {
        }
        %add3A_153 = arith.constant 2 : i32
        %add3A_154 = arith.addi %add3A_99, %add3A_153 : i32
        %lt3A_155 = arith.cmpi slt, %add3A_154, %select_n3A_10 : i32
        %convert_element_type3A_156 = arith.extui %lt3A_155 : i1 to i32
        %cond3A_157 = arith.constant 0 : i32
        %cond3A_158 = arith.cmpi ne, %convert_element_type3A_156, %cond3A_157 : i32
        scf.if %cond3A_158 {
          %add3A_165 = arith.addi %select_n3A, %add3A_99 : i32
          %add3A_166 = arith.constant 2 : i32
          %add3A_167 = arith.addi %add3A_165, %add3A_166 : i32
          %dma_wait3A_168 = arith.constant 0 : i32
          %dma_wait3A_169 = arith.constant 0 : i32
          %dma_wait3A_170 = tpu.memref_slice %arg3[%add3A_167, %dma_wait3A_168, %dma_wait3A_169] : memref<2688x2x120xi32, #tpu.memory_space<hbm>> -> memref<1x2x120xi32, #tpu.memory_space<hbm>>
          %dma_wait3A_171 = tpu.memref_squeeze %dma_wait3A_170 : memref<1x2x120xi32, #tpu.memory_space<hbm>> -> memref<2x120xi32, #tpu.memory_space<hbm>>
          %dma_wait3A_172 = arith.constant 0 : i32
          %dma_wait3A_173 = arith.constant 0 : i32
          %dma_wait3A_174 = tpu.memref_slice %arg3[%add3A_167, %dma_wait3A_172, %dma_wait3A_173] : memref<2688x2x120xi32, #tpu.memory_space<hbm>> -> memref<1x2x120xi32, #tpu.memory_space<hbm>>
          %dma_wait3A_175 = tpu.memref_squeeze %dma_wait3A_174 : memref<1x2x120xi32, #tpu.memory_space<hbm>> -> memref<2x120xi32, #tpu.memory_space<hbm>>
          tpu.wait_dma2 semaphore(%arg19 : memref<!tpu.dma_semaphore, #tpu.memory_space<semaphore_mem>>) src(%dma_wait3A_175 : memref<2x120xi32, #tpu.memory_space<hbm>>) dst(%arg9 : memref<2x120xi32, #tpu.memory_space<vmem>>)
          %dma_start3A_176 = arith.constant 0 : i32
          %dma_start3A_177 = arith.constant 0 : i32
          %dma_start3A_178 = tpu.memref_slice %arg9[%dma_start3A_176, %dma_start3A_177] : memref<2x120xi32, #tpu.memory_space<vmem>> -> memref<1x120xi32, #tpu.memory_space<vmem>>
          %dma_start3A_179 = tpu.memref_squeeze %dma_start3A_178 : memref<1x120xi32, #tpu.memory_space<vmem>> -> memref<120xi32, #tpu.memory_space<vmem>>
          %dma_start3A_180 = arith.constant 0 : i32
          %dma_start3A_181 = arith.constant 0 : i32
          %dma_start3A_182 = tpu.memref_slice %arg2[%dma_start3A_180, %dma_start3A_181] : memref<10000x128xf32, #tpu.memory_space<hbm>> -> memref<10000x128xf32, #tpu.memory_space<hbm>>
          tpu.enqueue_indirect_dma source(%dma_start3A_182 : memref<10000x128xf32, #tpu.memory_space<hbm>>) target(%arg12 : memref<120x128xf32, #tpu.memory_space<vmem>>) offsets(%dma_start3A_179 : memref<120xi32, #tpu.memory_space<vmem>>) semaphore(%arg22 : memref<!tpu.dma_semaphore, #tpu.memory_space<semaphore_mem>>)
        } else {
        }
        %add3A_159 = arith.constant 5 : i32
        %add3A_160 = arith.addi %add3A_99, %add3A_159 : i32
        %lt3A_161 = arith.cmpi slt, %add3A_160, %select_n3A_10 : i32
        %convert_element_type3A_162 = arith.extui %lt3A_161 : i1 to i32
        %cond3A_163 = arith.constant 0 : i32
        %cond3A_164 = arith.cmpi ne, %convert_element_type3A_162, %cond3A_163 : i32
        scf.if %cond3A_164 {
          %add3A_165 = arith.addi %select_n3A, %add3A_99 : i32
          %add3A_166 = arith.constant 5 : i32
          %add3A_167 = arith.addi %add3A_165, %add3A_166 : i32
          %dma_start3A_168 = arith.constant 0 : i32
          %dma_start3A_169 = arith.constant 0 : i32
          %dma_start3A_170 = tpu.memref_slice %arg3[%add3A_167, %dma_start3A_168, %dma_start3A_169] : memref<2688x2x120xi32, #tpu.memory_space<hbm>> -> memref<1x2x120xi32, #tpu.memory_space<hbm>>
          %dma_start3A_171 = tpu.memref_squeeze %dma_start3A_170 : memref<1x2x120xi32, #tpu.memory_space<hbm>> -> memref<2x120xi32, #tpu.memory_space<hbm>>
          %dma_start3A_172 = arith.constant 0 : i32
          %dma_start3A_173 = arith.constant 0 : i32
          %dma_start3A_174 = tpu.memref_slice %arg3[%add3A_167, %dma_start3A_172, %dma_start3A_173] : memref<2688x2x120xi32, #tpu.memory_space<hbm>> -> memref<1x2x120xi32, #tpu.memory_space<hbm>>
          %dma_start3A_175 = tpu.memref_squeeze %dma_start3A_174 : memref<1x2x120xi32, #tpu.memory_space<hbm>> -> memref<2x120xi32, #tpu.memory_space<hbm>>
          tpu.enqueue_dma source(%dma_start3A_175 : memref<2x120xi32, #tpu.memory_space<hbm>>) target(%arg6 : memref<2x120xi32, #tpu.memory_space<vmem>>) target_semaphore(%arg16 : memref<!tpu.dma_semaphore, #tpu.memory_space<semaphore_mem>>)
        } else {
        }
      } else {
      }
      %add3A_103 = arith.constant 2 : i32
      %add3A_104 = arith.addi %add3A_89, %add3A_103 : i32
      %lt3A_105 = arith.cmpi slt, %add3A_104, %select_n3A_10 : i32
      %add3A_106 = arith.constant 2 : i32
      %add3A_107 = arith.addi %add3A_89, %add3A_106 : i32
      %convert_element_type3A_108 = arith.extui %lt3A_105 : i1 to i32
      %cond3A_109 = arith.constant 0 : i32
      %cond3A_110 = arith.cmpi ne, %convert_element_type3A_108, %cond3A_109 : i32
      scf.if %cond3A_110 {
        %dma_wait3A_135 = arith.constant 0 : i32
        %dma_wait3A_136 = arith.constant 0 : i32
        %dma_wait3A_137 = tpu.memref_slice %arg8[%dma_wait3A_135, %dma_wait3A_136] : memref<2x120xi32, #tpu.memory_space<vmem>> -> memref<1x120xi32, #tpu.memory_space<vmem>>
        %dma_wait3A_138 = tpu.memref_squeeze %dma_wait3A_137 : memref<1x120xi32, #tpu.memory_space<vmem>> -> memref<120xi32, #tpu.memory_space<vmem>>
        %dma_wait3A_139 = arith.constant 0 : i32
        %dma_wait3A_140 = arith.constant 0 : i32
        %dma_wait3A_141 = tpu.memref_slice %arg2[%dma_wait3A_139, %dma_wait3A_140] : memref<10000x128xf32, #tpu.memory_space<hbm>> -> memref<10000x128xf32, #tpu.memory_space<hbm>>
        tpu.wait_indirect_dma semaphore(%arg24 : memref<!tpu.dma_semaphore, #tpu.memory_space<semaphore_mem>>) src(%dma_wait3A_141 : memref<10000x128xf32, #tpu.memory_space<hbm>>) dst(%arg14 : memref<120x128xf32, #tpu.memory_space<vmem>>)
        %dma_start3A_142 = arith.constant 1 : i32
        %dma_start3A_143 = arith.constant 0 : i32
        %dma_start3A_144 = tpu.memref_slice %arg8[%dma_start3A_142, %dma_start3A_143] : memref<2x120xi32, #tpu.memory_space<vmem>> -> memref<1x120xi32, #tpu.memory_space<vmem>>
        %dma_start3A_145 = tpu.memref_squeeze %dma_start3A_144 : memref<1x120xi32, #tpu.memory_space<vmem>> -> memref<120xi32, #tpu.memory_space<vmem>>
        %dma_start3A_146 = arith.constant 0 : i32
        %dma_start3A_147 = arith.constant 0 : i32
        %dma_start3A_148 = tpu.memref_slice %arg15[%dma_start3A_146, %dma_start3A_147] : memref<10112x128xf32, #tpu.memory_space<vmem_shared>> -> memref<10112x128xf32, #tpu.memory_space<vmem_shared>>
        tpu.enqueue_indirect_dma source(%arg14 : memref<120x128xf32, #tpu.memory_space<vmem>>) target(%dma_start3A_148 : memref<10112x128xf32, #tpu.memory_space<vmem_shared>>) offsets(%dma_start3A_145 : memref<120xi32, #tpu.memory_space<vmem>>) semaphore(%arg27 : memref<!tpu.dma_semaphore, #tpu.memory_space<semaphore_mem>>) {add = true}
        %ge3A = arith.constant 1 : i32
        %ge3A_149 = arith.cmpi sge, %add3A_107, %ge3A : i32
        %convert_element_type3A_150 = arith.extui %ge3A_149 : i1 to i32
        %cond3A_151 = arith.constant 0 : i32
        %cond3A_152 = arith.cmpi ne, %convert_element_type3A_150, %cond3A_151 : i32
        scf.if %cond3A_152 {
          %dma_wait3A_165 = arith.constant 1 : i32
          %dma_wait3A_166 = arith.constant 0 : i32
          %dma_wait3A_167 = tpu.memref_slice %arg7[%dma_wait3A_165, %dma_wait3A_166] : memref<2x120xi32, #tpu.memory_space<vmem>> -> memref<1x120xi32, #tpu.memory_space<vmem>>
          %dma_wait3A_168 = tpu.memref_squeeze %dma_wait3A_167 : memref<1x120xi32, #tpu.memory_space<vmem>> -> memref<120xi32, #tpu.memory_space<vmem>>
          %dma_wait3A_169 = arith.constant 0 : i32
          %dma_wait3A_170 = arith.constant 0 : i32
          %dma_wait3A_171 = tpu.memref_slice %arg15[%dma_wait3A_169, %dma_wait3A_170] : memref<10112x128xf32, #tpu.memory_space<vmem_shared>> -> memref<10112x128xf32, #tpu.memory_space<vmem_shared>>
          tpu.wait_indirect_dma semaphore(%arg26 : memref<!tpu.dma_semaphore, #tpu.memory_space<semaphore_mem>>) src(%arg13 : memref<120x128xf32, #tpu.memory_space<vmem>>) dst(%dma_wait3A_171 : memref<10112x128xf32, #tpu.memory_space<vmem_shared>>)
        } else {
        }
        %add3A_153 = arith.constant 2 : i32
        %add3A_154 = arith.addi %add3A_107, %add3A_153 : i32
        %lt3A_155 = arith.cmpi slt, %add3A_154, %select_n3A_10 : i32
        %convert_element_type3A_156 = arith.extui %lt3A_155 : i1 to i32
        %cond3A_157 = arith.constant 0 : i32
        %cond3A_158 = arith.cmpi ne, %convert_element_type3A_156, %cond3A_157 : i32
        scf.if %cond3A_158 {
          %add3A_165 = arith.addi %select_n3A, %add3A_107 : i32
          %add3A_166 = arith.constant 2 : i32
          %add3A_167 = arith.addi %add3A_165, %add3A_166 : i32
          %dma_wait3A_168 = arith.constant 0 : i32
          %dma_wait3A_169 = arith.constant 0 : i32
          %dma_wait3A_170 = tpu.memref_slice %arg3[%add3A_167, %dma_wait3A_168, %dma_wait3A_169] : memref<2688x2x120xi32, #tpu.memory_space<hbm>> -> memref<1x2x120xi32, #tpu.memory_space<hbm>>
          %dma_wait3A_171 = tpu.memref_squeeze %dma_wait3A_170 : memref<1x2x120xi32, #tpu.memory_space<hbm>> -> memref<2x120xi32, #tpu.memory_space<hbm>>
          %dma_wait3A_172 = arith.constant 0 : i32
          %dma_wait3A_173 = arith.constant 0 : i32
          %dma_wait3A_174 = tpu.memref_slice %arg3[%add3A_167, %dma_wait3A_172, %dma_wait3A_173] : memref<2688x2x120xi32, #tpu.memory_space<hbm>> -> memref<1x2x120xi32, #tpu.memory_space<hbm>>
          %dma_wait3A_175 = tpu.memref_squeeze %dma_wait3A_174 : memref<1x2x120xi32, #tpu.memory_space<hbm>> -> memref<2x120xi32, #tpu.memory_space<hbm>>
          tpu.wait_dma2 semaphore(%arg20 : memref<!tpu.dma_semaphore, #tpu.memory_space<semaphore_mem>>) src(%dma_wait3A_175 : memref<2x120xi32, #tpu.memory_space<hbm>>) dst(%arg10 : memref<2x120xi32, #tpu.memory_space<vmem>>)
          %dma_start3A_176 = arith.constant 0 : i32
          %dma_start3A_177 = arith.constant 0 : i32
          %dma_start3A_178 = tpu.memref_slice %arg10[%dma_start3A_176, %dma_start3A_177] : memref<2x120xi32, #tpu.memory_space<vmem>> -> memref<1x120xi32, #tpu.memory_space<vmem>>
          %dma_start3A_179 = tpu.memref_squeeze %dma_start3A_178 : memref<1x120xi32, #tpu.memory_space<vmem>> -> memref<120xi32, #tpu.memory_space<vmem>>
          %dma_start3A_180 = arith.constant 0 : i32
          %dma_start3A_181 = arith.constant 0 : i32
          %dma_start3A_182 = tpu.memref_slice %arg2[%dma_start3A_180, %dma_start3A_181] : memref<10000x128xf32, #tpu.memory_space<hbm>> -> memref<10000x128xf32, #tpu.memory_space<hbm>>
          tpu.enqueue_indirect_dma source(%dma_start3A_182 : memref<10000x128xf32, #tpu.memory_space<hbm>>) target(%arg13 : memref<120x128xf32, #tpu.memory_space<vmem>>) offsets(%dma_start3A_179 : memref<120xi32, #tpu.memory_space<vmem>>) semaphore(%arg23 : memref<!tpu.dma_semaphore, #tpu.memory_space<semaphore_mem>>)
        } else {
        }
        %add3A_159 = arith.constant 5 : i32
        %add3A_160 = arith.addi %add3A_107, %add3A_159 : i32
        %lt3A_161 = arith.cmpi slt, %add3A_160, %select_n3A_10 : i32
        %convert_element_type3A_162 = arith.extui %lt3A_161 : i1 to i32
        %cond3A_163 = arith.constant 0 : i32
        %cond3A_164 = arith.cmpi ne, %convert_element_type3A_162, %cond3A_163 : i32
        scf.if %cond3A_164 {
          %add3A_165 = arith.addi %select_n3A, %add3A_107 : i32
          %add3A_166 = arith.constant 5 : i32
          %add3A_167 = arith.addi %add3A_165, %add3A_166 : i32
          %dma_start3A_168 = arith.constant 0 : i32
          %dma_start3A_169 = arith.constant 0 : i32
          %dma_start3A_170 = tpu.memref_slice %arg3[%add3A_167, %dma_start3A_168, %dma_start3A_169] : memref<2688x2x120xi32, #tpu.memory_space<hbm>> -> memref<1x2x120xi32, #tpu.memory_space<hbm>>
          %dma_start3A_171 = tpu.memref_squeeze %dma_start3A_170 : memref<1x2x120xi32, #tpu.memory_space<hbm>> -> memref<2x120xi32, #tpu.memory_space<hbm>>
          %dma_start3A_172 = arith.constant 0 : i32
          %dma_start3A_173 = arith.constant 0 : i32
          %dma_start3A_174 = tpu.memref_slice %arg3[%add3A_167, %dma_start3A_172, %dma_start3A_173] : memref<2688x2x120xi32, #tpu.memory_space<hbm>> -> memref<1x2x120xi32, #tpu.memory_space<hbm>>
          %dma_start3A_175 = tpu.memref_squeeze %dma_start3A_174 : memref<1x2x120xi32, #tpu.memory_space<hbm>> -> memref<2x120xi32, #tpu.memory_space<hbm>>
          tpu.enqueue_dma source(%dma_start3A_175 : memref<2x120xi32, #tpu.memory_space<hbm>>) target(%arg7 : memref<2x120xi32, #tpu.memory_space<vmem>>) target_semaphore(%arg17 : memref<!tpu.dma_semaphore, #tpu.memory_space<semaphore_mem>>)
        } else {
        }
      } else {
      }
      %add3A_111 = arith.constant 3 : i32
      %add3A_112 = arith.addi %add3A_89, %add3A_111 : i32
      %lt3A_113 = arith.cmpi slt, %add3A_112, %select_n3A_10 : i32
      %add3A_114 = arith.constant 3 : i32
      %add3A_115 = arith.addi %add3A_89, %add3A_114 : i32
      %convert_element_type3A_116 = arith.extui %lt3A_113 : i1 to i32
      %cond3A_117 = arith.constant 0 : i32
      %cond3A_118 = arith.cmpi ne, %convert_element_type3A_116, %cond3A_117 : i32
      scf.if %cond3A_118 {
        %dma_wait3A_135 = arith.constant 0 : i32
        %dma_wait3A_136 = arith.constant 0 : i32
        %dma_wait3A_137 = tpu.memref_slice %arg9[%dma_wait3A_135, %dma_wait3A_136] : memref<2x120xi32, #tpu.memory_space<vmem>> -> memref<1x120xi32, #tpu.memory_space<vmem>>
        %dma_wait3A_138 = tpu.memref_squeeze %dma_wait3A_137 : memref<1x120xi32, #tpu.memory_space<vmem>> -> memref<120xi32, #tpu.memory_space<vmem>>
        %dma_wait3A_139 = arith.constant 0 : i32
        %dma_wait3A_140 = arith.constant 0 : i32
        %dma_wait3A_141 = tpu.memref_slice %arg2[%dma_wait3A_139, %dma_wait3A_140] : memref<10000x128xf32, #tpu.memory_space<hbm>> -> memref<10000x128xf32, #tpu.memory_space<hbm>>
        tpu.wait_indirect_dma semaphore(%arg22 : memref<!tpu.dma_semaphore, #tpu.memory_space<semaphore_mem>>) src(%dma_wait3A_141 : memref<10000x128xf32, #tpu.memory_space<hbm>>) dst(%arg12 : memref<120x128xf32, #tpu.memory_space<vmem>>)
        %dma_start3A_142 = arith.constant 1 : i32
        %dma_start3A_143 = arith.constant 0 : i32
        %dma_start3A_144 = tpu.memref_slice %arg9[%dma_start3A_142, %dma_start3A_143] : memref<2x120xi32, #tpu.memory_space<vmem>> -> memref<1x120xi32, #tpu.memory_space<vmem>>
        %dma_start3A_145 = tpu.memref_squeeze %dma_start3A_144 : memref<1x120xi32, #tpu.memory_space<vmem>> -> memref<120xi32, #tpu.memory_space<vmem>>
        %dma_start3A_146 = arith.constant 0 : i32
        %dma_start3A_147 = arith.constant 0 : i32
        %dma_start3A_148 = tpu.memref_slice %arg15[%dma_start3A_146, %dma_start3A_147] : memref<10112x128xf32, #tpu.memory_space<vmem_shared>> -> memref<10112x128xf32, #tpu.memory_space<vmem_shared>>
        tpu.enqueue_indirect_dma source(%arg12 : memref<120x128xf32, #tpu.memory_space<vmem>>) target(%dma_start3A_148 : memref<10112x128xf32, #tpu.memory_space<vmem_shared>>) offsets(%dma_start3A_145 : memref<120xi32, #tpu.memory_space<vmem>>) semaphore(%arg25 : memref<!tpu.dma_semaphore, #tpu.memory_space<semaphore_mem>>) {add = true}
        %ge3A = arith.constant 1 : i32
        %ge3A_149 = arith.cmpi sge, %add3A_115, %ge3A : i32
        %convert_element_type3A_150 = arith.extui %ge3A_149 : i1 to i32
        %cond3A_151 = arith.constant 0 : i32
        %cond3A_152 = arith.cmpi ne, %convert_element_type3A_150, %cond3A_151 : i32
        scf.if %cond3A_152 {
          %dma_wait3A_165 = arith.constant 1 : i32
          %dma_wait3A_166 = arith.constant 0 : i32
          %dma_wait3A_167 = tpu.memref_slice %arg8[%dma_wait3A_165, %dma_wait3A_166] : memref<2x120xi32, #tpu.memory_space<vmem>> -> memref<1x120xi32, #tpu.memory_space<vmem>>
          %dma_wait3A_168 = tpu.memref_squeeze %dma_wait3A_167 : memref<1x120xi32, #tpu.memory_space<vmem>> -> memref<120xi32, #tpu.memory_space<vmem>>
          %dma_wait3A_169 = arith.constant 0 : i32
          %dma_wait3A_170 = arith.constant 0 : i32
          %dma_wait3A_171 = tpu.memref_slice %arg15[%dma_wait3A_169, %dma_wait3A_170] : memref<10112x128xf32, #tpu.memory_space<vmem_shared>> -> memref<10112x128xf32, #tpu.memory_space<vmem_shared>>
          tpu.wait_indirect_dma semaphore(%arg27 : memref<!tpu.dma_semaphore, #tpu.memory_space<semaphore_mem>>) src(%arg14 : memref<120x128xf32, #tpu.memory_space<vmem>>) dst(%dma_wait3A_171 : memref<10112x128xf32, #tpu.memory_space<vmem_shared>>)
        } else {
        }
        %add3A_153 = arith.constant 2 : i32
        %add3A_154 = arith.addi %add3A_115, %add3A_153 : i32
        %lt3A_155 = arith.cmpi slt, %add3A_154, %select_n3A_10 : i32
        %convert_element_type3A_156 = arith.extui %lt3A_155 : i1 to i32
        %cond3A_157 = arith.constant 0 : i32
        %cond3A_158 = arith.cmpi ne, %convert_element_type3A_156, %cond3A_157 : i32
        scf.if %cond3A_158 {
          %add3A_165 = arith.addi %select_n3A, %add3A_115 : i32
          %add3A_166 = arith.constant 2 : i32
          %add3A_167 = arith.addi %add3A_165, %add3A_166 : i32
          %dma_wait3A_168 = arith.constant 0 : i32
          %dma_wait3A_169 = arith.constant 0 : i32
          %dma_wait3A_170 = tpu.memref_slice %arg3[%add3A_167, %dma_wait3A_168, %dma_wait3A_169] : memref<2688x2x120xi32, #tpu.memory_space<hbm>> -> memref<1x2x120xi32, #tpu.memory_space<hbm>>
          %dma_wait3A_171 = tpu.memref_squeeze %dma_wait3A_170 : memref<1x2x120xi32, #tpu.memory_space<hbm>> -> memref<2x120xi32, #tpu.memory_space<hbm>>
          %dma_wait3A_172 = arith.constant 0 : i32
          %dma_wait3A_173 = arith.constant 0 : i32
          %dma_wait3A_174 = tpu.memref_slice %arg3[%add3A_167, %dma_wait3A_172, %dma_wait3A_173] : memref<2688x2x120xi32, #tpu.memory_space<hbm>> -> memref<1x2x120xi32, #tpu.memory_space<hbm>>
          %dma_wait3A_175 = tpu.memref_squeeze %dma_wait3A_174 : memref<1x2x120xi32, #tpu.memory_space<hbm>> -> memref<2x120xi32, #tpu.memory_space<hbm>>
          tpu.wait_dma2 semaphore(%arg21 : memref<!tpu.dma_semaphore, #tpu.memory_space<semaphore_mem>>) src(%dma_wait3A_175 : memref<2x120xi32, #tpu.memory_space<hbm>>) dst(%arg11 : memref<2x120xi32, #tpu.memory_space<vmem>>)
          %dma_start3A_176 = arith.constant 0 : i32
          %dma_start3A_177 = arith.constant 0 : i32
          %dma_start3A_178 = tpu.memref_slice %arg11[%dma_start3A_176, %dma_start3A_177] : memref<2x120xi32, #tpu.memory_space<vmem>> -> memref<1x120xi32, #tpu.memory_space<vmem>>
          %dma_start3A_179 = tpu.memref_squeeze %dma_start3A_178 : memref<1x120xi32, #tpu.memory_space<vmem>> -> memref<120xi32, #tpu.memory_space<vmem>>
          %dma_start3A_180 = arith.constant 0 : i32
          %dma_start3A_181 = arith.constant 0 : i32
          %dma_start3A_182 = tpu.memref_slice %arg2[%dma_start3A_180, %dma_start3A_181] : memref<10000x128xf32, #tpu.memory_space<hbm>> -> memref<10000x128xf32, #tpu.memory_space<hbm>>
          tpu.enqueue_indirect_dma source(%dma_start3A_182 : memref<10000x128xf32, #tpu.memory_space<hbm>>) target(%arg14 : memref<120x128xf32, #tpu.memory_space<vmem>>) offsets(%dma_start3A_179 : memref<120xi32, #tpu.memory_space<vmem>>) semaphore(%arg24 : memref<!tpu.dma_semaphore, #tpu.memory_space<semaphore_mem>>)
        } else {
        }
        %add3A_159 = arith.constant 5 : i32
        %add3A_160 = arith.addi %add3A_115, %add3A_159 : i32
        %lt3A_161 = arith.cmpi slt, %add3A_160, %select_n3A_10 : i32
        %convert_element_type3A_162 = arith.extui %lt3A_161 : i1 to i32
        %cond3A_163 = arith.constant 0 : i32
        %cond3A_164 = arith.cmpi ne, %convert_element_type3A_162, %cond3A_163 : i32
        scf.if %cond3A_164 {
          %add3A_165 = arith.addi %select_n3A, %add3A_115 : i32
          %add3A_166 = arith.constant 5 : i32
          %add3A_167 = arith.addi %add3A_165, %add3A_166 : i32
          %dma_start3A_168 = arith.constant 0 : i32
          %dma_start3A_169 = arith.constant 0 : i32
          %dma_start3A_170 = tpu.memref_slice %arg3[%add3A_167, %dma_start3A_168, %dma_start3A_169] : memref<2688x2x120xi32, #tpu.memory_space<hbm>> -> memref<1x2x120xi32, #tpu.memory_space<hbm>>
          %dma_start3A_171 = tpu.memref_squeeze %dma_start3A_170 : memref<1x2x120xi32, #tpu.memory_space<hbm>> -> memref<2x120xi32, #tpu.memory_space<hbm>>
          %dma_start3A_172 = arith.constant 0 : i32
          %dma_start3A_173 = arith.constant 0 : i32
          %dma_start3A_174 = tpu.memref_slice %arg3[%add3A_167, %dma_start3A_172, %dma_start3A_173] : memref<2688x2x120xi32, #tpu.memory_space<hbm>> -> memref<1x2x120xi32, #tpu.memory_space<hbm>>
          %dma_start3A_175 = tpu.memref_squeeze %dma_start3A_174 : memref<1x2x120xi32, #tpu.memory_space<hbm>> -> memref<2x120xi32, #tpu.memory_space<hbm>>
          tpu.enqueue_dma source(%dma_start3A_175 : memref<2x120xi32, #tpu.memory_space<hbm>>) target(%arg8 : memref<2x120xi32, #tpu.memory_space<vmem>>) target_semaphore(%arg18 : memref<!tpu.dma_semaphore, #tpu.memory_space<semaphore_mem>>)
        } else {
        }
      } else {
      }
      %add3A_119 = arith.constant 4 : i32
      %add3A_120 = arith.addi %add3A_89, %add3A_119 : i32
      %lt3A_121 = arith.cmpi slt, %add3A_120, %select_n3A_10 : i32
      %add3A_122 = arith.constant 4 : i32
      %add3A_123 = arith.addi %add3A_89, %add3A_122 : i32
      %convert_element_type3A_124 = arith.extui %lt3A_121 : i1 to i32
      %cond3A_125 = arith.constant 0 : i32
      %cond3A_126 = arith.cmpi ne, %convert_element_type3A_124, %cond3A_125 : i32
      scf.if %cond3A_126 {
        %dma_wait3A_135 = arith.constant 0 : i32
        %dma_wait3A_136 = arith.constant 0 : i32
        %dma_wait3A_137 = tpu.memref_slice %arg10[%dma_wait3A_135, %dma_wait3A_136] : memref<2x120xi32, #tpu.memory_space<vmem>> -> memref<1x120xi32, #tpu.memory_space<vmem>>
        %dma_wait3A_138 = tpu.memref_squeeze %dma_wait3A_137 : memref<1x120xi32, #tpu.memory_space<vmem>> -> memref<120xi32, #tpu.memory_space<vmem>>
        %dma_wait3A_139 = arith.constant 0 : i32
        %dma_wait3A_140 = arith.constant 0 : i32
        %dma_wait3A_141 = tpu.memref_slice %arg2[%dma_wait3A_139, %dma_wait3A_140] : memref<10000x128xf32, #tpu.memory_space<hbm>> -> memref<10000x128xf32, #tpu.memory_space<hbm>>
        tpu.wait_indirect_dma semaphore(%arg23 : memref<!tpu.dma_semaphore, #tpu.memory_space<semaphore_mem>>) src(%dma_wait3A_141 : memref<10000x128xf32, #tpu.memory_space<hbm>>) dst(%arg13 : memref<120x128xf32, #tpu.memory_space<vmem>>)
        %dma_start3A_142 = arith.constant 1 : i32
        %dma_start3A_143 = arith.constant 0 : i32
        %dma_start3A_144 = tpu.memref_slice %arg10[%dma_start3A_142, %dma_start3A_143] : memref<2x120xi32, #tpu.memory_space<vmem>> -> memref<1x120xi32, #tpu.memory_space<vmem>>
        %dma_start3A_145 = tpu.memref_squeeze %dma_start3A_144 : memref<1x120xi32, #tpu.memory_space<vmem>> -> memref<120xi32, #tpu.memory_space<vmem>>
        %dma_start3A_146 = arith.constant 0 : i32
        %dma_start3A_147 = arith.constant 0 : i32
        %dma_start3A_148 = tpu.memref_slice %arg15[%dma_start3A_146, %dma_start3A_147] : memref<10112x128xf32, #tpu.memory_space<vmem_shared>> -> memref<10112x128xf32, #tpu.memory_space<vmem_shared>>
        tpu.enqueue_indirect_dma source(%arg13 : memref<120x128xf32, #tpu.memory_space<vmem>>) target(%dma_start3A_148 : memref<10112x128xf32, #tpu.memory_space<vmem_shared>>) offsets(%dma_start3A_145 : memref<120xi32, #tpu.memory_space<vmem>>) semaphore(%arg26 : memref<!tpu.dma_semaphore, #tpu.memory_space<semaphore_mem>>) {add = true}
        %ge3A = arith.constant 1 : i32
        %ge3A_149 = arith.cmpi sge, %add3A_123, %ge3A : i32
        %convert_element_type3A_150 = arith.extui %ge3A_149 : i1 to i32
        %cond3A_151 = arith.constant 0 : i32
        %cond3A_152 = arith.cmpi ne, %convert_element_type3A_150, %cond3A_151 : i32
        scf.if %cond3A_152 {
          %dma_wait3A_165 = arith.constant 1 : i32
          %dma_wait3A_166 = arith.constant 0 : i32
          %dma_wait3A_167 = tpu.memref_slice %arg9[%dma_wait3A_165, %dma_wait3A_166] : memref<2x120xi32, #tpu.memory_space<vmem>> -> memref<1x120xi32, #tpu.memory_space<vmem>>
          %dma_wait3A_168 = tpu.memref_squeeze %dma_wait3A_167 : memref<1x120xi32, #tpu.memory_space<vmem>> -> memref<120xi32, #tpu.memory_space<vmem>>
          %dma_wait3A_169 = arith.constant 0 : i32
          %dma_wait3A_170 = arith.constant 0 : i32
          %dma_wait3A_171 = tpu.memref_slice %arg15[%dma_wait3A_169, %dma_wait3A_170] : memref<10112x128xf32, #tpu.memory_space<vmem_shared>> -> memref<10112x128xf32, #tpu.memory_space<vmem_shared>>
          tpu.wait_indirect_dma semaphore(%arg25 : memref<!tpu.dma_semaphore, #tpu.memory_space<semaphore_mem>>) src(%arg12 : memref<120x128xf32, #tpu.memory_space<vmem>>) dst(%dma_wait3A_171 : memref<10112x128xf32, #tpu.memory_space<vmem_shared>>)
        } else {
        }
        %add3A_153 = arith.constant 2 : i32
        %add3A_154 = arith.addi %add3A_123, %add3A_153 : i32
        %lt3A_155 = arith.cmpi slt, %add3A_154, %select_n3A_10 : i32
        %convert_element_type3A_156 = arith.extui %lt3A_155 : i1 to i32
        %cond3A_157 = arith.constant 0 : i32
        %cond3A_158 = arith.cmpi ne, %convert_element_type3A_156, %cond3A_157 : i32
        scf.if %cond3A_158 {
          %add3A_165 = arith.addi %select_n3A, %add3A_123 : i32
          %add3A_166 = arith.constant 2 : i32
          %add3A_167 = arith.addi %add3A_165, %add3A_166 : i32
          %dma_wait3A_168 = arith.constant 0 : i32
          %dma_wait3A_169 = arith.constant 0 : i32
          %dma_wait3A_170 = tpu.memref_slice %arg3[%add3A_167, %dma_wait3A_168, %dma_wait3A_169] : memref<2688x2x120xi32, #tpu.memory_space<hbm>> -> memref<1x2x120xi32, #tpu.memory_space<hbm>>
          %dma_wait3A_171 = tpu.memref_squeeze %dma_wait3A_170 : memref<1x2x120xi32, #tpu.memory_space<hbm>> -> memref<2x120xi32, #tpu.memory_space<hbm>>
          %dma_wait3A_172 = arith.constant 0 : i32
          %dma_wait3A_173 = arith.constant 0 : i32
          %dma_wait3A_174 = tpu.memref_slice %arg3[%add3A_167, %dma_wait3A_172, %dma_wait3A_173] : memref<2688x2x120xi32, #tpu.memory_space<hbm>> -> memref<1x2x120xi32, #tpu.memory_space<hbm>>
          %dma_wait3A_175 = tpu.memref_squeeze %dma_wait3A_174 : memref<1x2x120xi32, #tpu.memory_space<hbm>> -> memref<2x120xi32, #tpu.memory_space<hbm>>
          tpu.wait_dma2 semaphore(%arg16 : memref<!tpu.dma_semaphore, #tpu.memory_space<semaphore_mem>>) src(%dma_wait3A_175 : memref<2x120xi32, #tpu.memory_space<hbm>>) dst(%arg6 : memref<2x120xi32, #tpu.memory_space<vmem>>)
          %dma_start3A_176 = arith.constant 0 : i32
          %dma_start3A_177 = arith.constant 0 : i32
          %dma_start3A_178 = tpu.memref_slice %arg6[%dma_start3A_176, %dma_start3A_177] : memref<2x120xi32, #tpu.memory_space<vmem>> -> memref<1x120xi32, #tpu.memory_space<vmem>>
          %dma_start3A_179 = tpu.memref_squeeze %dma_start3A_178 : memref<1x120xi32, #tpu.memory_space<vmem>> -> memref<120xi32, #tpu.memory_space<vmem>>
          %dma_start3A_180 = arith.constant 0 : i32
          %dma_start3A_181 = arith.constant 0 : i32
          %dma_start3A_182 = tpu.memref_slice %arg2[%dma_start3A_180, %dma_start3A_181] : memref<10000x128xf32, #tpu.memory_space<hbm>> -> memref<10000x128xf32, #tpu.memory_space<hbm>>
          tpu.enqueue_indirect_dma source(%dma_start3A_182 : memref<10000x128xf32, #tpu.memory_space<hbm>>) target(%arg12 : memref<120x128xf32, #tpu.memory_space<vmem>>) offsets(%dma_start3A_179 : memref<120xi32, #tpu.memory_space<vmem>>) semaphore(%arg22 : memref<!tpu.dma_semaphore, #tpu.memory_space<semaphore_mem>>)
        } else {
        }
        %add3A_159 = arith.constant 5 : i32
        %add3A_160 = arith.addi %add3A_123, %add3A_159 : i32
        %lt3A_161 = arith.cmpi slt, %add3A_160, %select_n3A_10 : i32
        %convert_element_type3A_162 = arith.extui %lt3A_161 : i1 to i32
        %cond3A_163 = arith.constant 0 : i32
        %cond3A_164 = arith.cmpi ne, %convert_element_type3A_162, %cond3A_163 : i32
        scf.if %cond3A_164 {
          %add3A_165 = arith.addi %select_n3A, %add3A_123 : i32
          %add3A_166 = arith.constant 5 : i32
          %add3A_167 = arith.addi %add3A_165, %add3A_166 : i32
          %dma_start3A_168 = arith.constant 0 : i32
          %dma_start3A_169 = arith.constant 0 : i32
          %dma_start3A_170 = tpu.memref_slice %arg3[%add3A_167, %dma_start3A_168, %dma_start3A_169] : memref<2688x2x120xi32, #tpu.memory_space<hbm>> -> memref<1x2x120xi32, #tpu.memory_space<hbm>>
          %dma_start3A_171 = tpu.memref_squeeze %dma_start3A_170 : memref<1x2x120xi32, #tpu.memory_space<hbm>> -> memref<2x120xi32, #tpu.memory_space<hbm>>
          %dma_start3A_172 = arith.constant 0 : i32
          %dma_start3A_173 = arith.constant 0 : i32
          %dma_start3A_174 = tpu.memref_slice %arg3[%add3A_167, %dma_start3A_172, %dma_start3A_173] : memref<2688x2x120xi32, #tpu.memory_space<hbm>> -> memref<1x2x120xi32, #tpu.memory_space<hbm>>
          %dma_start3A_175 = tpu.memref_squeeze %dma_start3A_174 : memref<1x2x120xi32, #tpu.memory_space<hbm>> -> memref<2x120xi32, #tpu.memory_space<hbm>>
          tpu.enqueue_dma source(%dma_start3A_175 : memref<2x120xi32, #tpu.memory_space<hbm>>) target(%arg9 : memref<2x120xi32, #tpu.memory_space<vmem>>) target_semaphore(%arg19 : memref<!tpu.dma_semaphore, #tpu.memory_space<semaphore_mem>>)
        } else {
        }
      } else {
      }
      %add3A_127 = arith.constant 5 : i32
      %add3A_128 = arith.addi %add3A_89, %add3A_127 : i32
      %lt3A_129 = arith.cmpi slt, %add3A_128, %select_n3A_10 : i32
      %add3A_130 = arith.constant 5 : i32
      %add3A_131 = arith.addi %add3A_89, %add3A_130 : i32
      %convert_element_type3A_132 = arith.extui %lt3A_129 : i1 to i32
      %cond3A_133 = arith.constant 0 : i32
      %cond3A_134 = arith.cmpi ne, %convert_element_type3A_132, %cond3A_133 : i32
      scf.if %cond3A_134 {
        %dma_wait3A_135 = arith.constant 0 : i32
        %dma_wait3A_136 = arith.constant 0 : i32
        %dma_wait3A_137 = tpu.memref_slice %arg11[%dma_wait3A_135, %dma_wait3A_136] : memref<2x120xi32, #tpu.memory_space<vmem>> -> memref<1x120xi32, #tpu.memory_space<vmem>>
        %dma_wait3A_138 = tpu.memref_squeeze %dma_wait3A_137 : memref<1x120xi32, #tpu.memory_space<vmem>> -> memref<120xi32, #tpu.memory_space<vmem>>
        %dma_wait3A_139 = arith.constant 0 : i32
        %dma_wait3A_140 = arith.constant 0 : i32
        %dma_wait3A_141 = tpu.memref_slice %arg2[%dma_wait3A_139, %dma_wait3A_140] : memref<10000x128xf32, #tpu.memory_space<hbm>> -> memref<10000x128xf32, #tpu.memory_space<hbm>>
        tpu.wait_indirect_dma semaphore(%arg24 : memref<!tpu.dma_semaphore, #tpu.memory_space<semaphore_mem>>) src(%dma_wait3A_141 : memref<10000x128xf32, #tpu.memory_space<hbm>>) dst(%arg14 : memref<120x128xf32, #tpu.memory_space<vmem>>)
        %dma_start3A_142 = arith.constant 1 : i32
        %dma_start3A_143 = arith.constant 0 : i32
        %dma_start3A_144 = tpu.memref_slice %arg11[%dma_start3A_142, %dma_start3A_143] : memref<2x120xi32, #tpu.memory_space<vmem>> -> memref<1x120xi32, #tpu.memory_space<vmem>>
        %dma_start3A_145 = tpu.memref_squeeze %dma_start3A_144 : memref<1x120xi32, #tpu.memory_space<vmem>> -> memref<120xi32, #tpu.memory_space<vmem>>
        %dma_start3A_146 = arith.constant 0 : i32
        %dma_start3A_147 = arith.constant 0 : i32
        %dma_start3A_148 = tpu.memref_slice %arg15[%dma_start3A_146, %dma_start3A_147] : memref<10112x128xf32, #tpu.memory_space<vmem_shared>> -> memref<10112x128xf32, #tpu.memory_space<vmem_shared>>
        tpu.enqueue_indirect_dma source(%arg14 : memref<120x128xf32, #tpu.memory_space<vmem>>) target(%dma_start3A_148 : memref<10112x128xf32, #tpu.memory_space<vmem_shared>>) offsets(%dma_start3A_145 : memref<120xi32, #tpu.memory_space<vmem>>) semaphore(%arg27 : memref<!tpu.dma_semaphore, #tpu.memory_space<semaphore_mem>>) {add = true}
        %ge3A = arith.constant 1 : i32
        %ge3A_149 = arith.cmpi sge, %add3A_131, %ge3A : i32
        %convert_element_type3A_150 = arith.extui %ge3A_149 : i1 to i32
        %cond3A_151 = arith.constant 0 : i32
        %cond3A_152 = arith.cmpi ne, %convert_element_type3A_150, %cond3A_151 : i32
        scf.if %cond3A_152 {
          %dma_wait3A_165 = arith.constant 1 : i32
          %dma_wait3A_166 = arith.constant 0 : i32
          %dma_wait3A_167 = tpu.memref_slice %arg10[%dma_wait3A_165, %dma_wait3A_166] : memref<2x120xi32, #tpu.memory_space<vmem>> -> memref<1x120xi32, #tpu.memory_space<vmem>>
          %dma_wait3A_168 = tpu.memref_squeeze %dma_wait3A_167 : memref<1x120xi32, #tpu.memory_space<vmem>> -> memref<120xi32, #tpu.memory_space<vmem>>
          %dma_wait3A_169 = arith.constant 0 : i32
          %dma_wait3A_170 = arith.constant 0 : i32
          %dma_wait3A_171 = tpu.memref_slice %arg15[%dma_wait3A_169, %dma_wait3A_170] : memref<10112x128xf32, #tpu.memory_space<vmem_shared>> -> memref<10112x128xf32, #tpu.memory_space<vmem_shared>>
          tpu.wait_indirect_dma semaphore(%arg26 : memref<!tpu.dma_semaphore, #tpu.memory_space<semaphore_mem>>) src(%arg13 : memref<120x128xf32, #tpu.memory_space<vmem>>) dst(%dma_wait3A_171 : memref<10112x128xf32, #tpu.memory_space<vmem_shared>>)
        } else {
        }
        %add3A_153 = arith.constant 2 : i32
        %add3A_154 = arith.addi %add3A_131, %add3A_153 : i32
        %lt3A_155 = arith.cmpi slt, %add3A_154, %select_n3A_10 : i32
        %convert_element_type3A_156 = arith.extui %lt3A_155 : i1 to i32
        %cond3A_157 = arith.constant 0 : i32
        %cond3A_158 = arith.cmpi ne, %convert_element_type3A_156, %cond3A_157 : i32
        scf.if %cond3A_158 {
          %add3A_165 = arith.addi %select_n3A, %add3A_131 : i32
          %add3A_166 = arith.constant 2 : i32
          %add3A_167 = arith.addi %add3A_165, %add3A_166 : i32
          %dma_wait3A_168 = arith.constant 0 : i32
          %dma_wait3A_169 = arith.constant 0 : i32
          %dma_wait3A_170 = tpu.memref_slice %arg3[%add3A_167, %dma_wait3A_168, %dma_wait3A_169] : memref<2688x2x120xi32, #tpu.memory_space<hbm>> -> memref<1x2x120xi32, #tpu.memory_space<hbm>>
          %dma_wait3A_171 = tpu.memref_squeeze %dma_wait3A_170 : memref<1x2x120xi32, #tpu.memory_space<hbm>> -> memref<2x120xi32, #tpu.memory_space<hbm>>
          %dma_wait3A_172 = arith.constant 0 : i32
          %dma_wait3A_173 = arith.constant 0 : i32
          %dma_wait3A_174 = tpu.memref_slice %arg3[%add3A_167, %dma_wait3A_172, %dma_wait3A_173] : memref<2688x2x120xi32, #tpu.memory_space<hbm>> -> memref<1x2x120xi32, #tpu.memory_space<hbm>>
          %dma_wait3A_175 = tpu.memref_squeeze %dma_wait3A_174 : memref<1x2x120xi32, #tpu.memory_space<hbm>> -> memref<2x120xi32, #tpu.memory_space<hbm>>
          tpu.wait_dma2 semaphore(%arg17 : memref<!tpu.dma_semaphore, #tpu.memory_space<semaphore_mem>>) src(%dma_wait3A_175 : memref<2x120xi32, #tpu.memory_space<hbm>>) dst(%arg7 : memref<2x120xi32, #tpu.memory_space<vmem>>)
          %dma_start3A_176 = arith.constant 0 : i32
          %dma_start3A_177 = arith.constant 0 : i32
          %dma_start3A_178 = tpu.memref_slice %arg7[%dma_start3A_176, %dma_start3A_177] : memref<2x120xi32, #tpu.memory_space<vmem>> -> memref<1x120xi32, #tpu.memory_space<vmem>>
          %dma_start3A_179 = tpu.memref_squeeze %dma_start3A_178 : memref<1x120xi32, #tpu.memory_space<vmem>> -> memref<120xi32, #tpu.memory_space<vmem>>
          %dma_start3A_180 = arith.constant 0 : i32
          %dma_start3A_181 = arith.constant 0 : i32
          %dma_start3A_182 = tpu.memref_slice %arg2[%dma_start3A_180, %dma_start3A_181] : memref<10000x128xf32, #tpu.memory_space<hbm>> -> memref<10000x128xf32, #tpu.memory_space<hbm>>
          tpu.enqueue_indirect_dma source(%dma_start3A_182 : memref<10000x128xf32, #tpu.memory_space<hbm>>) target(%arg13 : memref<120x128xf32, #tpu.memory_space<vmem>>) offsets(%dma_start3A_179 : memref<120xi32, #tpu.memory_space<vmem>>) semaphore(%arg23 : memref<!tpu.dma_semaphore, #tpu.memory_space<semaphore_mem>>)
        } else {
        }
        %add3A_159 = arith.constant 5 : i32
        %add3A_160 = arith.addi %add3A_131, %add3A_159 : i32
        %lt3A_161 = arith.cmpi slt, %add3A_160, %select_n3A_10 : i32
        %convert_element_type3A_162 = arith.extui %lt3A_161 : i1 to i32
        %cond3A_163 = arith.constant 0 : i32
        %cond3A_164 = arith.cmpi ne, %convert_element_type3A_162, %cond3A_163 : i32
        scf.if %cond3A_164 {
          %add3A_165 = arith.addi %select_n3A, %add3A_131 : i32
          %add3A_166 = arith.constant 5 : i32
          %add3A_167 = arith.addi %add3A_165, %add3A_166 : i32
          %dma_start3A_168 = arith.constant 0 : i32
          %dma_start3A_169 = arith.constant 0 : i32
          %dma_start3A_170 = tpu.memref_slice %arg3[%add3A_167, %dma_start3A_168, %dma_start3A_169] : memref<2688x2x120xi32, #tpu.memory_space<hbm>> -> memref<1x2x120xi32, #tpu.memory_space<hbm>>
          %dma_start3A_171 = tpu.memref_squeeze %dma_start3A_170 : memref<1x2x120xi32, #tpu.memory_space<hbm>> -> memref<2x120xi32, #tpu.memory_space<hbm>>
          %dma_start3A_172 = arith.constant 0 : i32
          %dma_start3A_173 = arith.constant 0 : i32
          %dma_start3A_174 = tpu.memref_slice %arg3[%add3A_167, %dma_start3A_172, %dma_start3A_173] : memref<2688x2x120xi32, #tpu.memory_space<hbm>> -> memref<1x2x120xi32, #tpu.memory_space<hbm>>
          %dma_start3A_175 = tpu.memref_squeeze %dma_start3A_174 : memref<1x2x120xi32, #tpu.memory_space<hbm>> -> memref<2x120xi32, #tpu.memory_space<hbm>>
          tpu.enqueue_dma source(%dma_start3A_175 : memref<2x120xi32, #tpu.memory_space<hbm>>) target(%arg10 : memref<2x120xi32, #tpu.memory_space<vmem>>) target_semaphore(%arg20 : memref<!tpu.dma_semaphore, #tpu.memory_space<semaphore_mem>>)
        } else {
        }
      } else {
      }
    }
    %scan3A_76 = arith.constant 20 : i32
    %dma_wait3A_77 = arith.constant 1 : i32
    %dma_wait3A_78 = arith.constant 0 : i32
    %dma_wait3A_79 = tpu.memref_slice %arg11[%dma_wait3A_77, %dma_wait3A_78] : memref<2x120xi32, #tpu.memory_space<vmem>> -> memref<1x120xi32, #tpu.memory_space<vmem>>
    %dma_wait3A_80 = tpu.memref_squeeze %dma_wait3A_79 : memref<1x120xi32, #tpu.memory_space<vmem>> -> memref<120xi32, #tpu.memory_space<vmem>>
    %dma_wait3A_81 = arith.constant 0 : i32
    %dma_wait3A_82 = arith.constant 0 : i32
    %dma_wait3A_83 = tpu.memref_slice %arg15[%dma_wait3A_81, %dma_wait3A_82] : memref<10112x128xf32, #tpu.memory_space<vmem_shared>> -> memref<10112x128xf32, #tpu.memory_space<vmem_shared>>
    tpu.wait_indirect_dma semaphore(%arg27 : memref<!tpu.dma_semaphore, #tpu.memory_space<semaphore_mem>>) src(%arg14 : memref<120x128xf32, #tpu.memory_space<vmem>>) dst(%dma_wait3A_83 : memref<10112x128xf32, #tpu.memory_space<vmem_shared>>)
    %barrier3A_84 = arith.constant 0 : index
    tpu.barrier barrier_id(%barrier3A_84)
    "tpu.region"() ({
      %run_scoped3A = tpu.sem_alloc : memref<!tpu.dma_semaphore, #tpu.memory_space<semaphore_mem>>
      %dma_start3A_85 = arith.constant 0 : i32
      %dma_start3A_86 = tpu.memref_slice %arg5[%arg0, %mul3A_0, %dma_start3A_85] : memref<2x10112x128xf32, #tpu.memory_space<hbm>> -> memref<1x632x128xf32, #tpu.memory_space<hbm>>
      %dma_start3A_87 = tpu.memref_squeeze %dma_start3A_86 : memref<1x632x128xf32, #tpu.memory_space<hbm>> -> memref<632x128xf32, #tpu.memory_space<hbm>>
      %dma_start3A_88 = arith.constant 0 : i32
      %dma_start3A_89 = tpu.memref_slice %arg15[%mul3A_0, %dma_start3A_88] : memref<10112x128xf32, #tpu.memory_space<vmem_shared>> -> memref<632x128xf32, #tpu.memory_space<vmem_shared>>
      tpu.enqueue_dma source(%dma_start3A_89 : memref<632x128xf32, #tpu.memory_space<vmem_shared>>) target(%dma_start3A_87 : memref<632x128xf32, #tpu.memory_space<hbm>>) target_semaphore(%run_scoped3A : memref<!tpu.dma_semaphore, #tpu.memory_space<semaphore_mem>>)
      %dma_wait3A_90 = arith.constant 0 : i32
      %dma_wait3A_91 = tpu.memref_slice %arg5[%arg0, %mul3A_0, %dma_wait3A_90] : memref<2x10112x128xf32, #tpu.memory_space<hbm>> -> memref<1x632x128xf32, #tpu.memory_space<hbm>>
      %dma_wait3A_92 = tpu.memref_squeeze %dma_wait3A_91 : memref<1x632x128xf32, #tpu.memory_space<hbm>> -> memref<632x128xf32, #tpu.memory_space<hbm>>
      %dma_wait3A_93 = arith.constant 0 : i32
      %dma_wait3A_94 = tpu.memref_slice %arg15[%mul3A_0, %dma_wait3A_93] : memref<10112x128xf32, #tpu.memory_space<vmem_shared>> -> memref<632x128xf32, #tpu.memory_space<vmem_shared>>
      tpu.wait_dma2 semaphore(%run_scoped3A : memref<!tpu.dma_semaphore, #tpu.memory_space<semaphore_mem>>) src(%dma_wait3A_94 : memref<632x128xf32, #tpu.memory_space<vmem_shared>>) dst(%dma_wait3A_92 : memref<632x128xf32, #tpu.memory_space<hbm>>)
      tpu.yield
    }) : () -> ()
    return
  }
}

#map = affine_map<(d0, d1) -> (0, 0)>
#map1 = affine_map<(d0, d1) -> (0, 0, 0)>
module attributes {stable_mosaic.version = 14 : i64} {
  func.func @k(%arg0: i32, %arg1: i32, %arg2: memref<10000x128xf32, #tpu.memory_space<hbm>>, %arg3: memref<2688x2x120xi32, #tpu.memory_space<hbm>>, %arg4: memref<10112x128xf32, #tpu.memory_space<hbm>>, %arg5: memref<2x10112x128xf32, #tpu.memory_space<hbm>>, %arg6: memref<2x120xi32, #tpu.memory_space<vmem>>, %arg7: memref<2x120xi32, #tpu.memory_space<vmem>>, %arg8: memref<2x120xi32, #tpu.memory_space<vmem>>, %arg9: memref<2x120xi32, #tpu.memory_space<vmem>>, %arg10: memref<2x120xi32, #tpu.memory_space<vmem>>, %arg11: memref<2x120xi32, #tpu.memory_space<vmem>>, %arg12: memref<120x128xf32, #tpu.memory_space<vmem>>, %arg13: memref<120x128xf32, #tpu.memory_space<vmem>>, %arg14: memref<120x128xf32, #tpu.memory_space<vmem>>, %arg15: memref<10112x128xf32, #tpu.memory_space<vmem_shared>>, %arg16: memref<!tpu.dma_semaphore, #tpu.memory_space<semaphore_mem>>, %arg17: memref<!tpu.dma_semaphore, #tpu.memory_space<semaphore_mem>>, %arg18: memref<!tpu.dma_semaphore, #tpu.memory_space<semaphore_mem>>, %arg19: memref<!tpu.dma_semaphore, #tpu.memory_space<semaphore_mem>>, %arg20: memref<!tpu.dma_semaphore, #tpu.memory_space<semaphore_mem>>, %arg21: memref<!tpu.dma_semaphore, #tpu.memory_space<semaphore_mem>>, %arg22: memref<!tpu.dma_semaphore, #tpu.memory_space<semaphore_mem>>, %arg23: memref<!tpu.dma_semaphore, #tpu.memory_space<semaphore_mem>>, %arg24: memref<!tpu.dma_semaphore, #tpu.memory_space<semaphore_mem>>, %arg25: memref<!tpu.dma_semaphore, #tpu.memory_space<semaphore_mem>>, %arg26: memref<!tpu.dma_semaphore, #tpu.memory_space<semaphore_mem>>, %arg27: memref<!tpu.dma_semaphore, #tpu.memory_space<semaphore_mem>>) attributes {dimension_semantics = [#tpu.dimension_semantics<core_parallel>, #tpu.dimension_semantics<subcore_parallel>], iteration_bounds = array<i64: 2, 16>, scalar_prefetch = 0 : i64, scratch_operands = 22 : i64, tpu.core_type = #tpu.core_type<sc_vector_subcore>, window_params = [{transform_indices = #map}, {transform_indices = #map1}, {transform_indices = #map}, {transform_indices = #map1}]} {
    %mul3A = arith.constant 632 : i32
    %mul3A_0 = arith.muli %arg1, %mul3A : i32
    %eq3A = arith.constant 0 : i32
    %eq3A_1 = arith.cmpi eq, %arg0, %eq3A : i32
    %mul3A_2 = arith.constant 120 : i32
    %mul3A_3 = arith.muli %arg1, %mul3A_2 : i32
    %mul3A_4 = arith.constant 48 : i32
    %mul3A_5 = arith.muli %arg1, %mul3A_4 : i32
    %add3A = arith.constant 1920 : i32
    %add3A_6 = arith.addi %add3A, %mul3A_5 : i32
    %select_n3A = arith.select %eq3A_1, %mul3A_3, %add3A_6 : i32
    %eq3A_7 = arith.constant 0 : i32
    %eq3A_8 = arith.cmpi eq, %arg0, %eq3A_7 : i32
    %jit3A = arith.constant 120 : i32
    %jit3A_9 = arith.constant 48 : i32
    %select_n3A_10 = arith.select %eq3A_8, %jit3A, %jit3A_9 : i32
    "tpu.region"() ({
      %run_scoped3A = tpu.sem_alloc : memref<!tpu.dma_semaphore, #tpu.memory_space<semaphore_mem>>
      %dma_start3A_85 = arith.constant 0 : i32
      %dma_start3A_86 = tpu.memref_slice %arg15[%mul3A_0, %dma_start3A_85] : memref<10112x128xf32, #tpu.memory_space<vmem_shared>> -> memref<632x128xf32, #tpu.memory_space<vmem_shared>>
      %dma_start3A_87 = arith.constant 0 : i32
      %dma_start3A_88 = tpu.memref_slice %arg4[%mul3A_0, %dma_start3A_87] : memref<10112x128xf32, #tpu.memory_space<hbm>> -> memref<632x128xf32, #tpu.memory_space<hbm>>
      tpu.enqueue_dma source(%dma_start3A_88 : memref<632x128xf32, #tpu.memory_space<hbm>>) target(%dma_start3A_86 : memref<632x128xf32, #tpu.memory_space<vmem_shared>>) target_semaphore(%run_scoped3A : memref<!tpu.dma_semaphore, #tpu.memory_space<semaphore_mem>>)
      %dma_wait3A_89 = arith.constant 0 : i32
      %dma_wait3A_90 = tpu.memref_slice %arg15[%mul3A_0, %dma_wait3A_89] : memref<10112x128xf32, #tpu.memory_space<vmem_shared>> -> memref<632x128xf32, #tpu.memory_space<vmem_shared>>
      %dma_wait3A_91 = arith.constant 0 : i32
      %dma_wait3A_92 = tpu.memref_slice %arg4[%mul3A_0, %dma_wait3A_91] : memref<10112x128xf32, #tpu.memory_space<hbm>> -> memref<632x128xf32, #tpu.memory_space<hbm>>
      tpu.wait_dma2 semaphore(%run_scoped3A : memref<!tpu.dma_semaphore, #tpu.memory_space<semaphore_mem>>) src(%dma_wait3A_92 : memref<632x128xf32, #tpu.memory_space<hbm>>) dst(%dma_wait3A_90 : memref<632x128xf32, #tpu.memory_space<vmem_shared>>)
      tpu.yield
    }) : () -> ()
    "tpu.region"() ({
      %run_scoped3A = tpu.sem_alloc : memref<!tpu.dma_semaphore, #tpu.memory_space<semaphore_mem>>
      %dma_start3A_85 = arith.constant 0 : i32
      %dma_start3A_86 = arith.constant 0 : i32
      %dma_start3A_87 = tpu.memref_slice %arg3[%select_n3A, %dma_start3A_85, %dma_start3A_86] : memref<2688x2x120xi32, #tpu.memory_space<hbm>> -> memref<1x2x120xi32, #tpu.memory_space<hbm>>
      %dma_start3A_88 = tpu.memref_squeeze %dma_start3A_87 : memref<1x2x120xi32, #tpu.memory_space<hbm>> -> memref<2x120xi32, #tpu.memory_space<hbm>>
      %dma_start3A_89 = arith.constant 0 : i32
      %dma_start3A_90 = arith.constant 0 : i32
      %dma_start3A_91 = tpu.memref_slice %arg3[%select_n3A, %dma_start3A_89, %dma_start3A_90] : memref<2688x2x120xi32, #tpu.memory_space<hbm>> -> memref<1x2x120xi32, #tpu.memory_space<hbm>>
      %dma_start3A_92 = tpu.memref_squeeze %dma_start3A_91 : memref<1x2x120xi32, #tpu.memory_space<hbm>> -> memref<2x120xi32, #tpu.memory_space<hbm>>
      tpu.enqueue_dma source(%dma_start3A_92 : memref<2x120xi32, #tpu.memory_space<hbm>>) target(%arg6 : memref<2x120xi32, #tpu.memory_space<vmem>>) target_semaphore(%run_scoped3A : memref<!tpu.dma_semaphore, #tpu.memory_space<semaphore_mem>>)
      %dma_wait3A_93 = arith.constant 0 : i32
      %dma_wait3A_94 = arith.constant 0 : i32
      %dma_wait3A_95 = tpu.memref_slice %arg3[%select_n3A, %dma_wait3A_93, %dma_wait3A_94] : memref<2688x2x120xi32, #tpu.memory_space<hbm>> -> memref<1x2x120xi32, #tpu.memory_space<hbm>>
      %dma_wait3A_96 = tpu.memref_squeeze %dma_wait3A_95 : memref<1x2x120xi32, #tpu.memory_space<hbm>> -> memref<2x120xi32, #tpu.memory_space<hbm>>
      %dma_wait3A_97 = arith.constant 0 : i32
      %dma_wait3A_98 = arith.constant 0 : i32
      %dma_wait3A_99 = tpu.memref_slice %arg3[%select_n3A, %dma_wait3A_97, %dma_wait3A_98] : memref<2688x2x120xi32, #tpu.memory_space<hbm>> -> memref<1x2x120xi32, #tpu.memory_space<hbm>>
      %dma_wait3A_100 = tpu.memref_squeeze %dma_wait3A_99 : memref<1x2x120xi32, #tpu.memory_space<hbm>> -> memref<2x120xi32, #tpu.memory_space<hbm>>
      tpu.wait_dma2 semaphore(%run_scoped3A : memref<!tpu.dma_semaphore, #tpu.memory_space<semaphore_mem>>) src(%dma_wait3A_100 : memref<2x120xi32, #tpu.memory_space<hbm>>) dst(%arg6 : memref<2x120xi32, #tpu.memory_space<vmem>>)
      tpu.yield
    }) : () -> ()
    %barrier3A = arith.constant 0 : index
    tpu.barrier barrier_id(%barrier3A)
    %add3A_11 = arith.constant 1 : i32
    %add3A_12 = arith.addi %select_n3A, %add3A_11 : i32
    %dma_start3A = arith.constant 0 : i32
    %dma_start3A_13 = arith.constant 0 : i32
    %dma_start3A_14 = tpu.memref_slice %arg3[%add3A_12, %dma_start3A, %dma_start3A_13] : memref<2688x2x120xi32, #tpu.memory_space<hbm>> -> memref<1x2x120xi32, #tpu.memory_space<hbm>>
    %dma_start3A_15 = tpu.memref_squeeze %dma_start3A_14 : memref<1x2x120xi32, #tpu.memory_space<hbm>> -> memref<2x120xi32, #tpu.memory_space<hbm>>
    %dma_start3A_16 = arith.constant 0 : i32
    %dma_start3A_17 = arith.constant 0 : i32
    %dma_start3A_18 = tpu.memref_slice %arg3[%add3A_12, %dma_start3A_16, %dma_start3A_17] : memref<2688x2x120xi32, #tpu.memory_space<hbm>> -> memref<1x2x120xi32, #tpu.memory_space<hbm>>
    %dma_start3A_19 = tpu.memref_squeeze %dma_start3A_18 : memref<1x2x120xi32, #tpu.memory_space<hbm>> -> memref<2x120xi32, #tpu.memory_space<hbm>>
    tpu.enqueue_dma source(%dma_start3A_19 : memref<2x120xi32, #tpu.memory_space<hbm>>) target(%arg7 : memref<2x120xi32, #tpu.memory_space<vmem>>) target_semaphore(%arg17 : memref<!tpu.dma_semaphore, #tpu.memory_space<semaphore_mem>>)
    %add3A_20 = arith.constant 2 : i32
    %add3A_21 = arith.addi %select_n3A, %add3A_20 : i32
    %dma_start3A_22 = arith.constant 0 : i32
    %dma_start3A_23 = arith.constant 0 : i32
    %dma_start3A_24 = tpu.memref_slice %arg3[%add3A_21, %dma_start3A_22, %dma_start3A_23] : memref<2688x2x120xi32, #tpu.memory_space<hbm>> -> memref<1x2x120xi32, #tpu.memory_space<hbm>>
    %dma_start3A_25 = tpu.memref_squeeze %dma_start3A_24 : memref<1x2x120xi32, #tpu.memory_space<hbm>> -> memref<2x120xi32, #tpu.memory_space<hbm>>
    %dma_start3A_26 = arith.constant 0 : i32
    %dma_start3A_27 = arith.constant 0 : i32
    %dma_start3A_28 = tpu.memref_slice %arg3[%add3A_21, %dma_start3A_26, %dma_start3A_27] : memref<2688x2x120xi32, #tpu.memory_space<hbm>> -> memref<1x2x120xi32, #tpu.memory_space<hbm>>
    %dma_start3A_29 = tpu.memref_squeeze %dma_start3A_28 : memref<1x2x120xi32, #tpu.memory_space<hbm>> -> memref<2x120xi32, #tpu.memory_space<hbm>>
    tpu.enqueue_dma source(%dma_start3A_29 : memref<2x120xi32, #tpu.memory_space<hbm>>) target(%arg8 : memref<2x120xi32, #tpu.memory_space<vmem>>) target_semaphore(%arg18 : memref<!tpu.dma_semaphore, #tpu.memory_space<semaphore_mem>>)
    %add3A_30 = arith.constant 3 : i32
    %add3A_31 = arith.addi %select_n3A, %add3A_30 : i32
    %dma_start3A_32 = arith.constant 0 : i32
    %dma_start3A_33 = arith.constant 0 : i32
    %dma_start3A_34 = tpu.memref_slice %arg3[%add3A_31, %dma_start3A_32, %dma_start3A_33] : memref<2688x2x120xi32, #tpu.memory_space<hbm>> -> memref<1x2x120xi32, #tpu.memory_space<hbm>>
    %dma_start3A_35 = tpu.memref_squeeze %dma_start3A_34 : memref<1x2x120xi32, #tpu.memory_space<hbm>> -> memref<2x120xi32, #tpu.memory_space<hbm>>
    %dma_start3A_36 = arith.constant 0 : i32
    %dma_start3A_37 = arith.constant 0 : i32
    %dma_start3A_38 = tpu.memref_slice %arg3[%add3A_31, %dma_start3A_36, %dma_start3A_37] : memref<2688x2x120xi32, #tpu.memory_space<hbm>> -> memref<1x2x120xi32, #tpu.memory_space<hbm>>
    %dma_start3A_39 = tpu.memref_squeeze %dma_start3A_38 : memref<1x2x120xi32, #tpu.memory_space<hbm>> -> memref<2x120xi32, #tpu.memory_space<hbm>>
    tpu.enqueue_dma source(%dma_start3A_39 : memref<2x120xi32, #tpu.memory_space<hbm>>) target(%arg9 : memref<2x120xi32, #tpu.memory_space<vmem>>) target_semaphore(%arg19 : memref<!tpu.dma_semaphore, #tpu.memory_space<semaphore_mem>>)
    %add3A_40 = arith.constant 4 : i32
    %add3A_41 = arith.addi %select_n3A, %add3A_40 : i32
    %dma_start3A_42 = arith.constant 0 : i32
    %dma_start3A_43 = arith.constant 0 : i32
    %dma_start3A_44 = tpu.memref_slice %arg3[%add3A_41, %dma_start3A_42, %dma_start3A_43] : memref<2688x2x120xi32, #tpu.memory_space<hbm>> -> memref<1x2x120xi32, #tpu.memory_space<hbm>>
    %dma_start3A_45 = tpu.memref_squeeze %dma_start3A_44 : memref<1x2x120xi32, #tpu.memory_space<hbm>> -> memref<2x120xi32, #tpu.memory_space<hbm>>
    %dma_start3A_46 = arith.constant 0 : i32
    %dma_start3A_47 = arith.constant 0 : i32
    %dma_start3A_48 = tpu.memref_slice %arg3[%add3A_41, %dma_start3A_46, %dma_start3A_47] : memref<2688x2x120xi32, #tpu.memory_space<hbm>> -> memref<1x2x120xi32, #tpu.memory_space<hbm>>
    %dma_start3A_49 = tpu.memref_squeeze %dma_start3A_48 : memref<1x2x120xi32, #tpu.memory_space<hbm>> -> memref<2x120xi32, #tpu.memory_space<hbm>>
    tpu.enqueue_dma source(%dma_start3A_49 : memref<2x120xi32, #tpu.memory_space<hbm>>) target(%arg10 : memref<2x120xi32, #tpu.memory_space<vmem>>) target_semaphore(%arg20 : memref<!tpu.dma_semaphore, #tpu.memory_space<semaphore_mem>>)
    %dma_start3A_50 = arith.constant 0 : i32
    %dma_start3A_51 = arith.constant 0 : i32
    %dma_start3A_52 = tpu.memref_slice %arg6[%dma_start3A_50, %dma_start3A_51] : memref<2x120xi32, #tpu.memory_space<vmem>> -> memref<1x120xi32, #tpu.memory_space<vmem>>
    %dma_start3A_53 = tpu.memref_squeeze %dma_start3A_52 : memref<1x120xi32, #tpu.memory_space<vmem>> -> memref<120xi32, #tpu.memory_space<vmem>>
    %dma_start3A_54 = arith.constant 0 : i32
    %dma_start3A_55 = arith.constant 0 : i32
    %dma_start3A_56 = tpu.memref_slice %arg2[%dma_start3A_54, %dma_start3A_55] : memref<10000x128xf32, #tpu.memory_space<hbm>> -> memref<10000x128xf32, #tpu.memory_space<hbm>>
    tpu.enqueue_indirect_dma source(%dma_start3A_56 : memref<10000x128xf32, #tpu.memory_space<hbm>>) target(%arg12 : memref<120x128xf32, #tpu.memory_space<vmem>>) offsets(%dma_start3A_53 : memref<120xi32, #tpu.memory_space<vmem>>) semaphore(%arg22 : memref<!tpu.dma_semaphore, #tpu.memory_space<semaphore_mem>>)
    %add3A_57 = arith.constant 1 : i32
    %add3A_58 = arith.addi %select_n3A, %add3A_57 : i32
    %dma_wait3A = arith.constant 0 : i32
    %dma_wait3A_59 = arith.constant 0 : i32
    %dma_wait3A_60 = tpu.memref_slice %arg3[%add3A_58, %dma_wait3A, %dma_wait3A_59] : memref<2688x2x120xi32, #tpu.memory_space<hbm>> -> memref<1x2x120xi32, #tpu.memory_space<hbm>>
    %dma_wait3A_61 = tpu.memref_squeeze %dma_wait3A_60 : memref<1x2x120xi32, #tpu.memory_space<hbm>> -> memref<2x120xi32, #tpu.memory_space<hbm>>
    %dma_wait3A_62 = arith.constant 0 : i32
    %dma_wait3A_63 = arith.constant 0 : i32
    %dma_wait3A_64 = tpu.memref_slice %arg3[%add3A_58, %dma_wait3A_62, %dma_wait3A_63] : memref<2688x2x120xi32, #tpu.memory_space<hbm>> -> memref<1x2x120xi32, #tpu.memory_space<hbm>>
    %dma_wait3A_65 = tpu.memref_squeeze %dma_wait3A_64 : memref<1x2x120xi32, #tpu.memory_space<hbm>> -> memref<2x120xi32, #tpu.memory_space<hbm>>
    tpu.wait_dma2 semaphore(%arg17 : memref<!tpu.dma_semaphore, #tpu.memory_space<semaphore_mem>>) src(%dma_wait3A_65 : memref<2x120xi32, #tpu.memory_space<hbm>>) dst(%arg7 : memref<2x120xi32, #tpu.memory_space<vmem>>)
    %dma_start3A_66 = arith.constant 0 : i32
    %dma_start3A_67 = arith.constant 0 : i32
    %dma_start3A_68 = tpu.memref_slice %arg7[%dma_start3A_66, %dma_start3A_67] : memref<2x120xi32, #tpu.memory_space<vmem>> -> memref<1x120xi32, #tpu.memory_space<vmem>>
    %dma_start3A_69 = tpu.memref_squeeze %dma_start3A_68 : memref<1x120xi32, #tpu.memory_space<vmem>> -> memref<120xi32, #tpu.memory_space<vmem>>
    %dma_start3A_70 = arith.constant 0 : i32
    %dma_start3A_71 = arith.constant 0 : i32
    %dma_start3A_72 = tpu.memref_slice %arg2[%dma_start3A_70, %dma_start3A_71] : memref<10000x128xf32, #tpu.memory_space<hbm>> -> memref<10000x128xf32, #tpu.memory_space<hbm>>
    tpu.enqueue_indirect_dma source(%dma_start3A_72 : memref<10000x128xf32, #tpu.memory_space<hbm>>) target(%arg13 : memref<120x128xf32, #tpu.memory_space<vmem>>) offsets(%dma_start3A_69 : memref<120xi32, #tpu.memory_space<vmem>>) semaphore(%arg23 : memref<!tpu.dma_semaphore, #tpu.memory_space<semaphore_mem>>)
    %scan3A = arith.constant 0 : i32
    %scan3A_73 = arith.constant 20 : i32
    %scan3A_74 = arith.addi %scan3A, %scan3A_73 : i32
    %scan3A_75 = arith.constant 1 : i32
    scf.for %scan3A_85 = %scan3A to %scan3A_74 step %scan3A_75  : i32 {
      %mul3A_86 = arith.constant 6 : i32
      %mul3A_87 = arith.muli %scan3A_85, %mul3A_86 : i32
      %add3A_88 = arith.constant 0 : i32
      %add3A_89 = arith.addi %add3A_88, %mul3A_87 : i32
      %add3A_90 = arith.constant 0 : i32
      %add3A_91 = arith.addi %add3A_89, %add3A_90 : i32
      %lt3A = arith.cmpi slt, %add3A_91, %select_n3A_10 : i32
      %add3A_92 = arith.constant 0 : i32
      %add3A_93 = arith.addi %add3A_89, %add3A_92 : i32
      %convert_element_type3A = arith.extui %lt3A : i1 to i32
      %cond3A = arith.constant 0 : i32
      %cond3A_94 = arith.cmpi ne, %convert_element_type3A, %cond3A : i32
      scf.if %cond3A_94 {
        %dma_wait3A_135 = arith.constant 0 : i32
        %dma_wait3A_136 = arith.constant 0 : i32
        %dma_wait3A_137 = tpu.memref_slice %arg6[%dma_wait3A_135, %dma_wait3A_136] : memref<2x120xi32, #tpu.memory_space<vmem>> -> memref<1x120xi32, #tpu.memory_space<vmem>>
        %dma_wait3A_138 = tpu.memref_squeeze %dma_wait3A_137 : memref<1x120xi32, #tpu.memory_space<vmem>> -> memref<120xi32, #tpu.memory_space<vmem>>
        %dma_wait3A_139 = arith.constant 0 : i32
        %dma_wait3A_140 = arith.constant 0 : i32
        %dma_wait3A_141 = tpu.memref_slice %arg2[%dma_wait3A_139, %dma_wait3A_140] : memref<10000x128xf32, #tpu.memory_space<hbm>> -> memref<10000x128xf32, #tpu.memory_space<hbm>>
        tpu.wait_indirect_dma semaphore(%arg22 : memref<!tpu.dma_semaphore, #tpu.memory_space<semaphore_mem>>) src(%dma_wait3A_141 : memref<10000x128xf32, #tpu.memory_space<hbm>>) dst(%arg12 : memref<120x128xf32, #tpu.memory_space<vmem>>)
        %dma_start3A_142 = arith.constant 1 : i32
        %dma_start3A_143 = arith.constant 0 : i32
        %dma_start3A_144 = tpu.memref_slice %arg6[%dma_start3A_142, %dma_start3A_143] : memref<2x120xi32, #tpu.memory_space<vmem>> -> memref<1x120xi32, #tpu.memory_space<vmem>>
        %dma_start3A_145 = tpu.memref_squeeze %dma_start3A_144 : memref<1x120xi32, #tpu.memory_space<vmem>> -> memref<120xi32, #tpu.memory_space<vmem>>
        %dma_start3A_146 = arith.constant 0 : i32
        %dma_start3A_147 = arith.constant 0 : i32
        %dma_start3A_148 = tpu.memref_slice %arg15[%dma_start3A_146, %dma_start3A_147] : memref<10112x128xf32, #tpu.memory_space<vmem_shared>> -> memref<10112x128xf32, #tpu.memory_space<vmem_shared>>
        tpu.enqueue_indirect_dma source(%arg12 : memref<120x128xf32, #tpu.memory_space<vmem>>) target(%dma_start3A_148 : memref<10112x128xf32, #tpu.memory_space<vmem_shared>>) offsets(%dma_start3A_145 : memref<120xi32, #tpu.memory_space<vmem>>) semaphore(%arg25 : memref<!tpu.dma_semaphore, #tpu.memory_space<semaphore_mem>>) {add = true}
        %ge3A = arith.constant 1 : i32
        %ge3A_149 = arith.cmpi sge, %add3A_93, %ge3A : i32
        %convert_element_type3A_150 = arith.extui %ge3A_149 : i1 to i32
        %cond3A_151 = arith.constant 0 : i32
        %cond3A_152 = arith.cmpi ne, %convert_element_type3A_150, %cond3A_151 : i32
        scf.if %cond3A_152 {
          %dma_wait3A_165 = arith.constant 1 : i32
          %dma_wait3A_166 = arith.constant 0 : i32
          %dma_wait3A_167 = tpu.memref_slice %arg11[%dma_wait3A_165, %dma_wait3A_166] : memref<2x120xi32, #tpu.memory_space<vmem>> -> memref<1x120xi32, #tpu.memory_space<vmem>>
          %dma_wait3A_168 = tpu.memref_squeeze %dma_wait3A_167 : memref<1x120xi32, #tpu.memory_space<vmem>> -> memref<120xi32, #tpu.memory_space<vmem>>
          %dma_wait3A_169 = arith.constant 0 : i32
          %dma_wait3A_170 = arith.constant 0 : i32
          %dma_wait3A_171 = tpu.memref_slice %arg15[%dma_wait3A_169, %dma_wait3A_170] : memref<10112x128xf32, #tpu.memory_space<vmem_shared>> -> memref<10112x128xf32, #tpu.memory_space<vmem_shared>>
          tpu.wait_indirect_dma semaphore(%arg27 : memref<!tpu.dma_semaphore, #tpu.memory_space<semaphore_mem>>) src(%arg14 : memref<120x128xf32, #tpu.memory_space<vmem>>) dst(%dma_wait3A_171 : memref<10112x128xf32, #tpu.memory_space<vmem_shared>>)
        } else {
        }
        %add3A_153 = arith.constant 2 : i32
        %add3A_154 = arith.addi %add3A_93, %add3A_153 : i32
        %lt3A_155 = arith.cmpi slt, %add3A_154, %select_n3A_10 : i32
        %convert_element_type3A_156 = arith.extui %lt3A_155 : i1 to i32
        %cond3A_157 = arith.constant 0 : i32
        %cond3A_158 = arith.cmpi ne, %convert_element_type3A_156, %cond3A_157 : i32
        scf.if %cond3A_158 {
          %add3A_165 = arith.addi %select_n3A, %add3A_93 : i32
          %add3A_166 = arith.constant 2 : i32
          %add3A_167 = arith.addi %add3A_165, %add3A_166 : i32
          %dma_wait3A_168 = arith.constant 0 : i32
          %dma_wait3A_169 = arith.constant 0 : i32
          %dma_wait3A_170 = tpu.memref_slice %arg3[%add3A_167, %dma_wait3A_168, %dma_wait3A_169] : memref<2688x2x120xi32, #tpu.memory_space<hbm>> -> memref<1x2x120xi32, #tpu.memory_space<hbm>>
          %dma_wait3A_171 = tpu.memref_squeeze %dma_wait3A_170 : memref<1x2x120xi32, #tpu.memory_space<hbm>> -> memref<2x120xi32, #tpu.memory_space<hbm>>
          %dma_wait3A_172 = arith.constant 0 : i32
          %dma_wait3A_173 = arith.constant 0 : i32
          %dma_wait3A_174 = tpu.memref_slice %arg3[%add3A_167, %dma_wait3A_172, %dma_wait3A_173] : memref<2688x2x120xi32, #tpu.memory_space<hbm>> -> memref<1x2x120xi32, #tpu.memory_space<hbm>>
          %dma_wait3A_175 = tpu.memref_squeeze %dma_wait3A_174 : memref<1x2x120xi32, #tpu.memory_space<hbm>> -> memref<2x120xi32, #tpu.memory_space<hbm>>
          tpu.wait_dma2 semaphore(%arg18 : memref<!tpu.dma_semaphore, #tpu.memory_space<semaphore_mem>>) src(%dma_wait3A_175 : memref<2x120xi32, #tpu.memory_space<hbm>>) dst(%arg8 : memref<2x120xi32, #tpu.memory_space<vmem>>)
          %dma_start3A_176 = arith.constant 0 : i32
          %dma_start3A_177 = arith.constant 0 : i32
          %dma_start3A_178 = tpu.memref_slice %arg8[%dma_start3A_176, %dma_start3A_177] : memref<2x120xi32, #tpu.memory_space<vmem>> -> memref<1x120xi32, #tpu.memory_space<vmem>>
          %dma_start3A_179 = tpu.memref_squeeze %dma_start3A_178 : memref<1x120xi32, #tpu.memory_space<vmem>> -> memref<120xi32, #tpu.memory_space<vmem>>
          %dma_start3A_180 = arith.constant 0 : i32
          %dma_start3A_181 = arith.constant 0 : i32
          %dma_start3A_182 = tpu.memref_slice %arg2[%dma_start3A_180, %dma_start3A_181] : memref<10000x128xf32, #tpu.memory_space<hbm>> -> memref<10000x128xf32, #tpu.memory_space<hbm>>
          tpu.enqueue_indirect_dma source(%dma_start3A_182 : memref<10000x128xf32, #tpu.memory_space<hbm>>) target(%arg14 : memref<120x128xf32, #tpu.memory_space<vmem>>) offsets(%dma_start3A_179 : memref<120xi32, #tpu.memory_space<vmem>>) semaphore(%arg24 : memref<!tpu.dma_semaphore, #tpu.memory_space<semaphore_mem>>)
        } else {
        }
        %add3A_159 = arith.constant 5 : i32
        %add3A_160 = arith.addi %add3A_93, %add3A_159 : i32
        %lt3A_161 = arith.cmpi slt, %add3A_160, %select_n3A_10 : i32
        %convert_element_type3A_162 = arith.extui %lt3A_161 : i1 to i32
        %cond3A_163 = arith.constant 0 : i32
        %cond3A_164 = arith.cmpi ne, %convert_element_type3A_162, %cond3A_163 : i32
        scf.if %cond3A_164 {
          %add3A_165 = arith.addi %select_n3A, %add3A_93 : i32
          %add3A_166 = arith.constant 5 : i32
          %add3A_167 = arith.addi %add3A_165, %add3A_166 : i32
          %dma_start3A_168 = arith.constant 0 : i32
          %dma_start3A_169 = arith.constant 0 : i32
          %dma_start3A_170 = tpu.memref_slice %arg3[%add3A_167, %dma_start3A_168, %dma_start3A_169] : memref<2688x2x120xi32, #tpu.memory_space<hbm>> -> memref<1x2x120xi32, #tpu.memory_space<hbm>>
          %dma_start3A_171 = tpu.memref_squeeze %dma_start3A_170 : memref<1x2x120xi32, #tpu.memory_space<hbm>> -> memref<2x120xi32, #tpu.memory_space<hbm>>
          %dma_start3A_172 = arith.constant 0 : i32
          %dma_start3A_173 = arith.constant 0 : i32
          %dma_start3A_174 = tpu.memref_slice %arg3[%add3A_167, %dma_start3A_172, %dma_start3A_173] : memref<2688x2x120xi32, #tpu.memory_space<hbm>> -> memref<1x2x120xi32, #tpu.memory_space<hbm>>
          %dma_start3A_175 = tpu.memref_squeeze %dma_start3A_174 : memref<1x2x120xi32, #tpu.memory_space<hbm>> -> memref<2x120xi32, #tpu.memory_space<hbm>>
          tpu.enqueue_dma source(%dma_start3A_175 : memref<2x120xi32, #tpu.memory_space<hbm>>) target(%arg11 : memref<2x120xi32, #tpu.memory_space<vmem>>) target_semaphore(%arg21 : memref<!tpu.dma_semaphore, #tpu.memory_space<semaphore_mem>>)
        } else {
        }
      } else {
      }
      %add3A_95 = arith.constant 1 : i32
      %add3A_96 = arith.addi %add3A_89, %add3A_95 : i32
      %lt3A_97 = arith.cmpi slt, %add3A_96, %select_n3A_10 : i32
      %add3A_98 = arith.constant 1 : i32
      %add3A_99 = arith.addi %add3A_89, %add3A_98 : i32
      %convert_element_type3A_100 = arith.extui %lt3A_97 : i1 to i32
      %cond3A_101 = arith.constant 0 : i32
      %cond3A_102 = arith.cmpi ne, %convert_element_type3A_100, %cond3A_101 : i32
      scf.if %cond3A_102 {
        %dma_wait3A_135 = arith.constant 0 : i32
        %dma_wait3A_136 = arith.constant 0 : i32
        %dma_wait3A_137 = tpu.memref_slice %arg7[%dma_wait3A_135, %dma_wait3A_136] : memref<2x120xi32, #tpu.memory_space<vmem>> -> memref<1x120xi32, #tpu.memory_space<vmem>>
        %dma_wait3A_138 = tpu.memref_squeeze %dma_wait3A_137 : memref<1x120xi32, #tpu.memory_space<vmem>> -> memref<120xi32, #tpu.memory_space<vmem>>
        %dma_wait3A_139 = arith.constant 0 : i32
        %dma_wait3A_140 = arith.constant 0 : i32
        %dma_wait3A_141 = tpu.memref_slice %arg2[%dma_wait3A_139, %dma_wait3A_140] : memref<10000x128xf32, #tpu.memory_space<hbm>> -> memref<10000x128xf32, #tpu.memory_space<hbm>>
        tpu.wait_indirect_dma semaphore(%arg23 : memref<!tpu.dma_semaphore, #tpu.memory_space<semaphore_mem>>) src(%dma_wait3A_141 : memref<10000x128xf32, #tpu.memory_space<hbm>>) dst(%arg13 : memref<120x128xf32, #tpu.memory_space<vmem>>)
        %dma_start3A_142 = arith.constant 1 : i32
        %dma_start3A_143 = arith.constant 0 : i32
        %dma_start3A_144 = tpu.memref_slice %arg7[%dma_start3A_142, %dma_start3A_143] : memref<2x120xi32, #tpu.memory_space<vmem>> -> memref<1x120xi32, #tpu.memory_space<vmem>>
        %dma_start3A_145 = tpu.memref_squeeze %dma_start3A_144 : memref<1x120xi32, #tpu.memory_space<vmem>> -> memref<120xi32, #tpu.memory_space<vmem>>
        %dma_start3A_146 = arith.constant 0 : i32
        %dma_start3A_147 = arith.constant 0 : i32
        %dma_start3A_148 = tpu.memref_slice %arg15[%dma_start3A_146, %dma_start3A_147] : memref<10112x128xf32, #tpu.memory_space<vmem_shared>> -> memref<10112x128xf32, #tpu.memory_space<vmem_shared>>
        tpu.enqueue_indirect_dma source(%arg13 : memref<120x128xf32, #tpu.memory_space<vmem>>) target(%dma_start3A_148 : memref<10112x128xf32, #tpu.memory_space<vmem_shared>>) offsets(%dma_start3A_145 : memref<120xi32, #tpu.memory_space<vmem>>) semaphore(%arg26 : memref<!tpu.dma_semaphore, #tpu.memory_space<semaphore_mem>>) {add = true}
        %ge3A = arith.constant 1 : i32
        %ge3A_149 = arith.cmpi sge, %add3A_99, %ge3A : i32
        %convert_element_type3A_150 = arith.extui %ge3A_149 : i1 to i32
        %cond3A_151 = arith.constant 0 : i32
        %cond3A_152 = arith.cmpi ne, %convert_element_type3A_150, %cond3A_151 : i32
        scf.if %cond3A_152 {
          %dma_wait3A_165 = arith.constant 1 : i32
          %dma_wait3A_166 = arith.constant 0 : i32
          %dma_wait3A_167 = tpu.memref_slice %arg6[%dma_wait3A_165, %dma_wait3A_166] : memref<2x120xi32, #tpu.memory_space<vmem>> -> memref<1x120xi32, #tpu.memory_space<vmem>>
          %dma_wait3A_168 = tpu.memref_squeeze %dma_wait3A_167 : memref<1x120xi32, #tpu.memory_space<vmem>> -> memref<120xi32, #tpu.memory_space<vmem>>
          %dma_wait3A_169 = arith.constant 0 : i32
          %dma_wait3A_170 = arith.constant 0 : i32
          %dma_wait3A_171 = tpu.memref_slice %arg15[%dma_wait3A_169, %dma_wait3A_170] : memref<10112x128xf32, #tpu.memory_space<vmem_shared>> -> memref<10112x128xf32, #tpu.memory_space<vmem_shared>>
          tpu.wait_indirect_dma semaphore(%arg25 : memref<!tpu.dma_semaphore, #tpu.memory_space<semaphore_mem>>) src(%arg12 : memref<120x128xf32, #tpu.memory_space<vmem>>) dst(%dma_wait3A_171 : memref<10112x128xf32, #tpu.memory_space<vmem_shared>>)
        } else {
        }
        %add3A_153 = arith.constant 2 : i32
        %add3A_154 = arith.addi %add3A_99, %add3A_153 : i32
        %lt3A_155 = arith.cmpi slt, %add3A_154, %select_n3A_10 : i32
        %convert_element_type3A_156 = arith.extui %lt3A_155 : i1 to i32
        %cond3A_157 = arith.constant 0 : i32
        %cond3A_158 = arith.cmpi ne, %convert_element_type3A_156, %cond3A_157 : i32
        scf.if %cond3A_158 {
          %add3A_165 = arith.addi %select_n3A, %add3A_99 : i32
          %add3A_166 = arith.constant 2 : i32
          %add3A_167 = arith.addi %add3A_165, %add3A_166 : i32
          %dma_wait3A_168 = arith.constant 0 : i32
          %dma_wait3A_169 = arith.constant 0 : i32
          %dma_wait3A_170 = tpu.memref_slice %arg3[%add3A_167, %dma_wait3A_168, %dma_wait3A_169] : memref<2688x2x120xi32, #tpu.memory_space<hbm>> -> memref<1x2x120xi32, #tpu.memory_space<hbm>>
          %dma_wait3A_171 = tpu.memref_squeeze %dma_wait3A_170 : memref<1x2x120xi32, #tpu.memory_space<hbm>> -> memref<2x120xi32, #tpu.memory_space<hbm>>
          %dma_wait3A_172 = arith.constant 0 : i32
          %dma_wait3A_173 = arith.constant 0 : i32
          %dma_wait3A_174 = tpu.memref_slice %arg3[%add3A_167, %dma_wait3A_172, %dma_wait3A_173] : memref<2688x2x120xi32, #tpu.memory_space<hbm>> -> memref<1x2x120xi32, #tpu.memory_space<hbm>>
          %dma_wait3A_175 = tpu.memref_squeeze %dma_wait3A_174 : memref<1x2x120xi32, #tpu.memory_space<hbm>> -> memref<2x120xi32, #tpu.memory_space<hbm>>
          tpu.wait_dma2 semaphore(%arg19 : memref<!tpu.dma_semaphore, #tpu.memory_space<semaphore_mem>>) src(%dma_wait3A_175 : memref<2x120xi32, #tpu.memory_space<hbm>>) dst(%arg9 : memref<2x120xi32, #tpu.memory_space<vmem>>)
          %dma_start3A_176 = arith.constant 0 : i32
          %dma_start3A_177 = arith.constant 0 : i32
          %dma_start3A_178 = tpu.memref_slice %arg9[%dma_start3A_176, %dma_start3A_177] : memref<2x120xi32, #tpu.memory_space<vmem>> -> memref<1x120xi32, #tpu.memory_space<vmem>>
          %dma_start3A_179 = tpu.memref_squeeze %dma_start3A_178 : memref<1x120xi32, #tpu.memory_space<vmem>> -> memref<120xi32, #tpu.memory_space<vmem>>
          %dma_start3A_180 = arith.constant 0 : i32
          %dma_start3A_181 = arith.constant 0 : i32
          %dma_start3A_182 = tpu.memref_slice %arg2[%dma_start3A_180, %dma_start3A_181] : memref<10000x128xf32, #tpu.memory_space<hbm>> -> memref<10000x128xf32, #tpu.memory_space<hbm>>
          tpu.enqueue_indirect_dma source(%dma_start3A_182 : memref<10000x128xf32, #tpu.memory_space<hbm>>) target(%arg12 : memref<120x128xf32, #tpu.memory_space<vmem>>) offsets(%dma_start3A_179 : memref<120xi32, #tpu.memory_space<vmem>>) semaphore(%arg22 : memref<!tpu.dma_semaphore, #tpu.memory_space<semaphore_mem>>)
        } else {
        }
        %add3A_159 = arith.constant 5 : i32
        %add3A_160 = arith.addi %add3A_99, %add3A_159 : i32
        %lt3A_161 = arith.cmpi slt, %add3A_160, %select_n3A_10 : i32
        %convert_element_type3A_162 = arith.extui %lt3A_161 : i1 to i32
        %cond3A_163 = arith.constant 0 : i32
        %cond3A_164 = arith.cmpi ne, %convert_element_type3A_162, %cond3A_163 : i32
        scf.if %cond3A_164 {
          %add3A_165 = arith.addi %select_n3A, %add3A_99 : i32
          %add3A_166 = arith.constant 5 : i32
          %add3A_167 = arith.addi %add3A_165, %add3A_166 : i32
          %dma_start3A_168 = arith.constant 0 : i32
          %dma_start3A_169 = arith.constant 0 : i32
          %dma_start3A_170 = tpu.memref_slice %arg3[%add3A_167, %dma_start3A_168, %dma_start3A_169] : memref<2688x2x120xi32, #tpu.memory_space<hbm>> -> memref<1x2x120xi32, #tpu.memory_space<hbm>>
          %dma_start3A_171 = tpu.memref_squeeze %dma_start3A_170 : memref<1x2x120xi32, #tpu.memory_space<hbm>> -> memref<2x120xi32, #tpu.memory_space<hbm>>
          %dma_start3A_172 = arith.constant 0 : i32
          %dma_start3A_173 = arith.constant 0 : i32
          %dma_start3A_174 = tpu.memref_slice %arg3[%add3A_167, %dma_start3A_172, %dma_start3A_173] : memref<2688x2x120xi32, #tpu.memory_space<hbm>> -> memref<1x2x120xi32, #tpu.memory_space<hbm>>
          %dma_start3A_175 = tpu.memref_squeeze %dma_start3A_174 : memref<1x2x120xi32, #tpu.memory_space<hbm>> -> memref<2x120xi32, #tpu.memory_space<hbm>>
          tpu.enqueue_dma source(%dma_start3A_175 : memref<2x120xi32, #tpu.memory_space<hbm>>) target(%arg6 : memref<2x120xi32, #tpu.memory_space<vmem>>) target_semaphore(%arg16 : memref<!tpu.dma_semaphore, #tpu.memory_space<semaphore_mem>>)
        } else {
        }
      } else {
      }
      %add3A_103 = arith.constant 2 : i32
      %add3A_104 = arith.addi %add3A_89, %add3A_103 : i32
      %lt3A_105 = arith.cmpi slt, %add3A_104, %select_n3A_10 : i32
      %add3A_106 = arith.constant 2 : i32
      %add3A_107 = arith.addi %add3A_89, %add3A_106 : i32
      %convert_element_type3A_108 = arith.extui %lt3A_105 : i1 to i32
      %cond3A_109 = arith.constant 0 : i32
      %cond3A_110 = arith.cmpi ne, %convert_element_type3A_108, %cond3A_109 : i32
      scf.if %cond3A_110 {
        %dma_wait3A_135 = arith.constant 0 : i32
        %dma_wait3A_136 = arith.constant 0 : i32
        %dma_wait3A_137 = tpu.memref_slice %arg8[%dma_wait3A_135, %dma_wait3A_136] : memref<2x120xi32, #tpu.memory_space<vmem>> -> memref<1x120xi32, #tpu.memory_space<vmem>>
        %dma_wait3A_138 = tpu.memref_squeeze %dma_wait3A_137 : memref<1x120xi32, #tpu.memory_space<vmem>> -> memref<120xi32, #tpu.memory_space<vmem>>
        %dma_wait3A_139 = arith.constant 0 : i32
        %dma_wait3A_140 = arith.constant 0 : i32
        %dma_wait3A_141 = tpu.memref_slice %arg2[%dma_wait3A_139, %dma_wait3A_140] : memref<10000x128xf32, #tpu.memory_space<hbm>> -> memref<10000x128xf32, #tpu.memory_space<hbm>>
        tpu.wait_indirect_dma semaphore(%arg24 : memref<!tpu.dma_semaphore, #tpu.memory_space<semaphore_mem>>) src(%dma_wait3A_141 : memref<10000x128xf32, #tpu.memory_space<hbm>>) dst(%arg14 : memref<120x128xf32, #tpu.memory_space<vmem>>)
        %dma_start3A_142 = arith.constant 1 : i32
        %dma_start3A_143 = arith.constant 0 : i32
        %dma_start3A_144 = tpu.memref_slice %arg8[%dma_start3A_142, %dma_start3A_143] : memref<2x120xi32, #tpu.memory_space<vmem>> -> memref<1x120xi32, #tpu.memory_space<vmem>>
        %dma_start3A_145 = tpu.memref_squeeze %dma_start3A_144 : memref<1x120xi32, #tpu.memory_space<vmem>> -> memref<120xi32, #tpu.memory_space<vmem>>
        %dma_start3A_146 = arith.constant 0 : i32
        %dma_start3A_147 = arith.constant 0 : i32
        %dma_start3A_148 = tpu.memref_slice %arg15[%dma_start3A_146, %dma_start3A_147] : memref<10112x128xf32, #tpu.memory_space<vmem_shared>> -> memref<10112x128xf32, #tpu.memory_space<vmem_shared>>
        tpu.enqueue_indirect_dma source(%arg14 : memref<120x128xf32, #tpu.memory_space<vmem>>) target(%dma_start3A_148 : memref<10112x128xf32, #tpu.memory_space<vmem_shared>>) offsets(%dma_start3A_145 : memref<120xi32, #tpu.memory_space<vmem>>) semaphore(%arg27 : memref<!tpu.dma_semaphore, #tpu.memory_space<semaphore_mem>>) {add = true}
        %ge3A = arith.constant 1 : i32
        %ge3A_149 = arith.cmpi sge, %add3A_107, %ge3A : i32
        %convert_element_type3A_150 = arith.extui %ge3A_149 : i1 to i32
        %cond3A_151 = arith.constant 0 : i32
        %cond3A_152 = arith.cmpi ne, %convert_element_type3A_150, %cond3A_151 : i32
        scf.if %cond3A_152 {
          %dma_wait3A_165 = arith.constant 1 : i32
          %dma_wait3A_166 = arith.constant 0 : i32
          %dma_wait3A_167 = tpu.memref_slice %arg7[%dma_wait3A_165, %dma_wait3A_166] : memref<2x120xi32, #tpu.memory_space<vmem>> -> memref<1x120xi32, #tpu.memory_space<vmem>>
          %dma_wait3A_168 = tpu.memref_squeeze %dma_wait3A_167 : memref<1x120xi32, #tpu.memory_space<vmem>> -> memref<120xi32, #tpu.memory_space<vmem>>
          %dma_wait3A_169 = arith.constant 0 : i32
          %dma_wait3A_170 = arith.constant 0 : i32
          %dma_wait3A_171 = tpu.memref_slice %arg15[%dma_wait3A_169, %dma_wait3A_170] : memref<10112x128xf32, #tpu.memory_space<vmem_shared>> -> memref<10112x128xf32, #tpu.memory_space<vmem_shared>>
          tpu.wait_indirect_dma semaphore(%arg26 : memref<!tpu.dma_semaphore, #tpu.memory_space<semaphore_mem>>) src(%arg13 : memref<120x128xf32, #tpu.memory_space<vmem>>) dst(%dma_wait3A_171 : memref<10112x128xf32, #tpu.memory_space<vmem_shared>>)
        } else {
        }
        %add3A_153 = arith.constant 2 : i32
        %add3A_154 = arith.addi %add3A_107, %add3A_153 : i32
        %lt3A_155 = arith.cmpi slt, %add3A_154, %select_n3A_10 : i32
        %convert_element_type3A_156 = arith.extui %lt3A_155 : i1 to i32
        %cond3A_157 = arith.constant 0 : i32
        %cond3A_158 = arith.cmpi ne, %convert_element_type3A_156, %cond3A_157 : i32
        scf.if %cond3A_158 {
          %add3A_165 = arith.addi %select_n3A, %add3A_107 : i32
          %add3A_166 = arith.constant 2 : i32
          %add3A_167 = arith.addi %add3A_165, %add3A_166 : i32
          %dma_wait3A_168 = arith.constant 0 : i32
          %dma_wait3A_169 = arith.constant 0 : i32
          %dma_wait3A_170 = tpu.memref_slice %arg3[%add3A_167, %dma_wait3A_168, %dma_wait3A_169] : memref<2688x2x120xi32, #tpu.memory_space<hbm>> -> memref<1x2x120xi32, #tpu.memory_space<hbm>>
          %dma_wait3A_171 = tpu.memref_squeeze %dma_wait3A_170 : memref<1x2x120xi32, #tpu.memory_space<hbm>> -> memref<2x120xi32, #tpu.memory_space<hbm>>
          %dma_wait3A_172 = arith.constant 0 : i32
          %dma_wait3A_173 = arith.constant 0 : i32
          %dma_wait3A_174 = tpu.memref_slice %arg3[%add3A_167, %dma_wait3A_172, %dma_wait3A_173] : memref<2688x2x120xi32, #tpu.memory_space<hbm>> -> memref<1x2x120xi32, #tpu.memory_space<hbm>>
          %dma_wait3A_175 = tpu.memref_squeeze %dma_wait3A_174 : memref<1x2x120xi32, #tpu.memory_space<hbm>> -> memref<2x120xi32, #tpu.memory_space<hbm>>
          tpu.wait_dma2 semaphore(%arg20 : memref<!tpu.dma_semaphore, #tpu.memory_space<semaphore_mem>>) src(%dma_wait3A_175 : memref<2x120xi32, #tpu.memory_space<hbm>>) dst(%arg10 : memref<2x120xi32, #tpu.memory_space<vmem>>)
          %dma_start3A_176 = arith.constant 0 : i32
          %dma_start3A_177 = arith.constant 0 : i32
          %dma_start3A_178 = tpu.memref_slice %arg10[%dma_start3A_176, %dma_start3A_177] : memref<2x120xi32, #tpu.memory_space<vmem>> -> memref<1x120xi32, #tpu.memory_space<vmem>>
          %dma_start3A_179 = tpu.memref_squeeze %dma_start3A_178 : memref<1x120xi32, #tpu.memory_space<vmem>> -> memref<120xi32, #tpu.memory_space<vmem>>
          %dma_start3A_180 = arith.constant 0 : i32
          %dma_start3A_181 = arith.constant 0 : i32
          %dma_start3A_182 = tpu.memref_slice %arg2[%dma_start3A_180, %dma_start3A_181] : memref<10000x128xf32, #tpu.memory_space<hbm>> -> memref<10000x128xf32, #tpu.memory_space<hbm>>
          tpu.enqueue_indirect_dma source(%dma_start3A_182 : memref<10000x128xf32, #tpu.memory_space<hbm>>) target(%arg13 : memref<120x128xf32, #tpu.memory_space<vmem>>) offsets(%dma_start3A_179 : memref<120xi32, #tpu.memory_space<vmem>>) semaphore(%arg23 : memref<!tpu.dma_semaphore, #tpu.memory_space<semaphore_mem>>)
        } else {
        }
        %add3A_159 = arith.constant 5 : i32
        %add3A_160 = arith.addi %add3A_107, %add3A_159 : i32
        %lt3A_161 = arith.cmpi slt, %add3A_160, %select_n3A_10 : i32
        %convert_element_type3A_162 = arith.extui %lt3A_161 : i1 to i32
        %cond3A_163 = arith.constant 0 : i32
        %cond3A_164 = arith.cmpi ne, %convert_element_type3A_162, %cond3A_163 : i32
        scf.if %cond3A_164 {
          %add3A_165 = arith.addi %select_n3A, %add3A_107 : i32
          %add3A_166 = arith.constant 5 : i32
          %add3A_167 = arith.addi %add3A_165, %add3A_166 : i32
          %dma_start3A_168 = arith.constant 0 : i32
          %dma_start3A_169 = arith.constant 0 : i32
          %dma_start3A_170 = tpu.memref_slice %arg3[%add3A_167, %dma_start3A_168, %dma_start3A_169] : memref<2688x2x120xi32, #tpu.memory_space<hbm>> -> memref<1x2x120xi32, #tpu.memory_space<hbm>>
          %dma_start3A_171 = tpu.memref_squeeze %dma_start3A_170 : memref<1x2x120xi32, #tpu.memory_space<hbm>> -> memref<2x120xi32, #tpu.memory_space<hbm>>
          %dma_start3A_172 = arith.constant 0 : i32
          %dma_start3A_173 = arith.constant 0 : i32
          %dma_start3A_174 = tpu.memref_slice %arg3[%add3A_167, %dma_start3A_172, %dma_start3A_173] : memref<2688x2x120xi32, #tpu.memory_space<hbm>> -> memref<1x2x120xi32, #tpu.memory_space<hbm>>
          %dma_start3A_175 = tpu.memref_squeeze %dma_start3A_174 : memref<1x2x120xi32, #tpu.memory_space<hbm>> -> memref<2x120xi32, #tpu.memory_space<hbm>>
          tpu.enqueue_dma source(%dma_start3A_175 : memref<2x120xi32, #tpu.memory_space<hbm>>) target(%arg7 : memref<2x120xi32, #tpu.memory_space<vmem>>) target_semaphore(%arg17 : memref<!tpu.dma_semaphore, #tpu.memory_space<semaphore_mem>>)
        } else {
        }
      } else {
      }
      %add3A_111 = arith.constant 3 : i32
      %add3A_112 = arith.addi %add3A_89, %add3A_111 : i32
      %lt3A_113 = arith.cmpi slt, %add3A_112, %select_n3A_10 : i32
      %add3A_114 = arith.constant 3 : i32
      %add3A_115 = arith.addi %add3A_89, %add3A_114 : i32
      %convert_element_type3A_116 = arith.extui %lt3A_113 : i1 to i32
      %cond3A_117 = arith.constant 0 : i32
      %cond3A_118 = arith.cmpi ne, %convert_element_type3A_116, %cond3A_117 : i32
      scf.if %cond3A_118 {
        %dma_wait3A_135 = arith.constant 0 : i32
        %dma_wait3A_136 = arith.constant 0 : i32
        %dma_wait3A_137 = tpu.memref_slice %arg9[%dma_wait3A_135, %dma_wait3A_136] : memref<2x120xi32, #tpu.memory_space<vmem>> -> memref<1x120xi32, #tpu.memory_space<vmem>>
        %dma_wait3A_138 = tpu.memref_squeeze %dma_wait3A_137 : memref<1x120xi32, #tpu.memory_space<vmem>> -> memref<120xi32, #tpu.memory_space<vmem>>
        %dma_wait3A_139 = arith.constant 0 : i32
        %dma_wait3A_140 = arith.constant 0 : i32
        %dma_wait3A_141 = tpu.memref_slice %arg2[%dma_wait3A_139, %dma_wait3A_140] : memref<10000x128xf32, #tpu.memory_space<hbm>> -> memref<10000x128xf32, #tpu.memory_space<hbm>>
        tpu.wait_indirect_dma semaphore(%arg22 : memref<!tpu.dma_semaphore, #tpu.memory_space<semaphore_mem>>) src(%dma_wait3A_141 : memref<10000x128xf32, #tpu.memory_space<hbm>>) dst(%arg12 : memref<120x128xf32, #tpu.memory_space<vmem>>)
        %dma_start3A_142 = arith.constant 1 : i32
        %dma_start3A_143 = arith.constant 0 : i32
        %dma_start3A_144 = tpu.memref_slice %arg9[%dma_start3A_142, %dma_start3A_143] : memref<2x120xi32, #tpu.memory_space<vmem>> -> memref<1x120xi32, #tpu.memory_space<vmem>>
        %dma_start3A_145 = tpu.memref_squeeze %dma_start3A_144 : memref<1x120xi32, #tpu.memory_space<vmem>> -> memref<120xi32, #tpu.memory_space<vmem>>
        %dma_start3A_146 = arith.constant 0 : i32
        %dma_start3A_147 = arith.constant 0 : i32
        %dma_start3A_148 = tpu.memref_slice %arg15[%dma_start3A_146, %dma_start3A_147] : memref<10112x128xf32, #tpu.memory_space<vmem_shared>> -> memref<10112x128xf32, #tpu.memory_space<vmem_shared>>
        tpu.enqueue_indirect_dma source(%arg12 : memref<120x128xf32, #tpu.memory_space<vmem>>) target(%dma_start3A_148 : memref<10112x128xf32, #tpu.memory_space<vmem_shared>>) offsets(%dma_start3A_145 : memref<120xi32, #tpu.memory_space<vmem>>) semaphore(%arg25 : memref<!tpu.dma_semaphore, #tpu.memory_space<semaphore_mem>>) {add = true}
        %ge3A = arith.constant 1 : i32
        %ge3A_149 = arith.cmpi sge, %add3A_115, %ge3A : i32
        %convert_element_type3A_150 = arith.extui %ge3A_149 : i1 to i32
        %cond3A_151 = arith.constant 0 : i32
        %cond3A_152 = arith.cmpi ne, %convert_element_type3A_150, %cond3A_151 : i32
        scf.if %cond3A_152 {
          %dma_wait3A_165 = arith.constant 1 : i32
          %dma_wait3A_166 = arith.constant 0 : i32
          %dma_wait3A_167 = tpu.memref_slice %arg8[%dma_wait3A_165, %dma_wait3A_166] : memref<2x120xi32, #tpu.memory_space<vmem>> -> memref<1x120xi32, #tpu.memory_space<vmem>>
          %dma_wait3A_168 = tpu.memref_squeeze %dma_wait3A_167 : memref<1x120xi32, #tpu.memory_space<vmem>> -> memref<120xi32, #tpu.memory_space<vmem>>
          %dma_wait3A_169 = arith.constant 0 : i32
          %dma_wait3A_170 = arith.constant 0 : i32
          %dma_wait3A_171 = tpu.memref_slice %arg15[%dma_wait3A_169, %dma_wait3A_170] : memref<10112x128xf32, #tpu.memory_space<vmem_shared>> -> memref<10112x128xf32, #tpu.memory_space<vmem_shared>>
          tpu.wait_indirect_dma semaphore(%arg27 : memref<!tpu.dma_semaphore, #tpu.memory_space<semaphore_mem>>) src(%arg14 : memref<120x128xf32, #tpu.memory_space<vmem>>) dst(%dma_wait3A_171 : memref<10112x128xf32, #tpu.memory_space<vmem_shared>>)
        } else {
        }
        %add3A_153 = arith.constant 2 : i32
        %add3A_154 = arith.addi %add3A_115, %add3A_153 : i32
        %lt3A_155 = arith.cmpi slt, %add3A_154, %select_n3A_10 : i32
        %convert_element_type3A_156 = arith.extui %lt3A_155 : i1 to i32
        %cond3A_157 = arith.constant 0 : i32
        %cond3A_158 = arith.cmpi ne, %convert_element_type3A_156, %cond3A_157 : i32
        scf.if %cond3A_158 {
          %add3A_165 = arith.addi %select_n3A, %add3A_115 : i32
          %add3A_166 = arith.constant 2 : i32
          %add3A_167 = arith.addi %add3A_165, %add3A_166 : i32
          %dma_wait3A_168 = arith.constant 0 : i32
          %dma_wait3A_169 = arith.constant 0 : i32
          %dma_wait3A_170 = tpu.memref_slice %arg3[%add3A_167, %dma_wait3A_168, %dma_wait3A_169] : memref<2688x2x120xi32, #tpu.memory_space<hbm>> -> memref<1x2x120xi32, #tpu.memory_space<hbm>>
          %dma_wait3A_171 = tpu.memref_squeeze %dma_wait3A_170 : memref<1x2x120xi32, #tpu.memory_space<hbm>> -> memref<2x120xi32, #tpu.memory_space<hbm>>
          %dma_wait3A_172 = arith.constant 0 : i32
          %dma_wait3A_173 = arith.constant 0 : i32
          %dma_wait3A_174 = tpu.memref_slice %arg3[%add3A_167, %dma_wait3A_172, %dma_wait3A_173] : memref<2688x2x120xi32, #tpu.memory_space<hbm>> -> memref<1x2x120xi32, #tpu.memory_space<hbm>>
          %dma_wait3A_175 = tpu.memref_squeeze %dma_wait3A_174 : memref<1x2x120xi32, #tpu.memory_space<hbm>> -> memref<2x120xi32, #tpu.memory_space<hbm>>
          tpu.wait_dma2 semaphore(%arg21 : memref<!tpu.dma_semaphore, #tpu.memory_space<semaphore_mem>>) src(%dma_wait3A_175 : memref<2x120xi32, #tpu.memory_space<hbm>>) dst(%arg11 : memref<2x120xi32, #tpu.memory_space<vmem>>)
          %dma_start3A_176 = arith.constant 0 : i32
          %dma_start3A_177 = arith.constant 0 : i32
          %dma_start3A_178 = tpu.memref_slice %arg11[%dma_start3A_176, %dma_start3A_177] : memref<2x120xi32, #tpu.memory_space<vmem>> -> memref<1x120xi32, #tpu.memory_space<vmem>>
          %dma_start3A_179 = tpu.memref_squeeze %dma_start3A_178 : memref<1x120xi32, #tpu.memory_space<vmem>> -> memref<120xi32, #tpu.memory_space<vmem>>
          %dma_start3A_180 = arith.constant 0 : i32
          %dma_start3A_181 = arith.constant 0 : i32
          %dma_start3A_182 = tpu.memref_slice %arg2[%dma_start3A_180, %dma_start3A_181] : memref<10000x128xf32, #tpu.memory_space<hbm>> -> memref<10000x128xf32, #tpu.memory_space<hbm>>
          tpu.enqueue_indirect_dma source(%dma_start3A_182 : memref<10000x128xf32, #tpu.memory_space<hbm>>) target(%arg14 : memref<120x128xf32, #tpu.memory_space<vmem>>) offsets(%dma_start3A_179 : memref<120xi32, #tpu.memory_space<vmem>>) semaphore(%arg24 : memref<!tpu.dma_semaphore, #tpu.memory_space<semaphore_mem>>)
        } else {
        }
        %add3A_159 = arith.constant 5 : i32
        %add3A_160 = arith.addi %add3A_115, %add3A_159 : i32
        %lt3A_161 = arith.cmpi slt, %add3A_160, %select_n3A_10 : i32
        %convert_element_type3A_162 = arith.extui %lt3A_161 : i1 to i32
        %cond3A_163 = arith.constant 0 : i32
        %cond3A_164 = arith.cmpi ne, %convert_element_type3A_162, %cond3A_163 : i32
        scf.if %cond3A_164 {
          %add3A_165 = arith.addi %select_n3A, %add3A_115 : i32
          %add3A_166 = arith.constant 5 : i32
          %add3A_167 = arith.addi %add3A_165, %add3A_166 : i32
          %dma_start3A_168 = arith.constant 0 : i32
          %dma_start3A_169 = arith.constant 0 : i32
          %dma_start3A_170 = tpu.memref_slice %arg3[%add3A_167, %dma_start3A_168, %dma_start3A_169] : memref<2688x2x120xi32, #tpu.memory_space<hbm>> -> memref<1x2x120xi32, #tpu.memory_space<hbm>>
          %dma_start3A_171 = tpu.memref_squeeze %dma_start3A_170 : memref<1x2x120xi32, #tpu.memory_space<hbm>> -> memref<2x120xi32, #tpu.memory_space<hbm>>
          %dma_start3A_172 = arith.constant 0 : i32
          %dma_start3A_173 = arith.constant 0 : i32
          %dma_start3A_174 = tpu.memref_slice %arg3[%add3A_167, %dma_start3A_172, %dma_start3A_173] : memref<2688x2x120xi32, #tpu.memory_space<hbm>> -> memref<1x2x120xi32, #tpu.memory_space<hbm>>
          %dma_start3A_175 = tpu.memref_squeeze %dma_start3A_174 : memref<1x2x120xi32, #tpu.memory_space<hbm>> -> memref<2x120xi32, #tpu.memory_space<hbm>>
          tpu.enqueue_dma source(%dma_start3A_175 : memref<2x120xi32, #tpu.memory_space<hbm>>) target(%arg8 : memref<2x120xi32, #tpu.memory_space<vmem>>) target_semaphore(%arg18 : memref<!tpu.dma_semaphore, #tpu.memory_space<semaphore_mem>>)
        } else {
        }
      } else {
      }
      %add3A_119 = arith.constant 4 : i32
      %add3A_120 = arith.addi %add3A_89, %add3A_119 : i32
      %lt3A_121 = arith.cmpi slt, %add3A_120, %select_n3A_10 : i32
      %add3A_122 = arith.constant 4 : i32
      %add3A_123 = arith.addi %add3A_89, %add3A_122 : i32
      %convert_element_type3A_124 = arith.extui %lt3A_121 : i1 to i32
      %cond3A_125 = arith.constant 0 : i32
      %cond3A_126 = arith.cmpi ne, %convert_element_type3A_124, %cond3A_125 : i32
      scf.if %cond3A_126 {
        %dma_wait3A_135 = arith.constant 0 : i32
        %dma_wait3A_136 = arith.constant 0 : i32
        %dma_wait3A_137 = tpu.memref_slice %arg10[%dma_wait3A_135, %dma_wait3A_136] : memref<2x120xi32, #tpu.memory_space<vmem>> -> memref<1x120xi32, #tpu.memory_space<vmem>>
        %dma_wait3A_138 = tpu.memref_squeeze %dma_wait3A_137 : memref<1x120xi32, #tpu.memory_space<vmem>> -> memref<120xi32, #tpu.memory_space<vmem>>
        %dma_wait3A_139 = arith.constant 0 : i32
        %dma_wait3A_140 = arith.constant 0 : i32
        %dma_wait3A_141 = tpu.memref_slice %arg2[%dma_wait3A_139, %dma_wait3A_140] : memref<10000x128xf32, #tpu.memory_space<hbm>> -> memref<10000x128xf32, #tpu.memory_space<hbm>>
        tpu.wait_indirect_dma semaphore(%arg23 : memref<!tpu.dma_semaphore, #tpu.memory_space<semaphore_mem>>) src(%dma_wait3A_141 : memref<10000x128xf32, #tpu.memory_space<hbm>>) dst(%arg13 : memref<120x128xf32, #tpu.memory_space<vmem>>)
        %dma_start3A_142 = arith.constant 1 : i32
        %dma_start3A_143 = arith.constant 0 : i32
        %dma_start3A_144 = tpu.memref_slice %arg10[%dma_start3A_142, %dma_start3A_143] : memref<2x120xi32, #tpu.memory_space<vmem>> -> memref<1x120xi32, #tpu.memory_space<vmem>>
        %dma_start3A_145 = tpu.memref_squeeze %dma_start3A_144 : memref<1x120xi32, #tpu.memory_space<vmem>> -> memref<120xi32, #tpu.memory_space<vmem>>
        %dma_start3A_146 = arith.constant 0 : i32
        %dma_start3A_147 = arith.constant 0 : i32
        %dma_start3A_148 = tpu.memref_slice %arg15[%dma_start3A_146, %dma_start3A_147] : memref<10112x128xf32, #tpu.memory_space<vmem_shared>> -> memref<10112x128xf32, #tpu.memory_space<vmem_shared>>
        tpu.enqueue_indirect_dma source(%arg13 : memref<120x128xf32, #tpu.memory_space<vmem>>) target(%dma_start3A_148 : memref<10112x128xf32, #tpu.memory_space<vmem_shared>>) offsets(%dma_start3A_145 : memref<120xi32, #tpu.memory_space<vmem>>) semaphore(%arg26 : memref<!tpu.dma_semaphore, #tpu.memory_space<semaphore_mem>>) {add = true}
        %ge3A = arith.constant 1 : i32
        %ge3A_149 = arith.cmpi sge, %add3A_123, %ge3A : i32
        %convert_element_type3A_150 = arith.extui %ge3A_149 : i1 to i32
        %cond3A_151 = arith.constant 0 : i32
        %cond3A_152 = arith.cmpi ne, %convert_element_type3A_150, %cond3A_151 : i32
        scf.if %cond3A_152 {
          %dma_wait3A_165 = arith.constant 1 : i32
          %dma_wait3A_166 = arith.constant 0 : i32
          %dma_wait3A_167 = tpu.memref_slice %arg9[%dma_wait3A_165, %dma_wait3A_166] : memref<2x120xi32, #tpu.memory_space<vmem>> -> memref<1x120xi32, #tpu.memory_space<vmem>>
          %dma_wait3A_168 = tpu.memref_squeeze %dma_wait3A_167 : memref<1x120xi32, #tpu.memory_space<vmem>> -> memref<120xi32, #tpu.memory_space<vmem>>
          %dma_wait3A_169 = arith.constant 0 : i32
          %dma_wait3A_170 = arith.constant 0 : i32
          %dma_wait3A_171 = tpu.memref_slice %arg15[%dma_wait3A_169, %dma_wait3A_170] : memref<10112x128xf32, #tpu.memory_space<vmem_shared>> -> memref<10112x128xf32, #tpu.memory_space<vmem_shared>>
          tpu.wait_indirect_dma semaphore(%arg25 : memref<!tpu.dma_semaphore, #tpu.memory_space<semaphore_mem>>) src(%arg12 : memref<120x128xf32, #tpu.memory_space<vmem>>) dst(%dma_wait3A_171 : memref<10112x128xf32, #tpu.memory_space<vmem_shared>>)
        } else {
        }
        %add3A_153 = arith.constant 2 : i32
        %add3A_154 = arith.addi %add3A_123, %add3A_153 : i32
        %lt3A_155 = arith.cmpi slt, %add3A_154, %select_n3A_10 : i32
        %convert_element_type3A_156 = arith.extui %lt3A_155 : i1 to i32
        %cond3A_157 = arith.constant 0 : i32
        %cond3A_158 = arith.cmpi ne, %convert_element_type3A_156, %cond3A_157 : i32
        scf.if %cond3A_158 {
          %add3A_165 = arith.addi %select_n3A, %add3A_123 : i32
          %add3A_166 = arith.constant 2 : i32
          %add3A_167 = arith.addi %add3A_165, %add3A_166 : i32
          %dma_wait3A_168 = arith.constant 0 : i32
          %dma_wait3A_169 = arith.constant 0 : i32
          %dma_wait3A_170 = tpu.memref_slice %arg3[%add3A_167, %dma_wait3A_168, %dma_wait3A_169] : memref<2688x2x120xi32, #tpu.memory_space<hbm>> -> memref<1x2x120xi32, #tpu.memory_space<hbm>>
          %dma_wait3A_171 = tpu.memref_squeeze %dma_wait3A_170 : memref<1x2x120xi32, #tpu.memory_space<hbm>> -> memref<2x120xi32, #tpu.memory_space<hbm>>
          %dma_wait3A_172 = arith.constant 0 : i32
          %dma_wait3A_173 = arith.constant 0 : i32
          %dma_wait3A_174 = tpu.memref_slice %arg3[%add3A_167, %dma_wait3A_172, %dma_wait3A_173] : memref<2688x2x120xi32, #tpu.memory_space<hbm>> -> memref<1x2x120xi32, #tpu.memory_space<hbm>>
          %dma_wait3A_175 = tpu.memref_squeeze %dma_wait3A_174 : memref<1x2x120xi32, #tpu.memory_space<hbm>> -> memref<2x120xi32, #tpu.memory_space<hbm>>
          tpu.wait_dma2 semaphore(%arg16 : memref<!tpu.dma_semaphore, #tpu.memory_space<semaphore_mem>>) src(%dma_wait3A_175 : memref<2x120xi32, #tpu.memory_space<hbm>>) dst(%arg6 : memref<2x120xi32, #tpu.memory_space<vmem>>)
          %dma_start3A_176 = arith.constant 0 : i32
          %dma_start3A_177 = arith.constant 0 : i32
          %dma_start3A_178 = tpu.memref_slice %arg6[%dma_start3A_176, %dma_start3A_177] : memref<2x120xi32, #tpu.memory_space<vmem>> -> memref<1x120xi32, #tpu.memory_space<vmem>>
          %dma_start3A_179 = tpu.memref_squeeze %dma_start3A_178 : memref<1x120xi32, #tpu.memory_space<vmem>> -> memref<120xi32, #tpu.memory_space<vmem>>
          %dma_start3A_180 = arith.constant 0 : i32
          %dma_start3A_181 = arith.constant 0 : i32
          %dma_start3A_182 = tpu.memref_slice %arg2[%dma_start3A_180, %dma_start3A_181] : memref<10000x128xf32, #tpu.memory_space<hbm>> -> memref<10000x128xf32, #tpu.memory_space<hbm>>
          tpu.enqueue_indirect_dma source(%dma_start3A_182 : memref<10000x128xf32, #tpu.memory_space<hbm>>) target(%arg12 : memref<120x128xf32, #tpu.memory_space<vmem>>) offsets(%dma_start3A_179 : memref<120xi32, #tpu.memory_space<vmem>>) semaphore(%arg22 : memref<!tpu.dma_semaphore, #tpu.memory_space<semaphore_mem>>)
        } else {
        }
        %add3A_159 = arith.constant 5 : i32
        %add3A_160 = arith.addi %add3A_123, %add3A_159 : i32
        %lt3A_161 = arith.cmpi slt, %add3A_160, %select_n3A_10 : i32
        %convert_element_type3A_162 = arith.extui %lt3A_161 : i1 to i32
        %cond3A_163 = arith.constant 0 : i32
        %cond3A_164 = arith.cmpi ne, %convert_element_type3A_162, %cond3A_163 : i32
        scf.if %cond3A_164 {
          %add3A_165 = arith.addi %select_n3A, %add3A_123 : i32
          %add3A_166 = arith.constant 5 : i32
          %add3A_167 = arith.addi %add3A_165, %add3A_166 : i32
          %dma_start3A_168 = arith.constant 0 : i32
          %dma_start3A_169 = arith.constant 0 : i32
          %dma_start3A_170 = tpu.memref_slice %arg3[%add3A_167, %dma_start3A_168, %dma_start3A_169] : memref<2688x2x120xi32, #tpu.memory_space<hbm>> -> memref<1x2x120xi32, #tpu.memory_space<hbm>>
          %dma_start3A_171 = tpu.memref_squeeze %dma_start3A_170 : memref<1x2x120xi32, #tpu.memory_space<hbm>> -> memref<2x120xi32, #tpu.memory_space<hbm>>
          %dma_start3A_172 = arith.constant 0 : i32
          %dma_start3A_173 = arith.constant 0 : i32
          %dma_start3A_174 = tpu.memref_slice %arg3[%add3A_167, %dma_start3A_172, %dma_start3A_173] : memref<2688x2x120xi32, #tpu.memory_space<hbm>> -> memref<1x2x120xi32, #tpu.memory_space<hbm>>
          %dma_start3A_175 = tpu.memref_squeeze %dma_start3A_174 : memref<1x2x120xi32, #tpu.memory_space<hbm>> -> memref<2x120xi32, #tpu.memory_space<hbm>>
          tpu.enqueue_dma source(%dma_start3A_175 : memref<2x120xi32, #tpu.memory_space<hbm>>) target(%arg9 : memref<2x120xi32, #tpu.memory_space<vmem>>) target_semaphore(%arg19 : memref<!tpu.dma_semaphore, #tpu.memory_space<semaphore_mem>>)
        } else {
        }
      } else {
      }
      %add3A_127 = arith.constant 5 : i32
      %add3A_128 = arith.addi %add3A_89, %add3A_127 : i32
      %lt3A_129 = arith.cmpi slt, %add3A_128, %select_n3A_10 : i32
      %add3A_130 = arith.constant 5 : i32
      %add3A_131 = arith.addi %add3A_89, %add3A_130 : i32
      %convert_element_type3A_132 = arith.extui %lt3A_129 : i1 to i32
      %cond3A_133 = arith.constant 0 : i32
      %cond3A_134 = arith.cmpi ne, %convert_element_type3A_132, %cond3A_133 : i32
      scf.if %cond3A_134 {
        %dma_wait3A_135 = arith.constant 0 : i32
        %dma_wait3A_136 = arith.constant 0 : i32
        %dma_wait3A_137 = tpu.memref_slice %arg11[%dma_wait3A_135, %dma_wait3A_136] : memref<2x120xi32, #tpu.memory_space<vmem>> -> memref<1x120xi32, #tpu.memory_space<vmem>>
        %dma_wait3A_138 = tpu.memref_squeeze %dma_wait3A_137 : memref<1x120xi32, #tpu.memory_space<vmem>> -> memref<120xi32, #tpu.memory_space<vmem>>
        %dma_wait3A_139 = arith.constant 0 : i32
        %dma_wait3A_140 = arith.constant 0 : i32
        %dma_wait3A_141 = tpu.memref_slice %arg2[%dma_wait3A_139, %dma_wait3A_140] : memref<10000x128xf32, #tpu.memory_space<hbm>> -> memref<10000x128xf32, #tpu.memory_space<hbm>>
        tpu.wait_indirect_dma semaphore(%arg24 : memref<!tpu.dma_semaphore, #tpu.memory_space<semaphore_mem>>) src(%dma_wait3A_141 : memref<10000x128xf32, #tpu.memory_space<hbm>>) dst(%arg14 : memref<120x128xf32, #tpu.memory_space<vmem>>)
        %dma_start3A_142 = arith.constant 1 : i32
        %dma_start3A_143 = arith.constant 0 : i32
        %dma_start3A_144 = tpu.memref_slice %arg11[%dma_start3A_142, %dma_start3A_143] : memref<2x120xi32, #tpu.memory_space<vmem>> -> memref<1x120xi32, #tpu.memory_space<vmem>>
        %dma_start3A_145 = tpu.memref_squeeze %dma_start3A_144 : memref<1x120xi32, #tpu.memory_space<vmem>> -> memref<120xi32, #tpu.memory_space<vmem>>
        %dma_start3A_146 = arith.constant 0 : i32
        %dma_start3A_147 = arith.constant 0 : i32
        %dma_start3A_148 = tpu.memref_slice %arg15[%dma_start3A_146, %dma_start3A_147] : memref<10112x128xf32, #tpu.memory_space<vmem_shared>> -> memref<10112x128xf32, #tpu.memory_space<vmem_shared>>
        tpu.enqueue_indirect_dma source(%arg14 : memref<120x128xf32, #tpu.memory_space<vmem>>) target(%dma_start3A_148 : memref<10112x128xf32, #tpu.memory_space<vmem_shared>>) offsets(%dma_start3A_145 : memref<120xi32, #tpu.memory_space<vmem>>) semaphore(%arg27 : memref<!tpu.dma_semaphore, #tpu.memory_space<semaphore_mem>>) {add = true}
        %ge3A = arith.constant 1 : i32
        %ge3A_149 = arith.cmpi sge, %add3A_131, %ge3A : i32
        %convert_element_type3A_150 = arith.extui %ge3A_149 : i1 to i32
        %cond3A_151 = arith.constant 0 : i32
        %cond3A_152 = arith.cmpi ne, %convert_element_type3A_150, %cond3A_151 : i32
        scf.if %cond3A_152 {
          %dma_wait3A_165 = arith.constant 1 : i32
          %dma_wait3A_166 = arith.constant 0 : i32
          %dma_wait3A_167 = tpu.memref_slice %arg10[%dma_wait3A_165, %dma_wait3A_166] : memref<2x120xi32, #tpu.memory_space<vmem>> -> memref<1x120xi32, #tpu.memory_space<vmem>>
          %dma_wait3A_168 = tpu.memref_squeeze %dma_wait3A_167 : memref<1x120xi32, #tpu.memory_space<vmem>> -> memref<120xi32, #tpu.memory_space<vmem>>
          %dma_wait3A_169 = arith.constant 0 : i32
          %dma_wait3A_170 = arith.constant 0 : i32
          %dma_wait3A_171 = tpu.memref_slice %arg15[%dma_wait3A_169, %dma_wait3A_170] : memref<10112x128xf32, #tpu.memory_space<vmem_shared>> -> memref<10112x128xf32, #tpu.memory_space<vmem_shared>>
          tpu.wait_indirect_dma semaphore(%arg26 : memref<!tpu.dma_semaphore, #tpu.memory_space<semaphore_mem>>) src(%arg13 : memref<120x128xf32, #tpu.memory_space<vmem>>) dst(%dma_wait3A_171 : memref<10112x128xf32, #tpu.memory_space<vmem_shared>>)
        } else {
        }
        %add3A_153 = arith.constant 2 : i32
        %add3A_154 = arith.addi %add3A_131, %add3A_153 : i32
        %lt3A_155 = arith.cmpi slt, %add3A_154, %select_n3A_10 : i32
        %convert_element_type3A_156 = arith.extui %lt3A_155 : i1 to i32
        %cond3A_157 = arith.constant 0 : i32
        %cond3A_158 = arith.cmpi ne, %convert_element_type3A_156, %cond3A_157 : i32
        scf.if %cond3A_158 {
          %add3A_165 = arith.addi %select_n3A, %add3A_131 : i32
          %add3A_166 = arith.constant 2 : i32
          %add3A_167 = arith.addi %add3A_165, %add3A_166 : i32
          %dma_wait3A_168 = arith.constant 0 : i32
          %dma_wait3A_169 = arith.constant 0 : i32
          %dma_wait3A_170 = tpu.memref_slice %arg3[%add3A_167, %dma_wait3A_168, %dma_wait3A_169] : memref<2688x2x120xi32, #tpu.memory_space<hbm>> -> memref<1x2x120xi32, #tpu.memory_space<hbm>>
          %dma_wait3A_171 = tpu.memref_squeeze %dma_wait3A_170 : memref<1x2x120xi32, #tpu.memory_space<hbm>> -> memref<2x120xi32, #tpu.memory_space<hbm>>
          %dma_wait3A_172 = arith.constant 0 : i32
          %dma_wait3A_173 = arith.constant 0 : i32
          %dma_wait3A_174 = tpu.memref_slice %arg3[%add3A_167, %dma_wait3A_172, %dma_wait3A_173] : memref<2688x2x120xi32, #tpu.memory_space<hbm>> -> memref<1x2x120xi32, #tpu.memory_space<hbm>>
          %dma_wait3A_175 = tpu.memref_squeeze %dma_wait3A_174 : memref<1x2x120xi32, #tpu.memory_space<hbm>> -> memref<2x120xi32, #tpu.memory_space<hbm>>
          tpu.wait_dma2 semaphore(%arg17 : memref<!tpu.dma_semaphore, #tpu.memory_space<semaphore_mem>>) src(%dma_wait3A_175 : memref<2x120xi32, #tpu.memory_space<hbm>>) dst(%arg7 : memref<2x120xi32, #tpu.memory_space<vmem>>)
          %dma_start3A_176 = arith.constant 0 : i32
          %dma_start3A_177 = arith.constant 0 : i32
          %dma_start3A_178 = tpu.memref_slice %arg7[%dma_start3A_176, %dma_start3A_177] : memref<2x120xi32, #tpu.memory_space<vmem>> -> memref<1x120xi32, #tpu.memory_space<vmem>>
          %dma_start3A_179 = tpu.memref_squeeze %dma_start3A_178 : memref<1x120xi32, #tpu.memory_space<vmem>> -> memref<120xi32, #tpu.memory_space<vmem>>
          %dma_start3A_180 = arith.constant 0 : i32
          %dma_start3A_181 = arith.constant 0 : i32
          %dma_start3A_182 = tpu.memref_slice %arg2[%dma_start3A_180, %dma_start3A_181] : memref<10000x128xf32, #tpu.memory_space<hbm>> -> memref<10000x128xf32, #tpu.memory_space<hbm>>
          tpu.enqueue_indirect_dma source(%dma_start3A_182 : memref<10000x128xf32, #tpu.memory_space<hbm>>) target(%arg13 : memref<120x128xf32, #tpu.memory_space<vmem>>) offsets(%dma_start3A_179 : memref<120xi32, #tpu.memory_space<vmem>>) semaphore(%arg23 : memref<!tpu.dma_semaphore, #tpu.memory_space<semaphore_mem>>)
        } else {
        }
        %add3A_159 = arith.constant 5 : i32
        %add3A_160 = arith.addi %add3A_131, %add3A_159 : i32
        %lt3A_161 = arith.cmpi slt, %add3A_160, %select_n3A_10 : i32
        %convert_element_type3A_162 = arith.extui %lt3A_161 : i1 to i32
        %cond3A_163 = arith.constant 0 : i32
        %cond3A_164 = arith.cmpi ne, %convert_element_type3A_162, %cond3A_163 : i32
        scf.if %cond3A_164 {
          %add3A_165 = arith.addi %select_n3A, %add3A_131 : i32
          %add3A_166 = arith.constant 5 : i32
          %add3A_167 = arith.addi %add3A_165, %add3A_166 : i32
          %dma_start3A_168 = arith.constant 0 : i32
          %dma_start3A_169 = arith.constant 0 : i32
          %dma_start3A_170 = tpu.memref_slice %arg3[%add3A_167, %dma_start3A_168, %dma_start3A_169] : memref<2688x2x120xi32, #tpu.memory_space<hbm>> -> memref<1x2x120xi32, #tpu.memory_space<hbm>>
          %dma_start3A_171 = tpu.memref_squeeze %dma_start3A_170 : memref<1x2x120xi32, #tpu.memory_space<hbm>> -> memref<2x120xi32, #tpu.memory_space<hbm>>
          %dma_start3A_172 = arith.constant 0 : i32
          %dma_start3A_173 = arith.constant 0 : i32
          %dma_start3A_174 = tpu.memref_slice %arg3[%add3A_167, %dma_start3A_172, %dma_start3A_173] : memref<2688x2x120xi32, #tpu.memory_space<hbm>> -> memref<1x2x120xi32, #tpu.memory_space<hbm>>
          %dma_start3A_175 = tpu.memref_squeeze %dma_start3A_174 : memref<1x2x120xi32, #tpu.memory_space<hbm>> -> memref<2x120xi32, #tpu.memory_space<hbm>>
          tpu.enqueue_dma source(%dma_start3A_175 : memref<2x120xi32, #tpu.memory_space<hbm>>) target(%arg10 : memref<2x120xi32, #tpu.memory_space<vmem>>) target_semaphore(%arg20 : memref<!tpu.dma_semaphore, #tpu.memory_space<semaphore_mem>>)
        } else {
        }
      } else {
      }
    }
    %scan3A_76 = arith.constant 20 : i32
    %dma_wait3A_77 = arith.constant 1 : i32
    %dma_wait3A_78 = arith.constant 0 : i32
    %dma_wait3A_79 = tpu.memref_slice %arg11[%dma_wait3A_77, %dma_wait3A_78] : memref<2x120xi32, #tpu.memory_space<vmem>> -> memref<1x120xi32, #tpu.memory_space<vmem>>
    %dma_wait3A_80 = tpu.memref_squeeze %dma_wait3A_79 : memref<1x120xi32, #tpu.memory_space<vmem>> -> memref<120xi32, #tpu.memory_space<vmem>>
    %dma_wait3A_81 = arith.constant 0 : i32
    %dma_wait3A_82 = arith.constant 0 : i32
    %dma_wait3A_83 = tpu.memref_slice %arg15[%dma_wait3A_81, %dma_wait3A_82] : memref<10112x128xf32, #tpu.memory_space<vmem_shared>> -> memref<10112x128xf32, #tpu.memory_space<vmem_shared>>
    tpu.wait_indirect_dma semaphore(%arg27 : memref<!tpu.dma_semaphore, #tpu.memory_space<semaphore_mem>>) src(%arg14 : memref<120x128xf32, #tpu.memory_space<vmem>>) dst(%dma_wait3A_83 : memref<10112x128xf32, #tpu.memory_space<vmem_shared>>)
    %barrier3A_84 = arith.constant 0 : index
    tpu.barrier barrier_id(%barrier3A_84)
    "tpu.region"() ({
      %run_scoped3A = tpu.sem_alloc : memref<!tpu.dma_semaphore, #tpu.memory_space<semaphore_mem>>
      %dma_start3A_85 = arith.constant 0 : i32
      %dma_start3A_86 = tpu.memref_slice %arg5[%arg0, %mul3A_0, %dma_start3A_85] : memref<2x10112x128xf32, #tpu.memory_space<hbm>> -> memref<1x632x128xf32, #tpu.memory_space<hbm>>
      %dma_start3A_87 = tpu.memref_squeeze %dma_start3A_86 : memref<1x632x128xf32, #tpu.memory_space<hbm>> -> memref<632x128xf32, #tpu.memory_space<hbm>>
      %dma_start3A_88 = arith.constant 0 : i32
      %dma_start3A_89 = tpu.memref_slice %arg15[%mul3A_0, %dma_start3A_88] : memref<10112x128xf32, #tpu.memory_space<vmem_shared>> -> memref<632x128xf32, #tpu.memory_space<vmem_shared>>
      tpu.enqueue_dma source(%dma_start3A_89 : memref<632x128xf32, #tpu.memory_space<vmem_shared>>) target(%dma_start3A_87 : memref<632x128xf32, #tpu.memory_space<hbm>>) target_semaphore(%run_scoped3A : memref<!tpu.dma_semaphore, #tpu.memory_space<semaphore_mem>>)
      %dma_wait3A_90 = arith.constant 0 : i32
      %dma_wait3A_91 = tpu.memref_slice %arg5[%arg0, %mul3A_0, %dma_wait3A_90] : memref<2x10112x128xf32, #tpu.memory_space<hbm>> -> memref<1x632x128xf32, #tpu.memory_space<hbm>>
      %dma_wait3A_92 = tpu.memref_squeeze %dma_wait3A_91 : memref<1x632x128xf32, #tpu.memory_space<hbm>> -> memref<632x128xf32, #tpu.memory_space<hbm>>
      %dma_wait3A_93 = arith.constant 0 : i32
      %dma_wait3A_94 = tpu.memref_slice %arg15[%mul3A_0, %dma_wait3A_93] : memref<10112x128xf32, #tpu.memory_space<vmem_shared>> -> memref<632x128xf32, #tpu.memory_space<vmem_shared>>
      tpu.wait_dma2 semaphore(%run_scoped3A : memref<!tpu.dma_semaphore, #tpu.memory_space<semaphore_mem>>) src(%dma_wait3A_94 : memref<632x128xf32, #tpu.memory_space<vmem_shared>>) dst(%dma_wait3A_92 : memref<632x128xf32, #tpu.memory_space<hbm>>)
      tpu.yield
    }) : () -> ()
    return
  }
}

#map = affine_map<(d0, d1) -> (0, 0, 0)>
#map1 = affine_map<(d0, d1) -> (0, 0)>
module attributes {stable_mosaic.version = 14 : i64} {
  func.func @k(%arg0: i32, %arg1: i32, %arg2: memref<32x84x120xi32, #tpu.memory_space<hbm>>, %arg3: memref<10112x128xf32, #tpu.memory_space<hbm>>, %arg4: memref<120x128xf32, #tpu.memory_space<hbm>>, %arg5: memref<2x10112x128xf32, #tpu.memory_space<hbm>>, %arg6: memref<84x120xi32, #tpu.memory_space<vmem>>, %arg7: memref<120x128xf32, #tpu.memory_space<vmem>>, %arg8: memref<10112x128xf32, #tpu.memory_space<vmem_shared>>, %arg9: memref<!tpu.dma_semaphore, #tpu.memory_space<semaphore_mem>>, %arg10: memref<!tpu.dma_semaphore, #tpu.memory_space<semaphore_mem>>) attributes {dimension_semantics = [#tpu.dimension_semantics<core_parallel>, #tpu.dimension_semantics<subcore_parallel>], iteration_bounds = array<i64: 2, 16>, scalar_prefetch = 0 : i64, scratch_operands = 5 : i64, tpu.core_type = #tpu.core_type<sc_vector_subcore>, window_params = [{transform_indices = #map}, {transform_indices = #map1}, {transform_indices = #map1}, {transform_indices = #map}]} {
    %mul3A = arith.constant 16 : i32
    %mul3A_0 = arith.muli %arg0, %mul3A : i32
    %add3A = arith.addi %mul3A_0, %arg1 : i32
    %mul3A_1 = arith.constant 632 : i32
    %mul3A_2 = arith.muli %arg1, %mul3A_1 : i32
    "tpu.region"() ({
      %run_scoped3A = tpu.sem_alloc : memref<!tpu.dma_semaphore, #tpu.memory_space<semaphore_mem>>
      %dma_start3A = arith.constant 0 : i32
      %dma_start3A_8 = tpu.memref_slice %arg8[%mul3A_2, %dma_start3A] : memref<10112x128xf32, #tpu.memory_space<vmem_shared>> -> memref<632x128xf32, #tpu.memory_space<vmem_shared>>
      %dma_start3A_9 = arith.constant 0 : i32
      %dma_start3A_10 = tpu.memref_slice %arg3[%mul3A_2, %dma_start3A_9] : memref<10112x128xf32, #tpu.memory_space<hbm>> -> memref<632x128xf32, #tpu.memory_space<hbm>>
      tpu.enqueue_dma source(%dma_start3A_10 : memref<632x128xf32, #tpu.memory_space<hbm>>) target(%dma_start3A_8 : memref<632x128xf32, #tpu.memory_space<vmem_shared>>) target_semaphore(%run_scoped3A : memref<!tpu.dma_semaphore, #tpu.memory_space<semaphore_mem>>)
      %dma_wait3A = arith.constant 0 : i32
      %dma_wait3A_11 = tpu.memref_slice %arg8[%mul3A_2, %dma_wait3A] : memref<10112x128xf32, #tpu.memory_space<vmem_shared>> -> memref<632x128xf32, #tpu.memory_space<vmem_shared>>
      %dma_wait3A_12 = arith.constant 0 : i32
      %dma_wait3A_13 = tpu.memref_slice %arg3[%mul3A_2, %dma_wait3A_12] : memref<10112x128xf32, #tpu.memory_space<hbm>> -> memref<632x128xf32, #tpu.memory_space<hbm>>
      tpu.wait_dma2 semaphore(%run_scoped3A : memref<!tpu.dma_semaphore, #tpu.memory_space<semaphore_mem>>) src(%dma_wait3A_13 : memref<632x128xf32, #tpu.memory_space<hbm>>) dst(%dma_wait3A_11 : memref<632x128xf32, #tpu.memory_space<vmem_shared>>)
      tpu.yield
    }) : () -> ()
    "tpu.region"() ({
      %run_scoped3A = tpu.sem_alloc : memref<!tpu.dma_semaphore, #tpu.memory_space<semaphore_mem>>
      %dma_start3A = arith.constant 0 : i32
      %dma_start3A_8 = arith.constant 0 : i32
      %dma_start3A_9 = tpu.memref_slice %arg2[%add3A, %dma_start3A, %dma_start3A_8] : memref<32x84x120xi32, #tpu.memory_space<hbm>> -> memref<1x84x120xi32, #tpu.memory_space<hbm>>
      %dma_start3A_10 = tpu.memref_squeeze %dma_start3A_9 : memref<1x84x120xi32, #tpu.memory_space<hbm>> -> memref<84x120xi32, #tpu.memory_space<hbm>>
      %dma_start3A_11 = arith.constant 0 : i32
      %dma_start3A_12 = arith.constant 0 : i32
      %dma_start3A_13 = tpu.memref_slice %arg2[%add3A, %dma_start3A_11, %dma_start3A_12] : memref<32x84x120xi32, #tpu.memory_space<hbm>> -> memref<1x84x120xi32, #tpu.memory_space<hbm>>
      %dma_start3A_14 = tpu.memref_squeeze %dma_start3A_13 : memref<1x84x120xi32, #tpu.memory_space<hbm>> -> memref<84x120xi32, #tpu.memory_space<hbm>>
      tpu.enqueue_dma source(%dma_start3A_14 : memref<84x120xi32, #tpu.memory_space<hbm>>) target(%arg6 : memref<84x120xi32, #tpu.memory_space<vmem>>) target_semaphore(%run_scoped3A : memref<!tpu.dma_semaphore, #tpu.memory_space<semaphore_mem>>)
      %dma_wait3A = arith.constant 0 : i32
      %dma_wait3A_15 = arith.constant 0 : i32
      %dma_wait3A_16 = tpu.memref_slice %arg2[%add3A, %dma_wait3A, %dma_wait3A_15] : memref<32x84x120xi32, #tpu.memory_space<hbm>> -> memref<1x84x120xi32, #tpu.memory_space<hbm>>
      %dma_wait3A_17 = tpu.memref_squeeze %dma_wait3A_16 : memref<1x84x120xi32, #tpu.memory_space<hbm>> -> memref<84x120xi32, #tpu.memory_space<hbm>>
      %dma_wait3A_18 = arith.constant 0 : i32
      %dma_wait3A_19 = arith.constant 0 : i32
      %dma_wait3A_20 = tpu.memref_slice %arg2[%add3A, %dma_wait3A_18, %dma_wait3A_19] : memref<32x84x120xi32, #tpu.memory_space<hbm>> -> memref<1x84x120xi32, #tpu.memory_space<hbm>>
      %dma_wait3A_21 = tpu.memref_squeeze %dma_wait3A_20 : memref<1x84x120xi32, #tpu.memory_space<hbm>> -> memref<84x120xi32, #tpu.memory_space<hbm>>
      tpu.wait_dma2 semaphore(%run_scoped3A : memref<!tpu.dma_semaphore, #tpu.memory_space<semaphore_mem>>) src(%dma_wait3A_21 : memref<84x120xi32, #tpu.memory_space<hbm>>) dst(%arg6 : memref<84x120xi32, #tpu.memory_space<vmem>>)
      tpu.yield
    }) : () -> ()
    "tpu.region"() ({
      %run_scoped3A = tpu.sem_alloc : memref<!tpu.dma_semaphore, #tpu.memory_space<semaphore_mem>>
      tpu.enqueue_dma source(%arg4 : memref<120x128xf32, #tpu.memory_space<hbm>>) target(%arg7 : memref<120x128xf32, #tpu.memory_space<vmem>>) target_semaphore(%run_scoped3A : memref<!tpu.dma_semaphore, #tpu.memory_space<semaphore_mem>>)
      tpu.wait_dma2 semaphore(%run_scoped3A : memref<!tpu.dma_semaphore, #tpu.memory_space<semaphore_mem>>) src(%arg4 : memref<120x128xf32, #tpu.memory_space<hbm>>) dst(%arg7 : memref<120x128xf32, #tpu.memory_space<vmem>>)
      tpu.yield
    }) : () -> ()
    %barrier3A = arith.constant 0 : index
    tpu.barrier barrier_id(%barrier3A)
    %scan3A = arith.constant 0 : i32
    %scan3A_3 = arith.constant 42 : i32
    %scan3A_4 = arith.addi %scan3A, %scan3A_3 : i32
    %scan3A_5 = arith.constant 1 : i32
    scf.for %scan3A_8 = %scan3A to %scan3A_4 step %scan3A_5  : i32 {
      %mul3A_9 = arith.constant 2 : i32
      %mul3A_10 = arith.muli %scan3A_8, %mul3A_9 : i32
      %add3A_11 = arith.constant 0 : i32
      %add3A_12 = arith.addi %add3A_11, %mul3A_10 : i32
      %dma_start3A = arith.constant 0 : i32
      %dma_start3A_13 = tpu.memref_slice %arg6[%add3A_12, %dma_start3A] : memref<84x120xi32, #tpu.memory_space<vmem>> -> memref<1x120xi32, #tpu.memory_space<vmem>>
      %dma_start3A_14 = tpu.memref_squeeze %dma_start3A_13 : memref<1x120xi32, #tpu.memory_space<vmem>> -> memref<120xi32, #tpu.memory_space<vmem>>
      %dma_start3A_15 = arith.constant 0 : i32
      %dma_start3A_16 = arith.constant 0 : i32
      %dma_start3A_17 = tpu.memref_slice %arg8[%dma_start3A_15, %dma_start3A_16] : memref<10112x128xf32, #tpu.memory_space<vmem_shared>> -> memref<10112x128xf32, #tpu.memory_space<vmem_shared>>
      tpu.enqueue_indirect_dma source(%arg7 : memref<120x128xf32, #tpu.memory_space<vmem>>) target(%dma_start3A_17 : memref<10112x128xf32, #tpu.memory_space<vmem_shared>>) offsets(%dma_start3A_14 : memref<120xi32, #tpu.memory_space<vmem>>) semaphore(%arg9 : memref<!tpu.dma_semaphore, #tpu.memory_space<semaphore_mem>>) {add = true}
      %add3A_18 = arith.constant 1 : i32
      %add3A_19 = arith.addi %add3A_12, %add3A_18 : i32
      %lt3A = arith.constant 84 : i32
      %lt3A_20 = arith.cmpi slt, %add3A_19, %lt3A : i32
      %convert_element_type3A = arith.extui %lt3A_20 : i1 to i32
      %cond3A = arith.constant 0 : i32
      %cond3A_21 = arith.cmpi ne, %convert_element_type3A, %cond3A : i32
      scf.if %cond3A_21 {
        %add3A_34 = arith.constant 1 : i32
        %add3A_35 = arith.addi %add3A_12, %add3A_34 : i32
        %dma_start3A_36 = arith.constant 0 : i32
        %dma_start3A_37 = tpu.memref_slice %arg6[%add3A_35, %dma_start3A_36] : memref<84x120xi32, #tpu.memory_space<vmem>> -> memref<1x120xi32, #tpu.memory_space<vmem>>
        %dma_start3A_38 = tpu.memref_squeeze %dma_start3A_37 : memref<1x120xi32, #tpu.memory_space<vmem>> -> memref<120xi32, #tpu.memory_space<vmem>>
        %dma_start3A_39 = arith.constant 0 : i32
        %dma_start3A_40 = arith.constant 0 : i32
        %dma_start3A_41 = tpu.memref_slice %arg8[%dma_start3A_39, %dma_start3A_40] : memref<10112x128xf32, #tpu.memory_space<vmem_shared>> -> memref<10112x128xf32, #tpu.memory_space<vmem_shared>>
        tpu.enqueue_indirect_dma source(%arg7 : memref<120x128xf32, #tpu.memory_space<vmem>>) target(%dma_start3A_41 : memref<10112x128xf32, #tpu.memory_space<vmem_shared>>) offsets(%dma_start3A_38 : memref<120xi32, #tpu.memory_space<vmem>>) semaphore(%arg10 : memref<!tpu.dma_semaphore, #tpu.memory_space<semaphore_mem>>) {add = true}
      } else {
      }
      %dma_wait3A = arith.constant 0 : i32
      %dma_wait3A_22 = tpu.memref_slice %arg6[%add3A_12, %dma_wait3A] : memref<84x120xi32, #tpu.memory_space<vmem>> -> memref<1x120xi32, #tpu.memory_space<vmem>>
      %dma_wait3A_23 = tpu.memref_squeeze %dma_wait3A_22 : memref<1x120xi32, #tpu.memory_space<vmem>> -> memref<120xi32, #tpu.memory_space<vmem>>
      %dma_wait3A_24 = arith.constant 0 : i32
      %dma_wait3A_25 = arith.constant 0 : i32
      %dma_wait3A_26 = tpu.memref_slice %arg8[%dma_wait3A_24, %dma_wait3A_25] : memref<10112x128xf32, #tpu.memory_space<vmem_shared>> -> memref<10112x128xf32, #tpu.memory_space<vmem_shared>>
      tpu.wait_indirect_dma semaphore(%arg9 : memref<!tpu.dma_semaphore, #tpu.memory_space<semaphore_mem>>) src(%arg7 : memref<120x128xf32, #tpu.memory_space<vmem>>) dst(%dma_wait3A_26 : memref<10112x128xf32, #tpu.memory_space<vmem_shared>>)
      %add3A_27 = arith.constant 1 : i32
      %add3A_28 = arith.addi %add3A_12, %add3A_27 : i32
      %lt3A_29 = arith.constant 84 : i32
      %lt3A_30 = arith.cmpi slt, %add3A_28, %lt3A_29 : i32
      %convert_element_type3A_31 = arith.extui %lt3A_30 : i1 to i32
      %cond3A_32 = arith.constant 0 : i32
      %cond3A_33 = arith.cmpi ne, %convert_element_type3A_31, %cond3A_32 : i32
      scf.if %cond3A_33 {
        %add3A_34 = arith.constant 1 : i32
        %add3A_35 = arith.addi %add3A_12, %add3A_34 : i32
        %dma_wait3A_36 = arith.constant 0 : i32
        %dma_wait3A_37 = tpu.memref_slice %arg6[%add3A_35, %dma_wait3A_36] : memref<84x120xi32, #tpu.memory_space<vmem>> -> memref<1x120xi32, #tpu.memory_space<vmem>>
        %dma_wait3A_38 = tpu.memref_squeeze %dma_wait3A_37 : memref<1x120xi32, #tpu.memory_space<vmem>> -> memref<120xi32, #tpu.memory_space<vmem>>
        %dma_wait3A_39 = arith.constant 0 : i32
        %dma_wait3A_40 = arith.constant 0 : i32
        %dma_wait3A_41 = tpu.memref_slice %arg8[%dma_wait3A_39, %dma_wait3A_40] : memref<10112x128xf32, #tpu.memory_space<vmem_shared>> -> memref<10112x128xf32, #tpu.memory_space<vmem_shared>>
        tpu.wait_indirect_dma semaphore(%arg10 : memref<!tpu.dma_semaphore, #tpu.memory_space<semaphore_mem>>) src(%arg7 : memref<120x128xf32, #tpu.memory_space<vmem>>) dst(%dma_wait3A_41 : memref<10112x128xf32, #tpu.memory_space<vmem_shared>>)
      } else {
      }
    }
    %scan3A_6 = arith.constant 42 : i32
    %barrier3A_7 = arith.constant 0 : index
    tpu.barrier barrier_id(%barrier3A_7)
    "tpu.region"() ({
      %run_scoped3A = tpu.sem_alloc : memref<!tpu.dma_semaphore, #tpu.memory_space<semaphore_mem>>
      %dma_start3A = arith.constant 0 : i32
      %dma_start3A_8 = tpu.memref_slice %arg5[%arg0, %mul3A_2, %dma_start3A] : memref<2x10112x128xf32, #tpu.memory_space<hbm>> -> memref<1x632x128xf32, #tpu.memory_space<hbm>>
      %dma_start3A_9 = tpu.memref_squeeze %dma_start3A_8 : memref<1x632x128xf32, #tpu.memory_space<hbm>> -> memref<632x128xf32, #tpu.memory_space<hbm>>
      %dma_start3A_10 = arith.constant 0 : i32
      %dma_start3A_11 = tpu.memref_slice %arg8[%mul3A_2, %dma_start3A_10] : memref<10112x128xf32, #tpu.memory_space<vmem_shared>> -> memref<632x128xf32, #tpu.memory_space<vmem_shared>>
      tpu.enqueue_dma source(%dma_start3A_11 : memref<632x128xf32, #tpu.memory_space<vmem_shared>>) target(%dma_start3A_9 : memref<632x128xf32, #tpu.memory_space<hbm>>) target_semaphore(%run_scoped3A : memref<!tpu.dma_semaphore, #tpu.memory_space<semaphore_mem>>)
      %dma_wait3A = arith.constant 0 : i32
      %dma_wait3A_12 = tpu.memref_slice %arg5[%arg0, %mul3A_2, %dma_wait3A] : memref<2x10112x128xf32, #tpu.memory_space<hbm>> -> memref<1x632x128xf32, #tpu.memory_space<hbm>>
      %dma_wait3A_13 = tpu.memref_squeeze %dma_wait3A_12 : memref<1x632x128xf32, #tpu.memory_space<hbm>> -> memref<632x128xf32, #tpu.memory_space<hbm>>
      %dma_wait3A_14 = arith.constant 0 : i32
      %dma_wait3A_15 = tpu.memref_slice %arg8[%mul3A_2, %dma_wait3A_14] : memref<10112x128xf32, #tpu.memory_space<vmem_shared>> -> memref<632x128xf32, #tpu.memory_space<vmem_shared>>
      tpu.wait_dma2 semaphore(%run_scoped3A : memref<!tpu.dma_semaphore, #tpu.memory_space<semaphore_mem>>) src(%dma_wait3A_15 : memref<632x128xf32, #tpu.memory_space<vmem_shared>>) dst(%dma_wait3A_13 : memref<632x128xf32, #tpu.memory_space<hbm>>)
      tpu.yield
    }) : () -> ()
    return
  }
}

#map = affine_map<(d0, d1) -> (0, 0)>
#map1 = affine_map<(d0, d1) -> (0, 0, 0)>
module attributes {stable_mosaic.version = 14 : i64} {
  func.func @k(%arg0: i32, %arg1: i32, %arg2: memref<10000x128xf32, #tpu.memory_space<hbm>>, %arg3: memref<2688x2x120xi32, #tpu.memory_space<hbm>>, %arg4: memref<10112x128xf32, #tpu.memory_space<hbm>>, %arg5: memref<2x10112x128xf32, #tpu.memory_space<hbm>>, %arg6: memref<2x120xi32, #tpu.memory_space<vmem>>, %arg7: memref<2x120xi32, #tpu.memory_space<vmem>>, %arg8: memref<2x120xi32, #tpu.memory_space<vmem>>, %arg9: memref<2x120xi32, #tpu.memory_space<vmem>>, %arg10: memref<2x120xi32, #tpu.memory_space<vmem>>, %arg11: memref<2x120xi32, #tpu.memory_space<vmem>>, %arg12: memref<120x128xf32, #tpu.memory_space<vmem>>, %arg13: memref<120x128xf32, #tpu.memory_space<vmem>>, %arg14: memref<120x128xf32, #tpu.memory_space<vmem>>, %arg15: memref<10112x128xf32, #tpu.memory_space<vmem_shared>>, %arg16: memref<!tpu.dma_semaphore, #tpu.memory_space<semaphore_mem>>, %arg17: memref<!tpu.dma_semaphore, #tpu.memory_space<semaphore_mem>>, %arg18: memref<!tpu.dma_semaphore, #tpu.memory_space<semaphore_mem>>, %arg19: memref<!tpu.dma_semaphore, #tpu.memory_space<semaphore_mem>>, %arg20: memref<!tpu.dma_semaphore, #tpu.memory_space<semaphore_mem>>, %arg21: memref<!tpu.dma_semaphore, #tpu.memory_space<semaphore_mem>>, %arg22: memref<!tpu.dma_semaphore, #tpu.memory_space<semaphore_mem>>, %arg23: memref<!tpu.dma_semaphore, #tpu.memory_space<semaphore_mem>>, %arg24: memref<!tpu.dma_semaphore, #tpu.memory_space<semaphore_mem>>, %arg25: memref<!tpu.dma_semaphore, #tpu.memory_space<semaphore_mem>>, %arg26: memref<!tpu.dma_semaphore, #tpu.memory_space<semaphore_mem>>, %arg27: memref<!tpu.dma_semaphore, #tpu.memory_space<semaphore_mem>>) attributes {dimension_semantics = [#tpu.dimension_semantics<core_parallel>, #tpu.dimension_semantics<subcore_parallel>], iteration_bounds = array<i64: 2, 16>, scalar_prefetch = 0 : i64, scratch_operands = 22 : i64, tpu.core_type = #tpu.core_type<sc_vector_subcore>, window_params = [{transform_indices = #map}, {transform_indices = #map1}, {transform_indices = #map}, {transform_indices = #map1}]} {
    %mul3A = arith.constant 632 : i32
    %mul3A_0 = arith.muli %arg1, %mul3A : i32
    %eq3A = arith.constant 0 : i32
    %eq3A_1 = arith.cmpi eq, %arg0, %eq3A : i32
    %mul3A_2 = arith.constant 120 : i32
    %mul3A_3 = arith.muli %arg1, %mul3A_2 : i32
    %mul3A_4 = arith.constant 48 : i32
    %mul3A_5 = arith.muli %arg1, %mul3A_4 : i32
    %add3A = arith.constant 1920 : i32
    %add3A_6 = arith.addi %add3A, %mul3A_5 : i32
    %select_n3A = arith.select %eq3A_1, %mul3A_3, %add3A_6 : i32
    %eq3A_7 = arith.constant 0 : i32
    %eq3A_8 = arith.cmpi eq, %arg0, %eq3A_7 : i32
    %jit3A = arith.constant 120 : i32
    %jit3A_9 = arith.constant 48 : i32
    %select_n3A_10 = arith.select %eq3A_8, %jit3A, %jit3A_9 : i32
    "tpu.region"() ({
      %run_scoped3A = tpu.sem_alloc : memref<!tpu.dma_semaphore, #tpu.memory_space<semaphore_mem>>
      %dma_start3A_85 = arith.constant 0 : i32
      %dma_start3A_86 = tpu.memref_slice %arg15[%mul3A_0, %dma_start3A_85] : memref<10112x128xf32, #tpu.memory_space<vmem_shared>> -> memref<632x128xf32, #tpu.memory_space<vmem_shared>>
      %dma_start3A_87 = arith.constant 0 : i32
      %dma_start3A_88 = tpu.memref_slice %arg4[%mul3A_0, %dma_start3A_87] : memref<10112x128xf32, #tpu.memory_space<hbm>> -> memref<632x128xf32, #tpu.memory_space<hbm>>
      tpu.enqueue_dma source(%dma_start3A_88 : memref<632x128xf32, #tpu.memory_space<hbm>>) target(%dma_start3A_86 : memref<632x128xf32, #tpu.memory_space<vmem_shared>>) target_semaphore(%run_scoped3A : memref<!tpu.dma_semaphore, #tpu.memory_space<semaphore_mem>>)
      %dma_wait3A_89 = arith.constant 0 : i32
      %dma_wait3A_90 = tpu.memref_slice %arg15[%mul3A_0, %dma_wait3A_89] : memref<10112x128xf32, #tpu.memory_space<vmem_shared>> -> memref<632x128xf32, #tpu.memory_space<vmem_shared>>
      %dma_wait3A_91 = arith.constant 0 : i32
      %dma_wait3A_92 = tpu.memref_slice %arg4[%mul3A_0, %dma_wait3A_91] : memref<10112x128xf32, #tpu.memory_space<hbm>> -> memref<632x128xf32, #tpu.memory_space<hbm>>
      tpu.wait_dma2 semaphore(%run_scoped3A : memref<!tpu.dma_semaphore, #tpu.memory_space<semaphore_mem>>) src(%dma_wait3A_92 : memref<632x128xf32, #tpu.memory_space<hbm>>) dst(%dma_wait3A_90 : memref<632x128xf32, #tpu.memory_space<vmem_shared>>)
      tpu.yield
    }) : () -> ()
    "tpu.region"() ({
      %run_scoped3A = tpu.sem_alloc : memref<!tpu.dma_semaphore, #tpu.memory_space<semaphore_mem>>
      %dma_start3A_85 = arith.constant 0 : i32
      %dma_start3A_86 = arith.constant 0 : i32
      %dma_start3A_87 = tpu.memref_slice %arg3[%select_n3A, %dma_start3A_85, %dma_start3A_86] : memref<2688x2x120xi32, #tpu.memory_space<hbm>> -> memref<1x2x120xi32, #tpu.memory_space<hbm>>
      %dma_start3A_88 = tpu.memref_squeeze %dma_start3A_87 : memref<1x2x120xi32, #tpu.memory_space<hbm>> -> memref<2x120xi32, #tpu.memory_space<hbm>>
      %dma_start3A_89 = arith.constant 0 : i32
      %dma_start3A_90 = arith.constant 0 : i32
      %dma_start3A_91 = tpu.memref_slice %arg3[%select_n3A, %dma_start3A_89, %dma_start3A_90] : memref<2688x2x120xi32, #tpu.memory_space<hbm>> -> memref<1x2x120xi32, #tpu.memory_space<hbm>>
      %dma_start3A_92 = tpu.memref_squeeze %dma_start3A_91 : memref<1x2x120xi32, #tpu.memory_space<hbm>> -> memref<2x120xi32, #tpu.memory_space<hbm>>
      tpu.enqueue_dma source(%dma_start3A_92 : memref<2x120xi32, #tpu.memory_space<hbm>>) target(%arg6 : memref<2x120xi32, #tpu.memory_space<vmem>>) target_semaphore(%run_scoped3A : memref<!tpu.dma_semaphore, #tpu.memory_space<semaphore_mem>>)
      %dma_wait3A_93 = arith.constant 0 : i32
      %dma_wait3A_94 = arith.constant 0 : i32
      %dma_wait3A_95 = tpu.memref_slice %arg3[%select_n3A, %dma_wait3A_93, %dma_wait3A_94] : memref<2688x2x120xi32, #tpu.memory_space<hbm>> -> memref<1x2x120xi32, #tpu.memory_space<hbm>>
      %dma_wait3A_96 = tpu.memref_squeeze %dma_wait3A_95 : memref<1x2x120xi32, #tpu.memory_space<hbm>> -> memref<2x120xi32, #tpu.memory_space<hbm>>
      %dma_wait3A_97 = arith.constant 0 : i32
      %dma_wait3A_98 = arith.constant 0 : i32
      %dma_wait3A_99 = tpu.memref_slice %arg3[%select_n3A, %dma_wait3A_97, %dma_wait3A_98] : memref<2688x2x120xi32, #tpu.memory_space<hbm>> -> memref<1x2x120xi32, #tpu.memory_space<hbm>>
      %dma_wait3A_100 = tpu.memref_squeeze %dma_wait3A_99 : memref<1x2x120xi32, #tpu.memory_space<hbm>> -> memref<2x120xi32, #tpu.memory_space<hbm>>
      tpu.wait_dma2 semaphore(%run_scoped3A : memref<!tpu.dma_semaphore, #tpu.memory_space<semaphore_mem>>) src(%dma_wait3A_100 : memref<2x120xi32, #tpu.memory_space<hbm>>) dst(%arg6 : memref<2x120xi32, #tpu.memory_space<vmem>>)
      tpu.yield
    }) : () -> ()
    %barrier3A = arith.constant 0 : index
    tpu.barrier barrier_id(%barrier3A)
    %add3A_11 = arith.constant 1 : i32
    %add3A_12 = arith.addi %select_n3A, %add3A_11 : i32
    %dma_start3A = arith.constant 0 : i32
    %dma_start3A_13 = arith.constant 0 : i32
    %dma_start3A_14 = tpu.memref_slice %arg3[%add3A_12, %dma_start3A, %dma_start3A_13] : memref<2688x2x120xi32, #tpu.memory_space<hbm>> -> memref<1x2x120xi32, #tpu.memory_space<hbm>>
    %dma_start3A_15 = tpu.memref_squeeze %dma_start3A_14 : memref<1x2x120xi32, #tpu.memory_space<hbm>> -> memref<2x120xi32, #tpu.memory_space<hbm>>
    %dma_start3A_16 = arith.constant 0 : i32
    %dma_start3A_17 = arith.constant 0 : i32
    %dma_start3A_18 = tpu.memref_slice %arg3[%add3A_12, %dma_start3A_16, %dma_start3A_17] : memref<2688x2x120xi32, #tpu.memory_space<hbm>> -> memref<1x2x120xi32, #tpu.memory_space<hbm>>
    %dma_start3A_19 = tpu.memref_squeeze %dma_start3A_18 : memref<1x2x120xi32, #tpu.memory_space<hbm>> -> memref<2x120xi32, #tpu.memory_space<hbm>>
    tpu.enqueue_dma source(%dma_start3A_19 : memref<2x120xi32, #tpu.memory_space<hbm>>) target(%arg7 : memref<2x120xi32, #tpu.memory_space<vmem>>) target_semaphore(%arg17 : memref<!tpu.dma_semaphore, #tpu.memory_space<semaphore_mem>>)
    %add3A_20 = arith.constant 2 : i32
    %add3A_21 = arith.addi %select_n3A, %add3A_20 : i32
    %dma_start3A_22 = arith.constant 0 : i32
    %dma_start3A_23 = arith.constant 0 : i32
    %dma_start3A_24 = tpu.memref_slice %arg3[%add3A_21, %dma_start3A_22, %dma_start3A_23] : memref<2688x2x120xi32, #tpu.memory_space<hbm>> -> memref<1x2x120xi32, #tpu.memory_space<hbm>>
    %dma_start3A_25 = tpu.memref_squeeze %dma_start3A_24 : memref<1x2x120xi32, #tpu.memory_space<hbm>> -> memref<2x120xi32, #tpu.memory_space<hbm>>
    %dma_start3A_26 = arith.constant 0 : i32
    %dma_start3A_27 = arith.constant 0 : i32
    %dma_start3A_28 = tpu.memref_slice %arg3[%add3A_21, %dma_start3A_26, %dma_start3A_27] : memref<2688x2x120xi32, #tpu.memory_space<hbm>> -> memref<1x2x120xi32, #tpu.memory_space<hbm>>
    %dma_start3A_29 = tpu.memref_squeeze %dma_start3A_28 : memref<1x2x120xi32, #tpu.memory_space<hbm>> -> memref<2x120xi32, #tpu.memory_space<hbm>>
    tpu.enqueue_dma source(%dma_start3A_29 : memref<2x120xi32, #tpu.memory_space<hbm>>) target(%arg8 : memref<2x120xi32, #tpu.memory_space<vmem>>) target_semaphore(%arg18 : memref<!tpu.dma_semaphore, #tpu.memory_space<semaphore_mem>>)
    %add3A_30 = arith.constant 3 : i32
    %add3A_31 = arith.addi %select_n3A, %add3A_30 : i32
    %dma_start3A_32 = arith.constant 0 : i32
    %dma_start3A_33 = arith.constant 0 : i32
    %dma_start3A_34 = tpu.memref_slice %arg3[%add3A_31, %dma_start3A_32, %dma_start3A_33] : memref<2688x2x120xi32, #tpu.memory_space<hbm>> -> memref<1x2x120xi32, #tpu.memory_space<hbm>>
    %dma_start3A_35 = tpu.memref_squeeze %dma_start3A_34 : memref<1x2x120xi32, #tpu.memory_space<hbm>> -> memref<2x120xi32, #tpu.memory_space<hbm>>
    %dma_start3A_36 = arith.constant 0 : i32
    %dma_start3A_37 = arith.constant 0 : i32
    %dma_start3A_38 = tpu.memref_slice %arg3[%add3A_31, %dma_start3A_36, %dma_start3A_37] : memref<2688x2x120xi32, #tpu.memory_space<hbm>> -> memref<1x2x120xi32, #tpu.memory_space<hbm>>
    %dma_start3A_39 = tpu.memref_squeeze %dma_start3A_38 : memref<1x2x120xi32, #tpu.memory_space<hbm>> -> memref<2x120xi32, #tpu.memory_space<hbm>>
    tpu.enqueue_dma source(%dma_start3A_39 : memref<2x120xi32, #tpu.memory_space<hbm>>) target(%arg9 : memref<2x120xi32, #tpu.memory_space<vmem>>) target_semaphore(%arg19 : memref<!tpu.dma_semaphore, #tpu.memory_space<semaphore_mem>>)
    %add3A_40 = arith.constant 4 : i32
    %add3A_41 = arith.addi %select_n3A, %add3A_40 : i32
    %dma_start3A_42 = arith.constant 0 : i32
    %dma_start3A_43 = arith.constant 0 : i32
    %dma_start3A_44 = tpu.memref_slice %arg3[%add3A_41, %dma_start3A_42, %dma_start3A_43] : memref<2688x2x120xi32, #tpu.memory_space<hbm>> -> memref<1x2x120xi32, #tpu.memory_space<hbm>>
    %dma_start3A_45 = tpu.memref_squeeze %dma_start3A_44 : memref<1x2x120xi32, #tpu.memory_space<hbm>> -> memref<2x120xi32, #tpu.memory_space<hbm>>
    %dma_start3A_46 = arith.constant 0 : i32
    %dma_start3A_47 = arith.constant 0 : i32
    %dma_start3A_48 = tpu.memref_slice %arg3[%add3A_41, %dma_start3A_46, %dma_start3A_47] : memref<2688x2x120xi32, #tpu.memory_space<hbm>> -> memref<1x2x120xi32, #tpu.memory_space<hbm>>
    %dma_start3A_49 = tpu.memref_squeeze %dma_start3A_48 : memref<1x2x120xi32, #tpu.memory_space<hbm>> -> memref<2x120xi32, #tpu.memory_space<hbm>>
    tpu.enqueue_dma source(%dma_start3A_49 : memref<2x120xi32, #tpu.memory_space<hbm>>) target(%arg10 : memref<2x120xi32, #tpu.memory_space<vmem>>) target_semaphore(%arg20 : memref<!tpu.dma_semaphore, #tpu.memory_space<semaphore_mem>>)
    %dma_start3A_50 = arith.constant 0 : i32
    %dma_start3A_51 = arith.constant 0 : i32
    %dma_start3A_52 = tpu.memref_slice %arg6[%dma_start3A_50, %dma_start3A_51] : memref<2x120xi32, #tpu.memory_space<vmem>> -> memref<1x120xi32, #tpu.memory_space<vmem>>
    %dma_start3A_53 = tpu.memref_squeeze %dma_start3A_52 : memref<1x120xi32, #tpu.memory_space<vmem>> -> memref<120xi32, #tpu.memory_space<vmem>>
    %dma_start3A_54 = arith.constant 0 : i32
    %dma_start3A_55 = arith.constant 0 : i32
    %dma_start3A_56 = tpu.memref_slice %arg2[%dma_start3A_54, %dma_start3A_55] : memref<10000x128xf32, #tpu.memory_space<hbm>> -> memref<10000x128xf32, #tpu.memory_space<hbm>>
    tpu.enqueue_indirect_dma source(%dma_start3A_56 : memref<10000x128xf32, #tpu.memory_space<hbm>>) target(%arg12 : memref<120x128xf32, #tpu.memory_space<vmem>>) offsets(%dma_start3A_53 : memref<120xi32, #tpu.memory_space<vmem>>) semaphore(%arg22 : memref<!tpu.dma_semaphore, #tpu.memory_space<semaphore_mem>>)
    %add3A_57 = arith.constant 1 : i32
    %add3A_58 = arith.addi %select_n3A, %add3A_57 : i32
    %dma_wait3A = arith.constant 0 : i32
    %dma_wait3A_59 = arith.constant 0 : i32
    %dma_wait3A_60 = tpu.memref_slice %arg3[%add3A_58, %dma_wait3A, %dma_wait3A_59] : memref<2688x2x120xi32, #tpu.memory_space<hbm>> -> memref<1x2x120xi32, #tpu.memory_space<hbm>>
    %dma_wait3A_61 = tpu.memref_squeeze %dma_wait3A_60 : memref<1x2x120xi32, #tpu.memory_space<hbm>> -> memref<2x120xi32, #tpu.memory_space<hbm>>
    %dma_wait3A_62 = arith.constant 0 : i32
    %dma_wait3A_63 = arith.constant 0 : i32
    %dma_wait3A_64 = tpu.memref_slice %arg3[%add3A_58, %dma_wait3A_62, %dma_wait3A_63] : memref<2688x2x120xi32, #tpu.memory_space<hbm>> -> memref<1x2x120xi32, #tpu.memory_space<hbm>>
    %dma_wait3A_65 = tpu.memref_squeeze %dma_wait3A_64 : memref<1x2x120xi32, #tpu.memory_space<hbm>> -> memref<2x120xi32, #tpu.memory_space<hbm>>
    tpu.wait_dma2 semaphore(%arg17 : memref<!tpu.dma_semaphore, #tpu.memory_space<semaphore_mem>>) src(%dma_wait3A_65 : memref<2x120xi32, #tpu.memory_space<hbm>>) dst(%arg7 : memref<2x120xi32, #tpu.memory_space<vmem>>)
    %dma_start3A_66 = arith.constant 0 : i32
    %dma_start3A_67 = arith.constant 0 : i32
    %dma_start3A_68 = tpu.memref_slice %arg7[%dma_start3A_66, %dma_start3A_67] : memref<2x120xi32, #tpu.memory_space<vmem>> -> memref<1x120xi32, #tpu.memory_space<vmem>>
    %dma_start3A_69 = tpu.memref_squeeze %dma_start3A_68 : memref<1x120xi32, #tpu.memory_space<vmem>> -> memref<120xi32, #tpu.memory_space<vmem>>
    %dma_start3A_70 = arith.constant 0 : i32
    %dma_start3A_71 = arith.constant 0 : i32
    %dma_start3A_72 = tpu.memref_slice %arg2[%dma_start3A_70, %dma_start3A_71] : memref<10000x128xf32, #tpu.memory_space<hbm>> -> memref<10000x128xf32, #tpu.memory_space<hbm>>
    tpu.enqueue_indirect_dma source(%dma_start3A_72 : memref<10000x128xf32, #tpu.memory_space<hbm>>) target(%arg13 : memref<120x128xf32, #tpu.memory_space<vmem>>) offsets(%dma_start3A_69 : memref<120xi32, #tpu.memory_space<vmem>>) semaphore(%arg23 : memref<!tpu.dma_semaphore, #tpu.memory_space<semaphore_mem>>)
    %scan3A = arith.constant 0 : i32
    %scan3A_73 = arith.constant 20 : i32
    %scan3A_74 = arith.addi %scan3A, %scan3A_73 : i32
    %scan3A_75 = arith.constant 1 : i32
    scf.for %scan3A_85 = %scan3A to %scan3A_74 step %scan3A_75  : i32 {
      %mul3A_86 = arith.constant 6 : i32
      %mul3A_87 = arith.muli %scan3A_85, %mul3A_86 : i32
      %add3A_88 = arith.constant 0 : i32
      %add3A_89 = arith.addi %add3A_88, %mul3A_87 : i32
      %add3A_90 = arith.constant 0 : i32
      %add3A_91 = arith.addi %add3A_89, %add3A_90 : i32
      %lt3A = arith.cmpi slt, %add3A_91, %select_n3A_10 : i32
      %add3A_92 = arith.constant 0 : i32
      %add3A_93 = arith.addi %add3A_89, %add3A_92 : i32
      %convert_element_type3A = arith.extui %lt3A : i1 to i32
      %cond3A = arith.constant 0 : i32
      %cond3A_94 = arith.cmpi ne, %convert_element_type3A, %cond3A : i32
      scf.if %cond3A_94 {
        %dma_wait3A_135 = arith.constant 0 : i32
        %dma_wait3A_136 = arith.constant 0 : i32
        %dma_wait3A_137 = tpu.memref_slice %arg6[%dma_wait3A_135, %dma_wait3A_136] : memref<2x120xi32, #tpu.memory_space<vmem>> -> memref<1x120xi32, #tpu.memory_space<vmem>>
        %dma_wait3A_138 = tpu.memref_squeeze %dma_wait3A_137 : memref<1x120xi32, #tpu.memory_space<vmem>> -> memref<120xi32, #tpu.memory_space<vmem>>
        %dma_wait3A_139 = arith.constant 0 : i32
        %dma_wait3A_140 = arith.constant 0 : i32
        %dma_wait3A_141 = tpu.memref_slice %arg2[%dma_wait3A_139, %dma_wait3A_140] : memref<10000x128xf32, #tpu.memory_space<hbm>> -> memref<10000x128xf32, #tpu.memory_space<hbm>>
        tpu.wait_indirect_dma semaphore(%arg22 : memref<!tpu.dma_semaphore, #tpu.memory_space<semaphore_mem>>) src(%dma_wait3A_141 : memref<10000x128xf32, #tpu.memory_space<hbm>>) dst(%arg12 : memref<120x128xf32, #tpu.memory_space<vmem>>)
        %dma_start3A_142 = arith.constant 1 : i32
        %dma_start3A_143 = arith.constant 0 : i32
        %dma_start3A_144 = tpu.memref_slice %arg6[%dma_start3A_142, %dma_start3A_143] : memref<2x120xi32, #tpu.memory_space<vmem>> -> memref<1x120xi32, #tpu.memory_space<vmem>>
        %dma_start3A_145 = tpu.memref_squeeze %dma_start3A_144 : memref<1x120xi32, #tpu.memory_space<vmem>> -> memref<120xi32, #tpu.memory_space<vmem>>
        %dma_start3A_146 = arith.constant 0 : i32
        %dma_start3A_147 = arith.constant 0 : i32
        %dma_start3A_148 = tpu.memref_slice %arg15[%dma_start3A_146, %dma_start3A_147] : memref<10112x128xf32, #tpu.memory_space<vmem_shared>> -> memref<10112x128xf32, #tpu.memory_space<vmem_shared>>
        tpu.enqueue_indirect_dma source(%arg12 : memref<120x128xf32, #tpu.memory_space<vmem>>) target(%dma_start3A_148 : memref<10112x128xf32, #tpu.memory_space<vmem_shared>>) offsets(%dma_start3A_145 : memref<120xi32, #tpu.memory_space<vmem>>) semaphore(%arg25 : memref<!tpu.dma_semaphore, #tpu.memory_space<semaphore_mem>>) {add = true}
        %ge3A = arith.constant 1 : i32
        %ge3A_149 = arith.cmpi sge, %add3A_93, %ge3A : i32
        %convert_element_type3A_150 = arith.extui %ge3A_149 : i1 to i32
        %cond3A_151 = arith.constant 0 : i32
        %cond3A_152 = arith.cmpi ne, %convert_element_type3A_150, %cond3A_151 : i32
        scf.if %cond3A_152 {
          %dma_wait3A_165 = arith.constant 1 : i32
          %dma_wait3A_166 = arith.constant 0 : i32
          %dma_wait3A_167 = tpu.memref_slice %arg11[%dma_wait3A_165, %dma_wait3A_166] : memref<2x120xi32, #tpu.memory_space<vmem>> -> memref<1x120xi32, #tpu.memory_space<vmem>>
          %dma_wait3A_168 = tpu.memref_squeeze %dma_wait3A_167 : memref<1x120xi32, #tpu.memory_space<vmem>> -> memref<120xi32, #tpu.memory_space<vmem>>
          %dma_wait3A_169 = arith.constant 0 : i32
          %dma_wait3A_170 = arith.constant 0 : i32
          %dma_wait3A_171 = tpu.memref_slice %arg15[%dma_wait3A_169, %dma_wait3A_170] : memref<10112x128xf32, #tpu.memory_space<vmem_shared>> -> memref<10112x128xf32, #tpu.memory_space<vmem_shared>>
          tpu.wait_indirect_dma semaphore(%arg27 : memref<!tpu.dma_semaphore, #tpu.memory_space<semaphore_mem>>) src(%arg14 : memref<120x128xf32, #tpu.memory_space<vmem>>) dst(%dma_wait3A_171 : memref<10112x128xf32, #tpu.memory_space<vmem_shared>>)
        } else {
        }
        %add3A_153 = arith.constant 2 : i32
        %add3A_154 = arith.addi %add3A_93, %add3A_153 : i32
        %lt3A_155 = arith.cmpi slt, %add3A_154, %select_n3A_10 : i32
        %convert_element_type3A_156 = arith.extui %lt3A_155 : i1 to i32
        %cond3A_157 = arith.constant 0 : i32
        %cond3A_158 = arith.cmpi ne, %convert_element_type3A_156, %cond3A_157 : i32
        scf.if %cond3A_158 {
          %add3A_165 = arith.addi %select_n3A, %add3A_93 : i32
          %add3A_166 = arith.constant 2 : i32
          %add3A_167 = arith.addi %add3A_165, %add3A_166 : i32
          %dma_wait3A_168 = arith.constant 0 : i32
          %dma_wait3A_169 = arith.constant 0 : i32
          %dma_wait3A_170 = tpu.memref_slice %arg3[%add3A_167, %dma_wait3A_168, %dma_wait3A_169] : memref<2688x2x120xi32, #tpu.memory_space<hbm>> -> memref<1x2x120xi32, #tpu.memory_space<hbm>>
          %dma_wait3A_171 = tpu.memref_squeeze %dma_wait3A_170 : memref<1x2x120xi32, #tpu.memory_space<hbm>> -> memref<2x120xi32, #tpu.memory_space<hbm>>
          %dma_wait3A_172 = arith.constant 0 : i32
          %dma_wait3A_173 = arith.constant 0 : i32
          %dma_wait3A_174 = tpu.memref_slice %arg3[%add3A_167, %dma_wait3A_172, %dma_wait3A_173] : memref<2688x2x120xi32, #tpu.memory_space<hbm>> -> memref<1x2x120xi32, #tpu.memory_space<hbm>>
          %dma_wait3A_175 = tpu.memref_squeeze %dma_wait3A_174 : memref<1x2x120xi32, #tpu.memory_space<hbm>> -> memref<2x120xi32, #tpu.memory_space<hbm>>
          tpu.wait_dma2 semaphore(%arg18 : memref<!tpu.dma_semaphore, #tpu.memory_space<semaphore_mem>>) src(%dma_wait3A_175 : memref<2x120xi32, #tpu.memory_space<hbm>>) dst(%arg8 : memref<2x120xi32, #tpu.memory_space<vmem>>)
          %dma_start3A_176 = arith.constant 0 : i32
          %dma_start3A_177 = arith.constant 0 : i32
          %dma_start3A_178 = tpu.memref_slice %arg8[%dma_start3A_176, %dma_start3A_177] : memref<2x120xi32, #tpu.memory_space<vmem>> -> memref<1x120xi32, #tpu.memory_space<vmem>>
          %dma_start3A_179 = tpu.memref_squeeze %dma_start3A_178 : memref<1x120xi32, #tpu.memory_space<vmem>> -> memref<120xi32, #tpu.memory_space<vmem>>
          %dma_start3A_180 = arith.constant 0 : i32
          %dma_start3A_181 = arith.constant 0 : i32
          %dma_start3A_182 = tpu.memref_slice %arg2[%dma_start3A_180, %dma_start3A_181] : memref<10000x128xf32, #tpu.memory_space<hbm>> -> memref<10000x128xf32, #tpu.memory_space<hbm>>
          tpu.enqueue_indirect_dma source(%dma_start3A_182 : memref<10000x128xf32, #tpu.memory_space<hbm>>) target(%arg14 : memref<120x128xf32, #tpu.memory_space<vmem>>) offsets(%dma_start3A_179 : memref<120xi32, #tpu.memory_space<vmem>>) semaphore(%arg24 : memref<!tpu.dma_semaphore, #tpu.memory_space<semaphore_mem>>)
        } else {
        }
        %add3A_159 = arith.constant 5 : i32
        %add3A_160 = arith.addi %add3A_93, %add3A_159 : i32
        %lt3A_161 = arith.cmpi slt, %add3A_160, %select_n3A_10 : i32
        %convert_element_type3A_162 = arith.extui %lt3A_161 : i1 to i32
        %cond3A_163 = arith.constant 0 : i32
        %cond3A_164 = arith.cmpi ne, %convert_element_type3A_162, %cond3A_163 : i32
        scf.if %cond3A_164 {
          %add3A_165 = arith.addi %select_n3A, %add3A_93 : i32
          %add3A_166 = arith.constant 5 : i32
          %add3A_167 = arith.addi %add3A_165, %add3A_166 : i32
          %dma_start3A_168 = arith.constant 0 : i32
          %dma_start3A_169 = arith.constant 0 : i32
          %dma_start3A_170 = tpu.memref_slice %arg3[%add3A_167, %dma_start3A_168, %dma_start3A_169] : memref<2688x2x120xi32, #tpu.memory_space<hbm>> -> memref<1x2x120xi32, #tpu.memory_space<hbm>>
          %dma_start3A_171 = tpu.memref_squeeze %dma_start3A_170 : memref<1x2x120xi32, #tpu.memory_space<hbm>> -> memref<2x120xi32, #tpu.memory_space<hbm>>
          %dma_start3A_172 = arith.constant 0 : i32
          %dma_start3A_173 = arith.constant 0 : i32
          %dma_start3A_174 = tpu.memref_slice %arg3[%add3A_167, %dma_start3A_172, %dma_start3A_173] : memref<2688x2x120xi32, #tpu.memory_space<hbm>> -> memref<1x2x120xi32, #tpu.memory_space<hbm>>
          %dma_start3A_175 = tpu.memref_squeeze %dma_start3A_174 : memref<1x2x120xi32, #tpu.memory_space<hbm>> -> memref<2x120xi32, #tpu.memory_space<hbm>>
          tpu.enqueue_dma source(%dma_start3A_175 : memref<2x120xi32, #tpu.memory_space<hbm>>) target(%arg11 : memref<2x120xi32, #tpu.memory_space<vmem>>) target_semaphore(%arg21 : memref<!tpu.dma_semaphore, #tpu.memory_space<semaphore_mem>>)
        } else {
        }
      } else {
      }
      %add3A_95 = arith.constant 1 : i32
      %add3A_96 = arith.addi %add3A_89, %add3A_95 : i32
      %lt3A_97 = arith.cmpi slt, %add3A_96, %select_n3A_10 : i32
      %add3A_98 = arith.constant 1 : i32
      %add3A_99 = arith.addi %add3A_89, %add3A_98 : i32
      %convert_element_type3A_100 = arith.extui %lt3A_97 : i1 to i32
      %cond3A_101 = arith.constant 0 : i32
      %cond3A_102 = arith.cmpi ne, %convert_element_type3A_100, %cond3A_101 : i32
      scf.if %cond3A_102 {
        %dma_wait3A_135 = arith.constant 0 : i32
        %dma_wait3A_136 = arith.constant 0 : i32
        %dma_wait3A_137 = tpu.memref_slice %arg7[%dma_wait3A_135, %dma_wait3A_136] : memref<2x120xi32, #tpu.memory_space<vmem>> -> memref<1x120xi32, #tpu.memory_space<vmem>>
        %dma_wait3A_138 = tpu.memref_squeeze %dma_wait3A_137 : memref<1x120xi32, #tpu.memory_space<vmem>> -> memref<120xi32, #tpu.memory_space<vmem>>
        %dma_wait3A_139 = arith.constant 0 : i32
        %dma_wait3A_140 = arith.constant 0 : i32
        %dma_wait3A_141 = tpu.memref_slice %arg2[%dma_wait3A_139, %dma_wait3A_140] : memref<10000x128xf32, #tpu.memory_space<hbm>> -> memref<10000x128xf32, #tpu.memory_space<hbm>>
        tpu.wait_indirect_dma semaphore(%arg23 : memref<!tpu.dma_semaphore, #tpu.memory_space<semaphore_mem>>) src(%dma_wait3A_141 : memref<10000x128xf32, #tpu.memory_space<hbm>>) dst(%arg13 : memref<120x128xf32, #tpu.memory_space<vmem>>)
        %dma_start3A_142 = arith.constant 1 : i32
        %dma_start3A_143 = arith.constant 0 : i32
        %dma_start3A_144 = tpu.memref_slice %arg7[%dma_start3A_142, %dma_start3A_143] : memref<2x120xi32, #tpu.memory_space<vmem>> -> memref<1x120xi32, #tpu.memory_space<vmem>>
        %dma_start3A_145 = tpu.memref_squeeze %dma_start3A_144 : memref<1x120xi32, #tpu.memory_space<vmem>> -> memref<120xi32, #tpu.memory_space<vmem>>
        %dma_start3A_146 = arith.constant 0 : i32
        %dma_start3A_147 = arith.constant 0 : i32
        %dma_start3A_148 = tpu.memref_slice %arg15[%dma_start3A_146, %dma_start3A_147] : memref<10112x128xf32, #tpu.memory_space<vmem_shared>> -> memref<10112x128xf32, #tpu.memory_space<vmem_shared>>
        tpu.enqueue_indirect_dma source(%arg13 : memref<120x128xf32, #tpu.memory_space<vmem>>) target(%dma_start3A_148 : memref<10112x128xf32, #tpu.memory_space<vmem_shared>>) offsets(%dma_start3A_145 : memref<120xi32, #tpu.memory_space<vmem>>) semaphore(%arg26 : memref<!tpu.dma_semaphore, #tpu.memory_space<semaphore_mem>>) {add = true}
        %ge3A = arith.constant 1 : i32
        %ge3A_149 = arith.cmpi sge, %add3A_99, %ge3A : i32
        %convert_element_type3A_150 = arith.extui %ge3A_149 : i1 to i32
        %cond3A_151 = arith.constant 0 : i32
        %cond3A_152 = arith.cmpi ne, %convert_element_type3A_150, %cond3A_151 : i32
        scf.if %cond3A_152 {
          %dma_wait3A_165 = arith.constant 1 : i32
          %dma_wait3A_166 = arith.constant 0 : i32
          %dma_wait3A_167 = tpu.memref_slice %arg6[%dma_wait3A_165, %dma_wait3A_166] : memref<2x120xi32, #tpu.memory_space<vmem>> -> memref<1x120xi32, #tpu.memory_space<vmem>>
          %dma_wait3A_168 = tpu.memref_squeeze %dma_wait3A_167 : memref<1x120xi32, #tpu.memory_space<vmem>> -> memref<120xi32, #tpu.memory_space<vmem>>
          %dma_wait3A_169 = arith.constant 0 : i32
          %dma_wait3A_170 = arith.constant 0 : i32
          %dma_wait3A_171 = tpu.memref_slice %arg15[%dma_wait3A_169, %dma_wait3A_170] : memref<10112x128xf32, #tpu.memory_space<vmem_shared>> -> memref<10112x128xf32, #tpu.memory_space<vmem_shared>>
          tpu.wait_indirect_dma semaphore(%arg25 : memref<!tpu.dma_semaphore, #tpu.memory_space<semaphore_mem>>) src(%arg12 : memref<120x128xf32, #tpu.memory_space<vmem>>) dst(%dma_wait3A_171 : memref<10112x128xf32, #tpu.memory_space<vmem_shared>>)
        } else {
        }
        %add3A_153 = arith.constant 2 : i32
        %add3A_154 = arith.addi %add3A_99, %add3A_153 : i32
        %lt3A_155 = arith.cmpi slt, %add3A_154, %select_n3A_10 : i32
        %convert_element_type3A_156 = arith.extui %lt3A_155 : i1 to i32
        %cond3A_157 = arith.constant 0 : i32
        %cond3A_158 = arith.cmpi ne, %convert_element_type3A_156, %cond3A_157 : i32
        scf.if %cond3A_158 {
          %add3A_165 = arith.addi %select_n3A, %add3A_99 : i32
          %add3A_166 = arith.constant 2 : i32
          %add3A_167 = arith.addi %add3A_165, %add3A_166 : i32
          %dma_wait3A_168 = arith.constant 0 : i32
          %dma_wait3A_169 = arith.constant 0 : i32
          %dma_wait3A_170 = tpu.memref_slice %arg3[%add3A_167, %dma_wait3A_168, %dma_wait3A_169] : memref<2688x2x120xi32, #tpu.memory_space<hbm>> -> memref<1x2x120xi32, #tpu.memory_space<hbm>>
          %dma_wait3A_171 = tpu.memref_squeeze %dma_wait3A_170 : memref<1x2x120xi32, #tpu.memory_space<hbm>> -> memref<2x120xi32, #tpu.memory_space<hbm>>
          %dma_wait3A_172 = arith.constant 0 : i32
          %dma_wait3A_173 = arith.constant 0 : i32
          %dma_wait3A_174 = tpu.memref_slice %arg3[%add3A_167, %dma_wait3A_172, %dma_wait3A_173] : memref<2688x2x120xi32, #tpu.memory_space<hbm>> -> memref<1x2x120xi32, #tpu.memory_space<hbm>>
          %dma_wait3A_175 = tpu.memref_squeeze %dma_wait3A_174 : memref<1x2x120xi32, #tpu.memory_space<hbm>> -> memref<2x120xi32, #tpu.memory_space<hbm>>
          tpu.wait_dma2 semaphore(%arg19 : memref<!tpu.dma_semaphore, #tpu.memory_space<semaphore_mem>>) src(%dma_wait3A_175 : memref<2x120xi32, #tpu.memory_space<hbm>>) dst(%arg9 : memref<2x120xi32, #tpu.memory_space<vmem>>)
          %dma_start3A_176 = arith.constant 0 : i32
          %dma_start3A_177 = arith.constant 0 : i32
          %dma_start3A_178 = tpu.memref_slice %arg9[%dma_start3A_176, %dma_start3A_177] : memref<2x120xi32, #tpu.memory_space<vmem>> -> memref<1x120xi32, #tpu.memory_space<vmem>>
          %dma_start3A_179 = tpu.memref_squeeze %dma_start3A_178 : memref<1x120xi32, #tpu.memory_space<vmem>> -> memref<120xi32, #tpu.memory_space<vmem>>
          %dma_start3A_180 = arith.constant 0 : i32
          %dma_start3A_181 = arith.constant 0 : i32
          %dma_start3A_182 = tpu.memref_slice %arg2[%dma_start3A_180, %dma_start3A_181] : memref<10000x128xf32, #tpu.memory_space<hbm>> -> memref<10000x128xf32, #tpu.memory_space<hbm>>
          tpu.enqueue_indirect_dma source(%dma_start3A_182 : memref<10000x128xf32, #tpu.memory_space<hbm>>) target(%arg12 : memref<120x128xf32, #tpu.memory_space<vmem>>) offsets(%dma_start3A_179 : memref<120xi32, #tpu.memory_space<vmem>>) semaphore(%arg22 : memref<!tpu.dma_semaphore, #tpu.memory_space<semaphore_mem>>)
        } else {
        }
        %add3A_159 = arith.constant 5 : i32
        %add3A_160 = arith.addi %add3A_99, %add3A_159 : i32
        %lt3A_161 = arith.cmpi slt, %add3A_160, %select_n3A_10 : i32
        %convert_element_type3A_162 = arith.extui %lt3A_161 : i1 to i32
        %cond3A_163 = arith.constant 0 : i32
        %cond3A_164 = arith.cmpi ne, %convert_element_type3A_162, %cond3A_163 : i32
        scf.if %cond3A_164 {
          %add3A_165 = arith.addi %select_n3A, %add3A_99 : i32
          %add3A_166 = arith.constant 5 : i32
          %add3A_167 = arith.addi %add3A_165, %add3A_166 : i32
          %dma_start3A_168 = arith.constant 0 : i32
          %dma_start3A_169 = arith.constant 0 : i32
          %dma_start3A_170 = tpu.memref_slice %arg3[%add3A_167, %dma_start3A_168, %dma_start3A_169] : memref<2688x2x120xi32, #tpu.memory_space<hbm>> -> memref<1x2x120xi32, #tpu.memory_space<hbm>>
          %dma_start3A_171 = tpu.memref_squeeze %dma_start3A_170 : memref<1x2x120xi32, #tpu.memory_space<hbm>> -> memref<2x120xi32, #tpu.memory_space<hbm>>
          %dma_start3A_172 = arith.constant 0 : i32
          %dma_start3A_173 = arith.constant 0 : i32
          %dma_start3A_174 = tpu.memref_slice %arg3[%add3A_167, %dma_start3A_172, %dma_start3A_173] : memref<2688x2x120xi32, #tpu.memory_space<hbm>> -> memref<1x2x120xi32, #tpu.memory_space<hbm>>
          %dma_start3A_175 = tpu.memref_squeeze %dma_start3A_174 : memref<1x2x120xi32, #tpu.memory_space<hbm>> -> memref<2x120xi32, #tpu.memory_space<hbm>>
          tpu.enqueue_dma source(%dma_start3A_175 : memref<2x120xi32, #tpu.memory_space<hbm>>) target(%arg6 : memref<2x120xi32, #tpu.memory_space<vmem>>) target_semaphore(%arg16 : memref<!tpu.dma_semaphore, #tpu.memory_space<semaphore_mem>>)
        } else {
        }
      } else {
      }
      %add3A_103 = arith.constant 2 : i32
      %add3A_104 = arith.addi %add3A_89, %add3A_103 : i32
      %lt3A_105 = arith.cmpi slt, %add3A_104, %select_n3A_10 : i32
      %add3A_106 = arith.constant 2 : i32
      %add3A_107 = arith.addi %add3A_89, %add3A_106 : i32
      %convert_element_type3A_108 = arith.extui %lt3A_105 : i1 to i32
      %cond3A_109 = arith.constant 0 : i32
      %cond3A_110 = arith.cmpi ne, %convert_element_type3A_108, %cond3A_109 : i32
      scf.if %cond3A_110 {
        %dma_wait3A_135 = arith.constant 0 : i32
        %dma_wait3A_136 = arith.constant 0 : i32
        %dma_wait3A_137 = tpu.memref_slice %arg8[%dma_wait3A_135, %dma_wait3A_136] : memref<2x120xi32, #tpu.memory_space<vmem>> -> memref<1x120xi32, #tpu.memory_space<vmem>>
        %dma_wait3A_138 = tpu.memref_squeeze %dma_wait3A_137 : memref<1x120xi32, #tpu.memory_space<vmem>> -> memref<120xi32, #tpu.memory_space<vmem>>
        %dma_wait3A_139 = arith.constant 0 : i32
        %dma_wait3A_140 = arith.constant 0 : i32
        %dma_wait3A_141 = tpu.memref_slice %arg2[%dma_wait3A_139, %dma_wait3A_140] : memref<10000x128xf32, #tpu.memory_space<hbm>> -> memref<10000x128xf32, #tpu.memory_space<hbm>>
        tpu.wait_indirect_dma semaphore(%arg24 : memref<!tpu.dma_semaphore, #tpu.memory_space<semaphore_mem>>) src(%dma_wait3A_141 : memref<10000x128xf32, #tpu.memory_space<hbm>>) dst(%arg14 : memref<120x128xf32, #tpu.memory_space<vmem>>)
        %dma_start3A_142 = arith.constant 1 : i32
        %dma_start3A_143 = arith.constant 0 : i32
        %dma_start3A_144 = tpu.memref_slice %arg8[%dma_start3A_142, %dma_start3A_143] : memref<2x120xi32, #tpu.memory_space<vmem>> -> memref<1x120xi32, #tpu.memory_space<vmem>>
        %dma_start3A_145 = tpu.memref_squeeze %dma_start3A_144 : memref<1x120xi32, #tpu.memory_space<vmem>> -> memref<120xi32, #tpu.memory_space<vmem>>
        %dma_start3A_146 = arith.constant 0 : i32
        %dma_start3A_147 = arith.constant 0 : i32
        %dma_start3A_148 = tpu.memref_slice %arg15[%dma_start3A_146, %dma_start3A_147] : memref<10112x128xf32, #tpu.memory_space<vmem_shared>> -> memref<10112x128xf32, #tpu.memory_space<vmem_shared>>
        tpu.enqueue_indirect_dma source(%arg14 : memref<120x128xf32, #tpu.memory_space<vmem>>) target(%dma_start3A_148 : memref<10112x128xf32, #tpu.memory_space<vmem_shared>>) offsets(%dma_start3A_145 : memref<120xi32, #tpu.memory_space<vmem>>) semaphore(%arg27 : memref<!tpu.dma_semaphore, #tpu.memory_space<semaphore_mem>>) {add = true}
        %ge3A = arith.constant 1 : i32
        %ge3A_149 = arith.cmpi sge, %add3A_107, %ge3A : i32
        %convert_element_type3A_150 = arith.extui %ge3A_149 : i1 to i32
        %cond3A_151 = arith.constant 0 : i32
        %cond3A_152 = arith.cmpi ne, %convert_element_type3A_150, %cond3A_151 : i32
        scf.if %cond3A_152 {
          %dma_wait3A_165 = arith.constant 1 : i32
          %dma_wait3A_166 = arith.constant 0 : i32
          %dma_wait3A_167 = tpu.memref_slice %arg7[%dma_wait3A_165, %dma_wait3A_166] : memref<2x120xi32, #tpu.memory_space<vmem>> -> memref<1x120xi32, #tpu.memory_space<vmem>>
          %dma_wait3A_168 = tpu.memref_squeeze %dma_wait3A_167 : memref<1x120xi32, #tpu.memory_space<vmem>> -> memref<120xi32, #tpu.memory_space<vmem>>
          %dma_wait3A_169 = arith.constant 0 : i32
          %dma_wait3A_170 = arith.constant 0 : i32
          %dma_wait3A_171 = tpu.memref_slice %arg15[%dma_wait3A_169, %dma_wait3A_170] : memref<10112x128xf32, #tpu.memory_space<vmem_shared>> -> memref<10112x128xf32, #tpu.memory_space<vmem_shared>>
          tpu.wait_indirect_dma semaphore(%arg26 : memref<!tpu.dma_semaphore, #tpu.memory_space<semaphore_mem>>) src(%arg13 : memref<120x128xf32, #tpu.memory_space<vmem>>) dst(%dma_wait3A_171 : memref<10112x128xf32, #tpu.memory_space<vmem_shared>>)
        } else {
        }
        %add3A_153 = arith.constant 2 : i32
        %add3A_154 = arith.addi %add3A_107, %add3A_153 : i32
        %lt3A_155 = arith.cmpi slt, %add3A_154, %select_n3A_10 : i32
        %convert_element_type3A_156 = arith.extui %lt3A_155 : i1 to i32
        %cond3A_157 = arith.constant 0 : i32
        %cond3A_158 = arith.cmpi ne, %convert_element_type3A_156, %cond3A_157 : i32
        scf.if %cond3A_158 {
          %add3A_165 = arith.addi %select_n3A, %add3A_107 : i32
          %add3A_166 = arith.constant 2 : i32
          %add3A_167 = arith.addi %add3A_165, %add3A_166 : i32
          %dma_wait3A_168 = arith.constant 0 : i32
          %dma_wait3A_169 = arith.constant 0 : i32
          %dma_wait3A_170 = tpu.memref_slice %arg3[%add3A_167, %dma_wait3A_168, %dma_wait3A_169] : memref<2688x2x120xi32, #tpu.memory_space<hbm>> -> memref<1x2x120xi32, #tpu.memory_space<hbm>>
          %dma_wait3A_171 = tpu.memref_squeeze %dma_wait3A_170 : memref<1x2x120xi32, #tpu.memory_space<hbm>> -> memref<2x120xi32, #tpu.memory_space<hbm>>
          %dma_wait3A_172 = arith.constant 0 : i32
          %dma_wait3A_173 = arith.constant 0 : i32
          %dma_wait3A_174 = tpu.memref_slice %arg3[%add3A_167, %dma_wait3A_172, %dma_wait3A_173] : memref<2688x2x120xi32, #tpu.memory_space<hbm>> -> memref<1x2x120xi32, #tpu.memory_space<hbm>>
          %dma_wait3A_175 = tpu.memref_squeeze %dma_wait3A_174 : memref<1x2x120xi32, #tpu.memory_space<hbm>> -> memref<2x120xi32, #tpu.memory_space<hbm>>
          tpu.wait_dma2 semaphore(%arg20 : memref<!tpu.dma_semaphore, #tpu.memory_space<semaphore_mem>>) src(%dma_wait3A_175 : memref<2x120xi32, #tpu.memory_space<hbm>>) dst(%arg10 : memref<2x120xi32, #tpu.memory_space<vmem>>)
          %dma_start3A_176 = arith.constant 0 : i32
          %dma_start3A_177 = arith.constant 0 : i32
          %dma_start3A_178 = tpu.memref_slice %arg10[%dma_start3A_176, %dma_start3A_177] : memref<2x120xi32, #tpu.memory_space<vmem>> -> memref<1x120xi32, #tpu.memory_space<vmem>>
          %dma_start3A_179 = tpu.memref_squeeze %dma_start3A_178 : memref<1x120xi32, #tpu.memory_space<vmem>> -> memref<120xi32, #tpu.memory_space<vmem>>
          %dma_start3A_180 = arith.constant 0 : i32
          %dma_start3A_181 = arith.constant 0 : i32
          %dma_start3A_182 = tpu.memref_slice %arg2[%dma_start3A_180, %dma_start3A_181] : memref<10000x128xf32, #tpu.memory_space<hbm>> -> memref<10000x128xf32, #tpu.memory_space<hbm>>
          tpu.enqueue_indirect_dma source(%dma_start3A_182 : memref<10000x128xf32, #tpu.memory_space<hbm>>) target(%arg13 : memref<120x128xf32, #tpu.memory_space<vmem>>) offsets(%dma_start3A_179 : memref<120xi32, #tpu.memory_space<vmem>>) semaphore(%arg23 : memref<!tpu.dma_semaphore, #tpu.memory_space<semaphore_mem>>)
        } else {
        }
        %add3A_159 = arith.constant 5 : i32
        %add3A_160 = arith.addi %add3A_107, %add3A_159 : i32
        %lt3A_161 = arith.cmpi slt, %add3A_160, %select_n3A_10 : i32
        %convert_element_type3A_162 = arith.extui %lt3A_161 : i1 to i32
        %cond3A_163 = arith.constant 0 : i32
        %cond3A_164 = arith.cmpi ne, %convert_element_type3A_162, %cond3A_163 : i32
        scf.if %cond3A_164 {
          %add3A_165 = arith.addi %select_n3A, %add3A_107 : i32
          %add3A_166 = arith.constant 5 : i32
          %add3A_167 = arith.addi %add3A_165, %add3A_166 : i32
          %dma_start3A_168 = arith.constant 0 : i32
          %dma_start3A_169 = arith.constant 0 : i32
          %dma_start3A_170 = tpu.memref_slice %arg3[%add3A_167, %dma_start3A_168, %dma_start3A_169] : memref<2688x2x120xi32, #tpu.memory_space<hbm>> -> memref<1x2x120xi32, #tpu.memory_space<hbm>>
          %dma_start3A_171 = tpu.memref_squeeze %dma_start3A_170 : memref<1x2x120xi32, #tpu.memory_space<hbm>> -> memref<2x120xi32, #tpu.memory_space<hbm>>
          %dma_start3A_172 = arith.constant 0 : i32
          %dma_start3A_173 = arith.constant 0 : i32
          %dma_start3A_174 = tpu.memref_slice %arg3[%add3A_167, %dma_start3A_172, %dma_start3A_173] : memref<2688x2x120xi32, #tpu.memory_space<hbm>> -> memref<1x2x120xi32, #tpu.memory_space<hbm>>
          %dma_start3A_175 = tpu.memref_squeeze %dma_start3A_174 : memref<1x2x120xi32, #tpu.memory_space<hbm>> -> memref<2x120xi32, #tpu.memory_space<hbm>>
          tpu.enqueue_dma source(%dma_start3A_175 : memref<2x120xi32, #tpu.memory_space<hbm>>) target(%arg7 : memref<2x120xi32, #tpu.memory_space<vmem>>) target_semaphore(%arg17 : memref<!tpu.dma_semaphore, #tpu.memory_space<semaphore_mem>>)
        } else {
        }
      } else {
      }
      %add3A_111 = arith.constant 3 : i32
      %add3A_112 = arith.addi %add3A_89, %add3A_111 : i32
      %lt3A_113 = arith.cmpi slt, %add3A_112, %select_n3A_10 : i32
      %add3A_114 = arith.constant 3 : i32
      %add3A_115 = arith.addi %add3A_89, %add3A_114 : i32
      %convert_element_type3A_116 = arith.extui %lt3A_113 : i1 to i32
      %cond3A_117 = arith.constant 0 : i32
      %cond3A_118 = arith.cmpi ne, %convert_element_type3A_116, %cond3A_117 : i32
      scf.if %cond3A_118 {
        %dma_wait3A_135 = arith.constant 0 : i32
        %dma_wait3A_136 = arith.constant 0 : i32
        %dma_wait3A_137 = tpu.memref_slice %arg9[%dma_wait3A_135, %dma_wait3A_136] : memref<2x120xi32, #tpu.memory_space<vmem>> -> memref<1x120xi32, #tpu.memory_space<vmem>>
        %dma_wait3A_138 = tpu.memref_squeeze %dma_wait3A_137 : memref<1x120xi32, #tpu.memory_space<vmem>> -> memref<120xi32, #tpu.memory_space<vmem>>
        %dma_wait3A_139 = arith.constant 0 : i32
        %dma_wait3A_140 = arith.constant 0 : i32
        %dma_wait3A_141 = tpu.memref_slice %arg2[%dma_wait3A_139, %dma_wait3A_140] : memref<10000x128xf32, #tpu.memory_space<hbm>> -> memref<10000x128xf32, #tpu.memory_space<hbm>>
        tpu.wait_indirect_dma semaphore(%arg22 : memref<!tpu.dma_semaphore, #tpu.memory_space<semaphore_mem>>) src(%dma_wait3A_141 : memref<10000x128xf32, #tpu.memory_space<hbm>>) dst(%arg12 : memref<120x128xf32, #tpu.memory_space<vmem>>)
        %dma_start3A_142 = arith.constant 1 : i32
        %dma_start3A_143 = arith.constant 0 : i32
        %dma_start3A_144 = tpu.memref_slice %arg9[%dma_start3A_142, %dma_start3A_143] : memref<2x120xi32, #tpu.memory_space<vmem>> -> memref<1x120xi32, #tpu.memory_space<vmem>>
        %dma_start3A_145 = tpu.memref_squeeze %dma_start3A_144 : memref<1x120xi32, #tpu.memory_space<vmem>> -> memref<120xi32, #tpu.memory_space<vmem>>
        %dma_start3A_146 = arith.constant 0 : i32
        %dma_start3A_147 = arith.constant 0 : i32
        %dma_start3A_148 = tpu.memref_slice %arg15[%dma_start3A_146, %dma_start3A_147] : memref<10112x128xf32, #tpu.memory_space<vmem_shared>> -> memref<10112x128xf32, #tpu.memory_space<vmem_shared>>
        tpu.enqueue_indirect_dma source(%arg12 : memref<120x128xf32, #tpu.memory_space<vmem>>) target(%dma_start3A_148 : memref<10112x128xf32, #tpu.memory_space<vmem_shared>>) offsets(%dma_start3A_145 : memref<120xi32, #tpu.memory_space<vmem>>) semaphore(%arg25 : memref<!tpu.dma_semaphore, #tpu.memory_space<semaphore_mem>>) {add = true}
        %ge3A = arith.constant 1 : i32
        %ge3A_149 = arith.cmpi sge, %add3A_115, %ge3A : i32
        %convert_element_type3A_150 = arith.extui %ge3A_149 : i1 to i32
        %cond3A_151 = arith.constant 0 : i32
        %cond3A_152 = arith.cmpi ne, %convert_element_type3A_150, %cond3A_151 : i32
        scf.if %cond3A_152 {
          %dma_wait3A_165 = arith.constant 1 : i32
          %dma_wait3A_166 = arith.constant 0 : i32
          %dma_wait3A_167 = tpu.memref_slice %arg8[%dma_wait3A_165, %dma_wait3A_166] : memref<2x120xi32, #tpu.memory_space<vmem>> -> memref<1x120xi32, #tpu.memory_space<vmem>>
          %dma_wait3A_168 = tpu.memref_squeeze %dma_wait3A_167 : memref<1x120xi32, #tpu.memory_space<vmem>> -> memref<120xi32, #tpu.memory_space<vmem>>
          %dma_wait3A_169 = arith.constant 0 : i32
          %dma_wait3A_170 = arith.constant 0 : i32
          %dma_wait3A_171 = tpu.memref_slice %arg15[%dma_wait3A_169, %dma_wait3A_170] : memref<10112x128xf32, #tpu.memory_space<vmem_shared>> -> memref<10112x128xf32, #tpu.memory_space<vmem_shared>>
          tpu.wait_indirect_dma semaphore(%arg27 : memref<!tpu.dma_semaphore, #tpu.memory_space<semaphore_mem>>) src(%arg14 : memref<120x128xf32, #tpu.memory_space<vmem>>) dst(%dma_wait3A_171 : memref<10112x128xf32, #tpu.memory_space<vmem_shared>>)
        } else {
        }
        %add3A_153 = arith.constant 2 : i32
        %add3A_154 = arith.addi %add3A_115, %add3A_153 : i32
        %lt3A_155 = arith.cmpi slt, %add3A_154, %select_n3A_10 : i32
        %convert_element_type3A_156 = arith.extui %lt3A_155 : i1 to i32
        %cond3A_157 = arith.constant 0 : i32
        %cond3A_158 = arith.cmpi ne, %convert_element_type3A_156, %cond3A_157 : i32
        scf.if %cond3A_158 {
          %add3A_165 = arith.addi %select_n3A, %add3A_115 : i32
          %add3A_166 = arith.constant 2 : i32
          %add3A_167 = arith.addi %add3A_165, %add3A_166 : i32
          %dma_wait3A_168 = arith.constant 0 : i32
          %dma_wait3A_169 = arith.constant 0 : i32
          %dma_wait3A_170 = tpu.memref_slice %arg3[%add3A_167, %dma_wait3A_168, %dma_wait3A_169] : memref<2688x2x120xi32, #tpu.memory_space<hbm>> -> memref<1x2x120xi32, #tpu.memory_space<hbm>>
          %dma_wait3A_171 = tpu.memref_squeeze %dma_wait3A_170 : memref<1x2x120xi32, #tpu.memory_space<hbm>> -> memref<2x120xi32, #tpu.memory_space<hbm>>
          %dma_wait3A_172 = arith.constant 0 : i32
          %dma_wait3A_173 = arith.constant 0 : i32
          %dma_wait3A_174 = tpu.memref_slice %arg3[%add3A_167, %dma_wait3A_172, %dma_wait3A_173] : memref<2688x2x120xi32, #tpu.memory_space<hbm>> -> memref<1x2x120xi32, #tpu.memory_space<hbm>>
          %dma_wait3A_175 = tpu.memref_squeeze %dma_wait3A_174 : memref<1x2x120xi32, #tpu.memory_space<hbm>> -> memref<2x120xi32, #tpu.memory_space<hbm>>
          tpu.wait_dma2 semaphore(%arg21 : memref<!tpu.dma_semaphore, #tpu.memory_space<semaphore_mem>>) src(%dma_wait3A_175 : memref<2x120xi32, #tpu.memory_space<hbm>>) dst(%arg11 : memref<2x120xi32, #tpu.memory_space<vmem>>)
          %dma_start3A_176 = arith.constant 0 : i32
          %dma_start3A_177 = arith.constant 0 : i32
          %dma_start3A_178 = tpu.memref_slice %arg11[%dma_start3A_176, %dma_start3A_177] : memref<2x120xi32, #tpu.memory_space<vmem>> -> memref<1x120xi32, #tpu.memory_space<vmem>>
          %dma_start3A_179 = tpu.memref_squeeze %dma_start3A_178 : memref<1x120xi32, #tpu.memory_space<vmem>> -> memref<120xi32, #tpu.memory_space<vmem>>
          %dma_start3A_180 = arith.constant 0 : i32
          %dma_start3A_181 = arith.constant 0 : i32
          %dma_start3A_182 = tpu.memref_slice %arg2[%dma_start3A_180, %dma_start3A_181] : memref<10000x128xf32, #tpu.memory_space<hbm>> -> memref<10000x128xf32, #tpu.memory_space<hbm>>
          tpu.enqueue_indirect_dma source(%dma_start3A_182 : memref<10000x128xf32, #tpu.memory_space<hbm>>) target(%arg14 : memref<120x128xf32, #tpu.memory_space<vmem>>) offsets(%dma_start3A_179 : memref<120xi32, #tpu.memory_space<vmem>>) semaphore(%arg24 : memref<!tpu.dma_semaphore, #tpu.memory_space<semaphore_mem>>)
        } else {
        }
        %add3A_159 = arith.constant 5 : i32
        %add3A_160 = arith.addi %add3A_115, %add3A_159 : i32
        %lt3A_161 = arith.cmpi slt, %add3A_160, %select_n3A_10 : i32
        %convert_element_type3A_162 = arith.extui %lt3A_161 : i1 to i32
        %cond3A_163 = arith.constant 0 : i32
        %cond3A_164 = arith.cmpi ne, %convert_element_type3A_162, %cond3A_163 : i32
        scf.if %cond3A_164 {
          %add3A_165 = arith.addi %select_n3A, %add3A_115 : i32
          %add3A_166 = arith.constant 5 : i32
          %add3A_167 = arith.addi %add3A_165, %add3A_166 : i32
          %dma_start3A_168 = arith.constant 0 : i32
          %dma_start3A_169 = arith.constant 0 : i32
          %dma_start3A_170 = tpu.memref_slice %arg3[%add3A_167, %dma_start3A_168, %dma_start3A_169] : memref<2688x2x120xi32, #tpu.memory_space<hbm>> -> memref<1x2x120xi32, #tpu.memory_space<hbm>>
          %dma_start3A_171 = tpu.memref_squeeze %dma_start3A_170 : memref<1x2x120xi32, #tpu.memory_space<hbm>> -> memref<2x120xi32, #tpu.memory_space<hbm>>
          %dma_start3A_172 = arith.constant 0 : i32
          %dma_start3A_173 = arith.constant 0 : i32
          %dma_start3A_174 = tpu.memref_slice %arg3[%add3A_167, %dma_start3A_172, %dma_start3A_173] : memref<2688x2x120xi32, #tpu.memory_space<hbm>> -> memref<1x2x120xi32, #tpu.memory_space<hbm>>
          %dma_start3A_175 = tpu.memref_squeeze %dma_start3A_174 : memref<1x2x120xi32, #tpu.memory_space<hbm>> -> memref<2x120xi32, #tpu.memory_space<hbm>>
          tpu.enqueue_dma source(%dma_start3A_175 : memref<2x120xi32, #tpu.memory_space<hbm>>) target(%arg8 : memref<2x120xi32, #tpu.memory_space<vmem>>) target_semaphore(%arg18 : memref<!tpu.dma_semaphore, #tpu.memory_space<semaphore_mem>>)
        } else {
        }
      } else {
      }
      %add3A_119 = arith.constant 4 : i32
      %add3A_120 = arith.addi %add3A_89, %add3A_119 : i32
      %lt3A_121 = arith.cmpi slt, %add3A_120, %select_n3A_10 : i32
      %add3A_122 = arith.constant 4 : i32
      %add3A_123 = arith.addi %add3A_89, %add3A_122 : i32
      %convert_element_type3A_124 = arith.extui %lt3A_121 : i1 to i32
      %cond3A_125 = arith.constant 0 : i32
      %cond3A_126 = arith.cmpi ne, %convert_element_type3A_124, %cond3A_125 : i32
      scf.if %cond3A_126 {
        %dma_wait3A_135 = arith.constant 0 : i32
        %dma_wait3A_136 = arith.constant 0 : i32
        %dma_wait3A_137 = tpu.memref_slice %arg10[%dma_wait3A_135, %dma_wait3A_136] : memref<2x120xi32, #tpu.memory_space<vmem>> -> memref<1x120xi32, #tpu.memory_space<vmem>>
        %dma_wait3A_138 = tpu.memref_squeeze %dma_wait3A_137 : memref<1x120xi32, #tpu.memory_space<vmem>> -> memref<120xi32, #tpu.memory_space<vmem>>
        %dma_wait3A_139 = arith.constant 0 : i32
        %dma_wait3A_140 = arith.constant 0 : i32
        %dma_wait3A_141 = tpu.memref_slice %arg2[%dma_wait3A_139, %dma_wait3A_140] : memref<10000x128xf32, #tpu.memory_space<hbm>> -> memref<10000x128xf32, #tpu.memory_space<hbm>>
        tpu.wait_indirect_dma semaphore(%arg23 : memref<!tpu.dma_semaphore, #tpu.memory_space<semaphore_mem>>) src(%dma_wait3A_141 : memref<10000x128xf32, #tpu.memory_space<hbm>>) dst(%arg13 : memref<120x128xf32, #tpu.memory_space<vmem>>)
        %dma_start3A_142 = arith.constant 1 : i32
        %dma_start3A_143 = arith.constant 0 : i32
        %dma_start3A_144 = tpu.memref_slice %arg10[%dma_start3A_142, %dma_start3A_143] : memref<2x120xi32, #tpu.memory_space<vmem>> -> memref<1x120xi32, #tpu.memory_space<vmem>>
        %dma_start3A_145 = tpu.memref_squeeze %dma_start3A_144 : memref<1x120xi32, #tpu.memory_space<vmem>> -> memref<120xi32, #tpu.memory_space<vmem>>
        %dma_start3A_146 = arith.constant 0 : i32
        %dma_start3A_147 = arith.constant 0 : i32
        %dma_start3A_148 = tpu.memref_slice %arg15[%dma_start3A_146, %dma_start3A_147] : memref<10112x128xf32, #tpu.memory_space<vmem_shared>> -> memref<10112x128xf32, #tpu.memory_space<vmem_shared>>
        tpu.enqueue_indirect_dma source(%arg13 : memref<120x128xf32, #tpu.memory_space<vmem>>) target(%dma_start3A_148 : memref<10112x128xf32, #tpu.memory_space<vmem_shared>>) offsets(%dma_start3A_145 : memref<120xi32, #tpu.memory_space<vmem>>) semaphore(%arg26 : memref<!tpu.dma_semaphore, #tpu.memory_space<semaphore_mem>>) {add = true}
        %ge3A = arith.constant 1 : i32
        %ge3A_149 = arith.cmpi sge, %add3A_123, %ge3A : i32
        %convert_element_type3A_150 = arith.extui %ge3A_149 : i1 to i32
        %cond3A_151 = arith.constant 0 : i32
        %cond3A_152 = arith.cmpi ne, %convert_element_type3A_150, %cond3A_151 : i32
        scf.if %cond3A_152 {
          %dma_wait3A_165 = arith.constant 1 : i32
          %dma_wait3A_166 = arith.constant 0 : i32
          %dma_wait3A_167 = tpu.memref_slice %arg9[%dma_wait3A_165, %dma_wait3A_166] : memref<2x120xi32, #tpu.memory_space<vmem>> -> memref<1x120xi32, #tpu.memory_space<vmem>>
          %dma_wait3A_168 = tpu.memref_squeeze %dma_wait3A_167 : memref<1x120xi32, #tpu.memory_space<vmem>> -> memref<120xi32, #tpu.memory_space<vmem>>
          %dma_wait3A_169 = arith.constant 0 : i32
          %dma_wait3A_170 = arith.constant 0 : i32
          %dma_wait3A_171 = tpu.memref_slice %arg15[%dma_wait3A_169, %dma_wait3A_170] : memref<10112x128xf32, #tpu.memory_space<vmem_shared>> -> memref<10112x128xf32, #tpu.memory_space<vmem_shared>>
          tpu.wait_indirect_dma semaphore(%arg25 : memref<!tpu.dma_semaphore, #tpu.memory_space<semaphore_mem>>) src(%arg12 : memref<120x128xf32, #tpu.memory_space<vmem>>) dst(%dma_wait3A_171 : memref<10112x128xf32, #tpu.memory_space<vmem_shared>>)
        } else {
        }
        %add3A_153 = arith.constant 2 : i32
        %add3A_154 = arith.addi %add3A_123, %add3A_153 : i32
        %lt3A_155 = arith.cmpi slt, %add3A_154, %select_n3A_10 : i32
        %convert_element_type3A_156 = arith.extui %lt3A_155 : i1 to i32
        %cond3A_157 = arith.constant 0 : i32
        %cond3A_158 = arith.cmpi ne, %convert_element_type3A_156, %cond3A_157 : i32
        scf.if %cond3A_158 {
          %add3A_165 = arith.addi %select_n3A, %add3A_123 : i32
          %add3A_166 = arith.constant 2 : i32
          %add3A_167 = arith.addi %add3A_165, %add3A_166 : i32
          %dma_wait3A_168 = arith.constant 0 : i32
          %dma_wait3A_169 = arith.constant 0 : i32
          %dma_wait3A_170 = tpu.memref_slice %arg3[%add3A_167, %dma_wait3A_168, %dma_wait3A_169] : memref<2688x2x120xi32, #tpu.memory_space<hbm>> -> memref<1x2x120xi32, #tpu.memory_space<hbm>>
          %dma_wait3A_171 = tpu.memref_squeeze %dma_wait3A_170 : memref<1x2x120xi32, #tpu.memory_space<hbm>> -> memref<2x120xi32, #tpu.memory_space<hbm>>
          %dma_wait3A_172 = arith.constant 0 : i32
          %dma_wait3A_173 = arith.constant 0 : i32
          %dma_wait3A_174 = tpu.memref_slice %arg3[%add3A_167, %dma_wait3A_172, %dma_wait3A_173] : memref<2688x2x120xi32, #tpu.memory_space<hbm>> -> memref<1x2x120xi32, #tpu.memory_space<hbm>>
          %dma_wait3A_175 = tpu.memref_squeeze %dma_wait3A_174 : memref<1x2x120xi32, #tpu.memory_space<hbm>> -> memref<2x120xi32, #tpu.memory_space<hbm>>
          tpu.wait_dma2 semaphore(%arg16 : memref<!tpu.dma_semaphore, #tpu.memory_space<semaphore_mem>>) src(%dma_wait3A_175 : memref<2x120xi32, #tpu.memory_space<hbm>>) dst(%arg6 : memref<2x120xi32, #tpu.memory_space<vmem>>)
          %dma_start3A_176 = arith.constant 0 : i32
          %dma_start3A_177 = arith.constant 0 : i32
          %dma_start3A_178 = tpu.memref_slice %arg6[%dma_start3A_176, %dma_start3A_177] : memref<2x120xi32, #tpu.memory_space<vmem>> -> memref<1x120xi32, #tpu.memory_space<vmem>>
          %dma_start3A_179 = tpu.memref_squeeze %dma_start3A_178 : memref<1x120xi32, #tpu.memory_space<vmem>> -> memref<120xi32, #tpu.memory_space<vmem>>
          %dma_start3A_180 = arith.constant 0 : i32
          %dma_start3A_181 = arith.constant 0 : i32
          %dma_start3A_182 = tpu.memref_slice %arg2[%dma_start3A_180, %dma_start3A_181] : memref<10000x128xf32, #tpu.memory_space<hbm>> -> memref<10000x128xf32, #tpu.memory_space<hbm>>
          tpu.enqueue_indirect_dma source(%dma_start3A_182 : memref<10000x128xf32, #tpu.memory_space<hbm>>) target(%arg12 : memref<120x128xf32, #tpu.memory_space<vmem>>) offsets(%dma_start3A_179 : memref<120xi32, #tpu.memory_space<vmem>>) semaphore(%arg22 : memref<!tpu.dma_semaphore, #tpu.memory_space<semaphore_mem>>)
        } else {
        }
        %add3A_159 = arith.constant 5 : i32
        %add3A_160 = arith.addi %add3A_123, %add3A_159 : i32
        %lt3A_161 = arith.cmpi slt, %add3A_160, %select_n3A_10 : i32
        %convert_element_type3A_162 = arith.extui %lt3A_161 : i1 to i32
        %cond3A_163 = arith.constant 0 : i32
        %cond3A_164 = arith.cmpi ne, %convert_element_type3A_162, %cond3A_163 : i32
        scf.if %cond3A_164 {
          %add3A_165 = arith.addi %select_n3A, %add3A_123 : i32
          %add3A_166 = arith.constant 5 : i32
          %add3A_167 = arith.addi %add3A_165, %add3A_166 : i32
          %dma_start3A_168 = arith.constant 0 : i32
          %dma_start3A_169 = arith.constant 0 : i32
          %dma_start3A_170 = tpu.memref_slice %arg3[%add3A_167, %dma_start3A_168, %dma_start3A_169] : memref<2688x2x120xi32, #tpu.memory_space<hbm>> -> memref<1x2x120xi32, #tpu.memory_space<hbm>>
          %dma_start3A_171 = tpu.memref_squeeze %dma_start3A_170 : memref<1x2x120xi32, #tpu.memory_space<hbm>> -> memref<2x120xi32, #tpu.memory_space<hbm>>
          %dma_start3A_172 = arith.constant 0 : i32
          %dma_start3A_173 = arith.constant 0 : i32
          %dma_start3A_174 = tpu.memref_slice %arg3[%add3A_167, %dma_start3A_172, %dma_start3A_173] : memref<2688x2x120xi32, #tpu.memory_space<hbm>> -> memref<1x2x120xi32, #tpu.memory_space<hbm>>
          %dma_start3A_175 = tpu.memref_squeeze %dma_start3A_174 : memref<1x2x120xi32, #tpu.memory_space<hbm>> -> memref<2x120xi32, #tpu.memory_space<hbm>>
          tpu.enqueue_dma source(%dma_start3A_175 : memref<2x120xi32, #tpu.memory_space<hbm>>) target(%arg9 : memref<2x120xi32, #tpu.memory_space<vmem>>) target_semaphore(%arg19 : memref<!tpu.dma_semaphore, #tpu.memory_space<semaphore_mem>>)
        } else {
        }
      } else {
      }
      %add3A_127 = arith.constant 5 : i32
      %add3A_128 = arith.addi %add3A_89, %add3A_127 : i32
      %lt3A_129 = arith.cmpi slt, %add3A_128, %select_n3A_10 : i32
      %add3A_130 = arith.constant 5 : i32
      %add3A_131 = arith.addi %add3A_89, %add3A_130 : i32
      %convert_element_type3A_132 = arith.extui %lt3A_129 : i1 to i32
      %cond3A_133 = arith.constant 0 : i32
      %cond3A_134 = arith.cmpi ne, %convert_element_type3A_132, %cond3A_133 : i32
      scf.if %cond3A_134 {
        %dma_wait3A_135 = arith.constant 0 : i32
        %dma_wait3A_136 = arith.constant 0 : i32
        %dma_wait3A_137 = tpu.memref_slice %arg11[%dma_wait3A_135, %dma_wait3A_136] : memref<2x120xi32, #tpu.memory_space<vmem>> -> memref<1x120xi32, #tpu.memory_space<vmem>>
        %dma_wait3A_138 = tpu.memref_squeeze %dma_wait3A_137 : memref<1x120xi32, #tpu.memory_space<vmem>> -> memref<120xi32, #tpu.memory_space<vmem>>
        %dma_wait3A_139 = arith.constant 0 : i32
        %dma_wait3A_140 = arith.constant 0 : i32
        %dma_wait3A_141 = tpu.memref_slice %arg2[%dma_wait3A_139, %dma_wait3A_140] : memref<10000x128xf32, #tpu.memory_space<hbm>> -> memref<10000x128xf32, #tpu.memory_space<hbm>>
        tpu.wait_indirect_dma semaphore(%arg24 : memref<!tpu.dma_semaphore, #tpu.memory_space<semaphore_mem>>) src(%dma_wait3A_141 : memref<10000x128xf32, #tpu.memory_space<hbm>>) dst(%arg14 : memref<120x128xf32, #tpu.memory_space<vmem>>)
        %dma_start3A_142 = arith.constant 1 : i32
        %dma_start3A_143 = arith.constant 0 : i32
        %dma_start3A_144 = tpu.memref_slice %arg11[%dma_start3A_142, %dma_start3A_143] : memref<2x120xi32, #tpu.memory_space<vmem>> -> memref<1x120xi32, #tpu.memory_space<vmem>>
        %dma_start3A_145 = tpu.memref_squeeze %dma_start3A_144 : memref<1x120xi32, #tpu.memory_space<vmem>> -> memref<120xi32, #tpu.memory_space<vmem>>
        %dma_start3A_146 = arith.constant 0 : i32
        %dma_start3A_147 = arith.constant 0 : i32
        %dma_start3A_148 = tpu.memref_slice %arg15[%dma_start3A_146, %dma_start3A_147] : memref<10112x128xf32, #tpu.memory_space<vmem_shared>> -> memref<10112x128xf32, #tpu.memory_space<vmem_shared>>
        tpu.enqueue_indirect_dma source(%arg14 : memref<120x128xf32, #tpu.memory_space<vmem>>) target(%dma_start3A_148 : memref<10112x128xf32, #tpu.memory_space<vmem_shared>>) offsets(%dma_start3A_145 : memref<120xi32, #tpu.memory_space<vmem>>) semaphore(%arg27 : memref<!tpu.dma_semaphore, #tpu.memory_space<semaphore_mem>>) {add = true}
        %ge3A = arith.constant 1 : i32
        %ge3A_149 = arith.cmpi sge, %add3A_131, %ge3A : i32
        %convert_element_type3A_150 = arith.extui %ge3A_149 : i1 to i32
        %cond3A_151 = arith.constant 0 : i32
        %cond3A_152 = arith.cmpi ne, %convert_element_type3A_150, %cond3A_151 : i32
        scf.if %cond3A_152 {
          %dma_wait3A_165 = arith.constant 1 : i32
          %dma_wait3A_166 = arith.constant 0 : i32
          %dma_wait3A_167 = tpu.memref_slice %arg10[%dma_wait3A_165, %dma_wait3A_166] : memref<2x120xi32, #tpu.memory_space<vmem>> -> memref<1x120xi32, #tpu.memory_space<vmem>>
          %dma_wait3A_168 = tpu.memref_squeeze %dma_wait3A_167 : memref<1x120xi32, #tpu.memory_space<vmem>> -> memref<120xi32, #tpu.memory_space<vmem>>
          %dma_wait3A_169 = arith.constant 0 : i32
          %dma_wait3A_170 = arith.constant 0 : i32
          %dma_wait3A_171 = tpu.memref_slice %arg15[%dma_wait3A_169, %dma_wait3A_170] : memref<10112x128xf32, #tpu.memory_space<vmem_shared>> -> memref<10112x128xf32, #tpu.memory_space<vmem_shared>>
          tpu.wait_indirect_dma semaphore(%arg26 : memref<!tpu.dma_semaphore, #tpu.memory_space<semaphore_mem>>) src(%arg13 : memref<120x128xf32, #tpu.memory_space<vmem>>) dst(%dma_wait3A_171 : memref<10112x128xf32, #tpu.memory_space<vmem_shared>>)
        } else {
        }
        %add3A_153 = arith.constant 2 : i32
        %add3A_154 = arith.addi %add3A_131, %add3A_153 : i32
        %lt3A_155 = arith.cmpi slt, %add3A_154, %select_n3A_10 : i32
        %convert_element_type3A_156 = arith.extui %lt3A_155 : i1 to i32
        %cond3A_157 = arith.constant 0 : i32
        %cond3A_158 = arith.cmpi ne, %convert_element_type3A_156, %cond3A_157 : i32
        scf.if %cond3A_158 {
          %add3A_165 = arith.addi %select_n3A, %add3A_131 : i32
          %add3A_166 = arith.constant 2 : i32
          %add3A_167 = arith.addi %add3A_165, %add3A_166 : i32
          %dma_wait3A_168 = arith.constant 0 : i32
          %dma_wait3A_169 = arith.constant 0 : i32
          %dma_wait3A_170 = tpu.memref_slice %arg3[%add3A_167, %dma_wait3A_168, %dma_wait3A_169] : memref<2688x2x120xi32, #tpu.memory_space<hbm>> -> memref<1x2x120xi32, #tpu.memory_space<hbm>>
          %dma_wait3A_171 = tpu.memref_squeeze %dma_wait3A_170 : memref<1x2x120xi32, #tpu.memory_space<hbm>> -> memref<2x120xi32, #tpu.memory_space<hbm>>
          %dma_wait3A_172 = arith.constant 0 : i32
          %dma_wait3A_173 = arith.constant 0 : i32
          %dma_wait3A_174 = tpu.memref_slice %arg3[%add3A_167, %dma_wait3A_172, %dma_wait3A_173] : memref<2688x2x120xi32, #tpu.memory_space<hbm>> -> memref<1x2x120xi32, #tpu.memory_space<hbm>>
          %dma_wait3A_175 = tpu.memref_squeeze %dma_wait3A_174 : memref<1x2x120xi32, #tpu.memory_space<hbm>> -> memref<2x120xi32, #tpu.memory_space<hbm>>
          tpu.wait_dma2 semaphore(%arg17 : memref<!tpu.dma_semaphore, #tpu.memory_space<semaphore_mem>>) src(%dma_wait3A_175 : memref<2x120xi32, #tpu.memory_space<hbm>>) dst(%arg7 : memref<2x120xi32, #tpu.memory_space<vmem>>)
          %dma_start3A_176 = arith.constant 0 : i32
          %dma_start3A_177 = arith.constant 0 : i32
          %dma_start3A_178 = tpu.memref_slice %arg7[%dma_start3A_176, %dma_start3A_177] : memref<2x120xi32, #tpu.memory_space<vmem>> -> memref<1x120xi32, #tpu.memory_space<vmem>>
          %dma_start3A_179 = tpu.memref_squeeze %dma_start3A_178 : memref<1x120xi32, #tpu.memory_space<vmem>> -> memref<120xi32, #tpu.memory_space<vmem>>
          %dma_start3A_180 = arith.constant 0 : i32
          %dma_start3A_181 = arith.constant 0 : i32
          %dma_start3A_182 = tpu.memref_slice %arg2[%dma_start3A_180, %dma_start3A_181] : memref<10000x128xf32, #tpu.memory_space<hbm>> -> memref<10000x128xf32, #tpu.memory_space<hbm>>
          tpu.enqueue_indirect_dma source(%dma_start3A_182 : memref<10000x128xf32, #tpu.memory_space<hbm>>) target(%arg13 : memref<120x128xf32, #tpu.memory_space<vmem>>) offsets(%dma_start3A_179 : memref<120xi32, #tpu.memory_space<vmem>>) semaphore(%arg23 : memref<!tpu.dma_semaphore, #tpu.memory_space<semaphore_mem>>)
        } else {
        }
        %add3A_159 = arith.constant 5 : i32
        %add3A_160 = arith.addi %add3A_131, %add3A_159 : i32
        %lt3A_161 = arith.cmpi slt, %add3A_160, %select_n3A_10 : i32
        %convert_element_type3A_162 = arith.extui %lt3A_161 : i1 to i32
        %cond3A_163 = arith.constant 0 : i32
        %cond3A_164 = arith.cmpi ne, %convert_element_type3A_162, %cond3A_163 : i32
        scf.if %cond3A_164 {
          %add3A_165 = arith.addi %select_n3A, %add3A_131 : i32
          %add3A_166 = arith.constant 5 : i32
          %add3A_167 = arith.addi %add3A_165, %add3A_166 : i32
          %dma_start3A_168 = arith.constant 0 : i32
          %dma_start3A_169 = arith.constant 0 : i32
          %dma_start3A_170 = tpu.memref_slice %arg3[%add3A_167, %dma_start3A_168, %dma_start3A_169] : memref<2688x2x120xi32, #tpu.memory_space<hbm>> -> memref<1x2x120xi32, #tpu.memory_space<hbm>>
          %dma_start3A_171 = tpu.memref_squeeze %dma_start3A_170 : memref<1x2x120xi32, #tpu.memory_space<hbm>> -> memref<2x120xi32, #tpu.memory_space<hbm>>
          %dma_start3A_172 = arith.constant 0 : i32
          %dma_start3A_173 = arith.constant 0 : i32
          %dma_start3A_174 = tpu.memref_slice %arg3[%add3A_167, %dma_start3A_172, %dma_start3A_173] : memref<2688x2x120xi32, #tpu.memory_space<hbm>> -> memref<1x2x120xi32, #tpu.memory_space<hbm>>
          %dma_start3A_175 = tpu.memref_squeeze %dma_start3A_174 : memref<1x2x120xi32, #tpu.memory_space<hbm>> -> memref<2x120xi32, #tpu.memory_space<hbm>>
          tpu.enqueue_dma source(%dma_start3A_175 : memref<2x120xi32, #tpu.memory_space<hbm>>) target(%arg10 : memref<2x120xi32, #tpu.memory_space<vmem>>) target_semaphore(%arg20 : memref<!tpu.dma_semaphore, #tpu.memory_space<semaphore_mem>>)
        } else {
        }
      } else {
      }
    }
    %scan3A_76 = arith.constant 20 : i32
    %dma_wait3A_77 = arith.constant 1 : i32
    %dma_wait3A_78 = arith.constant 0 : i32
    %dma_wait3A_79 = tpu.memref_slice %arg11[%dma_wait3A_77, %dma_wait3A_78] : memref<2x120xi32, #tpu.memory_space<vmem>> -> memref<1x120xi32, #tpu.memory_space<vmem>>
    %dma_wait3A_80 = tpu.memref_squeeze %dma_wait3A_79 : memref<1x120xi32, #tpu.memory_space<vmem>> -> memref<120xi32, #tpu.memory_space<vmem>>
    %dma_wait3A_81 = arith.constant 0 : i32
    %dma_wait3A_82 = arith.constant 0 : i32
    %dma_wait3A_83 = tpu.memref_slice %arg15[%dma_wait3A_81, %dma_wait3A_82] : memref<10112x128xf32, #tpu.memory_space<vmem_shared>> -> memref<10112x128xf32, #tpu.memory_space<vmem_shared>>
    tpu.wait_indirect_dma semaphore(%arg27 : memref<!tpu.dma_semaphore, #tpu.memory_space<semaphore_mem>>) src(%arg14 : memref<120x128xf32, #tpu.memory_space<vmem>>) dst(%dma_wait3A_83 : memref<10112x128xf32, #tpu.memory_space<vmem_shared>>)
    %barrier3A_84 = arith.constant 0 : index
    tpu.barrier barrier_id(%barrier3A_84)
    "tpu.region"() ({
      %run_scoped3A = tpu.sem_alloc : memref<!tpu.dma_semaphore, #tpu.memory_space<semaphore_mem>>
      %dma_start3A_85 = arith.constant 0 : i32
      %dma_start3A_86 = tpu.memref_slice %arg5[%arg0, %mul3A_0, %dma_start3A_85] : memref<2x10112x128xf32, #tpu.memory_space<hbm>> -> memref<1x632x128xf32, #tpu.memory_space<hbm>>
      %dma_start3A_87 = tpu.memref_squeeze %dma_start3A_86 : memref<1x632x128xf32, #tpu.memory_space<hbm>> -> memref<632x128xf32, #tpu.memory_space<hbm>>
      %dma_start3A_88 = arith.constant 0 : i32
      %dma_start3A_89 = tpu.memref_slice %arg15[%mul3A_0, %dma_start3A_88] : memref<10112x128xf32, #tpu.memory_space<vmem_shared>> -> memref<632x128xf32, #tpu.memory_space<vmem_shared>>
      tpu.enqueue_dma source(%dma_start3A_89 : memref<632x128xf32, #tpu.memory_space<vmem_shared>>) target(%dma_start3A_87 : memref<632x128xf32, #tpu.memory_space<hbm>>) target_semaphore(%run_scoped3A : memref<!tpu.dma_semaphore, #tpu.memory_space<semaphore_mem>>)
      %dma_wait3A_90 = arith.constant 0 : i32
      %dma_wait3A_91 = tpu.memref_slice %arg5[%arg0, %mul3A_0, %dma_wait3A_90] : memref<2x10112x128xf32, #tpu.memory_space<hbm>> -> memref<1x632x128xf32, #tpu.memory_space<hbm>>
      %dma_wait3A_92 = tpu.memref_squeeze %dma_wait3A_91 : memref<1x632x128xf32, #tpu.memory_space<hbm>> -> memref<632x128xf32, #tpu.memory_space<hbm>>
      %dma_wait3A_93 = arith.constant 0 : i32
      %dma_wait3A_94 = tpu.memref_slice %arg15[%mul3A_0, %dma_wait3A_93] : memref<10112x128xf32, #tpu.memory_space<vmem_shared>> -> memref<632x128xf32, #tpu.memory_space<vmem_shared>>
      tpu.wait_dma2 semaphore(%run_scoped3A : memref<!tpu.dma_semaphore, #tpu.memory_space<semaphore_mem>>) src(%dma_wait3A_94 : memref<632x128xf32, #tpu.memory_space<vmem_shared>>) dst(%dma_wait3A_92 : memref<632x128xf32, #tpu.memory_space<hbm>>)
      tpu.yield
    }) : () -> ()
    return
  }
}

module attributes {stable_mosaic.version = 14 : i64} {
  func.func @body(%arg0: i32, %arg1: memref<2000x128xf32, #tpu.memory_space<vmem>>, %arg2: memref<128x128xf32, #tpu.memory_space<vmem>>, %arg3: memref<2000x128xf32, #tpu.memory_space<vmem>>) attributes {dimension_semantics = [#tpu.dimension_semantics<arbitrary>], iteration_bounds = array<i64: 5>, scalar_prefetch = 0 : i64, scratch_operands = 0 : i64, tpu.core_type = #tpu.core_type<tc>, window_params = [{transform_indices = @transform_0, window_bounds = array<i64: 2000, 128>}, {pipeline_mode = #tpu.pipeline_mode<synchronous>, transform_indices = @transform_1, window_bounds = array<i64: 128, 128>}, {transform_indices = @transform_2, window_bounds = array<i64: 2000, 128>}]} {
    %get3A = arith.constant 0 : index
    %get3A_0 = arith.constant 0 : index
    %get3A_1 = vector.load %arg1[%get3A, %get3A_0] : memref<2000x128xf32, #tpu.memory_space<vmem>>, vector<2000x128xf32>
    %convert_element_type3A = arith.truncf %get3A_1 : vector<2000x128xf32> to vector<2000x128xbf16>
    %get3A_2 = arith.constant 0 : index
    %get3A_3 = arith.constant 0 : index
    %get3A_4 = vector.load %arg2[%get3A_2, %get3A_3] : memref<128x128xf32, #tpu.memory_space<vmem>>, vector<128x128xf32>
    %convert_element_type3A_5 = arith.truncf %get3A_4 : vector<128x128xf32> to vector<128x128xbf16>
    %dot_general3A = arith.constant dense<0.000000e+00> : vector<2000x128xf32>
    %dot_general3A_6 = tpu.matmul %convert_element_type3A, %convert_element_type3A_5, %dot_general3A {dimension_numbers = #tpu.dot_dimension_numbers<[1], [0], [0], [1], [0, 0, 1, 1], [], []>, transpose_lhs_hint = false} : vector<2000x128xbf16>, vector<128x128xbf16>, vector<2000x128xf32> -> vector<2000x128xf32>
    %swap3A = arith.constant 0 : index
    %swap3A_7 = arith.constant 0 : index
    %swap3A_8 = vector.load %arg3[%swap3A, %swap3A_7] : memref<2000x128xf32, #tpu.memory_space<vmem>>, vector<2000x128xf32>
    tpu.vector_store %arg3[%swap3A, %swap3A_7], %dot_general3A_6 {strides = array<i32>} : memref<2000x128xf32, #tpu.memory_space<vmem>>, vector<2000x128xf32>,
    return
  }
  func.func @transform_0(%arg0: i32) -> (i32, i32) {
    %c0_i32 = arith.constant 0 : i32
    %c0_i32_0 = arith.constant 0 : i32
    return %arg0, %c0_i32 : i32, i32
  }
  func.func @transform_1(%arg0: i32) -> (i32, i32) {
    %c0_i32 = arith.constant 0 : i32
    %c0_i32_0 = arith.constant 0 : i32
    %c0_i32_1 = arith.constant 0 : i32
    return %c0_i32, %c0_i32_0 : i32, i32
  }
  func.func @transform_2(%arg0: i32) -> (i32, i32) {
    %c0_i32 = arith.constant 0 : i32
    %c0_i32_0 = arith.constant 0 : i32
    return %arg0, %c0_i32 : i32, i32
  }
}

module attributes {stable_mosaic.version = 14 : i64} {
  func.func @body(%arg0: i32, %arg1: memref<2x2000x128xf32, #tpu.memory_space<vmem>>, %arg2: memref<2000x128xf32, #tpu.memory_space<vmem>>, %arg3: memref<2000x128xf32, #tpu.memory_space<vmem>>, %arg4: memref<2000x128xf32, #tpu.memory_space<vmem>>) attributes {dimension_semantics = [#tpu.dimension_semantics<arbitrary>], iteration_bounds = array<i64: 5>, scalar_prefetch = 0 : i64, scratch_operands = 0 : i64, tpu.core_type = #tpu.core_type<tc>, window_params = [{transform_indices = @transform_0, window_bounds = array<i64: 2, 2000, 128>}, {transform_indices = @transform_1, window_bounds = array<i64: 2000, 128>}, {transform_indices = @transform_2, window_bounds = array<i64: 2000, 128>}, {transform_indices = @transform_3, window_bounds = array<i64: 2000, 128>}]} {
    %get3A = arith.constant 0 : index
    %get3A_0 = arith.constant 0 : index
    %get3A_1 = arith.constant 0 : index
    %get3A_2 = vector.load %arg1[%get3A, %get3A_0, %get3A_1] : memref<2x2000x128xf32, #tpu.memory_space<vmem>>, vector<1x2000x1xf32>
    %get3A_3 = vector.shape_cast %get3A_2 : vector<1x2000x1xf32> to vector<2000x1xf32>
    %get3A_4 = arith.constant 1 : index
    %get3A_5 = arith.constant 0 : index
    %get3A_6 = arith.constant 0 : index
    %get3A_7 = vector.load %arg1[%get3A_4, %get3A_5, %get3A_6] : memref<2x2000x128xf32, #tpu.memory_space<vmem>>, vector<1x2000x1xf32>
    %get3A_8 = vector.shape_cast %get3A_7 : vector<1x2000x1xf32> to vector<2000x1xf32>
    %add3A = arith.addf %get3A_3, %get3A_8 : vector<2000x1xf32>
    %add3A_9 = arith.constant 1.000000e+00 : f32
    %add3A_10 = vector.broadcast %add3A_9 : f32 to vector<2000x1xf32>
    %add3A_11 = arith.addf %add3A, %add3A_10 : vector<2000x1xf32>
    %rsqrt3A = math.rsqrt %add3A_11 : vector<2000x1xf32>
    %get3A_12 = arith.constant 0 : index
    %get3A_13 = arith.constant 0 : index
    %get3A_14 = vector.load %arg2[%get3A_12, %get3A_13] : memref<2000x128xf32, #tpu.memory_space<vmem>>, vector<2000x128xf32>
    %mul3A = vector.broadcast %rsqrt3A : vector<2000x1xf32> to vector<2000x128xf32>
    %mul3A_15 = arith.mulf %get3A_14, %mul3A : vector<2000x128xf32>
    %swap3A = arith.constant 0 : index
    %swap3A_16 = arith.constant 0 : index
    %swap3A_17 = vector.load %arg3[%swap3A, %swap3A_16] : memref<2000x128xf32, #tpu.memory_space<vmem>>, vector<2000x128xf32>
    tpu.vector_store %arg3[%swap3A, %swap3A_16], %mul3A_15 {strides = array<i32>} : memref<2000x128xf32, #tpu.memory_space<vmem>>, vector<2000x128xf32>,
    %broadcast_in_dim3A = vector.shape_cast %rsqrt3A : vector<2000x1xf32> to vector<2000x1xf32>
    %broadcast_in_dim3A_18 = vector.broadcast %broadcast_in_dim3A : vector<2000x1xf32> to vector<2000x128xf32>
    %swap3A_19 = arith.constant 0 : index
    %swap3A_20 = arith.constant 0 : index
    %swap3A_21 = vector.load %arg4[%swap3A_19, %swap3A_20] : memref<2000x128xf32, #tpu.memory_space<vmem>>, vector<2000x128xf32>
    tpu.vector_store %arg4[%swap3A_19, %swap3A_20], %broadcast_in_dim3A_18 {strides = array<i32>} : memref<2000x128xf32, #tpu.memory_space<vmem>>, vector<2000x128xf32>,
    return
  }
  func.func @transform_0(%arg0: i32) -> (i32, i32, i32) {
    %c0_i32 = arith.constant 0 : i32
    %c0_i32_0 = arith.constant 0 : i32
    %c0_i32_1 = arith.constant 0 : i32
    return %c0_i32, %arg0, %c0_i32_0 : i32, i32, i32
  }
  func.func @transform_1(%arg0: i32) -> (i32, i32) {
    %c0_i32 = arith.constant 0 : i32
    %c0_i32_0 = arith.constant 0 : i32
    return %arg0, %c0_i32 : i32, i32
  }
  func.func @transform_2(%arg0: i32) -> (i32, i32) {
    %c0_i32 = arith.constant 0 : i32
    %c0_i32_0 = arith.constant 0 : i32
    return %arg0, %c0_i32 : i32, i32
  }
  func.func @transform_3(%arg0: i32) -> (i32, i32) {
    %c0_i32 = arith.constant 0 : i32
    %c0_i32_0 = arith.constant 0 : i32
    return %arg0, %c0_i32 : i32, i32
  }
}

module attributes {stable_mosaic.version = 14 : i64} {
  func.func @body(%arg0: i32, %arg1: memref<2x2000x128xf32, #tpu.memory_space<vmem>>, %arg2: memref<2000x128xf32, #tpu.memory_space<vmem>>, %arg3: memref<2000x128xf32, #tpu.memory_space<vmem>>, %arg4: memref<128x128xf32, #tpu.memory_space<vmem>>, %arg5: memref<1x128xf32, #tpu.memory_space<vmem>>, %arg6: memref<2000x128xf32, #tpu.memory_space<vmem>>) attributes {dimension_semantics = [#tpu.dimension_semantics<arbitrary>], iteration_bounds = array<i64: 5>, scalar_prefetch = 0 : i64, scratch_operands = 0 : i64, tpu.core_type = #tpu.core_type<tc>, window_params = [{transform_indices = @transform_0, window_bounds = array<i64: 2, 2000, 128>}, {transform_indices = @transform_1, window_bounds = array<i64: 2000, 128>}, {transform_indices = @transform_2, window_bounds = array<i64: 2000, 128>}, {pipeline_mode = #tpu.pipeline_mode<synchronous>, transform_indices = @transform_3, window_bounds = array<i64: 128, 128>}, {pipeline_mode = #tpu.pipeline_mode<synchronous>, transform_indices = @transform_4, window_bounds = array<i64: 1, 128>}, {transform_indices = @transform_5, window_bounds = array<i64: 2000, 128>}]} {
    %get3A = arith.constant 0 : index
    %get3A_0 = arith.constant 0 : index
    %get3A_1 = arith.constant 0 : index
    %get3A_2 = vector.load %arg1[%get3A, %get3A_0, %get3A_1] : memref<2x2000x128xf32, #tpu.memory_space<vmem>>, vector<1x2000x128xf32>
    %get3A_3 = vector.shape_cast %get3A_2 : vector<1x2000x128xf32> to vector<2000x128xf32>
    %get3A_4 = arith.constant 1 : index
    %get3A_5 = arith.constant 0 : index
    %get3A_6 = arith.constant 0 : index
    %get3A_7 = vector.load %arg1[%get3A_4, %get3A_5, %get3A_6] : memref<2x2000x128xf32, #tpu.memory_space<vmem>>, vector<1x2000x128xf32>
    %get3A_8 = vector.shape_cast %get3A_7 : vector<1x2000x128xf32> to vector<2000x128xf32>
    %add3A = arith.addf %get3A_3, %get3A_8 : vector<2000x128xf32>
    %get3A_9 = arith.constant 0 : index
    %get3A_10 = arith.constant 0 : index
    %get3A_11 = vector.load %arg2[%get3A_9, %get3A_10] : memref<2000x128xf32, #tpu.memory_space<vmem>>, vector<2000x128xf32>
    %add3A_12 = arith.addf %add3A, %get3A_11 : vector<2000x128xf32>
    %get3A_13 = arith.constant 0 : index
    %get3A_14 = arith.constant 0 : index
    %get3A_15 = vector.load %arg3[%get3A_13, %get3A_14] : memref<2000x128xf32, #tpu.memory_space<vmem>>, vector<2000x128xf32>
    %mul3A = arith.mulf %get3A_15, %add3A_12 : vector<2000x128xf32>
    %get3A_16 = arith.constant 0 : index
    %get3A_17 = arith.constant 0 : index
    %get3A_18 = vector.load %arg5[%get3A_16, %get3A_17] : memref<1x128xf32, #tpu.memory_space<vmem>>, vector<1x128xf32>
    %add3A_19 = vector.broadcast %get3A_18 : vector<1x128xf32> to vector<2000x128xf32>
    %add3A_20 = arith.addf %mul3A, %add3A_19 : vector<2000x128xf32>
    %max3A = arith.constant 0.000000e+00 : f32
    %max3A_21 = vector.broadcast %max3A : f32 to vector<2000x128xf32>
    %max3A_22 = arith.maximumf %add3A_20, %max3A_21 : vector<2000x128xf32>
    %get3A_23 = arith.constant 0 : index
    %get3A_24 = arith.constant 0 : index
    %get3A_25 = vector.load %arg3[%get3A_23, %get3A_24] : memref<2000x128xf32, #tpu.memory_space<vmem>>, vector<2000x128xf32>
    %convert_element_type3A = arith.truncf %max3A_22 : vector<2000x128xf32> to vector<2000x128xbf16>
    %get3A_26 = arith.constant 0 : index
    %get3A_27 = arith.constant 0 : index
    %get3A_28 = vector.load %arg4[%get3A_26, %get3A_27] : memref<128x128xf32, #tpu.memory_space<vmem>>, vector<128x128xf32>
    %convert_element_type3A_29 = arith.truncf %get3A_28 : vector<128x128xf32> to vector<128x128xbf16>
    %dot_general3A = arith.constant dense<0.000000e+00> : vector<2000x128xf32>
    %dot_general3A_30 = tpu.matmul %convert_element_type3A, %convert_element_type3A_29, %dot_general3A {dimension_numbers = #tpu.dot_dimension_numbers<[1], [0], [0], [1], [0, 0, 1, 1], [], []>, transpose_lhs_hint = false} : vector<2000x128xbf16>, vector<128x128xbf16>, vector<2000x128xf32> -> vector<2000x128xf32>
    %mul3A_31 = arith.mulf %get3A_25, %dot_general3A_30 : vector<2000x128xf32>
    %swap3A = arith.constant 0 : index
    %swap3A_32 = arith.constant 0 : index
    %swap3A_33 = vector.load %arg6[%swap3A, %swap3A_32] : memref<2000x128xf32, #tpu.memory_space<vmem>>, vector<2000x128xf32>
    tpu.vector_store %arg6[%swap3A, %swap3A_32], %mul3A_31 {strides = array<i32>} : memref<2000x128xf32, #tpu.memory_space<vmem>>, vector<2000x128xf32>,
    return
  }
  func.func @transform_0(%arg0: i32) -> (i32, i32, i32) {
    %c0_i32 = arith.constant 0 : i32
    %c0_i32_0 = arith.constant 0 : i32
    %c0_i32_1 = arith.constant 0 : i32
    return %c0_i32, %arg0, %c0_i32_0 : i32, i32, i32
  }
  func.func @transform_1(%arg0: i32) -> (i32, i32) {
    %c0_i32 = arith.constant 0 : i32
    %c0_i32_0 = arith.constant 0 : i32
    return %arg0, %c0_i32 : i32, i32
  }
  func.func @transform_2(%arg0: i32) -> (i32, i32) {
    %c0_i32 = arith.constant 0 : i32
    %c0_i32_0 = arith.constant 0 : i32
    return %arg0, %c0_i32 : i32, i32
  }
  func.func @transform_3(%arg0: i32) -> (i32, i32) {
    %c0_i32 = arith.constant 0 : i32
    %c0_i32_0 = arith.constant 0 : i32
    %c0_i32_1 = arith.constant 0 : i32
    return %c0_i32, %c0_i32_0 : i32, i32
  }
  func.func @transform_4(%arg0: i32) -> (i32, i32) {
    %c0_i32 = arith.constant 0 : i32
    %c0_i32_0 = arith.constant 0 : i32
    %c0_i32_1 = arith.constant 0 : i32
    return %c0_i32, %c0_i32_0 : i32, i32
  }
  func.func @transform_5(%arg0: i32) -> (i32, i32) {
    %c0_i32 = arith.constant 0 : i32
    %c0_i32_0 = arith.constant 0 : i32
    return %arg0, %c0_i32 : i32, i32
  }
}

module attributes {stable_mosaic.version = 14 : i64} {
  func.func @body(%arg0: i32, %arg1: memref<2x2000x128xf32, #tpu.memory_space<vmem>>, %arg2: memref<2000x128xf32, #tpu.memory_space<vmem>>, %arg3: memref<2000x128xf32, #tpu.memory_space<vmem>>, %arg4: memref<1x128xf32, #tpu.memory_space<vmem>>, %arg5: memref<2000x128xf32, #tpu.memory_space<vmem>>) attributes {dimension_semantics = [#tpu.dimension_semantics<arbitrary>], iteration_bounds = array<i64: 5>, scalar_prefetch = 0 : i64, scratch_operands = 0 : i64, tpu.core_type = #tpu.core_type<tc>, window_params = [{transform_indices = @transform_0, window_bounds = array<i64: 2, 2000, 128>}, {transform_indices = @transform_1, window_bounds = array<i64: 2000, 128>}, {transform_indices = @transform_2, window_bounds = array<i64: 2000, 128>}, {pipeline_mode = #tpu.pipeline_mode<synchronous>, transform_indices = @transform_3, window_bounds = array<i64: 1, 128>}, {transform_indices = @transform_4, window_bounds = array<i64: 2000, 128>}]} {
    %get3A = arith.constant 0 : index
    %get3A_0 = arith.constant 0 : index
    %get3A_1 = arith.constant 0 : index
    %get3A_2 = vector.load %arg1[%get3A, %get3A_0, %get3A_1] : memref<2x2000x128xf32, #tpu.memory_space<vmem>>, vector<1x2000x128xf32>
    %get3A_3 = vector.shape_cast %get3A_2 : vector<1x2000x128xf32> to vector<2000x128xf32>
    %get3A_4 = arith.constant 1 : index
    %get3A_5 = arith.constant 0 : index
    %get3A_6 = arith.constant 0 : index
    %get3A_7 = vector.load %arg1[%get3A_4, %get3A_5, %get3A_6] : memref<2x2000x128xf32, #tpu.memory_space<vmem>>, vector<1x2000x128xf32>
    %get3A_8 = vector.shape_cast %get3A_7 : vector<1x2000x128xf32> to vector<2000x128xf32>
    %add3A = arith.addf %get3A_3, %get3A_8 : vector<2000x128xf32>
    %get3A_9 = arith.constant 0 : index
    %get3A_10 = arith.constant 0 : index
    %get3A_11 = vector.load %arg2[%get3A_9, %get3A_10] : memref<2000x128xf32, #tpu.memory_space<vmem>>, vector<2000x128xf32>
    %add3A_12 = arith.addf %add3A, %get3A_11 : vector<2000x128xf32>
    %get3A_13 = arith.constant 0 : index
    %get3A_14 = arith.constant 0 : index
    %get3A_15 = vector.load %arg3[%get3A_13, %get3A_14] : memref<2000x128xf32, #tpu.memory_space<vmem>>, vector<2000x128xf32>
    %mul3A = arith.mulf %get3A_15, %add3A_12 : vector<2000x128xf32>
    %get3A_16 = arith.constant 0 : index
    %get3A_17 = arith.constant 0 : index
    %get3A_18 = vector.load %arg4[%get3A_16, %get3A_17] : memref<1x128xf32, #tpu.memory_space<vmem>>, vector<1x128xf32>
    %add3A_19 = vector.broadcast %get3A_18 : vector<1x128xf32> to vector<2000x128xf32>
    %add3A_20 = arith.addf %mul3A, %add3A_19 : vector<2000x128xf32>
    %max3A = arith.constant 0.000000e+00 : f32
    %max3A_21 = vector.broadcast %max3A : f32 to vector<2000x128xf32>
    %max3A_22 = arith.maximumf %add3A_20, %max3A_21 : vector<2000x128xf32>
    %get3A_23 = arith.constant 0 : index
    %get3A_24 = arith.constant 0 : index
    %get3A_25 = vector.load %arg3[%get3A_23, %get3A_24] : memref<2000x128xf32, #tpu.memory_space<vmem>>, vector<2000x128xf32>
    %mul3A_26 = arith.mulf %get3A_25, %max3A_22 : vector<2000x128xf32>
    %swap3A = arith.constant 0 : index
    %swap3A_27 = arith.constant 0 : index
    %swap3A_28 = vector.load %arg5[%swap3A, %swap3A_27] : memref<2000x128xf32, #tpu.memory_space<vmem>>, vector<2000x128xf32>
    tpu.vector_store %arg5[%swap3A, %swap3A_27], %mul3A_26 {strides = array<i32>} : memref<2000x128xf32, #tpu.memory_space<vmem>>, vector<2000x128xf32>,
    return
  }
  func.func @transform_0(%arg0: i32) -> (i32, i32, i32) {
    %c0_i32 = arith.constant 0 : i32
    %c0_i32_0 = arith.constant 0 : i32
    %c0_i32_1 = arith.constant 0 : i32
    return %c0_i32, %arg0, %c0_i32_0 : i32, i32, i32
  }
  func.func @transform_1(%arg0: i32) -> (i32, i32) {
    %c0_i32 = arith.constant 0 : i32
    %c0_i32_0 = arith.constant 0 : i32
    return %arg0, %c0_i32 : i32, i32
  }
  func.func @transform_2(%arg0: i32) -> (i32, i32) {
    %c0_i32 = arith.constant 0 : i32
    %c0_i32_0 = arith.constant 0 : i32
    return %arg0, %c0_i32 : i32, i32
  }
  func.func @transform_3(%arg0: i32) -> (i32, i32) {
    %c0_i32 = arith.constant 0 : i32
    %c0_i32_0 = arith.constant 0 : i32
    %c0_i32_1 = arith.constant 0 : i32
    return %c0_i32, %c0_i32_0 : i32, i32
  }
  func.func @transform_4(%arg0: i32) -> (i32, i32) {
    %c0_i32 = arith.constant 0 : i32
    %c0_i32_0 = arith.constant 0 : i32
    return %arg0, %c0_i32 : i32, i32
  }
}

module attributes {stable_mosaic.version = 14 : i64} {
  func.func @body(%arg0: i32, %arg1: memref<2x2000x128xf32, #tpu.memory_space<vmem>>, %arg2: memref<2000x128xf32, #tpu.memory_space<vmem>>, %arg3: memref<2000x128xf32, #tpu.memory_space<vmem>>, %arg4: memref<128x8xf32, #tpu.memory_space<vmem>>, %arg5: memref<1x8xf32, #tpu.memory_space<vmem>>, %arg6: memref<2000x8xf32, #tpu.memory_space<vmem>>) attributes {dimension_semantics = [#tpu.dimension_semantics<arbitrary>], iteration_bounds = array<i64: 5>, scalar_prefetch = 0 : i64, scratch_operands = 0 : i64, tpu.core_type = #tpu.core_type<tc>, window_params = [{transform_indices = @transform_0, window_bounds = array<i64: 2, 2000, 128>}, {transform_indices = @transform_1, window_bounds = array<i64: 2000, 128>}, {transform_indices = @transform_2, window_bounds = array<i64: 2000, 128>}, {pipeline_mode = #tpu.pipeline_mode<synchronous>, transform_indices = @transform_3, window_bounds = array<i64: 128, 8>}, {pipeline_mode = #tpu.pipeline_mode<synchronous>, transform_indices = @transform_4, window_bounds = array<i64: 1, 8>}, {transform_indices = @transform_5, window_bounds = array<i64: 2000, 8>}]} {
    %get3A = arith.constant 0 : index
    %get3A_0 = arith.constant 0 : index
    %get3A_1 = vector.load %arg3[%get3A, %get3A_0] : memref<2000x128xf32, #tpu.memory_space<vmem>>, vector<2000x128xf32>
    %get3A_2 = arith.constant 0 : index
    %get3A_3 = arith.constant 0 : index
    %get3A_4 = arith.constant 0 : index
    %get3A_5 = vector.load %arg1[%get3A_2, %get3A_3, %get3A_4] : memref<2x2000x128xf32, #tpu.memory_space<vmem>>, vector<1x2000x128xf32>
    %get3A_6 = vector.shape_cast %get3A_5 : vector<1x2000x128xf32> to vector<2000x128xf32>
    %get3A_7 = arith.constant 1 : index
    %get3A_8 = arith.constant 0 : index
    %get3A_9 = arith.constant 0 : index
    %get3A_10 = vector.load %arg1[%get3A_7, %get3A_8, %get3A_9] : memref<2x2000x128xf32, #tpu.memory_space<vmem>>, vector<1x2000x128xf32>
    %get3A_11 = vector.shape_cast %get3A_10 : vector<1x2000x128xf32> to vector<2000x128xf32>
    %add3A = arith.addf %get3A_6, %get3A_11 : vector<2000x128xf32>
    %get3A_12 = arith.constant 0 : index
    %get3A_13 = arith.constant 0 : index
    %get3A_14 = vector.load %arg2[%get3A_12, %get3A_13] : memref<2000x128xf32, #tpu.memory_space<vmem>>, vector<2000x128xf32>
    %add3A_15 = arith.addf %add3A, %get3A_14 : vector<2000x128xf32>
    %mul3A = arith.mulf %get3A_1, %add3A_15 : vector<2000x128xf32>
    %convert_element_type3A = arith.truncf %mul3A : vector<2000x128xf32> to vector<2000x128xbf16>
    %get3A_16 = arith.constant 0 : index
    %get3A_17 = arith.constant 0 : index
    %get3A_18 = vector.load %arg4[%get3A_16, %get3A_17] : memref<128x8xf32, #tpu.memory_space<vmem>>, vector<128x8xf32>
    %convert_element_type3A_19 = arith.truncf %get3A_18 : vector<128x8xf32> to vector<128x8xbf16>
    %dot_general3A = arith.constant dense<0.000000e+00> : vector<2000x8xf32>
    %dot_general3A_20 = tpu.matmul %convert_element_type3A, %convert_element_type3A_19, %dot_general3A {dimension_numbers = #tpu.dot_dimension_numbers<[1], [0], [0], [1], [0, 0, 1, 1], [], []>, transpose_lhs_hint = false} : vector<2000x128xbf16>, vector<128x8xbf16>, vector<2000x8xf32> -> vector<2000x8xf32>
    %get3A_21 = arith.constant 0 : index
    %get3A_22 = arith.constant 0 : index
    %get3A_23 = vector.load %arg5[%get3A_21, %get3A_22] : memref<1x8xf32, #tpu.memory_space<vmem>>, vector<1x8xf32>
    %add3A_24 = vector.broadcast %get3A_23 : vector<1x8xf32> to vector<2000x8xf32>
    %add3A_25 = arith.addf %dot_general3A_20, %add3A_24 : vector<2000x8xf32>
    %swap3A = arith.constant 0 : index
    %swap3A_26 = arith.constant 0 : index
    %swap3A_27 = vector.load %arg6[%swap3A, %swap3A_26] : memref<2000x8xf32, #tpu.memory_space<vmem>>, vector<2000x8xf32>
    tpu.vector_store %arg6[%swap3A, %swap3A_26], %add3A_25 {strides = array<i32>} : memref<2000x8xf32, #tpu.memory_space<vmem>>, vector<2000x8xf32>,
    return
  }
  func.func @transform_0(%arg0: i32) -> (i32, i32, i32) {
    %c0_i32 = arith.constant 0 : i32
    %c0_i32_0 = arith.constant 0 : i32
    %c0_i32_1 = arith.constant 0 : i32
    return %c0_i32, %arg0, %c0_i32_0 : i32, i32, i32
  }
  func.func @transform_1(%arg0: i32) -> (i32, i32) {
    %c0_i32 = arith.constant 0 : i32
    %c0_i32_0 = arith.constant 0 : i32
    return %arg0, %c0_i32 : i32, i32
  }
  func.func @transform_2(%arg0: i32) -> (i32, i32) {
    %c0_i32 = arith.constant 0 : i32
    %c0_i32_0 = arith.constant 0 : i32
    return %arg0, %c0_i32 : i32, i32
  }
  func.func @transform_3(%arg0: i32) -> (i32, i32) {
    %c0_i32 = arith.constant 0 : i32
    %c0_i32_0 = arith.constant 0 : i32
    %c0_i32_1 = arith.constant 0 : i32
    return %c0_i32, %c0_i32_0 : i32, i32
  }
  func.func @transform_4(%arg0: i32) -> (i32, i32) {
    %c0_i32 = arith.constant 0 : i32
    %c0_i32_0 = arith.constant 0 : i32
    %c0_i32_1 = arith.constant 0 : i32
    return %c0_i32, %c0_i32_0 : i32, i32
  }
  func.func @transform_5(%arg0: i32) -> (i32, i32) {
    %c0_i32 = arith.constant 0 : i32
    %c0_i32_0 = arith.constant 0 : i32
    return %arg0, %c0_i32 : i32, i32
  }
}

</mosaic_0001>

<sc_bundles>
// kernel: kernel.11.cloned.1.call-start
scs
__scs_entry_jumppad:
0x0: {  	(pc) =	sbr.rel $0x88, $3  }
0x1: {  	(tag) =	ssettag $0x0;
	lr =	simm.s32 $0x1  }
0x2: {  	[smem:$0x3F95] =	sst lr;
	_ =	strace $0xD0000000  }
0x3: {  	_ = 	snop  }
0x4: {  	_ = 	snop  }
0x5: {  	_ = 	snop  }
0x6: {  	_ = 	snop  }
0x7: {  	_ = 	snop  }
__scs_overlays_trampoline_lowered:
0x8: {  	[smem:$0x3FA4] =	sst s0  }
0x9: {  	[smem:$0x3FA5] =	sst s1  }
0xa: {  	[smem:$0x3FA6] =	sst s2  }
0xb: {  	[smem:$0x3FA7] =	sst s3  }
0xc: {  	[smem:$0x3FA8] =	sst s4  }
0xd: {  	[smem:$0x3FA9] =	sst s5  }
0xe: {  	[smem:$0x3FAA] =	sst s6  }
0xf: {  	[smem:$0x3FAB] =	sst s7  }
0x10: {  	[smem:$0x3FAC] =	sst s8  }
0x11: {  	[smem:$0x3FAD] =	sst s9;
	s0 =	simm.s32 @!p0 $0x0  }
0x12: {  	s1 =	sld [smem:$0x3F93];
	s0 =	simm.s32 @p0 $0x1  }
0x13: {  	[smem:$0x3FAE] =	sst s0;
	s0 =	simm.s32 @!p1 $0x0  }
0x14: {  	s2 =	sld [smem:$0x3F92];
	s0 =	simm.s32 @p1 $0x1  }
0x15: {  	[smem:$0x3FAF] =	sst s0;
	s0 =	simm.s32 @!p2 $0x0  }
0x16: {  	s3 =	sld [smem:$0x3FDB];
	s0 =	simm.s32 @p2 $0x1  }
0x17: {  	s4 =	simm.s32 $0x1BF5;
	[smem:$0x3FB1] =	sst s0  }
0x18: {  	s0 =	sld [smem:$0x3F94];
	_ =	swait.ge [sflag:s4], $0x0  }
0x19: {  	s7 =	sld [smem:$0x3F95]  }
0x1a: {  	s8 =	sadd.s32 $0xFFFFE003, lr  }
0x1b: {  	s9 =	sadd.s32 $0xFFFFFEF7, lr;
	s5 =	simm.s32 $0xFFFFFFFF;
	p2 =	slt.u32 s8, $0xFFFFF086  }
0x1c: {  	p1 =	slt.u32 s9, $0xF7A;
	s5 =	simm.s32 @!p2 $0x0  }
0x1d: {  	s5 =	simm.s32 @p1 $0x1;
	p0 =	seq.s32 s7, s2  }
0x1e: {  	s7 =	smul.u32 @!p0 $0xF7A, s2;
	p2 =	seq.s32 @!p0 s5, $0x0  }
0x1f: {  	s9 =	smul.u32 $0xF7A, s1;
	s8 =	simm.s32 @!p0 $0x1BF5;
	p2 =	por !p2, p0  }
0x20: {  	[sflag:s8] =	ssyncset.s32 @!p0 $0xFFFFF086;
	s6 =	sadd.s32 @!p0 s3, s7;
	s7 =	simm.s32 @!p0 $0x108  }
0x21: {  	s3 =	sadd.s32 s3, s9;
	s6 =	sadd.s32 @!p0 $0x88, s6;
	s7 =	simm.s32 @p2 $0x1082  }
0x22: {  	[simem:s7], [sflag:s8] =	dma.local @!p0 [hbm:s6], $0xF7A  }
0x23: {  	s9 =	sor.u32 $0xD0000000, s2;
	s6 =	simm.s32 $0x108;
	_ =	swait.ge @!p0 [sflag:s8], $0x0  }
0x24: {  	s3 =	sadd.s32 $0x88, s3;
	s6 =	simm.s32 @!p1 $0x1082;
	[sflag:s4] =	ssyncset.s32 $0xFFFFF086  }
0x25: {  	[simem:s6], [sflag:s4] =	dma.local [hbm:s3], $0xF7A  }
0x26: {  	[smem:$0x3F95] =	sst s1;
	(tag) =	ssettag s2;
	_ =	strace s9  }
0x27: {  	s1 =	sld [smem:$0x3FA5]  }
0x28: {  	s2 =	sld [smem:$0x3FA6]  }
0x29: {  	s4 =	sld [smem:$0x3FA8]  }
0x2a: {  	p0 =	seq.s32 s5, $0x0;
	s5 =	sld [smem:$0x3FA9]  }
0x2b: {  	s6 =	sld [smem:$0x3FAA]  }
0x2c: {  	s7 =	sld [smem:$0x3FAB]  }
0x2d: {  	s3 =	simm.s32 $0x108;
	s8 =	sld [smem:$0x3FAC]  }
0x2e: {  	s3 =	simm.s32 @!p0 $0x1082;
	s9 =	sld [smem:$0x3FAD]  }
0x2f: {  	lr =	sadd.s32 s0, s3;
	s0 =	sld [smem:$0x3FA4]  }
0x30: {  	s3 =	sld [smem:$0x3FA7]  }
0x31: {  	[smem:$0x3FB0] =	sst s10  }
0x32: {  	s10 =	sld [smem:$0x3FAE];
	_ =	sdelay $0x3  }
0x33: {  	p0 =	seq.s32 s10, $0x1;
	s10 =	sld [smem:$0x3FB0];
	_ =	sdelay $0x3  }
0x34: {  	[smem:$0x3FB0] =	sst s10  }
0x35: {  	s10 =	sld [smem:$0x3FAF];
	_ =	sdelay $0x3  }
0x36: {  	p1 =	seq.s32 s10, $0x1;
	s10 =	sld [smem:$0x3FB0];
	_ =	sdelay $0x3  }
0x37: {  	[smem:$0x3FB0] =	sst s10  }
0x38: {  	s10 =	sld [smem:$0x3FB1]  }
0x39: {  	_ = 	snop;
	(pc) =	sbr.ind lr, $3  }
0x3a: {  	_ = 	snop  }
0x3b: {  	_ = 	snop  }
0x3c: {  	p2 =	seq.s32 s10, $0x1;
	s10 =	sld [smem:$0x3FB0]  }
0x3d: {  	_ =	shalt  }
0x3e: {  	_ =	shalt  }
0x3f: {  	_ =	shalt  }
0x40: {  	_ =	shalt  }
0x41: {  	_ =	shalt  }
0x42: {  	_ =	shalt  }
0x43: {  	_ =	shalt  }
0x44: {  	_ =	shalt  }
0x45: {  	_ =	shalt  }
0x46: {  	_ =	shalt  }
0x47: {  	_ =	shalt  }
0x48: {  	_ =	shalt  }
0x49: {  	_ =	shalt  }
0x4a: {  	_ =	shalt  }
0x4b: {  	_ =	shalt  }
0x4c: {  	_ =	shalt  }
0x4d: {  	_ =	shalt  }
0x4e: {  	_ =	shalt  }
0x4f: {  	_ =	shalt  }
0x50: {  	_ =	shalt  }
0x51: {  	_ =	shalt  }
0x52: {  	_ =	shalt  }
0x53: {  	_ =	shalt  }
0x54: {  	_ =	shalt  }
0x55: {  	_ =	shalt  }
0x56: {  	_ =	shalt  }
0x57: {  	_ =	shalt  }
0x58: {  	_ =	shalt  }
0x59: {  	_ =	shalt  }
0x5a: {  	_ =	shalt  }
0x5b: {  	_ =	shalt  }
0x5c: {  	_ =	shalt  }
0x5d: {  	_ =	shalt  }
0x5e: {  	_ =	shalt  }
0x5f: {  	_ =	shalt  }
0x60: {  	_ =	shalt  }
0x61: {  	_ =	shalt  }
0x62: {  	_ =	shalt  }
0x63: {  	_ =	shalt  }
0x64: {  	_ =	shalt  }
0x65: {  	_ =	shalt  }
0x66: {  	_ =	shalt  }
0x67: {  	_ =	shalt  }
0x68: {  	_ =	shalt  }
0x69: {  	_ =	shalt  }
0x6a: {  	_ =	shalt  }
0x6b: {  	_ =	shalt  }
0x6c: {  	_ =	shalt  }
0x6d: {  	_ =	shalt  }
0x6e: {  	_ =	shalt  }
0x6f: {  	_ =	shalt  }
0x70: {  	_ =	shalt  }
0x71: {  	_ =	shalt  }
0x72: {  	_ =	shalt  }
0x73: {  	_ =	shalt  }
0x74: {  	_ =	shalt  }
0x75: {  	_ =	shalt  }
0x76: {  	_ =	shalt  }
0x77: {  	_ =	shalt  }
0x78: {  	_ =	shalt  }
0x79: {  	_ =	shalt  }
0x7a: {  	_ =	shalt  }
0x7b: {  	_ =	shalt  }
0x7c: {  	_ =	shalt  }
0x7d: {  	_ =	shalt  }
0x7e: {  	_ =	shalt  }
0x7f: {  	_ =	shalt  }
0x80: {  	_ =	shalt  }
0x81: {  	_ =	shalt  }
0x82: {  	_ =	shalt  }
0x83: {  	_ =	shalt  }
0x84: {  	_ =	shalt  }
0x85: {  	_ =	shalt  }
0x86: {  	_ =	shalt  }
0x87: {  	_ =	shalt  }
.Lfunc_end0:
.L_simem_size_0:
called_computation_lowered:
.L_overlay_start_0:
0x88: {  	s2 =	sld [smem:$0x3FD9]  }
0x89: {  	s3 =	sld [smem:$0x3FFE];
	_ =	sdelay $0x1  }
0x8a: {  	s1 =	srdreg.scid  }
0x8b: {  	s0 =	sand.u32 $0x1, s1  }
0x8c: {  	s14 =	sshll.u32 s0, $0xA;
	s2 =	sadd.s32 s3, s2  }
0x8d: {  	s2 =	sadd.s32 s2, s14  }
0x8e: {  	[smem:$0x3FBC] =	sst s2  }
0x8f: {  	_ = 	snop  }
0x90: {  	s2 =	sld [smem:$0x3FD0];
	_ =	sdelay $0x2  }
0x91: {  	s15 =	simm.s32 $0xA;
	s4 =	simm.s32 $0x10  }
0x92: {  	[smem:s4], [sflag:s15] =	dma.local [hbm:s2], $0x1  }
0x93: {  	_ =	swait.eq [sflag:s15], $0x1  }
0x94: {  	[sflag:s15] =	ssyncset.done $0x0  }
0x95: {  	[sflag:s15] =	ssyncadd.s32 $0xFFFFFFFF  }
0x96: {  	s16 =	sld [smem:$0x11];
	(tm) =	ssettm $0x1  }
0x97: {  	s17 =	sld [smem:$0x3FFB];
	_ =	sdelay $0x3  }
0x98: {  	_ =	strace s17  }
0x99: {  	s3 =	sld [smem:$0x3FFC];
	_ =	sdelay $0x3  }
0x9a: {  	_ =	strace s3  }
0x9b: {  	s3 =	sld [smem:$0x3FFD];
	_ =	sdelay $0x3  }
0x9c: {  	_ =	strace s3  }
0x9d: {  	_ =	strace $0x8FFFFFFF  }
0x9e: {  	s18 =	sld [smem:$0x3FDB];
	_ =	sdelay $0x1  }
0x9f: {  	s19 =	simm.s32 $_scs_section_size  }
0xa0: {  	s5 =	simm.s32 $_size__tile_overlayer_lowered;
	s6 =	simm.s32 $_tile_overlayer_lowered  }
0xa1: {  	s22 =	simm.s32 $0x1BFF;
	s21 =	sshll.u32 s6, $0x1;
	s3 =	sadd.s32 s19, s18  }
0xa2: {  	s7 =	simm.s32 $0x0;
	s20 =	sshll.u32 s5, $0x1;
	s5 =	sadd.s32 s21, s3  }
0xa3: {  	[timem:s7], [sflag:s22] =	dma.local [hbm:s5], s20  }
0xa4: {  	_ =	swait.ge [sflag:s22], s20  }
0xa5: {  	s4 =	ssub.s32 $0x0, s20;
	[sflag:s22] =	ssyncset.done $0x0  }
0xa6: {  	[sflag:s22] =	ssyncadd.s32 s4;
	_ =	sdelay $0x1  }
0xa7: {  	s23 =	simm.s32 $0x1B8B  }
0xa8: {  	_ =	swait.ge [sflag:s23], $0x1  }
0xa9: {  	[sflag:s23] =	ssyncset.done $0x0  }
0xaa: {  	s25 =	simm.s32 $0x1B8E;
	s24 =	sld [smem:$0x3FFE];
	[sflag:s23] =	ssyncadd.s32 $0xFFFFFFFF  }
0xab: {  	s26 =	simm.s32 $execute0_lowered;
	[smem:$0x3FD2] =	sst s25  }
0xac: {  	s5 =	sshll.u32 s26, $0x1;
	_ =	strace $0x80000046;
	[dreg:$0x1] =	wrdreg $0xFFFFFFFF  }
0xad: {  	s28 =	simm.s32 $_size_execute0_lowered;
	s3 =	sadd.s32 s3, s5;
	[dreg:$0x0] =	wrdreg $0x0  }
0xae: {  	s5 =	sshll.u32 s28, $0x1;
	[dreg:$0x2] =	wrdreg s3  }
0xaf: {  	[dreg:$0x3] =	wrdreg s5  }
0xb0: {  	[dreg:$0x4] =	wrdreg $0xC0  }
0xb1: {  	_ =	task [dreg:s7], $0x5FFFF  }
0xb2: {  	[dreg:$0x1] =	wrdreg $0xFFFFFFFF  }
0xb3: {  	[dreg:$0x0] =	wrdreg $0x60  }
0xb4: {  	[dreg:$0x2] =	wrdreg s24  }
0xb5: {  	[dreg:$0x3] =	wrdreg s16  }
0xb6: {  	[dreg:$0x4] =	wrdreg $0x68000  }
0xb7: {  	[dreg:$0x5] =	wrdreg $0x9  }
0xb8: {  	_ =	task.clear_ibuf [dreg:s7], $0x6FFFF;
	_ =	strace $0x90000046  }
0xb9: {  	s29 =	simm.s32 $0x9;
	_ =	strace $0x80000048  }
0xba: {  	_ =	swait.ge [sflag:s29], $0x1  }
0xbb: {  	[sflag:s29] =	ssyncadd.s32 $0xFFFFFFFF  }
0xbc: {  	_ =	strace $0x90000048  }
0xbd: {  	_ =	sfence  }
0xbe: {  	s30 =	sld [smem:$0x0];
	_ =	sdelay $0x2  }
0xbf: {  	s31 =	sshll.u32 s1, $0xD;
	s1 =	sshrl.u32 s1, $0x2  }
0xc0: {  	s3 =	sand.u32 $0x4000, s31;
	s1 =	sadd.s32 s1, s30  }
0xc1: {  	s0 =	sor.u32 s3, s0;
	s1 =	sshll.u32 s1, $0x11  }
0xc2: {  	s0 =	sor.u32 s1, s0  }
0xc3: {  	s0 =	sadd.s32 $0x8F2B, s0  }
0xc4: {  	[sflag:s0] =	ssyncadd.remote.s32 $0x1  }
0xc5: {  	_ =	sfence.sel $0xFFFF  }
0xc6: {  	[dreg:$0x0] =	wrdreg $0xFFFFFFFF;
	(pc) =	sbr.abs _section_cstart, $3  }
0xc7: {  	[dreg:$0x1] =	wrdreg $0xFFFFFFFF  }
0xc8: {  	_ =	task.clear_ibuf [dreg:s7], $0x2FFFF;
	_ =	strace $0x9FFFFFFF  }
0xc9: {  	(tm) =	ssettm $0x7FFFFFFF  }
tec
execute0_lowered:
.L_overlay_start_1:
0x0: {  	(tag) =	ssettag $0x1  }
0x1: {  	s6 =	rddreg [dreg:$0x0]  }
0x2: {  	s2 =	rddreg [dreg:$0x1]  }
0x3: {  	s0 =	srdreg.scid;
	s3 =	rddreg [dreg:$0x2]  }
0x4: {  	s4 =	simm.s32 $0x0;
	s5 =	sand.u32 $0x1, s0;
	s0 =	stileid.u32  }
0x5: {  	s13 =	simm.s32 $0x78;
	s14 =	simm.s32 $0x1;
	s8 =	smul.u32 $0x13C00, s0  }
0x6: {  	s15 =	simm.s32 $0x2;
	s16 =	simm.s32 $0x0;
	s9 =	smul.u32 $0x13C000, s5  }
0x7: {  	[smem:$0x7FF] =	sst s4;
	s1 =	sshll.u32 s5, $0x4;
	s29 =	smul.u32 $0x4F000, s0  }
0x8: {  	s5 =	ssub.s32 $0x2, s5;
	s31 =	sshll.u32 s0, $0x6;
	s1 =	sor.u32 s0, s1  }
0x9: {  	s30 =	sshrl.u32 s5, $0x1;
	s7 =	smul.u32 $0x580, s1;
	s1 =	rddreg [dreg:$0x3]  }
0xa: {  	_ =	strace $0x80000047;
	s10 =	sshrl.u32 s8, $0x3;
	s8 =	sadd.s32 s8, s9  }
0xb: {  	s9 =	sshrl.u32 s29, $0x2;
	s11 =	ssub.s32 s5, s30;
	s10 =	sadd.s32 s10, s6  }
0xc: {  	s8 =	sshrl.u32 s8, $0x3;
	s12 =	sadd.s32 s9, s3;
	s9 =	smax.u32 s11, $0x1  }
0xd: {  	s11 =	simm.s32 $0x3;
	s7 =	sadd.s32 s7, s6;
	s8 =	sadd.s32 s8, s6  }
0xe: {  	s5 =	sadd.s32 $0xEA00, s10;
	s6 =	sor.u32 $0x1C03, s31;
	s10 =	sshrl.u32 s12, $0x3  }
0xf: {  	s12 =	simm.s32 $0x2C00;
	s7 =	sadd.s32 $0x3A00, s7;
	s8 =	sadd.s32 $0x36200, s8  }
.LBB2_1:
0x10: {  	[spmem:s10], [sflag:s6] =	dma.local [hbm:s5], $0x2780  }
0x11: {  	_ =	swait.ge [sflag:s11], $0x2780  }
0x12: {  	[sflag:s11] =	ssyncset.done $0x0  }
0x13: {  	[sflag:s11] =	ssyncadd.s32 $0xFFFFD880  }
0x14: {  	[tilespmem:s4], [sflag:$0x3] =	stream.linear.gather [hbm4b:s7+s4], $0x2A00, $0x38;
	[tilespmem:$0x1A400] =	vst v63  }
0x15: {  	_ =	swait.ge [sflag:s11], $0x2A00  }
0x16: {  	[sflag:s11] =	ssyncset.done $0x0  }
0x17: {  	[sflag:s11] =	ssyncadd.s32 $0xFFFFD600  }
0x18: {  	[tilespmem:s12], [sflag:$0x3] =	stream.linear.gather [hbm4b:s2+s4], $0x3C00, $0x38;
	[tilespmem:$0x1A400] =	vst v63  }
0x19: {  	_ =	swait.ge [sflag:s11], $0x3C00  }
0x1a: {  	[sflag:s11] =	ssyncset.done $0x0  }
0x1b: {  	[sflag:s11] =	ssyncadd.s32 $0xFFFFC400  }
0x1c: {  	s17 =	simm.s32 $0x0;
	[bflag:$0x0] =	sbarrier.arrive $0xFFFF  }
0x1d: {  	[spmem:s3] =	stream.indirect.scatter.add.f32 [tilespmem:s12], [sflag:$0x1], $0x80, s17, s13, $0xb8;
	[tilespmem:$0x1A400] =	vst v63  }
0x1e: {  	s31 =	simm.s32 $0x80  }
0x1f: {  	[spmem:s3] =	stream.indirect.scatter.add.f32 [tilespmem:s12], [sflag:$0x2], $0x80, s31, s13, $0xb8;
	[tilespmem:$0x1A400] =	vst v63  }
0x20: {  	_ =	swait.ge [sflag:s14], $0x3C00  }
0x21: {  	[sflag:s14] =	ssyncset.done $0x0  }
0x22: {  	[sflag:s14] =	ssyncadd.s32 $0xFFFFC400  }
0x23: {  	_ =	swait.ge [sflag:s15], $0x3C00  }
0x24: {  	s18 =	simm.s32 $0x800;
	s17 =	simm.s32 $0x400;
	[sflag:s15] =	ssyncset.done $0x0  }
.LBB2_2:
0x25: {  	s19 =	sshra.s32 s17, $0x2  }
0x26: {  	[sflag:s15] =	ssyncadd.s32 $0xFFFFC400;
	s17 =	smov.u32 s18;
	s20 =	sadd.s32 $0x400, s18  }
0x27: {  	[spmem:s3] =	stream.indirect.scatter.add.f32 [tilespmem:s12], [sflag:$0x1], $0x80, s19, s13, $0xb8;
	[tilespmem:$0x1A400] =	vst v63  }
0x28: {  	p0 =	sne.s32 s18, $0xA400;
	s18 =	sadd.s32 $0x80, s19  }
0x29: {  	[spmem:s3] =	stream.indirect.scatter.add.f32 [tilespmem:s12], [sflag:$0x2], $0x80, s18, s13, $0xb8;
	[tilespmem:$0x1A400] =	vst v63  }
.Ltmp0:
0x2a: {  	_ =	swait.ge [sflag:s14], $0x3C00;
	(pc) =	sbr.rel @p0 .LBB2_2-.Ltmp0, $4  }
0x2b: {  	[sflag:s14] =	ssyncset.done $0x0  }
0x2c: {  	[sflag:s14] =	ssyncadd.s32 $0xFFFFC400  }
0x2d: {  	_ =	swait.ge [sflag:s15], $0x3C00  }
0x2e: {  	s18 =	smov.u32 s20;
	[sflag:s15] =	ssyncset.done $0x0  }
0x2f: {  	s17 =	sshra.s32 s17, $0x2;
	[sflag:s15] =	ssyncadd.s32 $0xFFFFC400  }
0x30: {  	[spmem:s3] =	stream.indirect.scatter.add.f32 [tilespmem:s12], [sflag:$0x1], $0x80, s17, s13, $0xb8;
	[tilespmem:$0x1A400] =	vst v63  }
0x31: {  	s17 =	sadd.s32 $0x80, s17  }
0x32: {  	[spmem:s3] =	stream.indirect.scatter.add.f32 [tilespmem:s12], [sflag:$0x2], $0x80, s17, s13, $0xb8;
	[tilespmem:$0x1A400] =	vst v63  }
0x33: {  	_ =	swait.ge [sflag:s14], $0x3C00  }
0x34: {  	[sflag:s14] =	ssyncset.done $0x0  }
0x35: {  	[sflag:s14] =	ssyncadd.s32 $0xFFFFC400  }
0x36: {  	_ =	swait.ge [sflag:s15], $0x3C00  }
0x37: {  	s16 =	sadd.s32 $0x1, s16;
	[sflag:s15] =	ssyncset.done $0x0  }
0x38: {  	p0 =	sne.s32 s16, s9;
	[sflag:s15] =	ssyncadd.s32 $0xFFFFC400  }
.Ltmp1:
0x39: {  	[bflag:$0x0] =	sbarrier.arrive $0xFFFF;
	(pc) =	sbr.rel @p0 .LBB2_1-.Ltmp1, $4  }
0x3a: {  	[hbm:s8], [sflag:s6] =	dma.local [spmem:s10], $0x2780  }
0x3b: {  	_ =	swait.ge [sflag:s11], $0x2780  }
0x3c: {  	[sflag:s11] =	ssyncset.done $0x0  }
0x3d: {  	[sflag:s11] =	ssyncadd.s32 $0xFFFFD880  }
0x3e: {  	_ =	sfence.sel $0x180000  }
0x3f: {  	[bflag:$0x0] =	sbarrier.arrive $0xFFFF  }
0x40: {  	p0 =	sne.s32 s0, $0x0;
	_ =	strace $0x90000047  }
0x41: {  	s0 =	sadd.s32 @!p0 $0x100000, s1;
	[bflag:$0x2] =	sbarrier.arrive $0xFFFF  }
0x42: {  	[sflag:s0] =	ssyncadd.tile.s32 @!p0 $0x1;
	_ =	shalt  }
.Lfunc_end2:
_tile_overlayer_lowered:
.L_overlay_start_2:
0x43: {  	(tag) =	ssettag $0x2  }
0x44: {  	s0 =	rddreg [dreg:$0x0];
	s2 =	stileid.u32  }
0x45: {  	s1 =	rddreg [dreg:$0x1];
	p0 =	sne.s32 s2, $0x0  }
0x46: {  	s3 =	rddreg [dreg:$0x2];
	[bflag:$0x3] =	sbarrier.arrive $0xFFFF;
	s2 =	simm.s32 @!p0 $0x1C03  }
0x47: {  	[timem:s3], [sflag:s2] =	dma.local @!p0 [hbm:s0], s1  }
0x48: {  	s0 =	simm.s32 @!p0 $0x3  }
0x49: {  	_ =	swait.ge @!p0 [sflag:s0], s1  }
0x4a: {  	s1 =	ssub.s32 @!p0 $0x0, s1;
	[sflag:s0] =	ssyncset.done @!p0 $0x0  }
0x4b: {  	[sflag:s0] =	ssyncadd.s32 @!p0 s1  }
0x4c: {  	[bflag:$0x3] =	sbarrier.arrive $0xFFFF  }
0x4d: {  	_ =	shalt  }

// kernel: kernel.14.cloned.1.call-start
scs
__scs_entry_jumppad:
0x0: {  	(pc) =	sbr.rel $0x88, $3  }
0x1: {  	(tag) =	ssettag $0x0;
	lr =	simm.s32 $0x1  }
0x2: {  	[smem:$0x3F95] =	sst lr;
	_ =	strace $0xD0000000  }
0x3: {  	_ = 	snop  }
0x4: {  	_ = 	snop  }
0x5: {  	_ = 	snop  }
0x6: {  	_ = 	snop  }
0x7: {  	_ = 	snop  }
__scs_overlays_trampoline_lowered:
0x8: {  	[smem:$0x3FA4] =	sst s0  }
0x9: {  	[smem:$0x3FA5] =	sst s1  }
0xa: {  	[smem:$0x3FA6] =	sst s2  }
0xb: {  	[smem:$0x3FA7] =	sst s3  }
0xc: {  	[smem:$0x3FA8] =	sst s4  }
0xd: {  	[smem:$0x3FA9] =	sst s5  }
0xe: {  	[smem:$0x3FAA] =	sst s6  }
0xf: {  	[smem:$0x3FAB] =	sst s7  }
0x10: {  	[smem:$0x3FAC] =	sst s8  }
0x11: {  	[smem:$0x3FAD] =	sst s9;
	s0 =	simm.s32 @!p0 $0x0  }
0x12: {  	s1 =	sld [smem:$0x3F93];
	s0 =	simm.s32 @p0 $0x1  }
0x13: {  	[smem:$0x3FAE] =	sst s0;
	s0 =	simm.s32 @!p1 $0x0  }
0x14: {  	s2 =	sld [smem:$0x3F92];
	s0 =	simm.s32 @p1 $0x1  }
0x15: {  	[smem:$0x3FAF] =	sst s0;
	s0 =	simm.s32 @!p2 $0x0  }
0x16: {  	s3 =	sld [smem:$0x3FDB];
	s0 =	simm.s32 @p2 $0x1  }
0x17: {  	s4 =	simm.s32 $0x1BF5;
	[smem:$0x3FB1] =	sst s0  }
0x18: {  	s0 =	sld [smem:$0x3F94];
	_ =	swait.ge [sflag:s4], $0x0  }
0x19: {  	s7 =	sld [smem:$0x3F95]  }
0x1a: {  	s8 =	sadd.s32 $0xFFFFE003, lr  }
0x1b: {  	s9 =	sadd.s32 $0xFFFFFEF7, lr;
	s5 =	simm.s32 $0xFFFFFFFF;
	p2 =	slt.u32 s8, $0xFFFFF086  }
0x1c: {  	p1 =	slt.u32 s9, $0xF7A;
	s5 =	simm.s32 @!p2 $0x0  }
0x1d: {  	s5 =	simm.s32 @p1 $0x1;
	p0 =	seq.s32 s7, s2  }
0x1e: {  	s7 =	smul.u32 @!p0 $0xF7A, s2;
	p2 =	seq.s32 @!p0 s5, $0x0  }
0x1f: {  	s9 =	smul.u32 $0xF7A, s1;
	s8 =	simm.s32 @!p0 $0x1BF5;
	p2 =	por !p2, p0  }
0x20: {  	[sflag:s8] =	ssyncset.s32 @!p0 $0xFFFFF086;
	s6 =	sadd.s32 @!p0 s3, s7;
	s7 =	simm.s32 @!p0 $0x108  }
0x21: {  	s3 =	sadd.s32 s3, s9;
	s6 =	sadd.s32 @!p0 $0x88, s6;
	s7 =	simm.s32 @p2 $0x1082  }
0x22: {  	[simem:s7], [sflag:s8] =	dma.local @!p0 [hbm:s6], $0xF7A  }
0x23: {  	s9 =	sor.u32 $0xD0000000, s2;
	s6 =	simm.s32 $0x108;
	_ =	swait.ge @!p0 [sflag:s8], $0x0  }
0x24: {  	s3 =	sadd.s32 $0x88, s3;
	s6 =	simm.s32 @!p1 $0x1082;
	[sflag:s4] =	ssyncset.s32 $0xFFFFF086  }
0x25: {  	[simem:s6], [sflag:s4] =	dma.local [hbm:s3], $0xF7A  }
0x26: {  	[smem:$0x3F95] =	sst s1;
	(tag) =	ssettag s2;
	_ =	strace s9  }
0x27: {  	s1 =	sld [smem:$0x3FA5]  }
0x28: {  	s2 =	sld [smem:$0x3FA6]  }
0x29: {  	s4 =	sld [smem:$0x3FA8]  }
0x2a: {  	p0 =	seq.s32 s5, $0x0;
	s5 =	sld [smem:$0x3FA9]  }
0x2b: {  	s6 =	sld [smem:$0x3FAA]  }
0x2c: {  	s7 =	sld [smem:$0x3FAB]  }
0x2d: {  	s3 =	simm.s32 $0x108;
	s8 =	sld [smem:$0x3FAC]  }
0x2e: {  	s3 =	simm.s32 @!p0 $0x1082;
	s9 =	sld [smem:$0x3FAD]  }
0x2f: {  	lr =	sadd.s32 s0, s3;
	s0 =	sld [smem:$0x3FA4]  }
0x30: {  	s3 =	sld [smem:$0x3FA7]  }
0x31: {  	[smem:$0x3FB0] =	sst s10  }
0x32: {  	s10 =	sld [smem:$0x3FAE];
	_ =	sdelay $0x3  }
0x33: {  	p0 =	seq.s32 s10, $0x1;
	s10 =	sld [smem:$0x3FB0];
	_ =	sdelay $0x3  }
0x34: {  	[smem:$0x3FB0] =	sst s10  }
0x35: {  	s10 =	sld [smem:$0x3FAF];
	_ =	sdelay $0x3  }
0x36: {  	p1 =	seq.s32 s10, $0x1;
	s10 =	sld [smem:$0x3FB0];
	_ =	sdelay $0x3  }
0x37: {  	[smem:$0x3FB0] =	sst s10  }
0x38: {  	s10 =	sld [smem:$0x3FB1]  }
0x39: {  	_ = 	snop;
	(pc) =	sbr.ind lr, $3  }
0x3a: {  	_ = 	snop  }
0x3b: {  	_ = 	snop  }
0x3c: {  	p2 =	seq.s32 s10, $0x1;
	s10 =	sld [smem:$0x3FB0]  }
0x3d: {  	_ =	shalt  }
0x3e: {  	_ =	shalt  }
0x3f: {  	_ =	shalt  }
0x40: {  	_ =	shalt  }
0x41: {  	_ =	shalt  }
0x42: {  	_ =	shalt  }
0x43: {  	_ =	shalt  }
0x44: {  	_ =	shalt  }
0x45: {  	_ =	shalt  }
0x46: {  	_ =	shalt  }
0x47: {  	_ =	shalt  }
0x48: {  	_ =	shalt  }
0x49: {  	_ =	shalt  }
0x4a: {  	_ =	shalt  }
0x4b: {  	_ =	shalt  }
0x4c: {  	_ =	shalt  }
0x4d: {  	_ =	shalt  }
0x4e: {  	_ =	shalt  }
0x4f: {  	_ =	shalt  }
0x50: {  	_ =	shalt  }
0x51: {  	_ =	shalt  }
0x52: {  	_ =	shalt  }
0x53: {  	_ =	shalt  }
0x54: {  	_ =	shalt  }
0x55: {  	_ =	shalt  }
0x56: {  	_ =	shalt  }
0x57: {  	_ =	shalt  }
0x58: {  	_ =	shalt  }
0x59: {  	_ =	shalt  }
0x5a: {  	_ =	shalt  }
0x5b: {  	_ =	shalt  }
0x5c: {  	_ =	shalt  }
0x5d: {  	_ =	shalt  }
0x5e: {  	_ =	shalt  }
0x5f: {  	_ =	shalt  }
0x60: {  	_ =	shalt  }
0x61: {  	_ =	shalt  }
0x62: {  	_ =	shalt  }
0x63: {  	_ =	shalt  }
0x64: {  	_ =	shalt  }
0x65: {  	_ =	shalt  }
0x66: {  	_ =	shalt  }
0x67: {  	_ =	shalt  }
0x68: {  	_ =	shalt  }
0x69: {  	_ =	shalt  }
0x6a: {  	_ =	shalt  }
0x6b: {  	_ =	shalt  }
0x6c: {  	_ =	shalt  }
0x6d: {  	_ =	shalt  }
0x6e: {  	_ =	shalt  }
0x6f: {  	_ =	shalt  }
0x70: {  	_ =	shalt  }
0x71: {  	_ =	shalt  }
0x72: {  	_ =	shalt  }
0x73: {  	_ =	shalt  }
0x74: {  	_ =	shalt  }
0x75: {  	_ =	shalt  }
0x76: {  	_ =	shalt  }
0x77: {  	_ =	shalt  }
0x78: {  	_ =	shalt  }
0x79: {  	_ =	shalt  }
0x7a: {  	_ =	shalt  }
0x7b: {  	_ =	shalt  }
0x7c: {  	_ =	shalt  }
0x7d: {  	_ =	shalt  }
0x7e: {  	_ =	shalt  }
0x7f: {  	_ =	shalt  }
0x80: {  	_ =	shalt  }
0x81: {  	_ =	shalt  }
0x82: {  	_ =	shalt  }
0x83: {  	_ =	shalt  }
0x84: {  	_ =	shalt  }
0x85: {  	_ =	shalt  }
0x86: {  	_ =	shalt  }
0x87: {  	_ =	shalt  }
.Lfunc_end0:
.L_simem_size_0:
called_computation.1_lowered:
.L_overlay_start_0:
0x88: {  	s2 =	sld [smem:$0x3FD9]  }
0x89: {  	s3 =	sld [smem:$0x3FFE];
	_ =	sdelay $0x1  }
0x8a: {  	s1 =	srdreg.scid  }
0x8b: {  	s0 =	sand.u32 $0x1, s1  }
0x8c: {  	s16 =	sshll.u32 s0, $0xA;
	s2 =	sadd.s32 s3, s2  }
0x8d: {  	s2 =	sadd.s32 s2, s16  }
0x8e: {  	[smem:$0x3FBC] =	sst s2  }
0x8f: {  	_ = 	snop  }
0x90: {  	(tm) =	ssettm $0x1  }
0x91: {  	s17 =	sld [smem:$0x3FFB];
	_ =	sdelay $0x3  }
0x92: {  	_ =	strace s17  }
0x93: {  	s2 =	sld [smem:$0x3FFC];
	_ =	sdelay $0x3  }
0x94: {  	_ =	strace s2  }
0x95: {  	s2 =	sld [smem:$0x3FFD];
	_ =	sdelay $0x3  }
0x96: {  	_ =	strace s2  }
0x97: {  	_ =	strace $0x8FFFFFFF  }
0x98: {  	s18 =	sld [smem:$0x3FDB];
	_ =	sdelay $0x1  }
0x99: {  	s19 =	simm.s32 $_scs_section_size  }
0x9a: {  	s4 =	simm.s32 $_size__tile_overlayer_lowered;
	s5 =	simm.s32 $_tile_overlayer_lowered  }
0x9b: {  	s22 =	simm.s32 $0x1BFF;
	s21 =	sshll.u32 s5, $0x1;
	s2 =	sadd.s32 s19, s18  }
0x9c: {  	s6 =	simm.s32 $0x0;
	s20 =	sshll.u32 s4, $0x1;
	s4 =	sadd.s32 s21, s2  }
0x9d: {  	[timem:s6], [sflag:s22] =	dma.local [hbm:s4], s20  }
0x9e: {  	_ =	swait.ge [sflag:s22], s20  }
0x9f: {  	s3 =	ssub.s32 $0x0, s20;
	[sflag:s22] =	ssyncset.done $0x0  }
0xa0: {  	[sflag:s22] =	ssyncadd.s32 s3;
	_ =	sdelay $0x1  }
0xa1: {  	s23 =	simm.s32 $0x1B8B  }
0xa2: {  	_ =	swait.ge [sflag:s23], $0x1  }
0xa3: {  	[sflag:s23] =	ssyncset.done $0x0  }
0xa4: {  	s25 =	simm.s32 $0x1B8E;
	s24 =	sld [smem:$0x3FFE];
	[sflag:s23] =	ssyncadd.s32 $0xFFFFFFFF  }
0xa5: {  	s26 =	simm.s32 $execute0_lowered;
	[smem:$0x3FD2] =	sst s25  }
0xa6: {  	s4 =	sshll.u32 s26, $0x1;
	_ =	strace $0x80000049;
	[dreg:$0x1] =	wrdreg $0xFFFFFFFF  }
0xa7: {  	s28 =	simm.s32 $_size_execute0_lowered;
	s2 =	sadd.s32 s2, s4;
	[dreg:$0x0] =	wrdreg $0x0  }
0xa8: {  	s4 =	sshll.u32 s28, $0x1;
	[dreg:$0x2] =	wrdreg s2  }
0xa9: {  	[dreg:$0x3] =	wrdreg s4  }
0xaa: {  	[dreg:$0x4] =	wrdreg $0xC0  }
0xab: {  	_ =	task [dreg:s6], $0x5FFFF  }
0xac: {  	[dreg:$0x1] =	wrdreg $0xFFFFFFFF  }
0xad: {  	[dreg:$0x0] =	wrdreg $0x60  }
0xae: {  	[dreg:$0x2] =	wrdreg s24  }
0xaf: {  	[dreg:$0x3] =	wrdreg $0xBA000  }
0xb0: {  	[dreg:$0x4] =	wrdreg $0x9  }
0xb1: {  	_ =	task.clear_ibuf [dreg:s6], $0x5FFFF;
	_ =	strace $0x90000049  }
0xb2: {  	s29 =	simm.s32 $0x9;
	_ =	strace $0x8000004B  }
0xb3: {  	_ =	swait.ge [sflag:s29], $0x1  }
0xb4: {  	[sflag:s29] =	ssyncadd.s32 $0xFFFFFFFF  }
0xb5: {  	_ =	strace $0x9000004B  }
0xb6: {  	_ =	sfence  }
0xb7: {  	s30 =	sld [smem:$0x0];
	_ =	sdelay $0x2  }
0xb8: {  	s31 =	sshll.u32 s1, $0xD;
	s1 =	sshrl.u32 s1, $0x2  }
0xb9: {  	s3 =	sand.u32 $0x4000, s31;
	s1 =	sadd.s32 s1, s30  }
0xba: {  	s0 =	sor.u32 s3, s0;
	s1 =	sshll.u32 s1, $0x11  }
0xbb: {  	s0 =	sor.u32 s1, s0  }
0xbc: {  	s0 =	sadd.s32 $0x8F2B, s0  }
0xbd: {  	[sflag:s0] =	ssyncadd.remote.s32 $0x1  }
0xbe: {  	_ =	sfence.sel $0xFFFF  }
0xbf: {  	[dreg:$0x0] =	wrdreg $0xFFFFFFFF;
	(pc) =	sbr.abs _section_cstart, $3  }
0xc0: {  	[dreg:$0x1] =	wrdreg $0xFFFFFFFF  }
0xc1: {  	_ =	task.clear_ibuf [dreg:s6], $0x2FFFF;
	_ =	strace $0x9FFFFFFF  }
0xc2: {  	(tm) =	ssettm $0x7FFFFFFF  }
0xc3: {  	_ =	shalt  }
tec
execute0_lowered:
.L_overlay_start_1:
0x0: {  	(tag) =	ssettag $0x1  }
0x1: {  	s0 =	rddreg [dreg:$0x0];
	s9 =	stileid.u32  }
0x2: {  	s2 =	rddreg [dreg:$0x1];
	s3 =	simm.s32 $0x0;
	s4 =	smul.u32 $0x30, s9  }
0x3: {  	s1 =	srdreg.scid;
	s28 =	simm.s32 $0x2;
	s5 =	smul.u32 $0x78, s9  }
0x4: {  	s30 =	simm.s32 $0xC;
	s31 =	simm.s32 $0x0;
	s7 =	smul.u32 $0x13C00, s9  }
0x5: {  	[smem:$0x7FF] =	sst s3;
	s1 =	sand.u32 $0x1, s1;
	s24 =	smul.u32 $0x4F000, s9  }
0x6: {  	s9 =	sshll.u32 s9, $0x6;
	p0 =	seq.s32 s1, $0x0;
	s21 =	smul.u32 $0x13C000, s1  }
0x7: {  	_ =	strace $0x8000004A;
	s1 =	ssub.s32 $0x2, s1;
	s9 =	sor.u32 $0x1C0D, s9  }
0x8: {  	s6 =	sadd.s32 $0x780, s4;
	s4 =	sadd.s32 $0x36200, s0;
	s22 =	sshrl.u32 s7, $0x3  }
0x9: {  	s23 =	sshrl.u32 s1, $0x1;
	s6 =	smov.u32 @p0 s5;
	s5 =	sadd.s32 s7, s21  }
0xa: {  	s8 =	sadd.s32 s22, s0;
	s1 =	ssub.s32 s1, s23;
	s7 =	sshrl.u32 s24, $0x2  }
0xb: {  	s21 =	simm.s32 $0xD;
	s22 =	simm.s32 $0x100;
	s6 =	sshll.u32 s6, $0x5  }
0xc: {  	s5 =	sshrl.u32 s5, $0x3;
	s25 =	sadd.s32 s7, s2;
	s26 =	sadd.s32 $0xEA00, s8  }
0xd: {  	s19 =	smax.u32 s1, $0x1;
	s20 =	sadd.s32 s6, s0;
	[dreg:$0x9] =	wrdreg s25  }
0xe: {  	s0 =	sadd.s32 s5, s0;
	s6 =	simm.s32 $0x78;
	[dreg:$0xa] =	wrdreg s26  }
0xf: {  	s6 =	simm.s32 @!p0 $0x30;
	s29 =	sadd.s32 $0x85200, s20;
	s11 =	sadd.s32 $0x85220, s20  }
0x10: {  	s12 =	sadd.s32 $0x85240, s20;
	[dreg:$0xb] =	wrdreg s29;
	s13 =	sadd.s32 $0xFFFFFFFE, s6  }
0x11: {  	s24 =	sadd.s32 $0x852A0, s20;
	s14 =	sadd.s32 $0xFFFFFFFD, s6;
	[dreg:$0x3] =	wrdreg s13  }
0x12: {  	s15 =	sadd.s32 $0xFFFFFFFC, s6;
	s16 =	sadd.s32 $0xFFFFFFF8, s6;
	[dreg:$0x4] =	wrdreg s14  }
0x13: {  	s17 =	sadd.s32 $0xFFFFFFF7, s6;
	s18 =	sadd.s32 $0xFFFFFFF6, s6;
	[dreg:$0x5] =	wrdreg s15  }
0x14: {  	s13 =	sadd.s32 $0x85260, s20;
	s14 =	sadd.s32 $0x85280, s20;
	[dreg:$0x6] =	wrdreg s16  }
0x15: {  	s15 =	sadd.s32 $0xFFFFFFFB, s6;
	s16 =	sadd.s32 $0xFFFFFFFA, s6;
	[dreg:$0x7] =	wrdreg s17  }
0x16: {  	s17 =	sadd.s32 $0xFFFFFFF9, s6;
	[dreg:$0x8] =	wrdreg s18;
	s18 =	sadd.s32 $0x9A200, s0  }
.LBB2_1:
0x17: {  	s0 =	rddreg [dreg:$0x9]  }
0x18: {  	s1 =	rddreg [dreg:$0xa];
	s0 =	sshrl.u32 s0, $0x3  }
0x19: {  	[spmem:s0], [sflag:s9] =	dma.local [hbm:s1], $0x2780  }
0x1a: {  	_ =	swait.ge [sflag:s21], $0x2780  }
0x1b: {  	[sflag:s21] =	ssyncset.done $0x0  }
0x1c: {  	s8 =	rddreg [dreg:$0xb];
	[sflag:s21] =	ssyncadd.s32 $0xFFFFD880  }
0x1d: {  	[tilespmem:s3], [sflag:$0xD] =	stream.linear.gather [hbm4b:s8+s3], $0x100, $0x38;
	[tilespmem:$0x1F600] =	vst v63  }
0x1e: {  	_ =	swait.ge [sflag:s21], $0x100  }
0x1f: {  	[sflag:s21] =	ssyncset.done $0x0  }
0x20: {  	[sflag:s21] =	ssyncadd.s32 $0xFFFFFF00  }
0x21: {  	[bflag:$0x0] =	sbarrier.arrive $0xFFFF  }
0x22: {  	[tilespmem:s22], [sflag:$0x2] =	stream.linear.gather [hbm4b:s11+s3], $0x100, $0x38;
	[tilespmem:$0x1F600] =	vst v63  }
0x23: {  	s10 =	simm.s32 $0x200  }
0x24: {  	[tilespmem:s10], [sflag:$0x3] =	stream.linear.gather [hbm4b:s12+s3], $0x100, $0x38;
	[tilespmem:$0x1F600] =	vst v63  }
0x25: {  	s20 =	simm.s32 $0x300  }
0x26: {  	[tilespmem:s20], [sflag:$0x4] =	stream.linear.gather [hbm4b:s13+s3], $0x100, $0x38;
	[tilespmem:$0x1F600] =	vst v63  }
0x27: {  	s23 =	simm.s32 $0x400  }
0x28: {  	[tilespmem:s23], [sflag:$0x5] =	stream.linear.gather [hbm4b:s14+s3], $0x100, $0x38;
	[tilespmem:$0x1F600] =	vst v63  }
0x29: {  	s25 =	simm.s32 $0x78;
	s5 =	simm.s32 $0x600  }
0x2a: {  	[tilespmem:s5], [sflag:$0x7] =	stream.indirect.gather [hbm4b:s4+s25], $0x80, s3, s25, $0xb8;
	[tilespmem:$0x1F600] =	vst v63  }
0x2b: {  	_ =	swait.ge [sflag:s28], $0x100  }
0x2c: {  	s26 =	simm.s32 $0x4200;
	p0 =	sle.u32 s6, $0x0;
	[sflag:s28] =	ssyncset.done $0x0  }
0x2d: {  	p1 =	por @!p0 $0x1, $0x1;
	s1 =	simm.s32 @!p0 $0x7;
	[sflag:s28] =	ssyncadd.s32 $0xFFFFFF00  }
0x2e: {  	[tilespmem:s26], [sflag:$0x8] =	stream.indirect.gather [hbm4b:s4+s25], $0x80, s22, s25, $0xb8;
	[tilespmem:$0x1F600] =	vst v63  }
0x2f: {  	p2 =	por p1, p0;
	_ =	swait.ge @!p0 [sflag:s1], $0x3C00  }
0x30: {  	s20 =	simm.s32 @!p0 $0x78;
	s23 =	simm.s32 @!p2 $0xC;
	[sflag:s1] =	ssyncset.done @!p0 $0x0  }
0x31: {  	s25 =	simm.s32 @!p0 $0x600;
	[sflag:s1] =	ssyncadd.s32 @!p0 $0xFFFFC400;
	s1 =	simm.s32 @!p0 $0x80  }
0x32: {  	[spmem:s2] =	stream.indirect.scatter.add.f32 @!p0 [tilespmem:s25], [sflag:$0xA], $0x80, s1, s20, $0xb8;
	[tilespmem:$0x1F600] =	vst v63  }
0x33: {  	p1 =	sle.u32 @!p0 s15, $0x0;
	_ =	swait.ge @!p2 [sflag:s23], $0x3C00  }
0x34: {  	p1 =	por p1, p0;
	s25 =	simm.s32 $0x6;
	s1 =	rddreg [dreg:$0x3]  }
0x35: {  	s20 =	smov.u32 s24;
	[sflag:s23] =	ssyncset.done @!p2 $0x0;
	p3 =	sle.u32 @!p0 s1, $0x0  }
0x36: {  	[sflag:s23] =	ssyncadd.s32 @!p2 $0xFFFFC400;
	p2 =	sle.u32 s6, $0x1;
	p3 =	por p3, p0  }
0x37: {  	s23 =	smov.u32 s24;
	s1 =	simm.s32 $0x0;
	s29 =	simm.s32 @!p3 $0x3  }
.LBB2_2:
0x38: {  	_ =	swait.ge @!p3 [sflag:s29], $0x100  }
0x39: {  	s5 =	simm.s32 @!p3 $0x78;
	[sflag:s29] =	ssyncset.done @!p3 $0x0  }
0x3a: {  	s7 =	simm.s32 @!p3 $0x7E00;
	[sflag:s29] =	ssyncadd.s32 @!p3 $0xFFFFFF00;
	s29 =	simm.s32 @!p3 $0x200  }
0x3b: {  	[tilespmem:s7], [sflag:$0x9] =	stream.indirect.gather @!p3 [hbm4b:s4+s5], $0x80, s29, s5, $0xb8;
	[tilespmem:$0x1F600] =	vst v63  }
0x3c: {  	s5 =	simm.s32 @!p1 $0x0;
	s7 =	simm.s32 @!p1 $0x500;
	s29 =	simm.s32 @!p2 $0x8  }
0x3d: {  	[tilespmem:s7], [sflag:$0x6] =	stream.linear.gather @!p1 [hbm4b:s23+s5], $0x100, $0x38;
	[tilespmem:$0x1F600] =	vst v63  }
0x3e: {  	_ =	swait.ge @!p2 [sflag:s29], $0x3C00  }
0x3f: {  	s8 =	simm.s32 @!p2 $0x180;
	s5 =	simm.s32 @!p2 $0x4200;
	[sflag:s29] =	ssyncset.done @!p2 $0x0  }
0x40: {  	s7 =	simm.s32 @!p2 $0xA;
	[sflag:s29] =	ssyncadd.s32 @!p2 $0xFFFFC400;
	s29 =	simm.s32 @!p2 $0x78  }
0x41: {  	[spmem:s2] =	stream.indirect.scatter.add.f32 @!p2 [tilespmem:s5], [sflag:$0xB], $0x80, s8, s29, $0xb8;
	[tilespmem:$0x1F600] =	vst v63  }
0x42: {  	_ =	swait.ge @!p2 [sflag:s7], $0x3C00  }
0x43: {  	s5 =	rddreg [dreg:$0x4]  }
0x44: {  	p1 =	sge.u32 @!p2 s1, s16;
	[sflag:s7] =	ssyncset.done @!p2 $0x0;
	p3 =	sge.u32 @!p2 s1, s5  }
0x45: {  	p1 =	por p1, p2;
	[sflag:s7] =	ssyncadd.s32 @!p2 $0xFFFFC400;
	p2 =	por p3, p2  }
0x46: {  	s5 =	simm.s32 @!p2 $0x4  }
0x47: {  	s10 =	sadd.s32 $0x2, s1;
	_ =	swait.ge @!p2 [sflag:s5], $0x100  }
0x48: {  	p3 =	sge.u32 s10, s6;
	s8 =	simm.s32 @!p2 $0x600;
	[sflag:s5] =	ssyncset.done @!p2 $0x0  }
0x49: {  	s7 =	simm.s32 @!p2 $0x300;
	[sflag:s5] =	ssyncadd.s32 @!p2 $0xFFFFFF00;
	s5 =	simm.s32 @!p2 $0x78  }
0x4a: {  	[tilespmem:s8], [sflag:$0x7] =	stream.indirect.gather @!p2 [hbm4b:s4+s5], $0x80, s7, s5, $0xb8;
	[tilespmem:$0x1F600] =	vst v63  }
0x4b: {  	s5 =	sadd.s32 @!p1 $0x20, s23;
	s7 =	simm.s32 @!p1 $0x0;
	s8 =	simm.s32 @!p3 $0x9  }
0x4c: {  	[tilespmem:s7], [sflag:$0x1] =	stream.linear.gather @!p1 [hbm4b:s5+s7], $0x100, $0x38;
	[tilespmem:$0x1F600] =	vst v63  }
0x4d: {  	_ =	swait.ge @!p3 [sflag:s8], $0x3C00  }
0x4e: {  	s29 =	simm.s32 @!p3 $0x280;
	s5 =	simm.s32 @!p3 $0x7E00;
	[sflag:s8] =	ssyncset.done @!p3 $0x0  }
0x4f: {  	s7 =	simm.s32 @!p3 $0xB;
	[sflag:s8] =	ssyncadd.s32 @!p3 $0xFFFFC400;
	s8 =	simm.s32 @!p3 $0x78  }
0x50: {  	[spmem:s2] =	stream.indirect.scatter.add.f32 @!p3 [tilespmem:s5], [sflag:$0xC], $0x80, s29, s8, $0xb8;
	[tilespmem:$0x1F600] =	vst v63  }
0x51: {  	_ =	swait.ge @!p3 [sflag:s7], $0x3C00  }
0x52: {  	s8 =	rddreg [dreg:$0x5]  }
0x53: {  	p1 =	sge.u32 @!p3 s1, s17;
	[sflag:s7] =	ssyncset.done @!p3 $0x0;
	p5 =	sge.u32 @!p3 s1, s8  }
0x54: {  	p4 =	por p1, p3;
	[sflag:s7] =	ssyncadd.s32 @!p3 $0xFFFFC400;
	p3 =	por p5, p3  }
0x55: {  	s10 =	sadd.s32 $0x3, s1;
	s8 =	simm.s32 @!p3 $0x5  }
0x56: {  	p1 =	sge.u32 s10, s6;
	_ =	swait.ge @!p3 [sflag:s8], $0x100  }
0x57: {  	s7 =	simm.s32 @!p1 $0x7;
	s29 =	simm.s32 @!p3 $0x78;
	[sflag:s8] =	ssyncset.done @!p3 $0x0  }
0x58: {  	s10 =	simm.s32 @!p3 $0x400;
	[sflag:s8] =	ssyncadd.s32 @!p3 $0xFFFFFF00;
	s8 =	simm.s32 @!p3 $0x4200  }
0x59: {  	[tilespmem:s8], [sflag:$0x8] =	stream.indirect.gather @!p3 [hbm4b:s4+s29], $0x80, s10, s29, $0xb8;
	[tilespmem:$0x1F600] =	vst v63  }
0x5a: {  	s8 =	sadd.s32 @!p4 $0x40, s23;
	s10 =	simm.s32 @!p4 $0x0;
	s29 =	simm.s32 @!p4 $0x100  }
0x5b: {  	[tilespmem:s29], [sflag:$0x2] =	stream.linear.gather @!p4 [hbm4b:s8+s10], $0x100, $0x38;
	[tilespmem:$0x1F600] =	vst v63  }
0x5c: {  	_ =	swait.ge @!p1 [sflag:s7], $0x3C00  }
0x5d: {  	s8 =	simm.s32 @!p1 $0x600;
	s10 =	simm.s32 @!p1 $0xC;
	[sflag:s7] =	ssyncset.done @!p1 $0x0  }
0x5e: {  	s29 =	simm.s32 @!p1 $0x380;
	[sflag:s7] =	ssyncadd.s32 @!p1 $0xFFFFC400;
	s7 =	simm.s32 @!p1 $0x78  }
0x5f: {  	[spmem:s2] =	stream.indirect.scatter.add.f32 @!p1 [tilespmem:s8], [sflag:$0xA], $0x80, s29, s7, $0xb8;
	[tilespmem:$0x1F600] =	vst v63  }
0x60: {  	p2 =	sge.u32 @!p1 s1, s15;
	_ =	swait.ge @!p1 [sflag:s10], $0x3C00  }
0x61: {  	p2 =	por p2, p1;
	[sflag:s10] =	ssyncset.done @!p1 $0x0  }
0x62: {  	s5 =	simm.s32 @!p2 $0x6;
	[sflag:s10] =	ssyncadd.s32 @!p1 $0xFFFFC400  }
0x63: {  	_ =	swait.ge @!p2 [sflag:s5], $0x100  }
0x64: {  	s7 =	simm.s32 @!p2 $0x7E00;
	s10 =	simm.s32 @!p2 $0x500;
	[sflag:s5] =	ssyncset.done @!p2 $0x0  }
0x65: {  	s8 =	rddreg [dreg:$0x6];
	[sflag:s5] =	ssyncadd.s32 @!p2 $0xFFFFFF00;
	s5 =	simm.s32 @!p2 $0x78  }
0x66: {  	[tilespmem:s7], [sflag:$0x9] =	stream.indirect.gather @!p2 [hbm4b:s4+s5], $0x80, s10, s5, $0xb8;
	[tilespmem:$0x1F600] =	vst v63  }
0x67: {  	p2 =	sge.u32 @!p1 s1, s8  }
0x68: {  	s10 =	sadd.s32 $0x4, s1;
	p3 =	por p2, p1  }
0x69: {  	p1 =	sge.u32 s10, s6;
	s5 =	sadd.s32 @!p3 $0x60, s23  }
0x6a: {  	s7 =	simm.s32 @!p3 $0x200;
	s8 =	simm.s32 @!p1 $0x8;
	s10 =	simm.s32 @!p3 $0x0  }
0x6b: {  	[tilespmem:s7], [sflag:$0x3] =	stream.linear.gather @!p3 [hbm4b:s5+s10], $0x100, $0x38;
	[tilespmem:$0x1F600] =	vst v63  }
0x6c: {  	_ =	swait.ge @!p1 [sflag:s8], $0x3C00  }
0x6d: {  	s5 =	simm.s32 @!p1 $0x4200;
	s7 =	simm.s32 @!p1 $0xA;
	[sflag:s8] =	ssyncset.done @!p1 $0x0  }
0x6e: {  	s10 =	simm.s32 @!p1 $0x480;
	[sflag:s8] =	ssyncadd.s32 @!p1 $0xFFFFC400;
	s8 =	simm.s32 @!p1 $0x78  }
0x6f: {  	[spmem:s2] =	stream.indirect.scatter.add.f32 @!p1 [tilespmem:s5], [sflag:$0xB], $0x80, s10, s8, $0xb8;
	[tilespmem:$0x1F600] =	vst v63  }
0x70: {  	p2 =	sge.u32 @!p1 s1, s16;
	_ =	swait.ge @!p1 [sflag:s7], $0x3C00  }
0x71: {  	p2 =	por p2, p1;
	[sflag:s7] =	ssyncset.done @!p1 $0x0  }
0x72: {  	s5 =	simm.s32 @!p2 $0x1;
	[sflag:s7] =	ssyncadd.s32 @!p1 $0xFFFFC400  }
0x73: {  	_ =	swait.ge @!p2 [sflag:s5], $0x100  }
0x74: {  	s10 =	simm.s32 @!p2 $0x0;
	s7 =	simm.s32 @!p2 $0x600;
	[sflag:s5] =	ssyncset.done @!p2 $0x0  }
0x75: {  	s8 =	rddreg [dreg:$0x7];
	[sflag:s5] =	ssyncadd.s32 @!p2 $0xFFFFFF00;
	s5 =	simm.s32 @!p2 $0x78  }
0x76: {  	[tilespmem:s7], [sflag:$0x7] =	stream.indirect.gather @!p2 [hbm4b:s4+s5], $0x80, s10, s5, $0xb8;
	[tilespmem:$0x1F600] =	vst v63  }
0x77: {  	p2 =	sge.u32 @!p1 s1, s8  }
0x78: {  	s5 =	sadd.s32 $0x5, s1;
	p1 =	por p2, p1  }
0x79: {  	p2 =	sge.u32 s5, s6;
	s7 =	sadd.s32 @!p1 $0x80, s23  }
0x7a: {  	s8 =	simm.s32 @!p1 $0x0;
	s10 =	simm.s32 @!p1 $0x300;
	s5 =	simm.s32 @!p2 $0x9  }
0x7b: {  	[tilespmem:s10], [sflag:$0x4] =	stream.linear.gather @!p1 [hbm4b:s7+s8], $0x100, $0x38;
	[tilespmem:$0x1F600] =	vst v63  }
0x7c: {  	_ =	swait.ge @!p2 [sflag:s5], $0x3C00  }
0x7d: {  	s29 =	simm.s32 @!p2 $0xB;
	s7 =	simm.s32 @!p2 $0x7E00;
	[sflag:s5] =	ssyncset.done @!p2 $0x0  }
0x7e: {  	s8 =	simm.s32 @!p2 $0x580;
	[sflag:s5] =	ssyncadd.s32 @!p2 $0xFFFFC400;
	s5 =	simm.s32 @!p2 $0x78  }
0x7f: {  	[spmem:s2] =	stream.indirect.scatter.add.f32 @!p2 [tilespmem:s7], [sflag:$0xC], $0x80, s8, s5, $0xb8;
	[tilespmem:$0x1F600] =	vst v63  }
0x80: {  	p5 =	sge.u32 @!p2 s1, s17;
	_ =	swait.ge @!p2 [sflag:s29], $0x3C00  }
0x81: {  	p5 =	por p5, p2;
	[sflag:s29] =	ssyncset.done @!p2 $0x0  }
0x82: {  	s26 =	smov.u32 s25;
	s5 =	simm.s32 @!p5 $0x2;
	[sflag:s29] =	ssyncadd.s32 @!p2 $0xFFFFC400  }
0x83: {  	s25 =	sadd.s32 $0x6, s25;
	p3 =	sge.u32 s26, s6;
	_ =	swait.ge @!p5 [sflag:s5], $0x100  }
0x84: {  	s7 =	simm.s32 @!p5 $0x78;
	s29 =	simm.s32 @!p5 $0x4200;
	[sflag:s5] =	ssyncset.done @!p5 $0x0  }
0x85: {  	s10 =	rddreg [dreg:$0x8];
	[sflag:s5] =	ssyncadd.s32 @!p5 $0xFFFFFF00;
	s5 =	simm.s32 @!p5 $0x100  }
0x86: {  	[tilespmem:s29], [sflag:$0x8] =	stream.indirect.gather @!p5 [hbm4b:s4+s7], $0x80, s5, s7, $0xb8;
	[tilespmem:$0x1F600] =	vst v63  }
0x87: {  	p4 =	seq.s32 @!p3 s26, $0x0;
	p1 =	sge.u32 @!p3 s26, s15;
	p5 =	sge.u32 @!p2 s1, s10  }
0x88: {  	s8 =	simm.s32 @!p3 $0x7;
	s1 =	smov.u32 s26;
	p2 =	por p5, p2  }
0x89: {  	s10 =	sadd.s32 @!p2 $0xA0, s20;
	s20 =	simm.s32 @!p2 $0x0;
	s26 =	simm.s32 @!p2 $0x400  }
0x8a: {  	[tilespmem:s26], [sflag:$0x5] =	stream.linear.gather @!p2 [hbm4b:s10+s20], $0x100, $0x38;
	[tilespmem:$0x1F600] =	vst v63  }
0x8b: {  	p0 =	sne.s32 s25, $0x78;
	p4 =	por p4, p3;
	_ =	swait.ge @!p3 [sflag:s8], $0x3C00  }
0x8c: {  	s5 =	simm.s32 @!p3 $0x78;
	s7 =	simm.s32 @!p4 $0xC;
	[sflag:s8] =	ssyncset.done @!p3 $0x0  }
0x8d: {  	s10 =	simm.s32 @!p3 $0x600;
	[sflag:s8] =	ssyncadd.s32 @!p3 $0xFFFFC400;
	s8 =	simm.s32 @!p3 $0x80  }
0x8e: {  	[spmem:s2] =	stream.indirect.scatter.add.f32 @!p3 [tilespmem:s10], [sflag:$0xA], $0x80, s8, s5, $0xb8;
	[tilespmem:$0x1F600] =	vst v63  }
.Ltmp0:
0x8f: {  	_ =	swait.ge @!p4 [sflag:s7], $0x3C00;
	(pc) =	sbr.rel @p0 .LBB2_2-.Ltmp0, $4  }
0x90: {  	[sflag:s7] =	ssyncset.done @!p4 $0x0;
	s5 =	rddreg [dreg:$0x3]  }
0x91: {  	s23 =	sadd.s32 $0xC0, s23;
	[sflag:s7] =	ssyncadd.s32 @!p4 $0xFFFFC400;
	p4 =	sge.u32 @!p3 s1, s5  }
0x92: {  	p1 =	por p1, p3;
	s26 =	sadd.s32 $0x1, s1;
	p3 =	por p4, p3  }
0x93: {  	s20 =	smov.u32 s23;
	p2 =	sge.u32 s26, s6;
	s29 =	simm.s32 @!p3 $0x3  }
0x94: {  	_ =	swait.ge @!p3 [sflag:s29], $0x100  }
0x95: {  	s5 =	simm.s32 @!p3 $0x78;
	[sflag:s29] =	ssyncset.done @!p3 $0x0  }
0x96: {  	s7 =	simm.s32 @!p3 $0x7E00;
	s8 =	simm.s32 @!p3 $0x200;
	[sflag:s29] =	ssyncadd.s32 @!p3 $0xFFFFFF00  }
0x97: {  	[tilespmem:s7], [sflag:$0x9] =	stream.indirect.gather @!p3 [hbm4b:s4+s5], $0x80, s8, s5, $0xb8;
	[tilespmem:$0x1F600] =	vst v63  }
0x98: {  	s5 =	simm.s32 @!p1 $0x0;
	s7 =	simm.s32 @!p1 $0x500;
	s8 =	simm.s32 @!p2 $0x8  }
0x99: {  	[tilespmem:s7], [sflag:$0x6] =	stream.linear.gather @!p1 [hbm4b:s23+s5], $0x100, $0x38;
	[tilespmem:$0x1F600] =	vst v63  }
0x9a: {  	_ =	swait.ge @!p2 [sflag:s8], $0x3C00  }
0x9b: {  	s10 =	simm.s32 @!p2 $0x180;
	s5 =	simm.s32 @!p2 $0x4200;
	[sflag:s8] =	ssyncset.done @!p2 $0x0  }
0x9c: {  	s7 =	simm.s32 @!p2 $0xA;
	[sflag:s8] =	ssyncadd.s32 @!p2 $0xFFFFC400;
	s8 =	simm.s32 @!p2 $0x78  }
0x9d: {  	[spmem:s2] =	stream.indirect.scatter.add.f32 @!p2 [tilespmem:s5], [sflag:$0xB], $0x80, s10, s8, $0xb8;
	[tilespmem:$0x1F600] =	vst v63  }
0x9e: {  	_ =	swait.ge @!p2 [sflag:s7], $0x3C00  }
0x9f: {  	s5 =	rddreg [dreg:$0x4]  }
0xa0: {  	p0 =	sge.u32 @!p2 s1, s5  }
0xa1: {  	[sflag:s7] =	ssyncset.done @!p2 $0x0;
	p1 =	por p0, p2  }
0xa2: {  	[sflag:s7] =	ssyncadd.s32 @!p2 $0xFFFFC400;
	p0 =	sge.u32 @!p2 s1, s16;
	s5 =	simm.s32 @!p1 $0x4  }
0xa3: {  	s10 =	sadd.s32 $0x2, s1;
	p2 =	por p0, p2;
	_ =	swait.ge @!p1 [sflag:s5], $0x100  }
0xa4: {  	s8 =	simm.s32 @!p1 $0x600;
	p0 =	sge.u32 s10, s6;
	[sflag:s5] =	ssyncset.done @!p1 $0x0  }
0xa5: {  	s7 =	simm.s32 @!p1 $0x300;
	[sflag:s5] =	ssyncadd.s32 @!p1 $0xFFFFFF00;
	s5 =	simm.s32 @!p1 $0x78  }
0xa6: {  	[tilespmem:s8], [sflag:$0x7] =	stream.indirect.gather @!p1 [hbm4b:s4+s5], $0x80, s7, s5, $0xb8;
	[tilespmem:$0x1F600] =	vst v63  }
0xa7: {  	s5 =	sadd.s32 @!p2 $0x20, s23;
	s7 =	simm.s32 @!p2 $0x0;
	s8 =	simm.s32 @!p0 $0x9  }
0xa8: {  	[tilespmem:s7], [sflag:$0x1] =	stream.linear.gather @!p2 [hbm4b:s5+s7], $0x100, $0x38;
	[tilespmem:$0x1F600] =	vst v63  }
0xa9: {  	_ =	swait.ge @!p0 [sflag:s8], $0x3C00  }
0xaa: {  	s10 =	simm.s32 @!p0 $0x280;
	s5 =	simm.s32 @!p0 $0x7E00;
	[sflag:s8] =	ssyncset.done @!p0 $0x0  }
0xab: {  	s7 =	simm.s32 @!p0 $0xB;
	[sflag:s8] =	ssyncadd.s32 @!p0 $0xFFFFC400;
	s8 =	simm.s32 @!p0 $0x78  }
0xac: {  	[spmem:s2] =	stream.indirect.scatter.add.f32 @!p0 [tilespmem:s5], [sflag:$0xC], $0x80, s10, s8, $0xb8;
	[tilespmem:$0x1F600] =	vst v63  }
0xad: {  	_ =	swait.ge @!p0 [sflag:s7], $0x3C00  }
0xae: {  	s5 =	rddreg [dreg:$0x5]  }
0xaf: {  	p1 =	sge.u32 @!p0 s1, s5  }
0xb0: {  	s25 =	sadd.s32 $0x3, s1;
	[sflag:s7] =	ssyncset.done @!p0 $0x0;
	p1 =	por p1, p0  }
0xb1: {  	p2 =	sge.u32 @!p0 s1, s17;
	[sflag:s7] =	ssyncadd.s32 @!p0 $0xFFFFC400;
	s7 =	simm.s32 @!p1 $0x5  }
0xb2: {  	p2 =	por p2, p0;
	p0 =	sge.u32 s25, s6;
	_ =	swait.ge @!p1 [sflag:s7], $0x100  }
0xb3: {  	s5 =	simm.s32 @!p0 $0x7;
	s8 =	simm.s32 @!p1 $0x78;
	[sflag:s7] =	ssyncset.done @!p1 $0x0  }
0xb4: {  	s10 =	simm.s32 @!p1 $0x400;
	[sflag:s7] =	ssyncadd.s32 @!p1 $0xFFFFFF00;
	s7 =	simm.s32 @!p1 $0x4200  }
0xb5: {  	[tilespmem:s7], [sflag:$0x8] =	stream.indirect.gather @!p1 [hbm4b:s4+s8], $0x80, s10, s8, $0xb8;
	[tilespmem:$0x1F600] =	vst v63  }
0xb6: {  	s7 =	sadd.s32 @!p2 $0x40, s23;
	s8 =	simm.s32 @!p2 $0x0;
	s10 =	simm.s32 @!p2 $0x100  }
0xb7: {  	[tilespmem:s10], [sflag:$0x2] =	stream.linear.gather @!p2 [hbm4b:s7+s8], $0x100, $0x38;
	[tilespmem:$0x1F600] =	vst v63  }
0xb8: {  	_ =	swait.ge @!p0 [sflag:s5], $0x3C00  }
0xb9: {  	s7 =	simm.s32 @!p0 $0x600;
	s8 =	simm.s32 @!p0 $0xC;
	[sflag:s5] =	ssyncset.done @!p0 $0x0  }
0xba: {  	s10 =	simm.s32 @!p0 $0x380;
	[sflag:s5] =	ssyncadd.s32 @!p0 $0xFFFFC400;
	s5 =	simm.s32 @!p0 $0x78  }
0xbb: {  	[spmem:s2] =	stream.indirect.scatter.add.f32 @!p0 [tilespmem:s7], [sflag:$0xA], $0x80, s10, s5, $0xb8;
	[tilespmem:$0x1F600] =	vst v63  }
0xbc: {  	p1 =	sge.u32 @!p0 s1, s15;
	_ =	swait.ge @!p0 [sflag:s8], $0x3C00  }
0xbd: {  	p1 =	por p1, p0;
	[sflag:s8] =	ssyncset.done @!p0 $0x0  }
0xbe: {  	s5 =	simm.s32 @!p1 $0x6;
	[sflag:s8] =	ssyncadd.s32 @!p0 $0xFFFFC400  }
0xbf: {  	_ =	swait.ge @!p1 [sflag:s5], $0x100  }
0xc0: {  	s7 =	simm.s32 @!p1 $0x7E00;
	s10 =	simm.s32 @!p1 $0x500;
	[sflag:s5] =	ssyncset.done @!p1 $0x0  }
0xc1: {  	s8 =	rddreg [dreg:$0x6];
	[sflag:s5] =	ssyncadd.s32 @!p1 $0xFFFFFF00;
	s5 =	simm.s32 @!p1 $0x78  }
0xc2: {  	[tilespmem:s7], [sflag:$0x9] =	stream.indirect.gather @!p1 [hbm4b:s4+s5], $0x80, s10, s5, $0xb8;
	[tilespmem:$0x1F600] =	vst v63  }
0xc3: {  	p1 =	sge.u32 @!p0 s1, s8  }
0xc4: {  	s26 =	sadd.s32 $0x4, s1;
	p1 =	por p1, p0  }
0xc5: {  	p0 =	sge.u32 s26, s6;
	s5 =	sadd.s32 @!p1 $0x60, s23  }
0xc6: {  	s7 =	simm.s32 @!p1 $0x200;
	s8 =	simm.s32 @!p0 $0x8;
	s10 =	simm.s32 @!p1 $0x0  }
0xc7: {  	[tilespmem:s7], [sflag:$0x3] =	stream.linear.gather @!p1 [hbm4b:s5+s10], $0x100, $0x38;
	[tilespmem:$0x1F600] =	vst v63  }
0xc8: {  	_ =	swait.ge @!p0 [sflag:s8], $0x3C00  }
0xc9: {  	s5 =	simm.s32 @!p0 $0x4200;
	s7 =	simm.s32 @!p0 $0xA;
	[sflag:s8] =	ssyncset.done @!p0 $0x0  }
0xca: {  	s10 =	simm.s32 @!p0 $0x480;
	[sflag:s8] =	ssyncadd.s32 @!p0 $0xFFFFC400;
	s8 =	simm.s32 @!p0 $0x78  }
0xcb: {  	[spmem:s2] =	stream.indirect.scatter.add.f32 @!p0 [tilespmem:s5], [sflag:$0xB], $0x80, s10, s8, $0xb8;
	[tilespmem:$0x1F600] =	vst v63  }
0xcc: {  	p1 =	sge.u32 @!p0 s1, s16;
	_ =	swait.ge @!p0 [sflag:s7], $0x3C00  }
0xcd: {  	p1 =	por p1, p0;
	[sflag:s7] =	ssyncset.done @!p0 $0x0  }
0xce: {  	s5 =	simm.s32 @!p1 $0x1;
	[sflag:s7] =	ssyncadd.s32 @!p0 $0xFFFFC400  }
0xcf: {  	_ =	swait.ge @!p1 [sflag:s5], $0x100  }
0xd0: {  	s10 =	simm.s32 @!p1 $0x0;
	s7 =	simm.s32 @!p1 $0x600;
	[sflag:s5] =	ssyncset.done @!p1 $0x0  }
0xd1: {  	s8 =	rddreg [dreg:$0x7];
	[sflag:s5] =	ssyncadd.s32 @!p1 $0xFFFFFF00;
	s5 =	simm.s32 @!p1 $0x78  }
0xd2: {  	[tilespmem:s7], [sflag:$0x7] =	stream.indirect.gather @!p1 [hbm4b:s4+s5], $0x80, s10, s5, $0xb8;
	[tilespmem:$0x1F600] =	vst v63  }
0xd3: {  	p1 =	sge.u32 @!p0 s1, s8  }
0xd4: {  	s29 =	sadd.s32 $0x5, s1;
	p1 =	por p1, p0  }
0xd5: {  	p0 =	sge.u32 s29, s6;
	s7 =	sadd.s32 @!p1 $0x80, s23  }
0xd6: {  	s5 =	simm.s32 @!p1 $0x0;
	s8 =	simm.s32 @!p1 $0x300;
	s10 =	simm.s32 @!p0 $0x9  }
0xd7: {  	[tilespmem:s8], [sflag:$0x4] =	stream.linear.gather @!p1 [hbm4b:s7+s5], $0x100, $0x38;
	[tilespmem:$0x1F600] =	vst v63  }
0xd8: {  	_ =	swait.ge @!p0 [sflag:s10], $0x3C00  }
0xd9: {  	s5 =	simm.s32 @!p0 $0xB;
	s7 =	simm.s32 @!p0 $0x7E00;
	[sflag:s10] =	ssyncset.done @!p0 $0x0  }
0xda: {  	s8 =	simm.s32 @!p0 $0x78;
	[sflag:s10] =	ssyncadd.s32 @!p0 $0xFFFFC400;
	s10 =	simm.s32 @!p0 $0x580  }
0xdb: {  	[spmem:s2] =	stream.indirect.scatter.add.f32 @!p0 [tilespmem:s7], [sflag:$0xC], $0x80, s10, s8, $0xb8;
	[tilespmem:$0x1F600] =	vst v63  }
0xdc: {  	p1 =	sge.u32 @!p0 s1, s17;
	_ =	swait.ge @!p0 [sflag:s5], $0x3C00  }
0xdd: {  	p1 =	por p1, p0;
	[sflag:s5] =	ssyncset.done @!p0 $0x0  }
0xde: {  	[sflag:s5] =	ssyncadd.s32 @!p0 $0xFFFFC400;
	s5 =	simm.s32 @!p1 $0x2  }
0xdf: {  	_ =	swait.ge @!p1 [sflag:s5], $0x100  }
0xe0: {  	s7 =	simm.s32 @!p1 $0x78;
	s10 =	simm.s32 @!p1 $0x4200;
	[sflag:s5] =	ssyncset.done @!p1 $0x0  }
0xe1: {  	s8 =	rddreg [dreg:$0x8];
	[sflag:s5] =	ssyncadd.s32 @!p1 $0xFFFFFF00;
	s5 =	simm.s32 @!p1 $0x100  }
0xe2: {  	[tilespmem:s10], [sflag:$0x8] =	stream.indirect.gather @!p1 [hbm4b:s4+s7], $0x80, s5, s7, $0xb8;
	[tilespmem:$0x1F600] =	vst v63  }
0xe3: {  	p1 =	sge.u32 @!p0 s1, s8  }
0xe4: {  	p0 =	por p1, p0  }
0xe5: {  	s1 =	sadd.s32 @!p0 $0xA0, s20;
	s5 =	simm.s32 @!p0 $0x0;
	s7 =	simm.s32 @!p0 $0x400  }
0xe6: {  	[tilespmem:s7], [sflag:$0x5] =	stream.linear.gather @!p0 [hbm4b:s1+s5], $0x100, $0x38;
	[tilespmem:$0x1F600] =	vst v63  }
0xe7: {  	_ =	swait.ge [sflag:s30], $0x3C00  }
0xe8: {  	s31 =	sadd.s32 $0x1, s31;
	[sflag:s30] =	ssyncset.done $0x0  }
0xe9: {  	p0 =	sne.s32 s31, s19;
	[sflag:s30] =	ssyncadd.s32 $0xFFFFC400  }
.Ltmp1:
0xea: {  	[bflag:$0x0] =	sbarrier.arrive $0xFFFF;
	(pc) =	sbr.rel @p0 .LBB2_1-.Ltmp1, $4  }
0xeb: {  	[hbm:s18], [sflag:s9] =	dma.local [spmem:s0], $0x2780  }
0xec: {  	_ =	swait.ge [sflag:s21], $0x2780  }
0xed: {  	[sflag:s21] =	ssyncset.done $0x0  }
0xee: {  	[sflag:s21] =	ssyncadd.s32 $0xFFFFD880  }
0xef: {  	_ =	sfence.sel $0x180000  }
0xf0: {  	[bflag:$0x0] =	sbarrier.arrive $0xFFFF  }
0xf1: {  	_ =	strace $0x9000004A  }
0xf2: {  	s0 =	stileid.u32;
	[bflag:$0x2] =	sbarrier.arrive $0xFFFF  }
0xf3: {  	p0 =	sne.s32 s0, $0x0;
	s0 =	rddreg [dreg:$0x2]  }
0xf4: {  	s0 =	sadd.s32 @!p0 $0x100000, s0  }
0xf5: {  	[sflag:s0] =	ssyncadd.tile.s32 @!p0 $0x1;
	_ =	shalt  }
.Lfunc_end2:
_tile_overlayer_lowered:
.L_overlay_start_2:
0xf6: {  	(tag) =	ssettag $0x2  }
0xf7: {  	s0 =	rddreg [dreg:$0x0];
	s2 =	stileid.u32  }
0xf8: {  	s1 =	rddreg [dreg:$0x1];
	p0 =	sne.s32 s2, $0x0  }
0xf9: {  	s3 =	rddreg [dreg:$0x2];
	[bflag:$0x3] =	sbarrier.arrive $0xFFFF;
	s2 =	simm.s32 @!p0 $0x1C0D  }
0xfa: {  	[timem:s3], [sflag:s2] =	dma.local @!p0 [hbm:s0], s1  }
0xfb: {  	s0 =	simm.s32 @!p0 $0xD  }
0xfc: {  	_ =	swait.ge @!p0 [sflag:s0], s1  }
0xfd: {  	s1 =	ssub.s32 @!p0 $0x0, s1;
	[sflag:s0] =	ssyncset.done @!p0 $0x0  }
0xfe: {  	[sflag:s0] =	ssyncadd.s32 @!p0 s1  }
0xff: {  	[bflag:$0x3] =	sbarrier.arrive $0xFFFF  }
0x100: {  	_ =	shalt  }

// kernel: kernel.17.cloned.1.call-start
scs
__scs_entry_jumppad:
0x0: {  	(pc) =	sbr.rel $0x88, $3  }
0x1: {  	(tag) =	ssettag $0x0;
	lr =	simm.s32 $0x1  }
0x2: {  	[smem:$0x3F95] =	sst lr;
	_ =	strace $0xD0000000  }
0x3: {  	_ = 	snop  }
0x4: {  	_ = 	snop  }
0x5: {  	_ = 	snop  }
0x6: {  	_ = 	snop  }
0x7: {  	_ = 	snop  }
__scs_overlays_trampoline_lowered:
0x8: {  	[smem:$0x3FA4] =	sst s0  }
0x9: {  	[smem:$0x3FA5] =	sst s1  }
0xa: {  	[smem:$0x3FA6] =	sst s2  }
0xb: {  	[smem:$0x3FA7] =	sst s3  }
0xc: {  	[smem:$0x3FA8] =	sst s4  }
0xd: {  	[smem:$0x3FA9] =	sst s5  }
0xe: {  	[smem:$0x3FAA] =	sst s6  }
0xf: {  	[smem:$0x3FAB] =	sst s7  }
0x10: {  	[smem:$0x3FAC] =	sst s8  }
0x11: {  	[smem:$0x3FAD] =	sst s9;
	s0 =	simm.s32 @!p0 $0x0  }
0x12: {  	s1 =	sld [smem:$0x3F93];
	s0 =	simm.s32 @p0 $0x1  }
0x13: {  	[smem:$0x3FAE] =	sst s0;
	s0 =	simm.s32 @!p1 $0x0  }
0x14: {  	s2 =	sld [smem:$0x3F92];
	s0 =	simm.s32 @p1 $0x1  }
0x15: {  	[smem:$0x3FAF] =	sst s0;
	s0 =	simm.s32 @!p2 $0x0  }
0x16: {  	s3 =	sld [smem:$0x3FDB];
	s0 =	simm.s32 @p2 $0x1  }
0x17: {  	s4 =	simm.s32 $0x1BF5;
	[smem:$0x3FB1] =	sst s0  }
0x18: {  	s0 =	sld [smem:$0x3F94];
	_ =	swait.ge [sflag:s4], $0x0  }
0x19: {  	s7 =	sld [smem:$0x3F95]  }
0x1a: {  	s8 =	sadd.s32 $0xFFFFE003, lr  }
0x1b: {  	s9 =	sadd.s32 $0xFFFFFEF7, lr;
	s5 =	simm.s32 $0xFFFFFFFF;
	p2 =	slt.u32 s8, $0xFFFFF086  }
0x1c: {  	p1 =	slt.u32 s9, $0xF7A;
	s5 =	simm.s32 @!p2 $0x0  }
0x1d: {  	s5 =	simm.s32 @p1 $0x1;
	p0 =	seq.s32 s7, s2  }
0x1e: {  	s7 =	smul.u32 @!p0 $0xF7A, s2;
	p2 =	seq.s32 @!p0 s5, $0x0  }
0x1f: {  	s9 =	smul.u32 $0xF7A, s1;
	s8 =	simm.s32 @!p0 $0x1BF5;
	p2 =	por !p2, p0  }
0x20: {  	[sflag:s8] =	ssyncset.s32 @!p0 $0xFFFFF086;
	s6 =	sadd.s32 @!p0 s3, s7;
	s7 =	simm.s32 @!p0 $0x108  }
0x21: {  	s3 =	sadd.s32 s3, s9;
	s6 =	sadd.s32 @!p0 $0x88, s6;
	s7 =	simm.s32 @p2 $0x1082  }
0x22: {  	[simem:s7], [sflag:s8] =	dma.local @!p0 [hbm:s6], $0xF7A  }
0x23: {  	s9 =	sor.u32 $0xD0000000, s2;
	s6 =	simm.s32 $0x108;
	_ =	swait.ge @!p0 [sflag:s8], $0x0  }
0x24: {  	s3 =	sadd.s32 $0x88, s3;
	s6 =	simm.s32 @!p1 $0x1082;
	[sflag:s4] =	ssyncset.s32 $0xFFFFF086  }
0x25: {  	[simem:s6], [sflag:s4] =	dma.local [hbm:s3], $0xF7A  }
0x26: {  	[smem:$0x3F95] =	sst s1;
	(tag) =	ssettag s2;
	_ =	strace s9  }
0x27: {  	s1 =	sld [smem:$0x3FA5]  }
0x28: {  	s2 =	sld [smem:$0x3FA6]  }
0x29: {  	s4 =	sld [smem:$0x3FA8]  }
0x2a: {  	p0 =	seq.s32 s5, $0x0;
	s5 =	sld [smem:$0x3FA9]  }
0x2b: {  	s6 =	sld [smem:$0x3FAA]  }
0x2c: {  	s7 =	sld [smem:$0x3FAB]  }
0x2d: {  	s3 =	simm.s32 $0x108;
	s8 =	sld [smem:$0x3FAC]  }
0x2e: {  	s3 =	simm.s32 @!p0 $0x1082;
	s9 =	sld [smem:$0x3FAD]  }
0x2f: {  	lr =	sadd.s32 s0, s3;
	s0 =	sld [smem:$0x3FA4]  }
0x30: {  	s3 =	sld [smem:$0x3FA7]  }
0x31: {  	[smem:$0x3FB0] =	sst s10  }
0x32: {  	s10 =	sld [smem:$0x3FAE];
	_ =	sdelay $0x3  }
0x33: {  	p0 =	seq.s32 s10, $0x1;
	s10 =	sld [smem:$0x3FB0];
	_ =	sdelay $0x3  }
0x34: {  	[smem:$0x3FB0] =	sst s10  }
0x35: {  	s10 =	sld [smem:$0x3FAF];
	_ =	sdelay $0x3  }
0x36: {  	p1 =	seq.s32 s10, $0x1;
	s10 =	sld [smem:$0x3FB0];
	_ =	sdelay $0x3  }
0x37: {  	[smem:$0x3FB0] =	sst s10  }
0x38: {  	s10 =	sld [smem:$0x3FB1]  }
0x39: {  	_ = 	snop;
	(pc) =	sbr.ind lr, $3  }
0x3a: {  	_ = 	snop  }
0x3b: {  	_ = 	snop  }
0x3c: {  	p2 =	seq.s32 s10, $0x1;
	s10 =	sld [smem:$0x3FB0]  }
0x3d: {  	_ =	shalt  }
0x3e: {  	_ =	shalt  }
0x3f: {  	_ =	shalt  }
0x40: {  	_ =	shalt  }
0x41: {  	_ =	shalt  }
0x42: {  	_ =	shalt  }
0x43: {  	_ =	shalt  }
0x44: {  	_ =	shalt  }
0x45: {  	_ =	shalt  }
0x46: {  	_ =	shalt  }
0x47: {  	_ =	shalt  }
0x48: {  	_ =	shalt  }
0x49: {  	_ =	shalt  }
0x4a: {  	_ =	shalt  }
0x4b: {  	_ =	shalt  }
0x4c: {  	_ =	shalt  }
0x4d: {  	_ =	shalt  }
0x4e: {  	_ =	shalt  }
0x4f: {  	_ =	shalt  }
0x50: {  	_ =	shalt  }
0x51: {  	_ =	shalt  }
0x52: {  	_ =	shalt  }
0x53: {  	_ =	shalt  }
0x54: {  	_ =	shalt  }
0x55: {  	_ =	shalt  }
0x56: {  	_ =	shalt  }
0x57: {  	_ =	shalt  }
0x58: {  	_ =	shalt  }
0x59: {  	_ =	shalt  }
0x5a: {  	_ =	shalt  }
0x5b: {  	_ =	shalt  }
0x5c: {  	_ =	shalt  }
0x5d: {  	_ =	shalt  }
0x5e: {  	_ =	shalt  }
0x5f: {  	_ =	shalt  }
0x60: {  	_ =	shalt  }
0x61: {  	_ =	shalt  }
0x62: {  	_ =	shalt  }
0x63: {  	_ =	shalt  }
0x64: {  	_ =	shalt  }
0x65: {  	_ =	shalt  }
0x66: {  	_ =	shalt  }
0x67: {  	_ =	shalt  }
0x68: {  	_ =	shalt  }
0x69: {  	_ =	shalt  }
0x6a: {  	_ =	shalt  }
0x6b: {  	_ =	shalt  }
0x6c: {  	_ =	shalt  }
0x6d: {  	_ =	shalt  }
0x6e: {  	_ =	shalt  }
0x6f: {  	_ =	shalt  }
0x70: {  	_ =	shalt  }
0x71: {  	_ =	shalt  }
0x72: {  	_ =	shalt  }
0x73: {  	_ =	shalt  }
0x74: {  	_ =	shalt  }
0x75: {  	_ =	shalt  }
0x76: {  	_ =	shalt  }
0x77: {  	_ =	shalt  }
0x78: {  	_ =	shalt  }
0x79: {  	_ =	shalt  }
0x7a: {  	_ =	shalt  }
0x7b: {  	_ =	shalt  }
0x7c: {  	_ =	shalt  }
0x7d: {  	_ =	shalt  }
0x7e: {  	_ =	shalt  }
0x7f: {  	_ =	shalt  }
0x80: {  	_ =	shalt  }
0x81: {  	_ =	shalt  }
0x82: {  	_ =	shalt  }
0x83: {  	_ =	shalt  }
0x84: {  	_ =	shalt  }
0x85: {  	_ =	shalt  }
0x86: {  	_ =	shalt  }
0x87: {  	_ =	shalt  }
.Lfunc_end0:
.L_simem_size_0:
called_computation.2_lowered:
.L_overlay_start_0:
0x88: {  	s2 =	sld [smem:$0x3FD9]  }
0x89: {  	s3 =	sld [smem:$0x3FFE];
	_ =	sdelay $0x1  }
0x8a: {  	s1 =	srdreg.scid  }
0x8b: {  	s0 =	sand.u32 $0x1, s1  }
0x8c: {  	s16 =	sshll.u32 s0, $0xA;
	s2 =	sadd.s32 s3, s2  }
0x8d: {  	s2 =	sadd.s32 s2, s16  }
0x8e: {  	[smem:$0x3FBC] =	sst s2  }
0x8f: {  	_ = 	snop  }
0x90: {  	(tm) =	ssettm $0x1  }
0x91: {  	s17 =	sld [smem:$0x3FFB];
	_ =	sdelay $0x3  }
0x92: {  	_ =	strace s17  }
0x93: {  	s2 =	sld [smem:$0x3FFC];
	_ =	sdelay $0x3  }
0x94: {  	_ =	strace s2  }
0x95: {  	s2 =	sld [smem:$0x3FFD];
	_ =	sdelay $0x3  }
0x96: {  	_ =	strace s2  }
0x97: {  	_ =	strace $0x8FFFFFFF  }
0x98: {  	s18 =	sld [smem:$0x3FDB];
	_ =	sdelay $0x1  }
0x99: {  	s19 =	simm.s32 $_scs_section_size  }
0x9a: {  	s4 =	simm.s32 $_size__tile_overlayer_lowered;
	s5 =	simm.s32 $_tile_overlayer_lowered  }
0x9b: {  	s22 =	simm.s32 $0x1BFF;
	s21 =	sshll.u32 s5, $0x1;
	s2 =	sadd.s32 s19, s18  }
0x9c: {  	s6 =	simm.s32 $0x0;
	s20 =	sshll.u32 s4, $0x1;
	s4 =	sadd.s32 s21, s2  }
0x9d: {  	[timem:s6], [sflag:s22] =	dma.local [hbm:s4], s20  }
0x9e: {  	_ =	swait.ge [sflag:s22], s20  }
0x9f: {  	s3 =	ssub.s32 $0x0, s20;
	[sflag:s22] =	ssyncset.done $0x0  }
0xa0: {  	[sflag:s22] =	ssyncadd.s32 s3;
	_ =	sdelay $0x1  }
0xa1: {  	s23 =	simm.s32 $0x1B8B  }
0xa2: {  	_ =	swait.ge [sflag:s23], $0x1  }
0xa3: {  	[sflag:s23] =	ssyncset.done $0x0  }
0xa4: {  	s25 =	simm.s32 $0x1B8E;
	s24 =	sld [smem:$0x3FFE];
	[sflag:s23] =	ssyncadd.s32 $0xFFFFFFFF  }
0xa5: {  	s26 =	simm.s32 $execute0_lowered;
	[smem:$0x3FD2] =	sst s25  }
0xa6: {  	s4 =	sshll.u32 s26, $0x1;
	_ =	strace $0x8000004C;
	[dreg:$0x1] =	wrdreg $0xFFFFFFFF  }
0xa7: {  	s28 =	simm.s32 $_size_execute0_lowered;
	s2 =	sadd.s32 s2, s4;
	[dreg:$0x0] =	wrdreg $0x0  }
0xa8: {  	s4 =	sshll.u32 s28, $0x1;
	[dreg:$0x2] =	wrdreg s2  }
0xa9: {  	[dreg:$0x3] =	wrdreg s4  }
0xaa: {  	[dreg:$0x4] =	wrdreg $0xC0  }
0xab: {  	_ =	task [dreg:s6], $0x5FFFF  }
0xac: {  	[dreg:$0x1] =	wrdreg $0xFFFFFFFF  }
0xad: {  	[dreg:$0x0] =	wrdreg $0x60  }
0xae: {  	[dreg:$0x2] =	wrdreg s24  }
0xaf: {  	[dreg:$0x3] =	wrdreg $0xBA000  }
0xb0: {  	[dreg:$0x4] =	wrdreg $0x9  }
0xb1: {  	_ =	task.clear_ibuf [dreg:s6], $0x5FFFF;
	_ =	strace $0x9000004C  }
0xb2: {  	s29 =	simm.s32 $0x9;
	_ =	strace $0x8000004E  }
0xb3: {  	_ =	swait.ge [sflag:s29], $0x1  }
0xb4: {  	[sflag:s29] =	ssyncadd.s32 $0xFFFFFFFF  }
0xb5: {  	_ =	strace $0x9000004E  }
0xb6: {  	_ =	sfence  }
0xb7: {  	s30 =	sld [smem:$0x0];
	_ =	sdelay $0x2  }
0xb8: {  	s31 =	sshll.u32 s1, $0xD;
	s1 =	sshrl.u32 s1, $0x2  }
0xb9: {  	s3 =	sand.u32 $0x4000, s31;
	s1 =	sadd.s32 s1, s30  }
0xba: {  	s0 =	sor.u32 s3, s0;
	s1 =	sshll.u32 s1, $0x11  }
0xbb: {  	s0 =	sor.u32 s1, s0  }
0xbc: {  	s0 =	sadd.s32 $0x8F2B, s0  }
0xbd: {  	[sflag:s0] =	ssyncadd.remote.s32 $0x1  }
0xbe: {  	_ =	sfence.sel $0xFFFF  }
0xbf: {  	[dreg:$0x0] =	wrdreg $0xFFFFFFFF;
	(pc) =	sbr.abs _section_cstart, $3  }
0xc0: {  	[dreg:$0x1] =	wrdreg $0xFFFFFFFF  }
0xc1: {  	_ =	task.clear_ibuf [dreg:s6], $0x2FFFF;
	_ =	strace $0x9FFFFFFF  }
0xc2: {  	(tm) =	ssettm $0x7FFFFFFF  }
0xc3: {  	_ =	shalt  }
tec
execute0_lowered:
.L_overlay_start_1:
0x0: {  	(tag) =	ssettag $0x1  }
0x1: {  	s0 =	rddreg [dreg:$0x0];
	s9 =	stileid.u32  }
0x2: {  	s2 =	rddreg [dreg:$0x1];
	s3 =	simm.s32 $0x0;
	s4 =	smul.u32 $0x30, s9  }
0x3: {  	s1 =	srdreg.scid;
	s28 =	simm.s32 $0x2;
	s5 =	smul.u32 $0x78, s9  }
0x4: {  	s30 =	simm.s32 $0xC;
	s31 =	simm.s32 $0x0;
	s7 =	smul.u32 $0x13C00, s9  }
0x5: {  	[smem:$0x7FF] =	sst s3;
	s1 =	sand.u32 $0x1, s1;
	s24 =	smul.u32 $0x4F000, s9  }
0x6: {  	s9 =	sshll.u32 s9, $0x6;
	p0 =	seq.s32 s1, $0x0;
	s21 =	smul.u32 $0x13C000, s1  }
0x7: {  	_ =	strace $0x8000004D;
	s1 =	ssub.s32 $0x2, s1;
	s9 =	sor.u32 $0x1C0D, s9  }
0x8: {  	s6 =	sadd.s32 $0x780, s4;
	s4 =	sadd.s32 $0x36200, s0;
	s22 =	sshrl.u32 s7, $0x3  }
0x9: {  	s23 =	sshrl.u32 s1, $0x1;
	s6 =	smov.u32 @p0 s5;
	s5 =	sadd.s32 s7, s21  }
0xa: {  	s8 =	sadd.s32 s22, s0;
	s1 =	ssub.s32 s1, s23;
	s7 =	sshrl.u32 s24, $0x2  }
0xb: {  	s21 =	simm.s32 $0xD;
	s22 =	simm.s32 $0x100;
	s6 =	sshll.u32 s6, $0x5  }
0xc: {  	s5 =	sshrl.u32 s5, $0x3;
	s25 =	sadd.s32 s7, s2;
	s26 =	sadd.s32 $0xEA00, s8  }
0xd: {  	s19 =	smax.u32 s1, $0x1;
	s20 =	sadd.s32 s6, s0;
	[dreg:$0x9] =	wrdreg s25  }
0xe: {  	s0 =	sadd.s32 s5, s0;
	s6 =	simm.s32 $0x78;
	[dreg:$0xa] =	wrdreg s26  }
0xf: {  	s6 =	simm.s32 @!p0 $0x30;
	s29 =	sadd.s32 $0x85200, s20;
	s11 =	sadd.s32 $0x85220, s20  }
0x10: {  	s12 =	sadd.s32 $0x85240, s20;
	[dreg:$0xb] =	wrdreg s29;
	s13 =	sadd.s32 $0xFFFFFFFE, s6  }
0x11: {  	s24 =	sadd.s32 $0x852A0, s20;
	s14 =	sadd.s32 $0xFFFFFFFD, s6;
	[dreg:$0x3] =	wrdreg s13  }
0x12: {  	s15 =	sadd.s32 $0xFFFFFFFC, s6;
	s16 =	sadd.s32 $0xFFFFFFF8, s6;
	[dreg:$0x4] =	wrdreg s14  }
0x13: {  	s17 =	sadd.s32 $0xFFFFFFF7, s6;
	s18 =	sadd.s32 $0xFFFFFFF6, s6;
	[dreg:$0x5] =	wrdreg s15  }
0x14: {  	s13 =	sadd.s32 $0x85260, s20;
	s14 =	sadd.s32 $0x85280, s20;
	[dreg:$0x6] =	wrdreg s16  }
0x15: {  	s15 =	sadd.s32 $0xFFFFFFFB, s6;
	s16 =	sadd.s32 $0xFFFFFFFA, s6;
	[dreg:$0x7] =	wrdreg s17  }
0x16: {  	s17 =	sadd.s32 $0xFFFFFFF9, s6;
	[dreg:$0x8] =	wrdreg s18;
	s18 =	sadd.s32 $0x9A200, s0  }
.LBB2_1:
0x17: {  	s0 =	rddreg [dreg:$0x9]  }
0x18: {  	s1 =	rddreg [dreg:$0xa];
	s0 =	sshrl.u32 s0, $0x3  }
0x19: {  	[spmem:s0], [sflag:s9] =	dma.local [hbm:s1], $0x2780  }
0x1a: {  	_ =	swait.ge [sflag:s21], $0x2780  }
0x1b: {  	[sflag:s21] =	ssyncset.done $0x0  }
0x1c: {  	s8 =	rddreg [dreg:$0xb];
	[sflag:s21] =	ssyncadd.s32 $0xFFFFD880  }
0x1d: {  	[tilespmem:s3], [sflag:$0xD] =	stream.linear.gather [hbm4b:s8+s3], $0x100, $0x38;
	[tilespmem:$0x1F600] =	vst v63  }
0x1e: {  	_ =	swait.ge [sflag:s21], $0x100  }
0x1f: {  	[sflag:s21] =	ssyncset.done $0x0  }
0x20: {  	[sflag:s21] =	ssyncadd.s32 $0xFFFFFF00  }
0x21: {  	[bflag:$0x0] =	sbarrier.arrive $0xFFFF  }
0x22: {  	[tilespmem:s22], [sflag:$0x2] =	stream.linear.gather [hbm4b:s11+s3], $0x100, $0x38;
	[tilespmem:$0x1F600] =	vst v63  }
0x23: {  	s10 =	simm.s32 $0x200  }
0x24: {  	[tilespmem:s10], [sflag:$0x3] =	stream.linear.gather [hbm4b:s12+s3], $0x100, $0x38;
	[tilespmem:$0x1F600] =	vst v63  }
0x25: {  	s20 =	simm.s32 $0x300  }
0x26: {  	[tilespmem:s20], [sflag:$0x4] =	stream.linear.gather [hbm4b:s13+s3], $0x100, $0x38;
	[tilespmem:$0x1F600] =	vst v63  }
0x27: {  	s23 =	simm.s32 $0x400  }
0x28: {  	[tilespmem:s23], [sflag:$0x5] =	stream.linear.gather [hbm4b:s14+s3], $0x100, $0x38;
	[tilespmem:$0x1F600] =	vst v63  }
0x29: {  	s25 =	simm.s32 $0x78;
	s5 =	simm.s32 $0x600  }
0x2a: {  	[tilespmem:s5], [sflag:$0x7] =	stream.indirect.gather [hbm4b:s4+s25], $0x80, s3, s25, $0xb8;
	[tilespmem:$0x1F600] =	vst v63  }
0x2b: {  	_ =	swait.ge [sflag:s28], $0x100  }
0x2c: {  	s26 =	simm.s32 $0x4200;
	p0 =	sle.u32 s6, $0x0;
	[sflag:s28] =	ssyncset.done $0x0  }
0x2d: {  	p1 =	por @!p0 $0x1, $0x1;
	s1 =	simm.s32 @!p0 $0x7;
	[sflag:s28] =	ssyncadd.s32 $0xFFFFFF00  }
0x2e: {  	[tilespmem:s26], [sflag:$0x8] =	stream.indirect.gather [hbm4b:s4+s25], $0x80, s22, s25, $0xb8;
	[tilespmem:$0x1F600] =	vst v63  }
0x2f: {  	p2 =	por p1, p0;
	_ =	swait.ge @!p0 [sflag:s1], $0x3C00  }
0x30: {  	s20 =	simm.s32 @!p0 $0x78;
	s23 =	simm.s32 @!p2 $0xC;
	[sflag:s1] =	ssyncset.done @!p0 $0x0  }
0x31: {  	s25 =	simm.s32 @!p0 $0x600;
	[sflag:s1] =	ssyncadd.s32 @!p0 $0xFFFFC400;
	s1 =	simm.s32 @!p0 $0x80  }
0x32: {  	[spmem:s2] =	stream.indirect.scatter.add.f32 @!p0 [tilespmem:s25], [sflag:$0xA], $0x80, s1, s20, $0xb8;
	[tilespmem:$0x1F600] =	vst v63  }
0x33: {  	p1 =	sle.u32 @!p0 s15, $0x0;
	_ =	swait.ge @!p2 [sflag:s23], $0x3C00  }
0x34: {  	p1 =	por p1, p0;
	s25 =	simm.s32 $0x6;
	s1 =	rddreg [dreg:$0x3]  }
0x35: {  	s20 =	smov.u32 s24;
	[sflag:s23] =	ssyncset.done @!p2 $0x0;
	p3 =	sle.u32 @!p0 s1, $0x0  }
0x36: {  	[sflag:s23] =	ssyncadd.s32 @!p2 $0xFFFFC400;
	p2 =	sle.u32 s6, $0x1;
	p3 =	por p3, p0  }
0x37: {  	s23 =	smov.u32 s24;
	s1 =	simm.s32 $0x0;
	s29 =	simm.s32 @!p3 $0x3  }
.LBB2_2:
0x38: {  	_ =	swait.ge @!p3 [sflag:s29], $0x100  }
0x39: {  	s5 =	simm.s32 @!p3 $0x78;
	[sflag:s29] =	ssyncset.done @!p3 $0x0  }
0x3a: {  	s7 =	simm.s32 @!p3 $0x7E00;
	[sflag:s29] =	ssyncadd.s32 @!p3 $0xFFFFFF00;
	s29 =	simm.s32 @!p3 $0x200  }
0x3b: {  	[tilespmem:s7], [sflag:$0x9] =	stream.indirect.gather @!p3 [hbm4b:s4+s5], $0x80, s29, s5, $0xb8;
	[tilespmem:$0x1F600] =	vst v63  }
0x3c: {  	s5 =	simm.s32 @!p1 $0x0;
	s7 =	simm.s32 @!p1 $0x500;
	s29 =	simm.s32 @!p2 $0x8  }
0x3d: {  	[tilespmem:s7], [sflag:$0x6] =	stream.linear.gather @!p1 [hbm4b:s23+s5], $0x100, $0x38;
	[tilespmem:$0x1F600] =	vst v63  }
0x3e: {  	_ =	swait.ge @!p2 [sflag:s29], $0x3C00  }
0x3f: {  	s8 =	simm.s32 @!p2 $0x180;
	s5 =	simm.s32 @!p2 $0x4200;
	[sflag:s29] =	ssyncset.done @!p2 $0x0  }
0x40: {  	s7 =	simm.s32 @!p2 $0xA;
	[sflag:s29] =	ssyncadd.s32 @!p2 $0xFFFFC400;
	s29 =	simm.s32 @!p2 $0x78  }
0x41: {  	[spmem:s2] =	stream.indirect.scatter.add.f32 @!p2 [tilespmem:s5], [sflag:$0xB], $0x80, s8, s29, $0xb8;
	[tilespmem:$0x1F600] =	vst v63  }
0x42: {  	_ =	swait.ge @!p2 [sflag:s7], $0x3C00  }
0x43: {  	s5 =	rddreg [dreg:$0x4]  }
0x44: {  	p1 =	sge.u32 @!p2 s1, s16;
	[sflag:s7] =	ssyncset.done @!p2 $0x0;
	p3 =	sge.u32 @!p2 s1, s5  }
0x45: {  	p1 =	por p1, p2;
	[sflag:s7] =	ssyncadd.s32 @!p2 $0xFFFFC400;
	p2 =	por p3, p2  }
0x46: {  	s5 =	simm.s32 @!p2 $0x4  }
0x47: {  	s10 =	sadd.s32 $0x2, s1;
	_ =	swait.ge @!p2 [sflag:s5], $0x100  }
0x48: {  	p3 =	sge.u32 s10, s6;
	s8 =	simm.s32 @!p2 $0x600;
	[sflag:s5] =	ssyncset.done @!p2 $0x0  }
0x49: {  	s7 =	simm.s32 @!p2 $0x300;
	[sflag:s5] =	ssyncadd.s32 @!p2 $0xFFFFFF00;
	s5 =	simm.s32 @!p2 $0x78  }
0x4a: {  	[tilespmem:s8], [sflag:$0x7] =	stream.indirect.gather @!p2 [hbm4b:s4+s5], $0x80, s7, s5, $0xb8;
	[tilespmem:$0x1F600] =	vst v63  }
0x4b: {  	s5 =	sadd.s32 @!p1 $0x20, s23;
	s7 =	simm.s32 @!p1 $0x0;
	s8 =	simm.s32 @!p3 $0x9  }
0x4c: {  	[tilespmem:s7], [sflag:$0x1] =	stream.linear.gather @!p1 [hbm4b:s5+s7], $0x100, $0x38;
	[tilespmem:$0x1F600] =	vst v63  }
0x4d: {  	_ =	swait.ge @!p3 [sflag:s8], $0x3C00  }
0x4e: {  	s29 =	simm.s32 @!p3 $0x280;
	s5 =	simm.s32 @!p3 $0x7E00;
	[sflag:s8] =	ssyncset.done @!p3 $0x0  }
0x4f: {  	s7 =	simm.s32 @!p3 $0xB;
	[sflag:s8] =	ssyncadd.s32 @!p3 $0xFFFFC400;
	s8 =	simm.s32 @!p3 $0x78  }
0x50: {  	[spmem:s2] =	stream.indirect.scatter.add.f32 @!p3 [tilespmem:s5], [sflag:$0xC], $0x80, s29, s8, $0xb8;
	[tilespmem:$0x1F600] =	vst v63  }
0x51: {  	_ =	swait.ge @!p3 [sflag:s7], $0x3C00  }
0x52: {  	s8 =	rddreg [dreg:$0x5]  }
0x53: {  	p1 =	sge.u32 @!p3 s1, s17;
	[sflag:s7] =	ssyncset.done @!p3 $0x0;
	p5 =	sge.u32 @!p3 s1, s8  }
0x54: {  	p4 =	por p1, p3;
	[sflag:s7] =	ssyncadd.s32 @!p3 $0xFFFFC400;
	p3 =	por p5, p3  }
0x55: {  	s10 =	sadd.s32 $0x3, s1;
	s8 =	simm.s32 @!p3 $0x5  }
0x56: {  	p1 =	sge.u32 s10, s6;
	_ =	swait.ge @!p3 [sflag:s8], $0x100  }
0x57: {  	s7 =	simm.s32 @!p1 $0x7;
	s29 =	simm.s32 @!p3 $0x78;
	[sflag:s8] =	ssyncset.done @!p3 $0x0  }
0x58: {  	s10 =	simm.s32 @!p3 $0x400;
	[sflag:s8] =	ssyncadd.s32 @!p3 $0xFFFFFF00;
	s8 =	simm.s32 @!p3 $0x4200  }
0x59: {  	[tilespmem:s8], [sflag:$0x8] =	stream.indirect.gather @!p3 [hbm4b:s4+s29], $0x80, s10, s29, $0xb8;
	[tilespmem:$0x1F600] =	vst v63  }
0x5a: {  	s8 =	sadd.s32 @!p4 $0x40, s23;
	s10 =	simm.s32 @!p4 $0x0;
	s29 =	simm.s32 @!p4 $0x100  }
0x5b: {  	[tilespmem:s29], [sflag:$0x2] =	stream.linear.gather @!p4 [hbm4b:s8+s10], $0x100, $0x38;
	[tilespmem:$0x1F600] =	vst v63  }
0x5c: {  	_ =	swait.ge @!p1 [sflag:s7], $0x3C00  }
0x5d: {  	s8 =	simm.s32 @!p1 $0x600;
	s10 =	simm.s32 @!p1 $0xC;
	[sflag:s7] =	ssyncset.done @!p1 $0x0  }
0x5e: {  	s29 =	simm.s32 @!p1 $0x380;
	[sflag:s7] =	ssyncadd.s32 @!p1 $0xFFFFC400;
	s7 =	simm.s32 @!p1 $0x78  }
0x5f: {  	[spmem:s2] =	stream.indirect.scatter.add.f32 @!p1 [tilespmem:s8], [sflag:$0xA], $0x80, s29, s7, $0xb8;
	[tilespmem:$0x1F600] =	vst v63  }
0x60: {  	p2 =	sge.u32 @!p1 s1, s15;
	_ =	swait.ge @!p1 [sflag:s10], $0x3C00  }
0x61: {  	p2 =	por p2, p1;
	[sflag:s10] =	ssyncset.done @!p1 $0x0  }
0x62: {  	s5 =	simm.s32 @!p2 $0x6;
	[sflag:s10] =	ssyncadd.s32 @!p1 $0xFFFFC400  }
0x63: {  	_ =	swait.ge @!p2 [sflag:s5], $0x100  }
0x64: {  	s7 =	simm.s32 @!p2 $0x7E00;
	s10 =	simm.s32 @!p2 $0x500;
	[sflag:s5] =	ssyncset.done @!p2 $0x0  }
0x65: {  	s8 =	rddreg [dreg:$0x6];
	[sflag:s5] =	ssyncadd.s32 @!p2 $0xFFFFFF00;
	s5 =	simm.s32 @!p2 $0x78  }
0x66: {  	[tilespmem:s7], [sflag:$0x9] =	stream.indirect.gather @!p2 [hbm4b:s4+s5], $0x80, s10, s5, $0xb8;
	[tilespmem:$0x1F600] =	vst v63  }
0x67: {  	p2 =	sge.u32 @!p1 s1, s8  }
0x68: {  	s10 =	sadd.s32 $0x4, s1;
	p3 =	por p2, p1  }
0x69: {  	p1 =	sge.u32 s10, s6;
	s5 =	sadd.s32 @!p3 $0x60, s23  }
0x6a: {  	s7 =	simm.s32 @!p3 $0x200;
	s8 =	simm.s32 @!p1 $0x8;
	s10 =	simm.s32 @!p3 $0x0  }
0x6b: {  	[tilespmem:s7], [sflag:$0x3] =	stream.linear.gather @!p3 [hbm4b:s5+s10], $0x100, $0x38;
	[tilespmem:$0x1F600] =	vst v63  }
0x6c: {  	_ =	swait.ge @!p1 [sflag:s8], $0x3C00  }
0x6d: {  	s5 =	simm.s32 @!p1 $0x4200;
	s7 =	simm.s32 @!p1 $0xA;
	[sflag:s8] =	ssyncset.done @!p1 $0x0  }
0x6e: {  	s10 =	simm.s32 @!p1 $0x480;
	[sflag:s8] =	ssyncadd.s32 @!p1 $0xFFFFC400;
	s8 =	simm.s32 @!p1 $0x78  }
0x6f: {  	[spmem:s2] =	stream.indirect.scatter.add.f32 @!p1 [tilespmem:s5], [sflag:$0xB], $0x80, s10, s8, $0xb8;
	[tilespmem:$0x1F600] =	vst v63  }
0x70: {  	p2 =	sge.u32 @!p1 s1, s16;
	_ =	swait.ge @!p1 [sflag:s7], $0x3C00  }
0x71: {  	p2 =	por p2, p1;
	[sflag:s7] =	ssyncset.done @!p1 $0x0  }
0x72: {  	s5 =	simm.s32 @!p2 $0x1;
	[sflag:s7] =	ssyncadd.s32 @!p1 $0xFFFFC400  }
0x73: {  	_ =	swait.ge @!p2 [sflag:s5], $0x100  }
0x74: {  	s10 =	simm.s32 @!p2 $0x0;
	s7 =	simm.s32 @!p2 $0x600;
	[sflag:s5] =	ssyncset.done @!p2 $0x0  }
0x75: {  	s8 =	rddreg [dreg:$0x7];
	[sflag:s5] =	ssyncadd.s32 @!p2 $0xFFFFFF00;
	s5 =	simm.s32 @!p2 $0x78  }
0x76: {  	[tilespmem:s7], [sflag:$0x7] =	stream.indirect.gather @!p2 [hbm4b:s4+s5], $0x80, s10, s5, $0xb8;
	[tilespmem:$0x1F600] =	vst v63  }
0x77: {  	p2 =	sge.u32 @!p1 s1, s8  }
0x78: {  	s5 =	sadd.s32 $0x5, s1;
	p1 =	por p2, p1  }
0x79: {  	p2 =	sge.u32 s5, s6;
	s7 =	sadd.s32 @!p1 $0x80, s23  }
0x7a: {  	s8 =	simm.s32 @!p1 $0x0;
	s10 =	simm.s32 @!p1 $0x300;
	s5 =	simm.s32 @!p2 $0x9  }
0x7b: {  	[tilespmem:s10], [sflag:$0x4] =	stream.linear.gather @!p1 [hbm4b:s7+s8], $0x100, $0x38;
	[tilespmem:$0x1F600] =	vst v63  }
0x7c: {  	_ =	swait.ge @!p2 [sflag:s5], $0x3C00  }
0x7d: {  	s29 =	simm.s32 @!p2 $0xB;
	s7 =	simm.s32 @!p2 $0x7E00;
	[sflag:s5] =	ssyncset.done @!p2 $0x0  }
0x7e: {  	s8 =	simm.s32 @!p2 $0x580;
	[sflag:s5] =	ssyncadd.s32 @!p2 $0xFFFFC400;
	s5 =	simm.s32 @!p2 $0x78  }
0x7f: {  	[spmem:s2] =	stream.indirect.scatter.add.f32 @!p2 [tilespmem:s7], [sflag:$0xC], $0x80, s8, s5, $0xb8;
	[tilespmem:$0x1F600] =	vst v63  }
0x80: {  	p5 =	sge.u32 @!p2 s1, s17;
	_ =	swait.ge @!p2 [sflag:s29], $0x3C00  }
0x81: {  	p5 =	por p5, p2;
	[sflag:s29] =	ssyncset.done @!p2 $0x0  }
0x82: {  	s26 =	smov.u32 s25;
	s5 =	simm.s32 @!p5 $0x2;
	[sflag:s29] =	ssyncadd.s32 @!p2 $0xFFFFC400  }
0x83: {  	s25 =	sadd.s32 $0x6, s25;
	p3 =	sge.u32 s26, s6;
	_ =	swait.ge @!p5 [sflag:s5], $0x100  }
0x84: {  	s7 =	simm.s32 @!p5 $0x78;
	s29 =	simm.s32 @!p5 $0x4200;
	[sflag:s5] =	ssyncset.done @!p5 $0x0  }
0x85: {  	s10 =	rddreg [dreg:$0x8];
	[sflag:s5] =	ssyncadd.s32 @!p5 $0xFFFFFF00;
	s5 =	simm.s32 @!p5 $0x100  }
0x86: {  	[tilespmem:s29], [sflag:$0x8] =	stream.indirect.gather @!p5 [hbm4b:s4+s7], $0x80, s5, s7, $0xb8;
	[tilespmem:$0x1F600] =	vst v63  }
0x87: {  	p4 =	seq.s32 @!p3 s26, $0x0;
	p1 =	sge.u32 @!p3 s26, s15;
	p5 =	sge.u32 @!p2 s1, s10  }
0x88: {  	s8 =	simm.s32 @!p3 $0x7;
	s1 =	smov.u32 s26;
	p2 =	por p5, p2  }
0x89: {  	s10 =	sadd.s32 @!p2 $0xA0, s20;
	s20 =	simm.s32 @!p2 $0x0;
	s26 =	simm.s32 @!p2 $0x400  }
0x8a: {  	[tilespmem:s26], [sflag:$0x5] =	stream.linear.gather @!p2 [hbm4b:s10+s20], $0x100, $0x38;
	[tilespmem:$0x1F600] =	vst v63  }
0x8b: {  	p0 =	sne.s32 s25, $0x78;
	p4 =	por p4, p3;
	_ =	swait.ge @!p3 [sflag:s8], $0x3C00  }
0x8c: {  	s5 =	simm.s32 @!p3 $0x78;
	s7 =	simm.s32 @!p4 $0xC;
	[sflag:s8] =	ssyncset.done @!p3 $0x0  }
0x8d: {  	s10 =	simm.s32 @!p3 $0x600;
	[sflag:s8] =	ssyncadd.s32 @!p3 $0xFFFFC400;
	s8 =	simm.s32 @!p3 $0x80  }
0x8e: {  	[spmem:s2] =	stream.indirect.scatter.add.f32 @!p3 [tilespmem:s10], [sflag:$0xA], $0x80, s8, s5, $0xb8;
	[tilespmem:$0x1F600] =	vst v63  }
.Ltmp0:
0x8f: {  	_ =	swait.ge @!p4 [sflag:s7], $0x3C00;
	(pc) =	sbr.rel @p0 .LBB2_2-.Ltmp0, $4  }
0x90: {  	[sflag:s7] =	ssyncset.done @!p4 $0x0;
	s5 =	rddreg [dreg:$0x3]  }
0x91: {  	s23 =	sadd.s32 $0xC0, s23;
	[sflag:s7] =	ssyncadd.s32 @!p4 $0xFFFFC400;
	p4 =	sge.u32 @!p3 s1, s5  }
0x92: {  	p1 =	por p1, p3;
	s26 =	sadd.s32 $0x1, s1;
	p3 =	por p4, p3  }
0x93: {  	s20 =	smov.u32 s23;
	p2 =	sge.u32 s26, s6;
	s29 =	simm.s32 @!p3 $0x3  }
0x94: {  	_ =	swait.ge @!p3 [sflag:s29], $0x100  }
0x95: {  	s5 =	simm.s32 @!p3 $0x78;
	[sflag:s29] =	ssyncset.done @!p3 $0x0  }
0x96: {  	s7 =	simm.s32 @!p3 $0x7E00;
	s8 =	simm.s32 @!p3 $0x200;
	[sflag:s29] =	ssyncadd.s32 @!p3 $0xFFFFFF00  }
0x97: {  	[tilespmem:s7], [sflag:$0x9] =	stream.indirect.gather @!p3 [hbm4b:s4+s5], $0x80, s8, s5, $0xb8;
	[tilespmem:$0x1F600] =	vst v63  }
0x98: {  	s5 =	simm.s32 @!p1 $0x0;
	s7 =	simm.s32 @!p1 $0x500;
	s8 =	simm.s32 @!p2 $0x8  }
0x99: {  	[tilespmem:s7], [sflag:$0x6] =	stream.linear.gather @!p1 [hbm4b:s23+s5], $0x100, $0x38;
	[tilespmem:$0x1F600] =	vst v63  }
0x9a: {  	_ =	swait.ge @!p2 [sflag:s8], $0x3C00  }
0x9b: {  	s10 =	simm.s32 @!p2 $0x180;
	s5 =	simm.s32 @!p2 $0x4200;
	[sflag:s8] =	ssyncset.done @!p2 $0x0  }
0x9c: {  	s7 =	simm.s32 @!p2 $0xA;
	[sflag:s8] =	ssyncadd.s32 @!p2 $0xFFFFC400;
	s8 =	simm.s32 @!p2 $0x78  }
0x9d: {  	[spmem:s2] =	stream.indirect.scatter.add.f32 @!p2 [tilespmem:s5], [sflag:$0xB], $0x80, s10, s8, $0xb8;
	[tilespmem:$0x1F600] =	vst v63  }
0x9e: {  	_ =	swait.ge @!p2 [sflag:s7], $0x3C00  }
0x9f: {  	s5 =	rddreg [dreg:$0x4]  }
0xa0: {  	p0 =	sge.u32 @!p2 s1, s5  }
0xa1: {  	[sflag:s7] =	ssyncset.done @!p2 $0x0;
	p1 =	por p0, p2  }
0xa2: {  	[sflag:s7] =	ssyncadd.s32 @!p2 $0xFFFFC400;
	p0 =	sge.u32 @!p2 s1, s16;
	s5 =	simm.s32 @!p1 $0x4  }
0xa3: {  	s10 =	sadd.s32 $0x2, s1;
	p2 =	por p0, p2;
	_ =	swait.ge @!p1 [sflag:s5], $0x100  }
0xa4: {  	s8 =	simm.s32 @!p1 $0x600;
	p0 =	sge.u32 s10, s6;
	[sflag:s5] =	ssyncset.done @!p1 $0x0  }
0xa5: {  	s7 =	simm.s32 @!p1 $0x300;
	[sflag:s5] =	ssyncadd.s32 @!p1 $0xFFFFFF00;
	s5 =	simm.s32 @!p1 $0x78  }
0xa6: {  	[tilespmem:s8], [sflag:$0x7] =	stream.indirect.gather @!p1 [hbm4b:s4+s5], $0x80, s7, s5, $0xb8;
	[tilespmem:$0x1F600] =	vst v63  }
0xa7: {  	s5 =	sadd.s32 @!p2 $0x20, s23;
	s7 =	simm.s32 @!p2 $0x0;
	s8 =	simm.s32 @!p0 $0x9  }
0xa8: {  	[tilespmem:s7], [sflag:$0x1] =	stream.linear.gather @!p2 [hbm4b:s5+s7], $0x100, $0x38;
	[tilespmem:$0x1F600] =	vst v63  }
0xa9: {  	_ =	swait.ge @!p0 [sflag:s8], $0x3C00  }
0xaa: {  	s10 =	simm.s32 @!p0 $0x280;
	s5 =	simm.s32 @!p0 $0x7E00;
	[sflag:s8] =	ssyncset.done @!p0 $0x0  }
0xab: {  	s7 =	simm.s32 @!p0 $0xB;
	[sflag:s8] =	ssyncadd.s32 @!p0 $0xFFFFC400;
	s8 =	simm.s32 @!p0 $0x78  }
0xac: {  	[spmem:s2] =	stream.indirect.scatter.add.f32 @!p0 [tilespmem:s5], [sflag:$0xC], $0x80, s10, s8, $0xb8;
	[tilespmem:$0x1F600] =	vst v63  }
0xad: {  	_ =	swait.ge @!p0 [sflag:s7], $0x3C00  }
0xae: {  	s5 =	rddreg [dreg:$0x5]  }
0xaf: {  	p1 =	sge.u32 @!p0 s1, s5  }
0xb0: {  	s25 =	sadd.s32 $0x3, s1;
	[sflag:s7] =	ssyncset.done @!p0 $0x0;
	p1 =	por p1, p0  }
0xb1: {  	p2 =	sge.u32 @!p0 s1, s17;
	[sflag:s7] =	ssyncadd.s32 @!p0 $0xFFFFC400;
	s7 =	simm.s32 @!p1 $0x5  }
0xb2: {  	p2 =	por p2, p0;
	p0 =	sge.u32 s25, s6;
	_ =	swait.ge @!p1 [sflag:s7], $0x100  }
0xb3: {  	s5 =	simm.s32 @!p0 $0x7;
	s8 =	simm.s32 @!p1 $0x78;
	[sflag:s7] =	ssyncset.done @!p1 $0x0  }
0xb4: {  	s10 =	simm.s32 @!p1 $0x400;
	[sflag:s7] =	ssyncadd.s32 @!p1 $0xFFFFFF00;
	s7 =	simm.s32 @!p1 $0x4200  }
0xb5: {  	[tilespmem:s7], [sflag:$0x8] =	stream.indirect.gather @!p1 [hbm4b:s4+s8], $0x80, s10, s8, $0xb8;
	[tilespmem:$0x1F600] =	vst v63  }
0xb6: {  	s7 =	sadd.s32 @!p2 $0x40, s23;
	s8 =	simm.s32 @!p2 $0x0;
	s10 =	simm.s32 @!p2 $0x100  }
0xb7: {  	[tilespmem:s10], [sflag:$0x2] =	stream.linear.gather @!p2 [hbm4b:s7+s8], $0x100, $0x38;
	[tilespmem:$0x1F600] =	vst v63  }
0xb8: {  	_ =	swait.ge @!p0 [sflag:s5], $0x3C00  }
0xb9: {  	s7 =	simm.s32 @!p0 $0x600;
	s8 =	simm.s32 @!p0 $0xC;
	[sflag:s5] =	ssyncset.done @!p0 $0x0  }
0xba: {  	s10 =	simm.s32 @!p0 $0x380;
	[sflag:s5] =	ssyncadd.s32 @!p0 $0xFFFFC400;
	s5 =	simm.s32 @!p0 $0x78  }
0xbb: {  	[spmem:s2] =	stream.indirect.scatter.add.f32 @!p0 [tilespmem:s7], [sflag:$0xA], $0x80, s10, s5, $0xb8;
	[tilespmem:$0x1F600] =	vst v63  }
0xbc: {  	p1 =	sge.u32 @!p0 s1, s15;
	_ =	swait.ge @!p0 [sflag:s8], $0x3C00  }
0xbd: {  	p1 =	por p1, p0;
	[sflag:s8] =	ssyncset.done @!p0 $0x0  }
0xbe: {  	s5 =	simm.s32 @!p1 $0x6;
	[sflag:s8] =	ssyncadd.s32 @!p0 $0xFFFFC400  }
0xbf: {  	_ =	swait.ge @!p1 [sflag:s5], $0x100  }
0xc0: {  	s7 =	simm.s32 @!p1 $0x7E00;
	s10 =	simm.s32 @!p1 $0x500;
	[sflag:s5] =	ssyncset.done @!p1 $0x0  }
0xc1: {  	s8 =	rddreg [dreg:$0x6];
	[sflag:s5] =	ssyncadd.s32 @!p1 $0xFFFFFF00;
	s5 =	simm.s32 @!p1 $0x78  }
0xc2: {  	[tilespmem:s7], [sflag:$0x9] =	stream.indirect.gather @!p1 [hbm4b:s4+s5], $0x80, s10, s5, $0xb8;
	[tilespmem:$0x1F600] =	vst v63  }
0xc3: {  	p1 =	sge.u32 @!p0 s1, s8  }
0xc4: {  	s26 =	sadd.s32 $0x4, s1;
	p1 =	por p1, p0  }
0xc5: {  	p0 =	sge.u32 s26, s6;
	s5 =	sadd.s32 @!p1 $0x60, s23  }
0xc6: {  	s7 =	simm.s32 @!p1 $0x200;
	s8 =	simm.s32 @!p0 $0x8;
	s10 =	simm.s32 @!p1 $0x0  }
0xc7: {  	[tilespmem:s7], [sflag:$0x3] =	stream.linear.gather @!p1 [hbm4b:s5+s10], $0x100, $0x38;
	[tilespmem:$0x1F600] =	vst v63  }
0xc8: {  	_ =	swait.ge @!p0 [sflag:s8], $0x3C00  }
0xc9: {  	s5 =	simm.s32 @!p0 $0x4200;
	s7 =	simm.s32 @!p0 $0xA;
	[sflag:s8] =	ssyncset.done @!p0 $0x0  }
0xca: {  	s10 =	simm.s32 @!p0 $0x480;
	[sflag:s8] =	ssyncadd.s32 @!p0 $0xFFFFC400;
	s8 =	simm.s32 @!p0 $0x78  }
0xcb: {  	[spmem:s2] =	stream.indirect.scatter.add.f32 @!p0 [tilespmem:s5], [sflag:$0xB], $0x80, s10, s8, $0xb8;
	[tilespmem:$0x1F600] =	vst v63  }
0xcc: {  	p1 =	sge.u32 @!p0 s1, s16;
	_ =	swait.ge @!p0 [sflag:s7], $0x3C00  }
0xcd: {  	p1 =	por p1, p0;
	[sflag:s7] =	ssyncset.done @!p0 $0x0  }
0xce: {  	s5 =	simm.s32 @!p1 $0x1;
	[sflag:s7] =	ssyncadd.s32 @!p0 $0xFFFFC400  }
0xcf: {  	_ =	swait.ge @!p1 [sflag:s5], $0x100  }
0xd0: {  	s10 =	simm.s32 @!p1 $0x0;
	s7 =	simm.s32 @!p1 $0x600;
	[sflag:s5] =	ssyncset.done @!p1 $0x0  }
0xd1: {  	s8 =	rddreg [dreg:$0x7];
	[sflag:s5] =	ssyncadd.s32 @!p1 $0xFFFFFF00;
	s5 =	simm.s32 @!p1 $0x78  }
0xd2: {  	[tilespmem:s7], [sflag:$0x7] =	stream.indirect.gather @!p1 [hbm4b:s4+s5], $0x80, s10, s5, $0xb8;
	[tilespmem:$0x1F600] =	vst v63  }
0xd3: {  	p1 =	sge.u32 @!p0 s1, s8  }
0xd4: {  	s29 =	sadd.s32 $0x5, s1;
	p1 =	por p1, p0  }
0xd5: {  	p0 =	sge.u32 s29, s6;
	s7 =	sadd.s32 @!p1 $0x80, s23  }
0xd6: {  	s5 =	simm.s32 @!p1 $0x0;
	s8 =	simm.s32 @!p1 $0x300;
	s10 =	simm.s32 @!p0 $0x9  }
0xd7: {  	[tilespmem:s8], [sflag:$0x4] =	stream.linear.gather @!p1 [hbm4b:s7+s5], $0x100, $0x38;
	[tilespmem:$0x1F600] =	vst v63  }
0xd8: {  	_ =	swait.ge @!p0 [sflag:s10], $0x3C00  }
0xd9: {  	s5 =	simm.s32 @!p0 $0xB;
	s7 =	simm.s32 @!p0 $0x7E00;
	[sflag:s10] =	ssyncset.done @!p0 $0x0  }
0xda: {  	s8 =	simm.s32 @!p0 $0x78;
	[sflag:s10] =	ssyncadd.s32 @!p0 $0xFFFFC400;
	s10 =	simm.s32 @!p0 $0x580  }
0xdb: {  	[spmem:s2] =	stream.indirect.scatter.add.f32 @!p0 [tilespmem:s7], [sflag:$0xC], $0x80, s10, s8, $0xb8;
	[tilespmem:$0x1F600] =	vst v63  }
0xdc: {  	p1 =	sge.u32 @!p0 s1, s17;
	_ =	swait.ge @!p0 [sflag:s5], $0x3C00  }
0xdd: {  	p1 =	por p1, p0;
	[sflag:s5] =	ssyncset.done @!p0 $0x0  }
0xde: {  	[sflag:s5] =	ssyncadd.s32 @!p0 $0xFFFFC400;
	s5 =	simm.s32 @!p1 $0x2  }
0xdf: {  	_ =	swait.ge @!p1 [sflag:s5], $0x100  }
0xe0: {  	s7 =	simm.s32 @!p1 $0x78;
	s10 =	simm.s32 @!p1 $0x4200;
	[sflag:s5] =	ssyncset.done @!p1 $0x0  }
0xe1: {  	s8 =	rddreg [dreg:$0x8];
	[sflag:s5] =	ssyncadd.s32 @!p1 $0xFFFFFF00;
	s5 =	simm.s32 @!p1 $0x100  }
0xe2: {  	[tilespmem:s10], [sflag:$0x8] =	stream.indirect.gather @!p1 [hbm4b:s4+s7], $0x80, s5, s7, $0xb8;
	[tilespmem:$0x1F600] =	vst v63  }
0xe3: {  	p1 =	sge.u32 @!p0 s1, s8  }
0xe4: {  	p0 =	por p1, p0  }
0xe5: {  	s1 =	sadd.s32 @!p0 $0xA0, s20;
	s5 =	simm.s32 @!p0 $0x0;
	s7 =	simm.s32 @!p0 $0x400  }
0xe6: {  	[tilespmem:s7], [sflag:$0x5] =	stream.linear.gather @!p0 [hbm4b:s1+s5], $0x100, $0x38;
	[tilespmem:$0x1F600] =	vst v63  }
0xe7: {  	_ =	swait.ge [sflag:s30], $0x3C00  }
0xe8: {  	s31 =	sadd.s32 $0x1, s31;
	[sflag:s30] =	ssyncset.done $0x0  }
0xe9: {  	p0 =	sne.s32 s31, s19;
	[sflag:s30] =	ssyncadd.s32 $0xFFFFC400  }
.Ltmp1:
0xea: {  	[bflag:$0x0] =	sbarrier.arrive $0xFFFF;
	(pc) =	sbr.rel @p0 .LBB2_1-.Ltmp1, $4  }
0xeb: {  	[hbm:s18], [sflag:s9] =	dma.local [spmem:s0], $0x2780  }
0xec: {  	_ =	swait.ge [sflag:s21], $0x2780  }
0xed: {  	[sflag:s21] =	ssyncset.done $0x0  }
0xee: {  	[sflag:s21] =	ssyncadd.s32 $0xFFFFD880  }
0xef: {  	_ =	sfence.sel $0x180000  }
0xf0: {  	[bflag:$0x0] =	sbarrier.arrive $0xFFFF  }
0xf1: {  	_ =	strace $0x9000004D  }
0xf2: {  	s0 =	stileid.u32;
	[bflag:$0x2] =	sbarrier.arrive $0xFFFF  }
0xf3: {  	p0 =	sne.s32 s0, $0x0;
	s0 =	rddreg [dreg:$0x2]  }
0xf4: {  	s0 =	sadd.s32 @!p0 $0x100000, s0  }
0xf5: {  	[sflag:s0] =	ssyncadd.tile.s32 @!p0 $0x1;
	_ =	shalt  }
.Lfunc_end2:
_tile_overlayer_lowered:
.L_overlay_start_2:
0xf6: {  	(tag) =	ssettag $0x2  }
0xf7: {  	s0 =	rddreg [dreg:$0x0];
	s2 =	stileid.u32  }
0xf8: {  	s1 =	rddreg [dreg:$0x1];
	p0 =	sne.s32 s2, $0x0  }
0xf9: {  	s3 =	rddreg [dreg:$0x2];
	[bflag:$0x3] =	sbarrier.arrive $0xFFFF;
	s2 =	simm.s32 @!p0 $0x1C0D  }
0xfa: {  	[timem:s3], [sflag:s2] =	dma.local @!p0 [hbm:s0], s1  }
0xfb: {  	s0 =	simm.s32 @!p0 $0xD  }
0xfc: {  	_ =	swait.ge @!p0 [sflag:s0], s1  }
0xfd: {  	s1 =	ssub.s32 @!p0 $0x0, s1;
	[sflag:s0] =	ssyncset.done @!p0 $0x0  }
0xfe: {  	[sflag:s0] =	ssyncadd.s32 @!p0 s1  }
0xff: {  	[bflag:$0x3] =	sbarrier.arrive $0xFFFF  }
0x100: {  	_ =	shalt  }

// kernel: kernel.20.cloned.1.call-start
scs
__scs_entry_jumppad:
0x0: {  	(pc) =	sbr.rel $0x88, $3  }
0x1: {  	(tag) =	ssettag $0x0;
	lr =	simm.s32 $0x1  }
0x2: {  	[smem:$0x3F95] =	sst lr;
	_ =	strace $0xD0000000  }
0x3: {  	_ = 	snop  }
0x4: {  	_ = 	snop  }
0x5: {  	_ = 	snop  }
0x6: {  	_ = 	snop  }
0x7: {  	_ = 	snop  }
__scs_overlays_trampoline_lowered:
0x8: {  	[smem:$0x3FA4] =	sst s0  }
0x9: {  	[smem:$0x3FA5] =	sst s1  }
0xa: {  	[smem:$0x3FA6] =	sst s2  }
0xb: {  	[smem:$0x3FA7] =	sst s3  }
0xc: {  	[smem:$0x3FA8] =	sst s4  }
0xd: {  	[smem:$0x3FA9] =	sst s5  }
0xe: {  	[smem:$0x3FAA] =	sst s6  }
0xf: {  	[smem:$0x3FAB] =	sst s7  }
0x10: {  	[smem:$0x3FAC] =	sst s8  }
0x11: {  	[smem:$0x3FAD] =	sst s9;
	s0 =	simm.s32 @!p0 $0x0  }
0x12: {  	s1 =	sld [smem:$0x3F93];
	s0 =	simm.s32 @p0 $0x1  }
0x13: {  	[smem:$0x3FAE] =	sst s0;
	s0 =	simm.s32 @!p1 $0x0  }
0x14: {  	s2 =	sld [smem:$0x3F92];
	s0 =	simm.s32 @p1 $0x1  }
0x15: {  	[smem:$0x3FAF] =	sst s0;
	s0 =	simm.s32 @!p2 $0x0  }
0x16: {  	s3 =	sld [smem:$0x3FDB];
	s0 =	simm.s32 @p2 $0x1  }
0x17: {  	s4 =	simm.s32 $0x1BF5;
	[smem:$0x3FB1] =	sst s0  }
0x18: {  	s0 =	sld [smem:$0x3F94];
	_ =	swait.ge [sflag:s4], $0x0  }
0x19: {  	s7 =	sld [smem:$0x3F95]  }
0x1a: {  	s8 =	sadd.s32 $0xFFFFE003, lr  }
0x1b: {  	s9 =	sadd.s32 $0xFFFFFEF7, lr;
	s5 =	simm.s32 $0xFFFFFFFF;
	p2 =	slt.u32 s8, $0xFFFFF086  }
0x1c: {  	p1 =	slt.u32 s9, $0xF7A;
	s5 =	simm.s32 @!p2 $0x0  }
0x1d: {  	s5 =	simm.s32 @p1 $0x1;
	p0 =	seq.s32 s7, s2  }
0x1e: {  	s7 =	smul.u32 @!p0 $0xF7A, s2;
	p2 =	seq.s32 @!p0 s5, $0x0  }
0x1f: {  	s9 =	smul.u32 $0xF7A, s1;
	s8 =	simm.s32 @!p0 $0x1BF5;
	p2 =	por !p2, p0  }
0x20: {  	[sflag:s8] =	ssyncset.s32 @!p0 $0xFFFFF086;
	s6 =	sadd.s32 @!p0 s3, s7;
	s7 =	simm.s32 @!p0 $0x108  }
0x21: {  	s3 =	sadd.s32 s3, s9;
	s6 =	sadd.s32 @!p0 $0x88, s6;
	s7 =	simm.s32 @p2 $0x1082  }
0x22: {  	[simem:s7], [sflag:s8] =	dma.local @!p0 [hbm:s6], $0xF7A  }
0x23: {  	s9 =	sor.u32 $0xD0000000, s2;
	s6 =	simm.s32 $0x108;
	_ =	swait.ge @!p0 [sflag:s8], $0x0  }
0x24: {  	s3 =	sadd.s32 $0x88, s3;
	s6 =	simm.s32 @!p1 $0x1082;
	[sflag:s4] =	ssyncset.s32 $0xFFFFF086  }
0x25: {  	[simem:s6], [sflag:s4] =	dma.local [hbm:s3], $0xF7A  }
0x26: {  	[smem:$0x3F95] =	sst s1;
	(tag) =	ssettag s2;
	_ =	strace s9  }
0x27: {  	s1 =	sld [smem:$0x3FA5]  }
0x28: {  	s2 =	sld [smem:$0x3FA6]  }
0x29: {  	s4 =	sld [smem:$0x3FA8]  }
0x2a: {  	p0 =	seq.s32 s5, $0x0;
	s5 =	sld [smem:$0x3FA9]  }
0x2b: {  	s6 =	sld [smem:$0x3FAA]  }
0x2c: {  	s7 =	sld [smem:$0x3FAB]  }
0x2d: {  	s3 =	simm.s32 $0x108;
	s8 =	sld [smem:$0x3FAC]  }
0x2e: {  	s3 =	simm.s32 @!p0 $0x1082;
	s9 =	sld [smem:$0x3FAD]  }
0x2f: {  	lr =	sadd.s32 s0, s3;
	s0 =	sld [smem:$0x3FA4]  }
0x30: {  	s3 =	sld [smem:$0x3FA7]  }
0x31: {  	[smem:$0x3FB0] =	sst s10  }
0x32: {  	s10 =	sld [smem:$0x3FAE];
	_ =	sdelay $0x3  }
0x33: {  	p0 =	seq.s32 s10, $0x1;
	s10 =	sld [smem:$0x3FB0];
	_ =	sdelay $0x3  }
0x34: {  	[smem:$0x3FB0] =	sst s10  }
0x35: {  	s10 =	sld [smem:$0x3FAF];
	_ =	sdelay $0x3  }
0x36: {  	p1 =	seq.s32 s10, $0x1;
	s10 =	sld [smem:$0x3FB0];
	_ =	sdelay $0x3  }
0x37: {  	[smem:$0x3FB0] =	sst s10  }
0x38: {  	s10 =	sld [smem:$0x3FB1]  }
0x39: {  	_ = 	snop;
	(pc) =	sbr.ind lr, $3  }
0x3a: {  	_ = 	snop  }
0x3b: {  	_ = 	snop  }
0x3c: {  	p2 =	seq.s32 s10, $0x1;
	s10 =	sld [smem:$0x3FB0]  }
0x3d: {  	_ =	shalt  }
0x3e: {  	_ =	shalt  }
0x3f: {  	_ =	shalt  }
0x40: {  	_ =	shalt  }
0x41: {  	_ =	shalt  }
0x42: {  	_ =	shalt  }
0x43: {  	_ =	shalt  }
0x44: {  	_ =	shalt  }
0x45: {  	_ =	shalt  }
0x46: {  	_ =	shalt  }
0x47: {  	_ =	shalt  }
0x48: {  	_ =	shalt  }
0x49: {  	_ =	shalt  }
0x4a: {  	_ =	shalt  }
0x4b: {  	_ =	shalt  }
0x4c: {  	_ =	shalt  }
0x4d: {  	_ =	shalt  }
0x4e: {  	_ =	shalt  }
0x4f: {  	_ =	shalt  }
0x50: {  	_ =	shalt  }
0x51: {  	_ =	shalt  }
0x52: {  	_ =	shalt  }
0x53: {  	_ =	shalt  }
0x54: {  	_ =	shalt  }
0x55: {  	_ =	shalt  }
0x56: {  	_ =	shalt  }
0x57: {  	_ =	shalt  }
0x58: {  	_ =	shalt  }
0x59: {  	_ =	shalt  }
0x5a: {  	_ =	shalt  }
0x5b: {  	_ =	shalt  }
0x5c: {  	_ =	shalt  }
0x5d: {  	_ =	shalt  }
0x5e: {  	_ =	shalt  }
0x5f: {  	_ =	shalt  }
0x60: {  	_ =	shalt  }
0x61: {  	_ =	shalt  }
0x62: {  	_ =	shalt  }
0x63: {  	_ =	shalt  }
0x64: {  	_ =	shalt  }
0x65: {  	_ =	shalt  }
0x66: {  	_ =	shalt  }
0x67: {  	_ =	shalt  }
0x68: {  	_ =	shalt  }
0x69: {  	_ =	shalt  }
0x6a: {  	_ =	shalt  }
0x6b: {  	_ =	shalt  }
0x6c: {  	_ =	shalt  }
0x6d: {  	_ =	shalt  }
0x6e: {  	_ =	shalt  }
0x6f: {  	_ =	shalt  }
0x70: {  	_ =	shalt  }
0x71: {  	_ =	shalt  }
0x72: {  	_ =	shalt  }
0x73: {  	_ =	shalt  }
0x74: {  	_ =	shalt  }
0x75: {  	_ =	shalt  }
0x76: {  	_ =	shalt  }
0x77: {  	_ =	shalt  }
0x78: {  	_ =	shalt  }
0x79: {  	_ =	shalt  }
0x7a: {  	_ =	shalt  }
0x7b: {  	_ =	shalt  }
0x7c: {  	_ =	shalt  }
0x7d: {  	_ =	shalt  }
0x7e: {  	_ =	shalt  }
0x7f: {  	_ =	shalt  }
0x80: {  	_ =	shalt  }
0x81: {  	_ =	shalt  }
0x82: {  	_ =	shalt  }
0x83: {  	_ =	shalt  }
0x84: {  	_ =	shalt  }
0x85: {  	_ =	shalt  }
0x86: {  	_ =	shalt  }
0x87: {  	_ =	shalt  }
.Lfunc_end0:
.L_simem_size_0:
called_computation.3_lowered:
.L_overlay_start_0:
0x88: {  	s2 =	sld [smem:$0x3FD9]  }
0x89: {  	s3 =	sld [smem:$0x3FFE];
	_ =	sdelay $0x1  }
0x8a: {  	s1 =	srdreg.scid  }
0x8b: {  	s0 =	sand.u32 $0x1, s1  }
0x8c: {  	s16 =	sshll.u32 s0, $0xA;
	s2 =	sadd.s32 s3, s2  }
0x8d: {  	s2 =	sadd.s32 s2, s16  }
0x8e: {  	[smem:$0x3FBC] =	sst s2  }
0x8f: {  	_ = 	snop  }
0x90: {  	(tm) =	ssettm $0x1  }
0x91: {  	s17 =	sld [smem:$0x3FFB];
	_ =	sdelay $0x3  }
0x92: {  	_ =	strace s17  }
0x93: {  	s2 =	sld [smem:$0x3FFC];
	_ =	sdelay $0x3  }
0x94: {  	_ =	strace s2  }
0x95: {  	s2 =	sld [smem:$0x3FFD];
	_ =	sdelay $0x3  }
0x96: {  	_ =	strace s2  }
0x97: {  	_ =	strace $0x8FFFFFFF  }
0x98: {  	s18 =	sld [smem:$0x3FDB];
	_ =	sdelay $0x1  }
0x99: {  	s19 =	simm.s32 $_scs_section_size  }
0x9a: {  	s4 =	simm.s32 $_size__tile_overlayer_lowered;
	s5 =	simm.s32 $_tile_overlayer_lowered  }
0x9b: {  	s22 =	simm.s32 $0x1BFF;
	s21 =	sshll.u32 s5, $0x1;
	s2 =	sadd.s32 s19, s18  }
0x9c: {  	s6 =	simm.s32 $0x0;
	s20 =	sshll.u32 s4, $0x1;
	s4 =	sadd.s32 s21, s2  }
0x9d: {  	[timem:s6], [sflag:s22] =	dma.local [hbm:s4], s20  }
0x9e: {  	_ =	swait.ge [sflag:s22], s20  }
0x9f: {  	s3 =	ssub.s32 $0x0, s20;
	[sflag:s22] =	ssyncset.done $0x0  }
0xa0: {  	[sflag:s22] =	ssyncadd.s32 s3;
	_ =	sdelay $0x1  }
0xa1: {  	s23 =	simm.s32 $0x1B8B  }
0xa2: {  	_ =	swait.ge [sflag:s23], $0x1  }
0xa3: {  	[sflag:s23] =	ssyncset.done $0x0  }
0xa4: {  	s25 =	simm.s32 $0x1B8E;
	s24 =	sld [smem:$0x3FFE];
	[sflag:s23] =	ssyncadd.s32 $0xFFFFFFFF  }
0xa5: {  	s26 =	simm.s32 $execute0_lowered;
	[smem:$0x3FD2] =	sst s25  }
0xa6: {  	s4 =	sshll.u32 s26, $0x1;
	_ =	strace $0x8000004F;
	[dreg:$0x1] =	wrdreg $0xFFFFFFFF  }
0xa7: {  	s28 =	simm.s32 $_size_execute0_lowered;
	s2 =	sadd.s32 s2, s4;
	[dreg:$0x0] =	wrdreg $0x0  }
0xa8: {  	s4 =	sshll.u32 s28, $0x1;
	[dreg:$0x2] =	wrdreg s2  }
0xa9: {  	[dreg:$0x3] =	wrdreg s4  }
0xaa: {  	[dreg:$0x4] =	wrdreg $0xC0  }
0xab: {  	_ =	task [dreg:s6], $0x5FFFF  }
0xac: {  	[dreg:$0x1] =	wrdreg $0xFFFFFFFF  }
0xad: {  	[dreg:$0x0] =	wrdreg $0x60  }
0xae: {  	[dreg:$0x2] =	wrdreg s24  }
0xaf: {  	[dreg:$0x3] =	wrdreg $0xBA000  }
0xb0: {  	[dreg:$0x4] =	wrdreg $0x9  }
0xb1: {  	_ =	task.clear_ibuf [dreg:s6], $0x5FFFF;
	_ =	strace $0x9000004F  }
0xb2: {  	s29 =	simm.s32 $0x9;
	_ =	strace $0x80000051  }
0xb3: {  	_ =	swait.ge [sflag:s29], $0x1  }
0xb4: {  	[sflag:s29] =	ssyncadd.s32 $0xFFFFFFFF  }
0xb5: {  	_ =	strace $0x90000051  }
0xb6: {  	_ =	sfence  }
0xb7: {  	s30 =	sld [smem:$0x0];
	_ =	sdelay $0x2  }
0xb8: {  	s31 =	sshll.u32 s1, $0xD;
	s1 =	sshrl.u32 s1, $0x2  }
0xb9: {  	s3 =	sand.u32 $0x4000, s31;
	s1 =	sadd.s32 s1, s30  }
0xba: {  	s0 =	sor.u32 s3, s0;
	s1 =	sshll.u32 s1, $0x11  }
0xbb: {  	s0 =	sor.u32 s1, s0  }
0xbc: {  	s0 =	sadd.s32 $0x8F2B, s0  }
0xbd: {  	[sflag:s0] =	ssyncadd.remote.s32 $0x1  }
0xbe: {  	_ =	sfence.sel $0xFFFF  }
0xbf: {  	[dreg:$0x0] =	wrdreg $0xFFFFFFFF;
	(pc) =	sbr.abs _section_cstart, $3  }
0xc0: {  	[dreg:$0x1] =	wrdreg $0xFFFFFFFF  }
0xc1: {  	_ =	task.clear_ibuf [dreg:s6], $0x2FFFF;
	_ =	strace $0x9FFFFFFF  }
0xc2: {  	(tm) =	ssettm $0x7FFFFFFF  }
0xc3: {  	_ =	shalt  }
tec
execute0_lowered:
.L_overlay_start_1:
0x0: {  	(tag) =	ssettag $0x1  }
0x1: {  	s0 =	rddreg [dreg:$0x0];
	s9 =	stileid.u32  }
0x2: {  	s2 =	rddreg [dreg:$0x1];
	s3 =	simm.s32 $0x0;
	s4 =	smul.u32 $0x30, s9  }
0x3: {  	s1 =	srdreg.scid;
	s28 =	simm.s32 $0x2;
	s5 =	smul.u32 $0x78, s9  }
0x4: {  	s30 =	simm.s32 $0xC;
	s31 =	simm.s32 $0x0;
	s7 =	smul.u32 $0x13C00, s9  }
0x5: {  	[smem:$0x7FF] =	sst s3;
	s1 =	sand.u32 $0x1, s1;
	s24 =	smul.u32 $0x4F000, s9  }
0x6: {  	s9 =	sshll.u32 s9, $0x6;
	p0 =	seq.s32 s1, $0x0;
	s21 =	smul.u32 $0x13C000, s1  }
0x7: {  	_ =	strace $0x80000050;
	s1 =	ssub.s32 $0x2, s1;
	s9 =	sor.u32 $0x1C0D, s9  }
0x8: {  	s6 =	sadd.s32 $0x780, s4;
	s4 =	sadd.s32 $0x36200, s0;
	s22 =	sshrl.u32 s7, $0x3  }
0x9: {  	s23 =	sshrl.u32 s1, $0x1;
	s6 =	smov.u32 @p0 s5;
	s5 =	sadd.s32 s7, s21  }
0xa: {  	s8 =	sadd.s32 s22, s0;
	s1 =	ssub.s32 s1, s23;
	s7 =	sshrl.u32 s24, $0x2  }
0xb: {  	s21 =	simm.s32 $0xD;
	s22 =	simm.s32 $0x100;
	s6 =	sshll.u32 s6, $0x5  }
0xc: {  	s5 =	sshrl.u32 s5, $0x3;
	s25 =	sadd.s32 s7, s2;
	s26 =	sadd.s32 $0xEA00, s8  }
0xd: {  	s19 =	smax.u32 s1, $0x1;
	s20 =	sadd.s32 s6, s0;
	[dreg:$0x9] =	wrdreg s25  }
0xe: {  	s0 =	sadd.s32 s5, s0;
	s6 =	simm.s32 $0x78;
	[dreg:$0xa] =	wrdreg s26  }
0xf: {  	s6 =	simm.s32 @!p0 $0x30;
	s29 =	sadd.s32 $0x85200, s20;
	s11 =	sadd.s32 $0x85220, s20  }
0x10: {  	s12 =	sadd.s32 $0x85240, s20;
	[dreg:$0xb] =	wrdreg s29;
	s13 =	sadd.s32 $0xFFFFFFFE, s6  }
0x11: {  	s24 =	sadd.s32 $0x852A0, s20;
	s14 =	sadd.s32 $0xFFFFFFFD, s6;
	[dreg:$0x3] =	wrdreg s13  }
0x12: {  	s15 =	sadd.s32 $0xFFFFFFFC, s6;
	s16 =	sadd.s32 $0xFFFFFFF8, s6;
	[dreg:$0x4] =	wrdreg s14  }
0x13: {  	s17 =	sadd.s32 $0xFFFFFFF7, s6;
	s18 =	sadd.s32 $0xFFFFFFF6, s6;
	[dreg:$0x5] =	wrdreg s15  }
0x14: {  	s13 =	sadd.s32 $0x85260, s20;
	s14 =	sadd.s32 $0x85280, s20;
	[dreg:$0x6] =	wrdreg s16  }
0x15: {  	s15 =	sadd.s32 $0xFFFFFFFB, s6;
	s16 =	sadd.s32 $0xFFFFFFFA, s6;
	[dreg:$0x7] =	wrdreg s17  }
0x16: {  	s17 =	sadd.s32 $0xFFFFFFF9, s6;
	[dreg:$0x8] =	wrdreg s18;
	s18 =	sadd.s32 $0x9A200, s0  }
.LBB2_1:
0x17: {  	s0 =	rddreg [dreg:$0x9]  }
0x18: {  	s1 =	rddreg [dreg:$0xa];
	s0 =	sshrl.u32 s0, $0x3  }
0x19: {  	[spmem:s0], [sflag:s9] =	dma.local [hbm:s1], $0x2780  }
0x1a: {  	_ =	swait.ge [sflag:s21], $0x2780  }
0x1b: {  	[sflag:s21] =	ssyncset.done $0x0  }
0x1c: {  	s8 =	rddreg [dreg:$0xb];
	[sflag:s21] =	ssyncadd.s32 $0xFFFFD880  }
0x1d: {  	[tilespmem:s3], [sflag:$0xD] =	stream.linear.gather [hbm4b:s8+s3], $0x100, $0x38;
	[tilespmem:$0x1F600] =	vst v63  }
0x1e: {  	_ =	swait.ge [sflag:s21], $0x100  }
0x1f: {  	[sflag:s21] =	ssyncset.done $0x0  }
0x20: {  	[sflag:s21] =	ssyncadd.s32 $0xFFFFFF00  }
0x21: {  	[bflag:$0x0] =	sbarrier.arrive $0xFFFF  }
0x22: {  	[tilespmem:s22], [sflag:$0x2] =	stream.linear.gather [hbm4b:s11+s3], $0x100, $0x38;
	[tilespmem:$0x1F600] =	vst v63  }
0x23: {  	s10 =	simm.s32 $0x200  }
0x24: {  	[tilespmem:s10], [sflag:$0x3] =	stream.linear.gather [hbm4b:s12+s3], $0x100, $0x38;
	[tilespmem:$0x1F600] =	vst v63  }
0x25: {  	s20 =	simm.s32 $0x300  }
0x26: {  	[tilespmem:s20], [sflag:$0x4] =	stream.linear.gather [hbm4b:s13+s3], $0x100, $0x38;
	[tilespmem:$0x1F600] =	vst v63  }
0x27: {  	s23 =	simm.s32 $0x400  }
0x28: {  	[tilespmem:s23], [sflag:$0x5] =	stream.linear.gather [hbm4b:s14+s3], $0x100, $0x38;
	[tilespmem:$0x1F600] =	vst v63  }
0x29: {  	s25 =	simm.s32 $0x78;
	s5 =	simm.s32 $0x600  }
0x2a: {  	[tilespmem:s5], [sflag:$0x7] =	stream.indirect.gather [hbm4b:s4+s25], $0x80, s3, s25, $0xb8;
	[tilespmem:$0x1F600] =	vst v63  }
0x2b: {  	_ =	swait.ge [sflag:s28], $0x100  }
0x2c: {  	s26 =	simm.s32 $0x4200;
	p0 =	sle.u32 s6, $0x0;
	[sflag:s28] =	ssyncset.done $0x0  }
0x2d: {  	p1 =	por @!p0 $0x1, $0x1;
	s1 =	simm.s32 @!p0 $0x7;
	[sflag:s28] =	ssyncadd.s32 $0xFFFFFF00  }
0x2e: {  	[tilespmem:s26], [sflag:$0x8] =	stream.indirect.gather [hbm4b:s4+s25], $0x80, s22, s25, $0xb8;
	[tilespmem:$0x1F600] =	vst v63  }
0x2f: {  	p2 =	por p1, p0;
	_ =	swait.ge @!p0 [sflag:s1], $0x3C00  }
0x30: {  	s20 =	simm.s32 @!p0 $0x78;
	s23 =	simm.s32 @!p2 $0xC;
	[sflag:s1] =	ssyncset.done @!p0 $0x0  }
0x31: {  	s25 =	simm.s32 @!p0 $0x600;
	[sflag:s1] =	ssyncadd.s32 @!p0 $0xFFFFC400;
	s1 =	simm.s32 @!p0 $0x80  }
0x32: {  	[spmem:s2] =	stream.indirect.scatter.add.f32 @!p0 [tilespmem:s25], [sflag:$0xA], $0x80, s1, s20, $0xb8;
	[tilespmem:$0x1F600] =	vst v63  }
0x33: {  	p1 =	sle.u32 @!p0 s15, $0x0;
	_ =	swait.ge @!p2 [sflag:s23], $0x3C00  }
0x34: {  	p1 =	por p1, p0;
	s25 =	simm.s32 $0x6;
	s1 =	rddreg [dreg:$0x3]  }
0x35: {  	s20 =	smov.u32 s24;
	[sflag:s23] =	ssyncset.done @!p2 $0x0;
	p3 =	sle.u32 @!p0 s1, $0x0  }
0x36: {  	[sflag:s23] =	ssyncadd.s32 @!p2 $0xFFFFC400;
	p2 =	sle.u32 s6, $0x1;
	p3 =	por p3, p0  }
0x37: {  	s23 =	smov.u32 s24;
	s1 =	simm.s32 $0x0;
	s29 =	simm.s32 @!p3 $0x3  }
.LBB2_2:
0x38: {  	_ =	swait.ge @!p3 [sflag:s29], $0x100  }
0x39: {  	s5 =	simm.s32 @!p3 $0x78;
	[sflag:s29] =	ssyncset.done @!p3 $0x0  }
0x3a: {  	s7 =	simm.s32 @!p3 $0x7E00;
	[sflag:s29] =	ssyncadd.s32 @!p3 $0xFFFFFF00;
	s29 =	simm.s32 @!p3 $0x200  }
0x3b: {  	[tilespmem:s7], [sflag:$0x9] =	stream.indirect.gather @!p3 [hbm4b:s4+s5], $0x80, s29, s5, $0xb8;
	[tilespmem:$0x1F600] =	vst v63  }
0x3c: {  	s5 =	simm.s32 @!p1 $0x0;
	s7 =	simm.s32 @!p1 $0x500;
	s29 =	simm.s32 @!p2 $0x8  }
0x3d: {  	[tilespmem:s7], [sflag:$0x6] =	stream.linear.gather @!p1 [hbm4b:s23+s5], $0x100, $0x38;
	[tilespmem:$0x1F600] =	vst v63  }
0x3e: {  	_ =	swait.ge @!p2 [sflag:s29], $0x3C00  }
0x3f: {  	s8 =	simm.s32 @!p2 $0x180;
	s5 =	simm.s32 @!p2 $0x4200;
	[sflag:s29] =	ssyncset.done @!p2 $0x0  }
0x40: {  	s7 =	simm.s32 @!p2 $0xA;
	[sflag:s29] =	ssyncadd.s32 @!p2 $0xFFFFC400;
	s29 =	simm.s32 @!p2 $0x78  }
0x41: {  	[spmem:s2] =	stream.indirect.scatter.add.f32 @!p2 [tilespmem:s5], [sflag:$0xB], $0x80, s8, s29, $0xb8;
	[tilespmem:$0x1F600] =	vst v63  }
0x42: {  	_ =	swait.ge @!p2 [sflag:s7], $0x3C00  }
0x43: {  	s5 =	rddreg [dreg:$0x4]  }
0x44: {  	p1 =	sge.u32 @!p2 s1, s16;
	[sflag:s7] =	ssyncset.done @!p2 $0x0;
	p3 =	sge.u32 @!p2 s1, s5  }
0x45: {  	p1 =	por p1, p2;
	[sflag:s7] =	ssyncadd.s32 @!p2 $0xFFFFC400;
	p2 =	por p3, p2  }
0x46: {  	s5 =	simm.s32 @!p2 $0x4  }
0x47: {  	s10 =	sadd.s32 $0x2, s1;
	_ =	swait.ge @!p2 [sflag:s5], $0x100  }
0x48: {  	p3 =	sge.u32 s10, s6;
	s8 =	simm.s32 @!p2 $0x600;
	[sflag:s5] =	ssyncset.done @!p2 $0x0  }
0x49: {  	s7 =	simm.s32 @!p2 $0x300;
	[sflag:s5] =	ssyncadd.s32 @!p2 $0xFFFFFF00;
	s5 =	simm.s32 @!p2 $0x78  }
0x4a: {  	[tilespmem:s8], [sflag:$0x7] =	stream.indirect.gather @!p2 [hbm4b:s4+s5], $0x80, s7, s5, $0xb8;
	[tilespmem:$0x1F600] =	vst v63  }
0x4b: {  	s5 =	sadd.s32 @!p1 $0x20, s23;
	s7 =	simm.s32 @!p1 $0x0;
	s8 =	simm.s32 @!p3 $0x9  }
0x4c: {  	[tilespmem:s7], [sflag:$0x1] =	stream.linear.gather @!p1 [hbm4b:s5+s7], $0x100, $0x38;
	[tilespmem:$0x1F600] =	vst v63  }
0x4d: {  	_ =	swait.ge @!p3 [sflag:s8], $0x3C00  }
0x4e: {  	s29 =	simm.s32 @!p3 $0x280;
	s5 =	simm.s32 @!p3 $0x7E00;
	[sflag:s8] =	ssyncset.done @!p3 $0x0  }
0x4f: {  	s7 =	simm.s32 @!p3 $0xB;
	[sflag:s8] =	ssyncadd.s32 @!p3 $0xFFFFC400;
	s8 =	simm.s32 @!p3 $0x78  }
0x50: {  	[spmem:s2] =	stream.indirect.scatter.add.f32 @!p3 [tilespmem:s5], [sflag:$0xC], $0x80, s29, s8, $0xb8;
	[tilespmem:$0x1F600] =	vst v63  }
0x51: {  	_ =	swait.ge @!p3 [sflag:s7], $0x3C00  }
0x52: {  	s8 =	rddreg [dreg:$0x5]  }
0x53: {  	p1 =	sge.u32 @!p3 s1, s17;
	[sflag:s7] =	ssyncset.done @!p3 $0x0;
	p5 =	sge.u32 @!p3 s1, s8  }
0x54: {  	p4 =	por p1, p3;
	[sflag:s7] =	ssyncadd.s32 @!p3 $0xFFFFC400;
	p3 =	por p5, p3  }
0x55: {  	s10 =	sadd.s32 $0x3, s1;
	s8 =	simm.s32 @!p3 $0x5  }
0x56: {  	p1 =	sge.u32 s10, s6;
	_ =	swait.ge @!p3 [sflag:s8], $0x100  }
0x57: {  	s7 =	simm.s32 @!p1 $0x7;
	s29 =	simm.s32 @!p3 $0x78;
	[sflag:s8] =	ssyncset.done @!p3 $0x0  }
0x58: {  	s10 =	simm.s32 @!p3 $0x400;
	[sflag:s8] =	ssyncadd.s32 @!p3 $0xFFFFFF00;
	s8 =	simm.s32 @!p3 $0x4200  }
0x59: {  	[tilespmem:s8], [sflag:$0x8] =	stream.indirect.gather @!p3 [hbm4b:s4+s29], $0x80, s10, s29, $0xb8;
	[tilespmem:$0x1F600] =	vst v63  }
0x5a: {  	s8 =	sadd.s32 @!p4 $0x40, s23;
	s10 =	simm.s32 @!p4 $0x0;
	s29 =	simm.s32 @!p4 $0x100  }
0x5b: {  	[tilespmem:s29], [sflag:$0x2] =	stream.linear.gather @!p4 [hbm4b:s8+s10], $0x100, $0x38;
	[tilespmem:$0x1F600] =	vst v63  }
0x5c: {  	_ =	swait.ge @!p1 [sflag:s7], $0x3C00  }
0x5d: {  	s8 =	simm.s32 @!p1 $0x600;
	s10 =	simm.s32 @!p1 $0xC;
	[sflag:s7] =	ssyncset.done @!p1 $0x0  }
0x5e: {  	s29 =	simm.s32 @!p1 $0x380;
	[sflag:s7] =	ssyncadd.s32 @!p1 $0xFFFFC400;
	s7 =	simm.s32 @!p1 $0x78  }
0x5f: {  	[spmem:s2] =	stream.indirect.scatter.add.f32 @!p1 [tilespmem:s8], [sflag:$0xA], $0x80, s29, s7, $0xb8;
	[tilespmem:$0x1F600] =	vst v63  }
0x60: {  	p2 =	sge.u32 @!p1 s1, s15;
	_ =	swait.ge @!p1 [sflag:s10], $0x3C00  }
0x61: {  	p2 =	por p2, p1;
	[sflag:s10] =	ssyncset.done @!p1 $0x0  }
0x62: {  	s5 =	simm.s32 @!p2 $0x6;
	[sflag:s10] =	ssyncadd.s32 @!p1 $0xFFFFC400  }
0x63: {  	_ =	swait.ge @!p2 [sflag:s5], $0x100  }
0x64: {  	s7 =	simm.s32 @!p2 $0x7E00;
	s10 =	simm.s32 @!p2 $0x500;
	[sflag:s5] =	ssyncset.done @!p2 $0x0  }
0x65: {  	s8 =	rddreg [dreg:$0x6];
	[sflag:s5] =	ssyncadd.s32 @!p2 $0xFFFFFF00;
	s5 =	simm.s32 @!p2 $0x78  }
0x66: {  	[tilespmem:s7], [sflag:$0x9] =	stream.indirect.gather @!p2 [hbm4b:s4+s5], $0x80, s10, s5, $0xb8;
	[tilespmem:$0x1F600] =	vst v63  }
0x67: {  	p2 =	sge.u32 @!p1 s1, s8  }
0x68: {  	s10 =	sadd.s32 $0x4, s1;
	p3 =	por p2, p1  }
0x69: {  	p1 =	sge.u32 s10, s6;
	s5 =	sadd.s32 @!p3 $0x60, s23  }
0x6a: {  	s7 =	simm.s32 @!p3 $0x200;
	s8 =	simm.s32 @!p1 $0x8;
	s10 =	simm.s32 @!p3 $0x0  }
0x6b: {  	[tilespmem:s7], [sflag:$0x3] =	stream.linear.gather @!p3 [hbm4b:s5+s10], $0x100, $0x38;
	[tilespmem:$0x1F600] =	vst v63  }
0x6c: {  	_ =	swait.ge @!p1 [sflag:s8], $0x3C00  }
0x6d: {  	s5 =	simm.s32 @!p1 $0x4200;
	s7 =	simm.s32 @!p1 $0xA;
	[sflag:s8] =	ssyncset.done @!p1 $0x0  }
0x6e: {  	s10 =	simm.s32 @!p1 $0x480;
	[sflag:s8] =	ssyncadd.s32 @!p1 $0xFFFFC400;
	s8 =	simm.s32 @!p1 $0x78  }
0x6f: {  	[spmem:s2] =	stream.indirect.scatter.add.f32 @!p1 [tilespmem:s5], [sflag:$0xB], $0x80, s10, s8, $0xb8;
	[tilespmem:$0x1F600] =	vst v63  }
0x70: {  	p2 =	sge.u32 @!p1 s1, s16;
	_ =	swait.ge @!p1 [sflag:s7], $0x3C00  }
0x71: {  	p2 =	por p2, p1;
	[sflag:s7] =	ssyncset.done @!p1 $0x0  }
0x72: {  	s5 =	simm.s32 @!p2 $0x1;
	[sflag:s7] =	ssyncadd.s32 @!p1 $0xFFFFC400  }
0x73: {  	_ =	swait.ge @!p2 [sflag:s5], $0x100  }
0x74: {  	s10 =	simm.s32 @!p2 $0x0;
	s7 =	simm.s32 @!p2 $0x600;
	[sflag:s5] =	ssyncset.done @!p2 $0x0  }
0x75: {  	s8 =	rddreg [dreg:$0x7];
	[sflag:s5] =	ssyncadd.s32 @!p2 $0xFFFFFF00;
	s5 =	simm.s32 @!p2 $0x78  }
0x76: {  	[tilespmem:s7], [sflag:$0x7] =	stream.indirect.gather @!p2 [hbm4b:s4+s5], $0x80, s10, s5, $0xb8;
	[tilespmem:$0x1F600] =	vst v63  }
0x77: {  	p2 =	sge.u32 @!p1 s1, s8  }
0x78: {  	s5 =	sadd.s32 $0x5, s1;
	p1 =	por p2, p1  }
0x79: {  	p2 =	sge.u32 s5, s6;
	s7 =	sadd.s32 @!p1 $0x80, s23  }
0x7a: {  	s8 =	simm.s32 @!p1 $0x0;
	s10 =	simm.s32 @!p1 $0x300;
	s5 =	simm.s32 @!p2 $0x9  }
0x7b: {  	[tilespmem:s10], [sflag:$0x4] =	stream.linear.gather @!p1 [hbm4b:s7+s8], $0x100, $0x38;
	[tilespmem:$0x1F600] =	vst v63  }
0x7c: {  	_ =	swait.ge @!p2 [sflag:s5], $0x3C00  }
0x7d: {  	s29 =	simm.s32 @!p2 $0xB;
	s7 =	simm.s32 @!p2 $0x7E00;
	[sflag:s5] =	ssyncset.done @!p2 $0x0  }
0x7e: {  	s8 =	simm.s32 @!p2 $0x580;
	[sflag:s5] =	ssyncadd.s32 @!p2 $0xFFFFC400;
	s5 =	simm.s32 @!p2 $0x78  }
0x7f: {  	[spmem:s2] =	stream.indirect.scatter.add.f32 @!p2 [tilespmem:s7], [sflag:$0xC], $0x80, s8, s5, $0xb8;
	[tilespmem:$0x1F600] =	vst v63  }
0x80: {  	p5 =	sge.u32 @!p2 s1, s17;
	_ =	swait.ge @!p2 [sflag:s29], $0x3C00  }
0x81: {  	p5 =	por p5, p2;
	[sflag:s29] =	ssyncset.done @!p2 $0x0  }
0x82: {  	s26 =	smov.u32 s25;
	s5 =	simm.s32 @!p5 $0x2;
	[sflag:s29] =	ssyncadd.s32 @!p2 $0xFFFFC400  }
0x83: {  	s25 =	sadd.s32 $0x6, s25;
	p3 =	sge.u32 s26, s6;
	_ =	swait.ge @!p5 [sflag:s5], $0x100  }
0x84: {  	s7 =	simm.s32 @!p5 $0x78;
	s29 =	simm.s32 @!p5 $0x4200;
	[sflag:s5] =	ssyncset.done @!p5 $0x0  }
0x85: {  	s10 =	rddreg [dreg:$0x8];
	[sflag:s5] =	ssyncadd.s32 @!p5 $0xFFFFFF00;
	s5 =	simm.s32 @!p5 $0x100  }
0x86: {  	[tilespmem:s29], [sflag:$0x8] =	stream.indirect.gather @!p5 [hbm4b:s4+s7], $0x80, s5, s7, $0xb8;
	[tilespmem:$0x1F600] =	vst v63  }
0x87: {  	p4 =	seq.s32 @!p3 s26, $0x0;
	p1 =	sge.u32 @!p3 s26, s15;
	p5 =	sge.u32 @!p2 s1, s10  }
0x88: {  	s8 =	simm.s32 @!p3 $0x7;
	s1 =	smov.u32 s26;
	p2 =	por p5, p2  }
0x89: {  	s10 =	sadd.s32 @!p2 $0xA0, s20;
	s20 =	simm.s32 @!p2 $0x0;
	s26 =	simm.s32 @!p2 $0x400  }
0x8a: {  	[tilespmem:s26], [sflag:$0x5] =	stream.linear.gather @!p2 [hbm4b:s10+s20], $0x100, $0x38;
	[tilespmem:$0x1F600] =	vst v63  }
0x8b: {  	p0 =	sne.s32 s25, $0x78;
	p4 =	por p4, p3;
	_ =	swait.ge @!p3 [sflag:s8], $0x3C00  }
0x8c: {  	s5 =	simm.s32 @!p3 $0x78;
	s7 =	simm.s32 @!p4 $0xC;
	[sflag:s8] =	ssyncset.done @!p3 $0x0  }
0x8d: {  	s10 =	simm.s32 @!p3 $0x600;
	[sflag:s8] =	ssyncadd.s32 @!p3 $0xFFFFC400;
	s8 =	simm.s32 @!p3 $0x80  }
0x8e: {  	[spmem:s2] =	stream.indirect.scatter.add.f32 @!p3 [tilespmem:s10], [sflag:$0xA], $0x80, s8, s5, $0xb8;
	[tilespmem:$0x1F600] =	vst v63  }
.Ltmp0:
0x8f: {  	_ =	swait.ge @!p4 [sflag:s7], $0x3C00;
	(pc) =	sbr.rel @p0 .LBB2_2-.Ltmp0, $4  }
0x90: {  	[sflag:s7] =	ssyncset.done @!p4 $0x0;
	s5 =	rddreg [dreg:$0x3]  }
0x91: {  	s23 =	sadd.s32 $0xC0, s23;
	[sflag:s7] =	ssyncadd.s32 @!p4 $0xFFFFC400;
	p4 =	sge.u32 @!p3 s1, s5  }
0x92: {  	p1 =	por p1, p3;
	s26 =	sadd.s32 $0x1, s1;
	p3 =	por p4, p3  }
0x93: {  	s20 =	smov.u32 s23;
	p2 =	sge.u32 s26, s6;
	s29 =	simm.s32 @!p3 $0x3  }
0x94: {  	_ =	swait.ge @!p3 [sflag:s29], $0x100  }
0x95: {  	s5 =	simm.s32 @!p3 $0x78;
	[sflag:s29] =	ssyncset.done @!p3 $0x0  }
0x96: {  	s7 =	simm.s32 @!p3 $0x7E00;
	s8 =	simm.s32 @!p3 $0x200;
	[sflag:s29] =	ssyncadd.s32 @!p3 $0xFFFFFF00  }
0x97: {  	[tilespmem:s7], [sflag:$0x9] =	stream.indirect.gather @!p3 [hbm4b:s4+s5], $0x80, s8, s5, $0xb8;
	[tilespmem:$0x1F600] =	vst v63  }
0x98: {  	s5 =	simm.s32 @!p1 $0x0;
	s7 =	simm.s32 @!p1 $0x500;
	s8 =	simm.s32 @!p2 $0x8  }
0x99: {  	[tilespmem:s7], [sflag:$0x6] =	stream.linear.gather @!p1 [hbm4b:s23+s5], $0x100, $0x38;
	[tilespmem:$0x1F600] =	vst v63  }
0x9a: {  	_ =	swait.ge @!p2 [sflag:s8], $0x3C00  }
0x9b: {  	s10 =	simm.s32 @!p2 $0x180;
	s5 =	simm.s32 @!p2 $0x4200;
	[sflag:s8] =	ssyncset.done @!p2 $0x0  }
0x9c: {  	s7 =	simm.s32 @!p2 $0xA;
	[sflag:s8] =	ssyncadd.s32 @!p2 $0xFFFFC400;
	s8 =	simm.s32 @!p2 $0x78  }
0x9d: {  	[spmem:s2] =	stream.indirect.scatter.add.f32 @!p2 [tilespmem:s5], [sflag:$0xB], $0x80, s10, s8, $0xb8;
	[tilespmem:$0x1F600] =	vst v63  }
0x9e: {  	_ =	swait.ge @!p2 [sflag:s7], $0x3C00  }
0x9f: {  	s5 =	rddreg [dreg:$0x4]  }
0xa0: {  	p0 =	sge.u32 @!p2 s1, s5  }
0xa1: {  	[sflag:s7] =	ssyncset.done @!p2 $0x0;
	p1 =	por p0, p2  }
0xa2: {  	[sflag:s7] =	ssyncadd.s32 @!p2 $0xFFFFC400;
	p0 =	sge.u32 @!p2 s1, s16;
	s5 =	simm.s32 @!p1 $0x4  }
0xa3: {  	s10 =	sadd.s32 $0x2, s1;
	p2 =	por p0, p2;
	_ =	swait.ge @!p1 [sflag:s5], $0x100  }
0xa4: {  	s8 =	simm.s32 @!p1 $0x600;
	p0 =	sge.u32 s10, s6;
	[sflag:s5] =	ssyncset.done @!p1 $0x0  }
0xa5: {  	s7 =	simm.s32 @!p1 $0x300;
	[sflag:s5] =	ssyncadd.s32 @!p1 $0xFFFFFF00;
	s5 =	simm.s32 @!p1 $0x78  }
0xa6: {  	[tilespmem:s8], [sflag:$0x7] =	stream.indirect.gather @!p1 [hbm4b:s4+s5], $0x80, s7, s5, $0xb8;
	[tilespmem:$0x1F600] =	vst v63  }
0xa7: {  	s5 =	sadd.s32 @!p2 $0x20, s23;
	s7 =	simm.s32 @!p2 $0x0;
	s8 =	simm.s32 @!p0 $0x9  }
0xa8: {  	[tilespmem:s7], [sflag:$0x1] =	stream.linear.gather @!p2 [hbm4b:s5+s7], $0x100, $0x38;
	[tilespmem:$0x1F600] =	vst v63  }
0xa9: {  	_ =	swait.ge @!p0 [sflag:s8], $0x3C00  }
0xaa: {  	s10 =	simm.s32 @!p0 $0x280;
	s5 =	simm.s32 @!p0 $0x7E00;
	[sflag:s8] =	ssyncset.done @!p0 $0x0  }
0xab: {  	s7 =	simm.s32 @!p0 $0xB;
	[sflag:s8] =	ssyncadd.s32 @!p0 $0xFFFFC400;
	s8 =	simm.s32 @!p0 $0x78  }
0xac: {  	[spmem:s2] =	stream.indirect.scatter.add.f32 @!p0 [tilespmem:s5], [sflag:$0xC], $0x80, s10, s8, $0xb8;
	[tilespmem:$0x1F600] =	vst v63  }
0xad: {  	_ =	swait.ge @!p0 [sflag:s7], $0x3C00  }
0xae: {  	s5 =	rddreg [dreg:$0x5]  }
0xaf: {  	p1 =	sge.u32 @!p0 s1, s5  }
0xb0: {  	s25 =	sadd.s32 $0x3, s1;
	[sflag:s7] =	ssyncset.done @!p0 $0x0;
	p1 =	por p1, p0  }
0xb1: {  	p2 =	sge.u32 @!p0 s1, s17;
	[sflag:s7] =	ssyncadd.s32 @!p0 $0xFFFFC400;
	s7 =	simm.s32 @!p1 $0x5  }
0xb2: {  	p2 =	por p2, p0;
	p0 =	sge.u32 s25, s6;
	_ =	swait.ge @!p1 [sflag:s7], $0x100  }
0xb3: {  	s5 =	simm.s32 @!p0 $0x7;
	s8 =	simm.s32 @!p1 $0x78;
	[sflag:s7] =	ssyncset.done @!p1 $0x0  }
0xb4: {  	s10 =	simm.s32 @!p1 $0x400;
	[sflag:s7] =	ssyncadd.s32 @!p1 $0xFFFFFF00;
	s7 =	simm.s32 @!p1 $0x4200  }
0xb5: {  	[tilespmem:s7], [sflag:$0x8] =	stream.indirect.gather @!p1 [hbm4b:s4+s8], $0x80, s10, s8, $0xb8;
	[tilespmem:$0x1F600] =	vst v63  }
0xb6: {  	s7 =	sadd.s32 @!p2 $0x40, s23;
	s8 =	simm.s32 @!p2 $0x0;
	s10 =	simm.s32 @!p2 $0x100  }
0xb7: {  	[tilespmem:s10], [sflag:$0x2] =	stream.linear.gather @!p2 [hbm4b:s7+s8], $0x100, $0x38;
	[tilespmem:$0x1F600] =	vst v63  }
0xb8: {  	_ =	swait.ge @!p0 [sflag:s5], $0x3C00  }
0xb9: {  	s7 =	simm.s32 @!p0 $0x600;
	s8 =	simm.s32 @!p0 $0xC;
	[sflag:s5] =	ssyncset.done @!p0 $0x0  }
0xba: {  	s10 =	simm.s32 @!p0 $0x380;
	[sflag:s5] =	ssyncadd.s32 @!p0 $0xFFFFC400;
	s5 =	simm.s32 @!p0 $0x78  }
0xbb: {  	[spmem:s2] =	stream.indirect.scatter.add.f32 @!p0 [tilespmem:s7], [sflag:$0xA], $0x80, s10, s5, $0xb8;
	[tilespmem:$0x1F600] =	vst v63  }
0xbc: {  	p1 =	sge.u32 @!p0 s1, s15;
	_ =	swait.ge @!p0 [sflag:s8], $0x3C00  }
0xbd: {  	p1 =	por p1, p0;
	[sflag:s8] =	ssyncset.done @!p0 $0x0  }
0xbe: {  	s5 =	simm.s32 @!p1 $0x6;
	[sflag:s8] =	ssyncadd.s32 @!p0 $0xFFFFC400  }
0xbf: {  	_ =	swait.ge @!p1 [sflag:s5], $0x100  }
0xc0: {  	s7 =	simm.s32 @!p1 $0x7E00;
	s10 =	simm.s32 @!p1 $0x500;
	[sflag:s5] =	ssyncset.done @!p1 $0x0  }
0xc1: {  	s8 =	rddreg [dreg:$0x6];
	[sflag:s5] =	ssyncadd.s32 @!p1 $0xFFFFFF00;
	s5 =	simm.s32 @!p1 $0x78  }
0xc2: {  	[tilespmem:s7], [sflag:$0x9] =	stream.indirect.gather @!p1 [hbm4b:s4+s5], $0x80, s10, s5, $0xb8;
	[tilespmem:$0x1F600] =	vst v63  }
0xc3: {  	p1 =	sge.u32 @!p0 s1, s8  }
0xc4: {  	s26 =	sadd.s32 $0x4, s1;
	p1 =	por p1, p0  }
0xc5: {  	p0 =	sge.u32 s26, s6;
	s5 =	sadd.s32 @!p1 $0x60, s23  }
0xc6: {  	s7 =	simm.s32 @!p1 $0x200;
	s8 =	simm.s32 @!p0 $0x8;
	s10 =	simm.s32 @!p1 $0x0  }
0xc7: {  	[tilespmem:s7], [sflag:$0x3] =	stream.linear.gather @!p1 [hbm4b:s5+s10], $0x100, $0x38;
	[tilespmem:$0x1F600] =	vst v63  }
0xc8: {  	_ =	swait.ge @!p0 [sflag:s8], $0x3C00  }
0xc9: {  	s5 =	simm.s32 @!p0 $0x4200;
	s7 =	simm.s32 @!p0 $0xA;
	[sflag:s8] =	ssyncset.done @!p0 $0x0  }
0xca: {  	s10 =	simm.s32 @!p0 $0x480;
	[sflag:s8] =	ssyncadd.s32 @!p0 $0xFFFFC400;
	s8 =	simm.s32 @!p0 $0x78  }
0xcb: {  	[spmem:s2] =	stream.indirect.scatter.add.f32 @!p0 [tilespmem:s5], [sflag:$0xB], $0x80, s10, s8, $0xb8;
	[tilespmem:$0x1F600] =	vst v63  }
0xcc: {  	p1 =	sge.u32 @!p0 s1, s16;
	_ =	swait.ge @!p0 [sflag:s7], $0x3C00  }
0xcd: {  	p1 =	por p1, p0;
	[sflag:s7] =	ssyncset.done @!p0 $0x0  }
0xce: {  	s5 =	simm.s32 @!p1 $0x1;
	[sflag:s7] =	ssyncadd.s32 @!p0 $0xFFFFC400  }
0xcf: {  	_ =	swait.ge @!p1 [sflag:s5], $0x100  }
0xd0: {  	s10 =	simm.s32 @!p1 $0x0;
	s7 =	simm.s32 @!p1 $0x600;
	[sflag:s5] =	ssyncset.done @!p1 $0x0  }
0xd1: {  	s8 =	rddreg [dreg:$0x7];
	[sflag:s5] =	ssyncadd.s32 @!p1 $0xFFFFFF00;
	s5 =	simm.s32 @!p1 $0x78  }
0xd2: {  	[tilespmem:s7], [sflag:$0x7] =	stream.indirect.gather @!p1 [hbm4b:s4+s5], $0x80, s10, s5, $0xb8;
	[tilespmem:$0x1F600] =	vst v63  }
0xd3: {  	p1 =	sge.u32 @!p0 s1, s8  }
0xd4: {  	s29 =	sadd.s32 $0x5, s1;
	p1 =	por p1, p0  }
0xd5: {  	p0 =	sge.u32 s29, s6;
	s7 =	sadd.s32 @!p1 $0x80, s23  }
0xd6: {  	s5 =	simm.s32 @!p1 $0x0;
	s8 =	simm.s32 @!p1 $0x300;
	s10 =	simm.s32 @!p0 $0x9  }
0xd7: {  	[tilespmem:s8], [sflag:$0x4] =	stream.linear.gather @!p1 [hbm4b:s7+s5], $0x100, $0x38;
	[tilespmem:$0x1F600] =	vst v63  }
0xd8: {  	_ =	swait.ge @!p0 [sflag:s10], $0x3C00  }
0xd9: {  	s5 =	simm.s32 @!p0 $0xB;
	s7 =	simm.s32 @!p0 $0x7E00;
	[sflag:s10] =	ssyncset.done @!p0 $0x0  }
0xda: {  	s8 =	simm.s32 @!p0 $0x78;
	[sflag:s10] =	ssyncadd.s32 @!p0 $0xFFFFC400;
	s10 =	simm.s32 @!p0 $0x580  }
0xdb: {  	[spmem:s2] =	stream.indirect.scatter.add.f32 @!p0 [tilespmem:s7], [sflag:$0xC], $0x80, s10, s8, $0xb8;
	[tilespmem:$0x1F600] =	vst v63  }
0xdc: {  	p1 =	sge.u32 @!p0 s1, s17;
	_ =	swait.ge @!p0 [sflag:s5], $0x3C00  }
0xdd: {  	p1 =	por p1, p0;
	[sflag:s5] =	ssyncset.done @!p0 $0x0  }
0xde: {  	[sflag:s5] =	ssyncadd.s32 @!p0 $0xFFFFC400;
	s5 =	simm.s32 @!p1 $0x2  }
0xdf: {  	_ =	swait.ge @!p1 [sflag:s5], $0x100  }
0xe0: {  	s7 =	simm.s32 @!p1 $0x78;
	s10 =	simm.s32 @!p1 $0x4200;
	[sflag:s5] =	ssyncset.done @!p1 $0x0  }
0xe1: {  	s8 =	rddreg [dreg:$0x8];
	[sflag:s5] =	ssyncadd.s32 @!p1 $0xFFFFFF00;
	s5 =	simm.s32 @!p1 $0x100  }
0xe2: {  	[tilespmem:s10], [sflag:$0x8] =	stream.indirect.gather @!p1 [hbm4b:s4+s7], $0x80, s5, s7, $0xb8;
	[tilespmem:$0x1F600] =	vst v63  }
0xe3: {  	p1 =	sge.u32 @!p0 s1, s8  }
0xe4: {  	p0 =	por p1, p0  }
0xe5: {  	s1 =	sadd.s32 @!p0 $0xA0, s20;
	s5 =	simm.s32 @!p0 $0x0;
	s7 =	simm.s32 @!p0 $0x400  }
0xe6: {  	[tilespmem:s7], [sflag:$0x5] =	stream.linear.gather @!p0 [hbm4b:s1+s5], $0x100, $0x38;
	[tilespmem:$0x1F600] =	vst v63  }
0xe7: {  	_ =	swait.ge [sflag:s30], $0x3C00  }
0xe8: {  	s31 =	sadd.s32 $0x1, s31;
	[sflag:s30] =	ssyncset.done $0x0  }
0xe9: {  	p0 =	sne.s32 s31, s19;
	[sflag:s30] =	ssyncadd.s32 $0xFFFFC400  }
.Ltmp1:
0xea: {  	[bflag:$0x0] =	sbarrier.arrive $0xFFFF;
	(pc) =	sbr.rel @p0 .LBB2_1-.Ltmp1, $4  }
0xeb: {  	[hbm:s18], [sflag:s9] =	dma.local [spmem:s0], $0x2780  }
0xec: {  	_ =	swait.ge [sflag:s21], $0x2780  }
0xed: {  	[sflag:s21] =	ssyncset.done $0x0  }
0xee: {  	[sflag:s21] =	ssyncadd.s32 $0xFFFFD880  }
0xef: {  	_ =	sfence.sel $0x180000  }
0xf0: {  	[bflag:$0x0] =	sbarrier.arrive $0xFFFF  }
0xf1: {  	_ =	strace $0x90000050  }
0xf2: {  	s0 =	stileid.u32;
	[bflag:$0x2] =	sbarrier.arrive $0xFFFF  }
0xf3: {  	p0 =	sne.s32 s0, $0x0;
	s0 =	rddreg [dreg:$0x2]  }
0xf4: {  	s0 =	sadd.s32 @!p0 $0x100000, s0  }
0xf5: {  	[sflag:s0] =	ssyncadd.tile.s32 @!p0 $0x1;
	_ =	shalt  }
.Lfunc_end2:
_tile_overlayer_lowered:
.L_overlay_start_2:
0xf6: {  	(tag) =	ssettag $0x2  }
0xf7: {  	s0 =	rddreg [dreg:$0x0];
	s2 =	stileid.u32  }
0xf8: {  	s1 =	rddreg [dreg:$0x1];
	p0 =	sne.s32 s2, $0x0  }
0xf9: {  	s3 =	rddreg [dreg:$0x2];
	[bflag:$0x3] =	sbarrier.arrive $0xFFFF;
	s2 =	simm.s32 @!p0 $0x1C0D  }
0xfa: {  	[timem:s3], [sflag:s2] =	dma.local @!p0 [hbm:s0], s1  }
0xfb: {  	s0 =	simm.s32 @!p0 $0xD  }
0xfc: {  	_ =	swait.ge @!p0 [sflag:s0], s1  }
0xfd: {  	s1 =	ssub.s32 @!p0 $0x0, s1;
	[sflag:s0] =	ssyncset.done @!p0 $0x0  }
0xfe: {  	[sflag:s0] =	ssyncadd.s32 @!p0 s1  }
0xff: {  	[bflag:$0x3] =	sbarrier.arrive $0xFFFF  }
0x100: {  	_ =	shalt  }

</sc_bundles>
